<compile_context>
chip_gen: v7x
topology: tpu7x:2x2x1
jax: 0.10.2.dev20260603
libtpu: 0.0.44.dev20260713+nightly
codegen_flags: <defaults>
</compile_context>

<pallas_src>
import functools

import jax
import jax.numpy as jnp
from jax import lax
from jax.experimental import pallas as pl
from jax.experimental.pallas import tpu as pltpu
from jax.experimental.pallas import tpu_sc as plsc

N_NEIGH = 10
ACQ = 256
BK = 2048

_NC = 2
_NS = 16
_NW = _NC * _NS


def _extract_topn(vals, idxs, n):
    INF = jnp.float32(jnp.inf)
    BIGI = jnp.int32(2**30)
    res_v, res_i = [], []
    work = vals
    for _ in range(n):
        m = jnp.min(work, axis=1, keepdims=True)
        ismin = work == m
        sel = jnp.min(jnp.where(ismin, idxs, BIGI), axis=1, keepdims=True)
        res_v.append(m)
        res_i.append(sel)
        work = jnp.where(ismin & (idxs == sel), INF, work)
    return jnp.concatenate(res_v, axis=1), jnp.concatenate(res_i, axis=1)


def _topn_kernel(a_ref, b_ref, idx_ref, cv_ref, ci_ref, bv_ref, bi_ref,
                 wk_ref, *, n_blocks):
    Q = a_ref.shape[0]
    blk = pl.program_id(0)
    INF = jnp.float32(jnp.inf)
    BIGI = jnp.int32(2**30)

    @pl.when(blk == 0)
    def _init():
        cv_ref[...] = jnp.full(cv_ref.shape, INF, jnp.float32)
        ci_ref[...] = jnp.full(ci_ref.shape, BIGI, jnp.int32)

    a = a_ref[...]
    b = b_ref[...]
    hi = jax.lax.Precision.HIGHEST

    ab2 = jax.lax.dot_general(a, b, (((1,), (1,)), ((), ())),
                              preferred_element_type=jnp.float32)
    asum = jnp.sum(a * a, axis=1, keepdims=True)
    bn_row = jax.lax.dot_general(jnp.ones((1, a.shape[1]), jnp.float32),
                                 b * b, (((1,), (1,)), ((), ())),
                                 precision=hi,
                                 preferred_element_type=jnp.float32)
    s = (asum + bn_row) - 2.0 * ab2

    t = cv_ref[:, N_NEIGH - 1:N_NEIGH]
    cand = s < t
    itermax = jnp.max(jnp.sum(cand.astype(jnp.int32), axis=1))

    @pl.when(itermax > 0)
    def _prep():
        bv_ref[...] = jnp.full(bv_ref.shape, INF, jnp.float32)
        bi_ref[...] = jnp.full(bi_ref.shape, BIGI, jnp.int32)
        wk_ref[...] = jnp.where(cand, s, INF)

    gidx = blk * BK + jax.lax.broadcasted_iota(jnp.int32, s.shape, 1)
    for n in range(N_NEIGH):
        @pl.when(n < itermax)
        def _it(n=n):
            work = wk_ref[...]
            m = jnp.min(work, axis=1, keepdims=True)
            ismin = work == m
            sel = jnp.min(jnp.where(ismin, gidx, BIGI), axis=1, keepdims=True)
            bv_ref[:, n:n + 1] = m
            bi_ref[:, n:n + 1] = sel
            wk_ref[...] = jnp.where(ismin & (gidx == sel), INF, work)

    @pl.when(itermax > 0)
    def _merge():
        cat_v = jnp.concatenate([cv_ref[...], bv_ref[...]], axis=1)
        cat_i = jnp.concatenate([ci_ref[...], bi_ref[...]], axis=1)
        nv, ni = _extract_topn(cat_v, cat_i, N_NEIGH)
        pad = cv_ref.shape[1] - N_NEIGH
        cv_ref[...] = jnp.concatenate(
            [nv, jnp.full((Q, pad), INF, jnp.float32)], axis=1)
        ci_ref[...] = jnp.concatenate(
            [ni, jnp.full((Q, pad), BIGI, jnp.int32)], axis=1)

    @pl.when(blk == n_blocks - 1)
    def _fin():
        idx_ref[...] = ci_ref[...]


def _sc_score_body(plp_hbm, idx_hbm, pul_hbm, out_hbm,
                   idx_v, rows_v, pu_v, out_v, sem, *, qpw):
    wid = lax.axis_index("s") * _NC + lax.axis_index("c")
    base = wid * qpw
    ipw = qpw * N_NEIGH
    pltpu.sync_copy(idx_hbm.at[pl.ds(base * N_NEIGH, ipw)], idx_v)
    pltpu.sync_copy(pul_hbm.at[pl.ds(base, qpw)], pu_v)
    chunk = 80
    for j in range(ipw // chunk):
        sl = pl.ds(j * chunk, chunk)
        pltpu.async_copy(plp_hbm.at[idx_v.at[sl]], rows_v.at[sl], sem).wait()

    for i in range(qpw):
        pu_log_row = pu_v[i, :]
        acc = jnp.zeros((16,), jnp.float32)
        for n in range(N_NEIGH):
            r = rows_v[i * N_NEIGH + n, :]
            pn = jnp.exp(r)
            acc = acc + (pn * (r - pu_log_row) - pn)
        out_v[i, :] = acc
    pltpu.sync_copy(out_v, out_hbm.at[pl.ds(base, qpw)])


def _score_kernel(acc_ref, pul_ref, score_ref):
    acc = acc_ref[...]
    pul = pul_ref[...]
    cq = jnp.sum(jnp.exp(pul), axis=1, keepdims=True)
    hsum = jnp.sum(acc, axis=1, keepdims=True)
    score_ref[...] = -(hsum * (1.0 / N_NEIGH) + cq)


def _topk_kernel(sc_ref, sr_ref, vals_ref, idx_ref):
    N = sc_ref.shape[0]
    scol = sc_ref[...]
    srow = sr_ref[...]
    ii = jax.lax.broadcasted_iota(jnp.int32, (N, N), 0)
    jj = jax.lax.broadcasted_iota(jnp.int32, (N, N), 1)
    beats = (srow > scol) | ((srow == scol) & (jj < ii))
    rank = jnp.sum(beats.astype(jnp.int32), axis=1, keepdims=True)
    rr = jax.lax.broadcasted_iota(jnp.int32, (N, ACQ), 1)
    oh = rank == rr
    qi = jax.lax.broadcasted_iota(jnp.int32, (N, ACQ), 0)
    vals_ref[...] = jnp.sum(jnp.where(oh, scol, 0.0), axis=0, keepdims=True)
    idx_ref[...] = jnp.sum(jnp.where(oh, qi, 0), axis=0, keepdims=True)


def kernel(z_unlab, z_lab, p_lab_log, p_unlab_log, acq_size):
    a = z_unlab[..., 0]
    b = z_lab[..., 1]
    Q, D = a.shape
    K = b.shape[0]
    C = p_lab_log.shape[1]
    nb = -(-K // BK)
    Kp = nb * BK
    bp = (jnp.pad(b, ((0, Kp - K), (0, 0)), constant_values=1e15)
          if Kp != K else b)

    idx16 = pl.pallas_call(
        functools.partial(_topn_kernel, n_blocks=nb),
        grid=(nb,),
        in_specs=[
            pl.BlockSpec((Q, D), lambda i: (0, 0)),
            pl.BlockSpec((BK, D), lambda i: (i, 0)),
        ],
        out_specs=pl.BlockSpec((Q, 16), lambda i: (0, 0)),
        out_shape=jax.ShapeDtypeStruct((Q, 16), jnp.int32),
        scratch_shapes=[
            pltpu.VMEM((Q, 16), jnp.float32),
            pltpu.VMEM((Q, 16), jnp.int32),
            pltpu.VMEM((Q, 16), jnp.float32),
            pltpu.VMEM((Q, 16), jnp.int32),
            pltpu.VMEM((Q, BK), jnp.float32),
        ],
    )(a, bp)

    idx10 = idx16[:, :N_NEIGH].reshape(-1)

    qpw = Q // _NW
    ipw = qpw * N_NEIGH
    sc_score = functools.partial(
        pl.kernel,
        mesh=plsc.VectorSubcoreMesh(core_axis_name="c", subcore_axis_name="s"),
        out_type=jax.ShapeDtypeStruct((Q, C), jnp.float32),
        scratch_types=[
            pltpu.VMEM((ipw,), jnp.int32),
            pltpu.VMEM((ipw, C), jnp.float32),
            pltpu.VMEM((qpw, C), jnp.float32),
            pltpu.VMEM((qpw, C), jnp.float32),
            pltpu.SemaphoreType.DMA,
        ],
        compiler_params=pltpu.CompilerParams(use_tc_tiling_on_sc=False),
    )(functools.partial(_sc_score_body, qpw=qpw))
    acc16 = sc_score(p_lab_log, idx10, p_unlab_log)

    score = pl.pallas_call(
        _score_kernel,
        out_shape=jax.ShapeDtypeStruct((Q, 1), jnp.float32),
    )(acc16, p_unlab_log)

    vals, idxs = pl.pallas_call(
        _topk_kernel,
        out_shape=(jax.ShapeDtypeStruct((1, ACQ), jnp.float32),
                   jax.ShapeDtypeStruct((1, ACQ), jnp.int32)),
    )(score.reshape(Q, 1), score.reshape(1, Q))
    return vals.reshape(ACQ), idxs.reshape(ACQ)

# --- scband reference (transcript-rebuilt; emitter-appended) ---
"""Pipeline reference for scband-cal-2989297238475 (READ-ONLY COPY).

The authoritative reference and input builder live on the scoring server;
editing this copy changes nothing except your own understanding.
"""

import jax, jax.numpy as jnp
import numpy as np

N_NEIGHS = 10  # cfg_smp['n_neighs']


def setup_inputs(seed: int = 0) -> dict:
    key = jax.random.key(seed)
    k1, k2, k3, k4 = jax.random.split(key, 4)
    Q, K, D, C = 1024, 100000, 16, 16
    z_unlab = jax.random.normal(k1, (Q, D, 2), dtype=jnp.float32)
    z_lab = jax.random.normal(k2, (K, D, 2), dtype=jnp.float32)
    # model.classify returns log-probs; sample() applies exp. Emulate with log_softmax of randn.
    p_lab_log = jax.nn.log_softmax(jax.random.normal(k3, (K, C), dtype=jnp.float32), axis=-1)
    p_unlab_log = jax.nn.log_softmax(jax.random.normal(k4, (Q, C), dtype=jnp.float32), axis=-1)
    return {"z_unlab": z_unlab, "z_lab": z_lab, "p_lab_log": p_lab_log, "p_unlab_log": p_unlab_log, "acq_size": 256}


def reference(z_unlab, z_lab, p_lab_log, p_unlab_log, acq_size):
    # CAL.sample core with neigh_dist='l2':
    #   neigh_dist_func(p, A) = sum((p[..., 0] - A[..., 1])**2, axis=1)
    #   find_neighs: argsort(dist)[:n_neighs]
    #   dist_func = scipy kl_div(y_l, y_p).sum(1):  y_l*log(y_l/y_p) - y_l + y_p
    p_lab = jnp.exp(p_lab_log)        # [K, C]
    p_unlab = jnp.exp(p_unlab_log)    # [Q, C]
    a = z_unlab[..., 0]               # [Q, D]  query mu channel
    b = z_lab[..., 1]                 # [K, D]  labeled log_var channel (as in original lambda)
    # ||a - b||^2 expanded to avoid materializing [Q, K, D]
    dist = (a ** 2).sum(1)[:, None] + (b ** 2).sum(1)[None, :] - 2.0 * a @ b.T  # [Q, K]
    idxs_neigh = jnp.argsort(dist, axis=1)[:, :N_NEIGHS]  # [Q, n_neighs]
    p_neigh = p_lab[idxs_neigh]       # gather -> [Q, n_neighs, C]
    p_u = p_unlab[:, None, :]         # [Q, 1, C]
    kl = (p_neigh * (jnp.log(p_neigh) - jnp.log(p_u)) - p_neigh + p_u).sum(-1)  # [Q, n_neighs]
    score = -kl.mean(axis=1)          # [Q]
    vals, querry_indices = jax.lax.top_k(score, 256)
    querry_indices = querry_indices + jnp.asarray(acq_size, querry_indices.dtype) * 0
    return vals, querry_indices

if __name__ == "__main__":
    import jax
    _d = setup_inputs()
    print(jax.jit(kernel)(*tuple(_d.values())))

</pallas_src>

<mosaic_0001>
#map = affine_map<(d0, d1) -> (0, 0)>
#map1 = affine_map<(d0, d1) -> (0)>
module attributes {stable_mosaic.version = 14 : i64} {
  func.func @_sc_score_body(%arg0: i32, %arg1: i32, %arg2: memref<100000x16xf32, #tpu.memory_space<hbm>>, %arg3: memref<10240xi32, #tpu.memory_space<hbm>>, %arg4: memref<1024x16xf32, #tpu.memory_space<hbm>>, %arg5: memref<1024x16xf32, #tpu.memory_space<hbm>>, %arg6: memref<320xi32, #tpu.memory_space<vmem>>, %arg7: memref<320x16xf32, #tpu.memory_space<vmem>>, %arg8: memref<32x16xf32, #tpu.memory_space<vmem>>, %arg9: memref<32x16xf32, #tpu.memory_space<vmem>>, %arg10: memref<!tpu.dma_semaphore, #tpu.memory_space<semaphore_mem>>) attributes {dimension_semantics = [#tpu.dimension_semantics<core_parallel>, #tpu.dimension_semantics<subcore_parallel>], iteration_bounds = array<i64: 2, 16>, scalar_prefetch = 0 : i64, scratch_operands = 5 : i64, tpu.core_type = #tpu.core_type<sc_vector_subcore>, window_params = [{transform_indices = #map}, {transform_indices = #map1}, {transform_indices = #map}, {transform_indices = #map}]} {
    %mul3A = arith.constant 2 : i32
    %mul3A_0 = arith.muli %arg1, %mul3A : i32
    %add3A = arith.addi %mul3A_0, %arg0 : i32
    %mul3A_1 = arith.constant 32 : i32
    %mul3A_2 = arith.muli %add3A, %mul3A_1 : i32
    %mul3A_3 = arith.constant 10 : i32
    %mul3A_4 = arith.muli %mul3A_2, %mul3A_3 : i32
    "tpu.region"() ({
      %run_scoped3A = tpu.sem_alloc : memref<!tpu.dma_semaphore, #tpu.memory_space<semaphore_mem>>
      %dma_start3A_3678 = tpu.memref_slice %arg3[%mul3A_4] : memref<10240xi32, #tpu.memory_space<hbm>> -> memref<320xi32, #tpu.memory_space<hbm>>
      %dma_start3A_3679 = tpu.memref_slice %arg3[%mul3A_4] : memref<10240xi32, #tpu.memory_space<hbm>> -> memref<320xi32, #tpu.memory_space<hbm>>
      tpu.enqueue_dma source(%dma_start3A_3679 : memref<320xi32, #tpu.memory_space<hbm>>) target(%arg6 : memref<320xi32, #tpu.memory_space<vmem>>) target_semaphore(%run_scoped3A : memref<!tpu.dma_semaphore, #tpu.memory_space<semaphore_mem>>)
      %dma_wait3A_3680 = tpu.memref_slice %arg3[%mul3A_4] : memref<10240xi32, #tpu.memory_space<hbm>> -> memref<320xi32, #tpu.memory_space<hbm>>
      %dma_wait3A_3681 = tpu.memref_slice %arg3[%mul3A_4] : memref<10240xi32, #tpu.memory_space<hbm>> -> memref<320xi32, #tpu.memory_space<hbm>>
      tpu.wait_dma2 semaphore(%run_scoped3A : memref<!tpu.dma_semaphore, #tpu.memory_space<semaphore_mem>>) src(%dma_wait3A_3681 : memref<320xi32, #tpu.memory_space<hbm>>) dst(%arg6 : memref<320xi32, #tpu.memory_space<vmem>>)
      tpu.yield
    }) : () -> ()
    "tpu.region"() ({
      %run_scoped3A = tpu.sem_alloc : memref<!tpu.dma_semaphore, #tpu.memory_space<semaphore_mem>>
      %dma_start3A_3678 = arith.constant 0 : i32
      %dma_start3A_3679 = tpu.memref_slice %arg4[%mul3A_2, %dma_start3A_3678] : memref<1024x16xf32, #tpu.memory_space<hbm>> -> memref<32x16xf32, #tpu.memory_space<hbm>>
      %dma_start3A_3680 = arith.constant 0 : i32
      %dma_start3A_3681 = tpu.memref_slice %arg4[%mul3A_2, %dma_start3A_3680] : memref<1024x16xf32, #tpu.memory_space<hbm>> -> memref<32x16xf32, #tpu.memory_space<hbm>>
      tpu.enqueue_dma source(%dma_start3A_3681 : memref<32x16xf32, #tpu.memory_space<hbm>>) target(%arg8 : memref<32x16xf32, #tpu.memory_space<vmem>>) target_semaphore(%run_scoped3A : memref<!tpu.dma_semaphore, #tpu.memory_space<semaphore_mem>>)
      %dma_wait3A_3682 = arith.constant 0 : i32
      %dma_wait3A_3683 = tpu.memref_slice %arg4[%mul3A_2, %dma_wait3A_3682] : memref<1024x16xf32, #tpu.memory_space<hbm>> -> memref<32x16xf32, #tpu.memory_space<hbm>>
      %dma_wait3A_3684 = arith.constant 0 : i32
      %dma_wait3A_3685 = tpu.memref_slice %arg4[%mul3A_2, %dma_wait3A_3684] : memref<1024x16xf32, #tpu.memory_space<hbm>> -> memref<32x16xf32, #tpu.memory_space<hbm>>
      tpu.wait_dma2 semaphore(%run_scoped3A : memref<!tpu.dma_semaphore, #tpu.memory_space<semaphore_mem>>) src(%dma_wait3A_3685 : memref<32x16xf32, #tpu.memory_space<hbm>>) dst(%arg8 : memref<32x16xf32, #tpu.memory_space<vmem>>)
      tpu.yield
    }) : () -> ()
    %dma_start3A = arith.constant 0 : i32
    %dma_start3A_5 = arith.constant 0 : i32
    %dma_start3A_6 = tpu.memref_slice %arg7[%dma_start3A, %dma_start3A_5] : memref<320x16xf32, #tpu.memory_space<vmem>> -> memref<80x16xf32, #tpu.memory_space<vmem>>
    %dma_start3A_7 = arith.constant 0 : i32
    %dma_start3A_8 = tpu.memref_slice %arg6[%dma_start3A_7] : memref<320xi32, #tpu.memory_space<vmem>> -> memref<80xi32, #tpu.memory_space<vmem>>
    %dma_start3A_9 = arith.constant 0 : i32
    %dma_start3A_10 = arith.constant 0 : i32
    %dma_start3A_11 = tpu.memref_slice %arg2[%dma_start3A_9, %dma_start3A_10] : memref<100000x16xf32, #tpu.memory_space<hbm>> -> memref<100000x16xf32, #tpu.memory_space<hbm>>
    tpu.enqueue_indirect_dma source(%dma_start3A_11 : memref<100000x16xf32, #tpu.memory_space<hbm>>) target(%dma_start3A_6 : memref<80x16xf32, #tpu.memory_space<vmem>>) offsets(%dma_start3A_8 : memref<80xi32, #tpu.memory_space<vmem>>) semaphore(%arg10 : memref<!tpu.dma_semaphore, #tpu.memory_space<semaphore_mem>>)
    %dma_wait3A = arith.constant 0 : i32
    %dma_wait3A_12 = arith.constant 0 : i32
    %dma_wait3A_13 = tpu.memref_slice %arg7[%dma_wait3A, %dma_wait3A_12] : memref<320x16xf32, #tpu.memory_space<vmem>> -> memref<80x16xf32, #tpu.memory_space<vmem>>
    %dma_wait3A_14 = arith.constant 0 : i32
    %dma_wait3A_15 = tpu.memref_slice %arg6[%dma_wait3A_14] : memref<320xi32, #tpu.memory_space<vmem>> -> memref<80xi32, #tpu.memory_space<vmem>>
    %dma_wait3A_16 = arith.constant 0 : i32
    %dma_wait3A_17 = arith.constant 0 : i32
    %dma_wait3A_18 = tpu.memref_slice %arg2[%dma_wait3A_16, %dma_wait3A_17] : memref<100000x16xf32, #tpu.memory_space<hbm>> -> memref<100000x16xf32, #tpu.memory_space<hbm>>
    tpu.wait_indirect_dma semaphore(%arg10 : memref<!tpu.dma_semaphore, #tpu.memory_space<semaphore_mem>>) src(%dma_wait3A_18 : memref<100000x16xf32, #tpu.memory_space<hbm>>) dst(%dma_wait3A_13 : memref<80x16xf32, #tpu.memory_space<vmem>>)
    %dma_start3A_19 = arith.constant 80 : i32
    %dma_start3A_20 = arith.constant 0 : i32
    %dma_start3A_21 = tpu.memref_slice %arg7[%dma_start3A_19, %dma_start3A_20] : memref<320x16xf32, #tpu.memory_space<vmem>> -> memref<80x16xf32, #tpu.memory_space<vmem>>
    %dma_start3A_22 = arith.constant 80 : i32
    %dma_start3A_23 = tpu.memref_slice %arg6[%dma_start3A_22] : memref<320xi32, #tpu.memory_space<vmem>> -> memref<80xi32, #tpu.memory_space<vmem>>
    %dma_start3A_24 = arith.constant 0 : i32
    %dma_start3A_25 = arith.constant 0 : i32
    %dma_start3A_26 = tpu.memref_slice %arg2[%dma_start3A_24, %dma_start3A_25] : memref<100000x16xf32, #tpu.memory_space<hbm>> -> memref<100000x16xf32, #tpu.memory_space<hbm>>
    tpu.enqueue_indirect_dma source(%dma_start3A_26 : memref<100000x16xf32, #tpu.memory_space<hbm>>) target(%dma_start3A_21 : memref<80x16xf32, #tpu.memory_space<vmem>>) offsets(%dma_start3A_23 : memref<80xi32, #tpu.memory_space<vmem>>) semaphore(%arg10 : memref<!tpu.dma_semaphore, #tpu.memory_space<semaphore_mem>>)
    %dma_wait3A_27 = arith.constant 80 : i32
    %dma_wait3A_28 = arith.constant 0 : i32
    %dma_wait3A_29 = tpu.memref_slice %arg7[%dma_wait3A_27, %dma_wait3A_28] : memref<320x16xf32, #tpu.memory_space<vmem>> -> memref<80x16xf32, #tpu.memory_space<vmem>>
    %dma_wait3A_30 = arith.constant 80 : i32
    %dma_wait3A_31 = tpu.memref_slice %arg6[%dma_wait3A_30] : memref<320xi32, #tpu.memory_space<vmem>> -> memref<80xi32, #tpu.memory_space<vmem>>
    %dma_wait3A_32 = arith.constant 0 : i32
    %dma_wait3A_33 = arith.constant 0 : i32
    %dma_wait3A_34 = tpu.memref_slice %arg2[%dma_wait3A_32, %dma_wait3A_33] : memref<100000x16xf32, #tpu.memory_space<hbm>> -> memref<100000x16xf32, #tpu.memory_space<hbm>>
    tpu.wait_indirect_dma semaphore(%arg10 : memref<!tpu.dma_semaphore, #tpu.memory_space<semaphore_mem>>) src(%dma_wait3A_34 : memref<100000x16xf32, #tpu.memory_space<hbm>>) dst(%dma_wait3A_29 : memref<80x16xf32, #tpu.memory_space<vmem>>)
    %dma_start3A_35 = arith.constant 160 : i32
    %dma_start3A_36 = arith.constant 0 : i32
    %dma_start3A_37 = tpu.memref_slice %arg7[%dma_start3A_35, %dma_start3A_36] : memref<320x16xf32, #tpu.memory_space<vmem>> -> memref<80x16xf32, #tpu.memory_space<vmem>>
    %dma_start3A_38 = arith.constant 160 : i32
    %dma_start3A_39 = tpu.memref_slice %arg6[%dma_start3A_38] : memref<320xi32, #tpu.memory_space<vmem>> -> memref<80xi32, #tpu.memory_space<vmem>>
    %dma_start3A_40 = arith.constant 0 : i32
    %dma_start3A_41 = arith.constant 0 : i32
    %dma_start3A_42 = tpu.memref_slice %arg2[%dma_start3A_40, %dma_start3A_41] : memref<100000x16xf32, #tpu.memory_space<hbm>> -> memref<100000x16xf32, #tpu.memory_space<hbm>>
    tpu.enqueue_indirect_dma source(%dma_start3A_42 : memref<100000x16xf32, #tpu.memory_space<hbm>>) target(%dma_start3A_37 : memref<80x16xf32, #tpu.memory_space<vmem>>) offsets(%dma_start3A_39 : memref<80xi32, #tpu.memory_space<vmem>>) semaphore(%arg10 : memref<!tpu.dma_semaphore, #tpu.memory_space<semaphore_mem>>)
    %dma_wait3A_43 = arith.constant 160 : i32
    %dma_wait3A_44 = arith.constant 0 : i32
    %dma_wait3A_45 = tpu.memref_slice %arg7[%dma_wait3A_43, %dma_wait3A_44] : memref<320x16xf32, #tpu.memory_space<vmem>> -> memref<80x16xf32, #tpu.memory_space<vmem>>
    %dma_wait3A_46 = arith.constant 160 : i32
    %dma_wait3A_47 = tpu.memref_slice %arg6[%dma_wait3A_46] : memref<320xi32, #tpu.memory_space<vmem>> -> memref<80xi32, #tpu.memory_space<vmem>>
    %dma_wait3A_48 = arith.constant 0 : i32
    %dma_wait3A_49 = arith.constant 0 : i32
    %dma_wait3A_50 = tpu.memref_slice %arg2[%dma_wait3A_48, %dma_wait3A_49] : memref<100000x16xf32, #tpu.memory_space<hbm>> -> memref<100000x16xf32, #tpu.memory_space<hbm>>
    tpu.wait_indirect_dma semaphore(%arg10 : memref<!tpu.dma_semaphore, #tpu.memory_space<semaphore_mem>>) src(%dma_wait3A_50 : memref<100000x16xf32, #tpu.memory_space<hbm>>) dst(%dma_wait3A_45 : memref<80x16xf32, #tpu.memory_space<vmem>>)
    %dma_start3A_51 = arith.constant 240 : i32
    %dma_start3A_52 = arith.constant 0 : i32
    %dma_start3A_53 = tpu.memref_slice %arg7[%dma_start3A_51, %dma_start3A_52] : memref<320x16xf32, #tpu.memory_space<vmem>> -> memref<80x16xf32, #tpu.memory_space<vmem>>
    %dma_start3A_54 = arith.constant 240 : i32
    %dma_start3A_55 = tpu.memref_slice %arg6[%dma_start3A_54] : memref<320xi32, #tpu.memory_space<vmem>> -> memref<80xi32, #tpu.memory_space<vmem>>
    %dma_start3A_56 = arith.constant 0 : i32
    %dma_start3A_57 = arith.constant 0 : i32
    %dma_start3A_58 = tpu.memref_slice %arg2[%dma_start3A_56, %dma_start3A_57] : memref<100000x16xf32, #tpu.memory_space<hbm>> -> memref<100000x16xf32, #tpu.memory_space<hbm>>
    tpu.enqueue_indirect_dma source(%dma_start3A_58 : memref<100000x16xf32, #tpu.memory_space<hbm>>) target(%dma_start3A_53 : memref<80x16xf32, #tpu.memory_space<vmem>>) offsets(%dma_start3A_55 : memref<80xi32, #tpu.memory_space<vmem>>) semaphore(%arg10 : memref<!tpu.dma_semaphore, #tpu.memory_space<semaphore_mem>>)
    %dma_wait3A_59 = arith.constant 240 : i32
    %dma_wait3A_60 = arith.constant 0 : i32
    %dma_wait3A_61 = tpu.memref_slice %arg7[%dma_wait3A_59, %dma_wait3A_60] : memref<320x16xf32, #tpu.memory_space<vmem>> -> memref<80x16xf32, #tpu.memory_space<vmem>>
    %dma_wait3A_62 = arith.constant 240 : i32
    %dma_wait3A_63 = tpu.memref_slice %arg6[%dma_wait3A_62] : memref<320xi32, #tpu.memory_space<vmem>> -> memref<80xi32, #tpu.memory_space<vmem>>
    %dma_wait3A_64 = arith.constant 0 : i32
    %dma_wait3A_65 = arith.constant 0 : i32
    %dma_wait3A_66 = tpu.memref_slice %arg2[%dma_wait3A_64, %dma_wait3A_65] : memref<100000x16xf32, #tpu.memory_space<hbm>> -> memref<100000x16xf32, #tpu.memory_space<hbm>>
    tpu.wait_indirect_dma semaphore(%arg10 : memref<!tpu.dma_semaphore, #tpu.memory_space<semaphore_mem>>) src(%dma_wait3A_66 : memref<100000x16xf32, #tpu.memory_space<hbm>>) dst(%dma_wait3A_61 : memref<80x16xf32, #tpu.memory_space<vmem>>)
    %get3A = arith.constant 0 : i32
    %get3A_67 = arith.index_cast %get3A : i32 to index
    %get3A_68 = arith.constant 0 : index
    %get3A_69 = tpu.vector_load %arg8[%get3A_67, %get3A_68] {strides = array<i32>} : memref<32x16xf32, #tpu.memory_space<vmem>>, vector<1x16xf32>,
    %get3A_70 = vector.shape_cast %get3A_69 : vector<1x16xf32> to vector<16xf32>
    %broadcast_in_dim3A = arith.constant 0.000000e+00 : f32
    %broadcast_in_dim3A_71 = vector.broadcast %broadcast_in_dim3A : f32 to vector<16xf32>
    %get3A_72 = arith.constant 0 : i32
    %get3A_73 = arith.index_cast %get3A_72 : i32 to index
    %get3A_74 = arith.constant 0 : index
    %get3A_75 = tpu.vector_load %arg7[%get3A_73, %get3A_74] {strides = array<i32>} : memref<320x16xf32, #tpu.memory_space<vmem>>, vector<1x16xf32>,
    %get3A_76 = vector.shape_cast %get3A_75 : vector<1x16xf32> to vector<16xf32>
    %exp3A = math.exp %get3A_76 : vector<16xf32>
    %sub3A = arith.subf %get3A_76, %get3A_70 : vector<16xf32>
    %mul3A_77 = arith.mulf %exp3A, %sub3A : vector<16xf32>
    %sub3A_78 = arith.subf %mul3A_77, %exp3A : vector<16xf32>
    %add3A_79 = arith.addf %broadcast_in_dim3A_71, %sub3A_78 : vector<16xf32>
    %get3A_80 = arith.constant 1 : i32
    %get3A_81 = arith.index_cast %get3A_80 : i32 to index
    %get3A_82 = arith.constant 0 : index
    %get3A_83 = tpu.vector_load %arg7[%get3A_81, %get3A_82] {strides = array<i32>} : memref<320x16xf32, #tpu.memory_space<vmem>>, vector<1x16xf32>,
    %get3A_84 = vector.shape_cast %get3A_83 : vector<1x16xf32> to vector<16xf32>
    %exp3A_85 = math.exp %get3A_84 : vector<16xf32>
    %sub3A_86 = arith.subf %get3A_84, %get3A_70 : vector<16xf32>
    %mul3A_87 = arith.mulf %exp3A_85, %sub3A_86 : vector<16xf32>
    %sub3A_88 = arith.subf %mul3A_87, %exp3A_85 : vector<16xf32>
    %add3A_89 = arith.addf %add3A_79, %sub3A_88 : vector<16xf32>
    %get3A_90 = arith.constant 2 : i32
    %get3A_91 = arith.index_cast %get3A_90 : i32 to index
    %get3A_92 = arith.constant 0 : index
    %get3A_93 = tpu.vector_load %arg7[%get3A_91, %get3A_92] {strides = array<i32>} : memref<320x16xf32, #tpu.memory_space<vmem>>, vector<1x16xf32>,
    %get3A_94 = vector.shape_cast %get3A_93 : vector<1x16xf32> to vector<16xf32>
    %exp3A_95 = math.exp %get3A_94 : vector<16xf32>
    %sub3A_96 = arith.subf %get3A_94, %get3A_70 : vector<16xf32>
    %mul3A_97 = arith.mulf %exp3A_95, %sub3A_96 : vector<16xf32>
    %sub3A_98 = arith.subf %mul3A_97, %exp3A_95 : vector<16xf32>
    %add3A_99 = arith.addf %add3A_89, %sub3A_98 : vector<16xf32>
    %get3A_100 = arith.constant 3 : i32
    %get3A_101 = arith.index_cast %get3A_100 : i32 to index
    %get3A_102 = arith.constant 0 : index
    %get3A_103 = tpu.vector_load %arg7[%get3A_101, %get3A_102] {strides = array<i32>} : memref<320x16xf32, #tpu.memory_space<vmem>>, vector<1x16xf32>,
    %get3A_104 = vector.shape_cast %get3A_103 : vector<1x16xf32> to vector<16xf32>
    %exp3A_105 = math.exp %get3A_104 : vector<16xf32>
    %sub3A_106 = arith.subf %get3A_104, %get3A_70 : vector<16xf32>
    %mul3A_107 = arith.mulf %exp3A_105, %sub3A_106 : vector<16xf32>
    %sub3A_108 = arith.subf %mul3A_107, %exp3A_105 : vector<16xf32>
    %add3A_109 = arith.addf %add3A_99, %sub3A_108 : vector<16xf32>
    %get3A_110 = arith.constant 4 : i32
    %get3A_111 = arith.index_cast %get3A_110 : i32 to index
    %get3A_112 = arith.constant 0 : index
    %get3A_113 = tpu.vector_load %arg7[%get3A_111, %get3A_112] {strides = array<i32>} : memref<320x16xf32, #tpu.memory_space<vmem>>, vector<1x16xf32>,
    %get3A_114 = vector.shape_cast %get3A_113 : vector<1x16xf32> to vector<16xf32>
    %exp3A_115 = math.exp %get3A_114 : vector<16xf32>
    %sub3A_116 = arith.subf %get3A_114, %get3A_70 : vector<16xf32>
    %mul3A_117 = arith.mulf %exp3A_115, %sub3A_116 : vector<16xf32>
    %sub3A_118 = arith.subf %mul3A_117, %exp3A_115 : vector<16xf32>
    %add3A_119 = arith.addf %add3A_109, %sub3A_118 : vector<16xf32>
    %get3A_120 = arith.constant 5 : i32
    %get3A_121 = arith.index_cast %get3A_120 : i32 to index
    %get3A_122 = arith.constant 0 : index
    %get3A_123 = tpu.vector_load %arg7[%get3A_121, %get3A_122] {strides = array<i32>} : memref<320x16xf32, #tpu.memory_space<vmem>>, vector<1x16xf32>,
    %get3A_124 = vector.shape_cast %get3A_123 : vector<1x16xf32> to vector<16xf32>
    %exp3A_125 = math.exp %get3A_124 : vector<16xf32>
    %sub3A_126 = arith.subf %get3A_124, %get3A_70 : vector<16xf32>
    %mul3A_127 = arith.mulf %exp3A_125, %sub3A_126 : vector<16xf32>
    %sub3A_128 = arith.subf %mul3A_127, %exp3A_125 : vector<16xf32>
    %add3A_129 = arith.addf %add3A_119, %sub3A_128 : vector<16xf32>
    %get3A_130 = arith.constant 6 : i32
    %get3A_131 = arith.index_cast %get3A_130 : i32 to index
    %get3A_132 = arith.constant 0 : index
    %get3A_133 = tpu.vector_load %arg7[%get3A_131, %get3A_132] {strides = array<i32>} : memref<320x16xf32, #tpu.memory_space<vmem>>, vector<1x16xf32>,
    %get3A_134 = vector.shape_cast %get3A_133 : vector<1x16xf32> to vector<16xf32>
    %exp3A_135 = math.exp %get3A_134 : vector<16xf32>
    %sub3A_136 = arith.subf %get3A_134, %get3A_70 : vector<16xf32>
    %mul3A_137 = arith.mulf %exp3A_135, %sub3A_136 : vector<16xf32>
    %sub3A_138 = arith.subf %mul3A_137, %exp3A_135 : vector<16xf32>
    %add3A_139 = arith.addf %add3A_129, %sub3A_138 : vector<16xf32>
    %get3A_140 = arith.constant 7 : i32
    %get3A_141 = arith.index_cast %get3A_140 : i32 to index
    %get3A_142 = arith.constant 0 : index
    %get3A_143 = tpu.vector_load %arg7[%get3A_141, %get3A_142] {strides = array<i32>} : memref<320x16xf32, #tpu.memory_space<vmem>>, vector<1x16xf32>,
    %get3A_144 = vector.shape_cast %get3A_143 : vector<1x16xf32> to vector<16xf32>
    %exp3A_145 = math.exp %get3A_144 : vector<16xf32>
    %sub3A_146 = arith.subf %get3A_144, %get3A_70 : vector<16xf32>
    %mul3A_147 = arith.mulf %exp3A_145, %sub3A_146 : vector<16xf32>
    %sub3A_148 = arith.subf %mul3A_147, %exp3A_145 : vector<16xf32>
    %add3A_149 = arith.addf %add3A_139, %sub3A_148 : vector<16xf32>
    %get3A_150 = arith.constant 8 : i32
    %get3A_151 = arith.index_cast %get3A_150 : i32 to index
    %get3A_152 = arith.constant 0 : index
    %get3A_153 = tpu.vector_load %arg7[%get3A_151, %get3A_152] {strides = array<i32>} : memref<320x16xf32, #tpu.memory_space<vmem>>, vector<1x16xf32>,
    %get3A_154 = vector.shape_cast %get3A_153 : vector<1x16xf32> to vector<16xf32>
    %exp3A_155 = math.exp %get3A_154 : vector<16xf32>
    %sub3A_156 = arith.subf %get3A_154, %get3A_70 : vector<16xf32>
    %mul3A_157 = arith.mulf %exp3A_155, %sub3A_156 : vector<16xf32>
    %sub3A_158 = arith.subf %mul3A_157, %exp3A_155 : vector<16xf32>
    %add3A_159 = arith.addf %add3A_149, %sub3A_158 : vector<16xf32>
    %get3A_160 = arith.constant 9 : i32
    %get3A_161 = arith.index_cast %get3A_160 : i32 to index
    %get3A_162 = arith.constant 0 : index
    %get3A_163 = tpu.vector_load %arg7[%get3A_161, %get3A_162] {strides = array<i32>} : memref<320x16xf32, #tpu.memory_space<vmem>>, vector<1x16xf32>,
    %get3A_164 = vector.shape_cast %get3A_163 : vector<1x16xf32> to vector<16xf32>
    %exp3A_165 = math.exp %get3A_164 : vector<16xf32>
    %sub3A_166 = arith.subf %get3A_164, %get3A_70 : vector<16xf32>
    %mul3A_167 = arith.mulf %exp3A_165, %sub3A_166 : vector<16xf32>
    %sub3A_168 = arith.subf %mul3A_167, %exp3A_165 : vector<16xf32>
    %add3A_169 = arith.addf %add3A_159, %sub3A_168 : vector<16xf32>
    %swap3A = arith.constant 0 : i32
    %swap3A_170 = arith.index_cast %swap3A : i32 to index
    %swap3A_171 = arith.constant 0 : index
    %swap3A_172 = tpu.vector_load %arg9[%swap3A_170, %swap3A_171] {strides = array<i32>} : memref<32x16xf32, #tpu.memory_space<vmem>>, vector<1x16xf32>,
    %swap3A_173 = vector.shape_cast %swap3A_172 : vector<1x16xf32> to vector<16xf32>
    %swap3A_174 = vector.shape_cast %add3A_169 : vector<16xf32> to vector<1x16xf32>
    tpu.vector_store %arg9[%swap3A_170, %swap3A_171], %swap3A_174 {strides = array<i32>} : memref<32x16xf32, #tpu.memory_space<vmem>>, vector<1x16xf32>,
    %get3A_175 = arith.constant 1 : i32
    %get3A_176 = arith.index_cast %get3A_175 : i32 to index
    %get3A_177 = arith.constant 0 : index
    %get3A_178 = tpu.vector_load %arg8[%get3A_176, %get3A_177] {strides = array<i32>} : memref<32x16xf32, #tpu.memory_space<vmem>>, vector<1x16xf32>,
    %get3A_179 = vector.shape_cast %get3A_178 : vector<1x16xf32> to vector<16xf32>
    %broadcast_in_dim3A_180 = arith.constant 0.000000e+00 : f32
    %broadcast_in_dim3A_181 = vector.broadcast %broadcast_in_dim3A_180 : f32 to vector<16xf32>
    %get3A_182 = arith.constant 10 : i32
    %get3A_183 = arith.index_cast %get3A_182 : i32 to index
    %get3A_184 = arith.constant 0 : index
    %get3A_185 = tpu.vector_load %arg7[%get3A_183, %get3A_184] {strides = array<i32>} : memref<320x16xf32, #tpu.memory_space<vmem>>, vector<1x16xf32>,
    %get3A_186 = vector.shape_cast %get3A_185 : vector<1x16xf32> to vector<16xf32>
    %exp3A_187 = math.exp %get3A_186 : vector<16xf32>
    %sub3A_188 = arith.subf %get3A_186, %get3A_179 : vector<16xf32>
    %mul3A_189 = arith.mulf %exp3A_187, %sub3A_188 : vector<16xf32>
    %sub3A_190 = arith.subf %mul3A_189, %exp3A_187 : vector<16xf32>
    %add3A_191 = arith.addf %broadcast_in_dim3A_181, %sub3A_190 : vector<16xf32>
    %get3A_192 = arith.constant 11 : i32
    %get3A_193 = arith.index_cast %get3A_192 : i32 to index
    %get3A_194 = arith.constant 0 : index
    %get3A_195 = tpu.vector_load %arg7[%get3A_193, %get3A_194] {strides = array<i32>} : memref<320x16xf32, #tpu.memory_space<vmem>>, vector<1x16xf32>,
    %get3A_196 = vector.shape_cast %get3A_195 : vector<1x16xf32> to vector<16xf32>
    %exp3A_197 = math.exp %get3A_196 : vector<16xf32>
    %sub3A_198 = arith.subf %get3A_196, %get3A_179 : vector<16xf32>
    %mul3A_199 = arith.mulf %exp3A_197, %sub3A_198 : vector<16xf32>
    %sub3A_200 = arith.subf %mul3A_199, %exp3A_197 : vector<16xf32>
    %add3A_201 = arith.addf %add3A_191, %sub3A_200 : vector<16xf32>
    %get3A_202 = arith.constant 12 : i32
    %get3A_203 = arith.index_cast %get3A_202 : i32 to index
    %get3A_204 = arith.constant 0 : index
    %get3A_205 = tpu.vector_load %arg7[%get3A_203, %get3A_204] {strides = array<i32>} : memref<320x16xf32, #tpu.memory_space<vmem>>, vector<1x16xf32>,
    %get3A_206 = vector.shape_cast %get3A_205 : vector<1x16xf32> to vector<16xf32>
    %exp3A_207 = math.exp %get3A_206 : vector<16xf32>
    %sub3A_208 = arith.subf %get3A_206, %get3A_179 : vector<16xf32>
    %mul3A_209 = arith.mulf %exp3A_207, %sub3A_208 : vector<16xf32>
    %sub3A_210 = arith.subf %mul3A_209, %exp3A_207 : vector<16xf32>
    %add3A_211 = arith.addf %add3A_201, %sub3A_210 : vector<16xf32>
    %get3A_212 = arith.constant 13 : i32
    %get3A_213 = arith.index_cast %get3A_212 : i32 to index
    %get3A_214 = arith.constant 0 : index
    %get3A_215 = tpu.vector_load %arg7[%get3A_213, %get3A_214] {strides = array<i32>} : memref<320x16xf32, #tpu.memory_space<vmem>>, vector<1x16xf32>,
    %get3A_216 = vector.shape_cast %get3A_215 : vector<1x16xf32> to vector<16xf32>
    %exp3A_217 = math.exp %get3A_216 : vector<16xf32>
    %sub3A_218 = arith.subf %get3A_216, %get3A_179 : vector<16xf32>
    %mul3A_219 = arith.mulf %exp3A_217, %sub3A_218 : vector<16xf32>
    %sub3A_220 = arith.subf %mul3A_219, %exp3A_217 : vector<16xf32>
    %add3A_221 = arith.addf %add3A_211, %sub3A_220 : vector<16xf32>
    %get3A_222 = arith.constant 14 : i32
    %get3A_223 = arith.index_cast %get3A_222 : i32 to index
    %get3A_224 = arith.constant 0 : index
    %get3A_225 = tpu.vector_load %arg7[%get3A_223, %get3A_224] {strides = array<i32>} : memref<320x16xf32, #tpu.memory_space<vmem>>, vector<1x16xf32>,
    %get3A_226 = vector.shape_cast %get3A_225 : vector<1x16xf32> to vector<16xf32>
    %exp3A_227 = math.exp %get3A_226 : vector<16xf32>
    %sub3A_228 = arith.subf %get3A_226, %get3A_179 : vector<16xf32>
    %mul3A_229 = arith.mulf %exp3A_227, %sub3A_228 : vector<16xf32>
    %sub3A_230 = arith.subf %mul3A_229, %exp3A_227 : vector<16xf32>
    %add3A_231 = arith.addf %add3A_221, %sub3A_230 : vector<16xf32>
    %get3A_232 = arith.constant 15 : i32
    %get3A_233 = arith.index_cast %get3A_232 : i32 to index
    %get3A_234 = arith.constant 0 : index
    %get3A_235 = tpu.vector_load %arg7[%get3A_233, %get3A_234] {strides = array<i32>} : memref<320x16xf32, #tpu.memory_space<vmem>>, vector<1x16xf32>,
    %get3A_236 = vector.shape_cast %get3A_235 : vector<1x16xf32> to vector<16xf32>
    %exp3A_237 = math.exp %get3A_236 : vector<16xf32>
    %sub3A_238 = arith.subf %get3A_236, %get3A_179 : vector<16xf32>
    %mul3A_239 = arith.mulf %exp3A_237, %sub3A_238 : vector<16xf32>
    %sub3A_240 = arith.subf %mul3A_239, %exp3A_237 : vector<16xf32>
    %add3A_241 = arith.addf %add3A_231, %sub3A_240 : vector<16xf32>
    %get3A_242 = arith.constant 16 : i32
    %get3A_243 = arith.index_cast %get3A_242 : i32 to index
    %get3A_244 = arith.constant 0 : index
    %get3A_245 = tpu.vector_load %arg7[%get3A_243, %get3A_244] {strides = array<i32>} : memref<320x16xf32, #tpu.memory_space<vmem>>, vector<1x16xf32>,
    %get3A_246 = vector.shape_cast %get3A_245 : vector<1x16xf32> to vector<16xf32>
    %exp3A_247 = math.exp %get3A_246 : vector<16xf32>
    %sub3A_248 = arith.subf %get3A_246, %get3A_179 : vector<16xf32>
    %mul3A_249 = arith.mulf %exp3A_247, %sub3A_248 : vector<16xf32>
    %sub3A_250 = arith.subf %mul3A_249, %exp3A_247 : vector<16xf32>
    %add3A_251 = arith.addf %add3A_241, %sub3A_250 : vector<16xf32>
    %get3A_252 = arith.constant 17 : i32
    %get3A_253 = arith.index_cast %get3A_252 : i32 to index
    %get3A_254 = arith.constant 0 : index
    %get3A_255 = tpu.vector_load %arg7[%get3A_253, %get3A_254] {strides = array<i32>} : memref<320x16xf32, #tpu.memory_space<vmem>>, vector<1x16xf32>,
    %get3A_256 = vector.shape_cast %get3A_255 : vector<1x16xf32> to vector<16xf32>
    %exp3A_257 = math.exp %get3A_256 : vector<16xf32>
    %sub3A_258 = arith.subf %get3A_256, %get3A_179 : vector<16xf32>
    %mul3A_259 = arith.mulf %exp3A_257, %sub3A_258 : vector<16xf32>
    %sub3A_260 = arith.subf %mul3A_259, %exp3A_257 : vector<16xf32>
    %add3A_261 = arith.addf %add3A_251, %sub3A_260 : vector<16xf32>
    %get3A_262 = arith.constant 18 : i32
    %get3A_263 = arith.index_cast %get3A_262 : i32 to index
    %get3A_264 = arith.constant 0 : index
    %get3A_265 = tpu.vector_load %arg7[%get3A_263, %get3A_264] {strides = array<i32>} : memref<320x16xf32, #tpu.memory_space<vmem>>, vector<1x16xf32>,
    %get3A_266 = vector.shape_cast %get3A_265 : vector<1x16xf32> to vector<16xf32>
    %exp3A_267 = math.exp %get3A_266 : vector<16xf32>
    %sub3A_268 = arith.subf %get3A_266, %get3A_179 : vector<16xf32>
    %mul3A_269 = arith.mulf %exp3A_267, %sub3A_268 : vector<16xf32>
    %sub3A_270 = arith.subf %mul3A_269, %exp3A_267 : vector<16xf32>
    %add3A_271 = arith.addf %add3A_261, %sub3A_270 : vector<16xf32>
    %get3A_272 = arith.constant 19 : i32
    %get3A_273 = arith.index_cast %get3A_272 : i32 to index
    %get3A_274 = arith.constant 0 : index
    %get3A_275 = tpu.vector_load %arg7[%get3A_273, %get3A_274] {strides = array<i32>} : memref<320x16xf32, #tpu.memory_space<vmem>>, vector<1x16xf32>,
    %get3A_276 = vector.shape_cast %get3A_275 : vector<1x16xf32> to vector<16xf32>
    %exp3A_277 = math.exp %get3A_276 : vector<16xf32>
    %sub3A_278 = arith.subf %get3A_276, %get3A_179 : vector<16xf32>
    %mul3A_279 = arith.mulf %exp3A_277, %sub3A_278 : vector<16xf32>
    %sub3A_280 = arith.subf %mul3A_279, %exp3A_277 : vector<16xf32>
    %add3A_281 = arith.addf %add3A_271, %sub3A_280 : vector<16xf32>
    %swap3A_282 = arith.constant 1 : i32
    %swap3A_283 = arith.index_cast %swap3A_282 : i32 to index
    %swap3A_284 = arith.constant 0 : index
    %swap3A_285 = tpu.vector_load %arg9[%swap3A_283, %swap3A_284] {strides = array<i32>} : memref<32x16xf32, #tpu.memory_space<vmem>>, vector<1x16xf32>,
    %swap3A_286 = vector.shape_cast %swap3A_285 : vector<1x16xf32> to vector<16xf32>
    %swap3A_287 = vector.shape_cast %add3A_281 : vector<16xf32> to vector<1x16xf32>
    tpu.vector_store %arg9[%swap3A_283, %swap3A_284], %swap3A_287 {strides = array<i32>} : memref<32x16xf32, #tpu.memory_space<vmem>>, vector<1x16xf32>,
    %get3A_288 = arith.constant 2 : i32
    %get3A_289 = arith.index_cast %get3A_288 : i32 to index
    %get3A_290 = arith.constant 0 : index
    %get3A_291 = tpu.vector_load %arg8[%get3A_289, %get3A_290] {strides = array<i32>} : memref<32x16xf32, #tpu.memory_space<vmem>>, vector<1x16xf32>,
    %get3A_292 = vector.shape_cast %get3A_291 : vector<1x16xf32> to vector<16xf32>
    %broadcast_in_dim3A_293 = arith.constant 0.000000e+00 : f32
    %broadcast_in_dim3A_294 = vector.broadcast %broadcast_in_dim3A_293 : f32 to vector<16xf32>
    %get3A_295 = arith.constant 20 : i32
    %get3A_296 = arith.index_cast %get3A_295 : i32 to index
    %get3A_297 = arith.constant 0 : index
    %get3A_298 = tpu.vector_load %arg7[%get3A_296, %get3A_297] {strides = array<i32>} : memref<320x16xf32, #tpu.memory_space<vmem>>, vector<1x16xf32>,
    %get3A_299 = vector.shape_cast %get3A_298 : vector<1x16xf32> to vector<16xf32>
    %exp3A_300 = math.exp %get3A_299 : vector<16xf32>
    %sub3A_301 = arith.subf %get3A_299, %get3A_292 : vector<16xf32>
    %mul3A_302 = arith.mulf %exp3A_300, %sub3A_301 : vector<16xf32>
    %sub3A_303 = arith.subf %mul3A_302, %exp3A_300 : vector<16xf32>
    %add3A_304 = arith.addf %broadcast_in_dim3A_294, %sub3A_303 : vector<16xf32>
    %get3A_305 = arith.constant 21 : i32
    %get3A_306 = arith.index_cast %get3A_305 : i32 to index
    %get3A_307 = arith.constant 0 : index
    %get3A_308 = tpu.vector_load %arg7[%get3A_306, %get3A_307] {strides = array<i32>} : memref<320x16xf32, #tpu.memory_space<vmem>>, vector<1x16xf32>,
    %get3A_309 = vector.shape_cast %get3A_308 : vector<1x16xf32> to vector<16xf32>
    %exp3A_310 = math.exp %get3A_309 : vector<16xf32>
    %sub3A_311 = arith.subf %get3A_309, %get3A_292 : vector<16xf32>
    %mul3A_312 = arith.mulf %exp3A_310, %sub3A_311 : vector<16xf32>
    %sub3A_313 = arith.subf %mul3A_312, %exp3A_310 : vector<16xf32>
    %add3A_314 = arith.addf %add3A_304, %sub3A_313 : vector<16xf32>
    %get3A_315 = arith.constant 22 : i32
    %get3A_316 = arith.index_cast %get3A_315 : i32 to index
    %get3A_317 = arith.constant 0 : index
    %get3A_318 = tpu.vector_load %arg7[%get3A_316, %get3A_317] {strides = array<i32>} : memref<320x16xf32, #tpu.memory_space<vmem>>, vector<1x16xf32>,
    %get3A_319 = vector.shape_cast %get3A_318 : vector<1x16xf32> to vector<16xf32>
    %exp3A_320 = math.exp %get3A_319 : vector<16xf32>
    %sub3A_321 = arith.subf %get3A_319, %get3A_292 : vector<16xf32>
    %mul3A_322 = arith.mulf %exp3A_320, %sub3A_321 : vector<16xf32>
    %sub3A_323 = arith.subf %mul3A_322, %exp3A_320 : vector<16xf32>
    %add3A_324 = arith.addf %add3A_314, %sub3A_323 : vector<16xf32>
    %get3A_325 = arith.constant 23 : i32
    %get3A_326 = arith.index_cast %get3A_325 : i32 to index
    %get3A_327 = arith.constant 0 : index
    %get3A_328 = tpu.vector_load %arg7[%get3A_326, %get3A_327] {strides = array<i32>} : memref<320x16xf32, #tpu.memory_space<vmem>>, vector<1x16xf32>,
    %get3A_329 = vector.shape_cast %get3A_328 : vector<1x16xf32> to vector<16xf32>
    %exp3A_330 = math.exp %get3A_329 : vector<16xf32>
    %sub3A_331 = arith.subf %get3A_329, %get3A_292 : vector<16xf32>
    %mul3A_332 = arith.mulf %exp3A_330, %sub3A_331 : vector<16xf32>
    %sub3A_333 = arith.subf %mul3A_332, %exp3A_330 : vector<16xf32>
    %add3A_334 = arith.addf %add3A_324, %sub3A_333 : vector<16xf32>
    %get3A_335 = arith.constant 24 : i32
    %get3A_336 = arith.index_cast %get3A_335 : i32 to index
    %get3A_337 = arith.constant 0 : index
    %get3A_338 = tpu.vector_load %arg7[%get3A_336, %get3A_337] {strides = array<i32>} : memref<320x16xf32, #tpu.memory_space<vmem>>, vector<1x16xf32>,
    %get3A_339 = vector.shape_cast %get3A_338 : vector<1x16xf32> to vector<16xf32>
    %exp3A_340 = math.exp %get3A_339 : vector<16xf32>
    %sub3A_341 = arith.subf %get3A_339, %get3A_292 : vector<16xf32>
    %mul3A_342 = arith.mulf %exp3A_340, %sub3A_341 : vector<16xf32>
    %sub3A_343 = arith.subf %mul3A_342, %exp3A_340 : vector<16xf32>
    %add3A_344 = arith.addf %add3A_334, %sub3A_343 : vector<16xf32>
    %get3A_345 = arith.constant 25 : i32
    %get3A_346 = arith.index_cast %get3A_345 : i32 to index
    %get3A_347 = arith.constant 0 : index
    %get3A_348 = tpu.vector_load %arg7[%get3A_346, %get3A_347] {strides = array<i32>} : memref<320x16xf32, #tpu.memory_space<vmem>>, vector<1x16xf32>,
    %get3A_349 = vector.shape_cast %get3A_348 : vector<1x16xf32> to vector<16xf32>
    %exp3A_350 = math.exp %get3A_349 : vector<16xf32>
    %sub3A_351 = arith.subf %get3A_349, %get3A_292 : vector<16xf32>
    %mul3A_352 = arith.mulf %exp3A_350, %sub3A_351 : vector<16xf32>
    %sub3A_353 = arith.subf %mul3A_352, %exp3A_350 : vector<16xf32>
    %add3A_354 = arith.addf %add3A_344, %sub3A_353 : vector<16xf32>
    %get3A_355 = arith.constant 26 : i32
    %get3A_356 = arith.index_cast %get3A_355 : i32 to index
    %get3A_357 = arith.constant 0 : index
    %get3A_358 = tpu.vector_load %arg7[%get3A_356, %get3A_357] {strides = array<i32>} : memref<320x16xf32, #tpu.memory_space<vmem>>, vector<1x16xf32>,
    %get3A_359 = vector.shape_cast %get3A_358 : vector<1x16xf32> to vector<16xf32>
    %exp3A_360 = math.exp %get3A_359 : vector<16xf32>
    %sub3A_361 = arith.subf %get3A_359, %get3A_292 : vector<16xf32>
    %mul3A_362 = arith.mulf %exp3A_360, %sub3A_361 : vector<16xf32>
    %sub3A_363 = arith.subf %mul3A_362, %exp3A_360 : vector<16xf32>
    %add3A_364 = arith.addf %add3A_354, %sub3A_363 : vector<16xf32>
    %get3A_365 = arith.constant 27 : i32
    %get3A_366 = arith.index_cast %get3A_365 : i32 to index
    %get3A_367 = arith.constant 0 : index
    %get3A_368 = tpu.vector_load %arg7[%get3A_366, %get3A_367] {strides = array<i32>} : memref<320x16xf32, #tpu.memory_space<vmem>>, vector<1x16xf32>,
    %get3A_369 = vector.shape_cast %get3A_368 : vector<1x16xf32> to vector<16xf32>
    %exp3A_370 = math.exp %get3A_369 : vector<16xf32>
    %sub3A_371 = arith.subf %get3A_369, %get3A_292 : vector<16xf32>
    %mul3A_372 = arith.mulf %exp3A_370, %sub3A_371 : vector<16xf32>
    %sub3A_373 = arith.subf %mul3A_372, %exp3A_370 : vector<16xf32>
    %add3A_374 = arith.addf %add3A_364, %sub3A_373 : vector<16xf32>
    %get3A_375 = arith.constant 28 : i32
    %get3A_376 = arith.index_cast %get3A_375 : i32 to index
    %get3A_377 = arith.constant 0 : index
    %get3A_378 = tpu.vector_load %arg7[%get3A_376, %get3A_377] {strides = array<i32>} : memref<320x16xf32, #tpu.memory_space<vmem>>, vector<1x16xf32>,
    %get3A_379 = vector.shape_cast %get3A_378 : vector<1x16xf32> to vector<16xf32>
    %exp3A_380 = math.exp %get3A_379 : vector<16xf32>
    %sub3A_381 = arith.subf %get3A_379, %get3A_292 : vector<16xf32>
    %mul3A_382 = arith.mulf %exp3A_380, %sub3A_381 : vector<16xf32>
    %sub3A_383 = arith.subf %mul3A_382, %exp3A_380 : vector<16xf32>
    %add3A_384 = arith.addf %add3A_374, %sub3A_383 : vector<16xf32>
    %get3A_385 = arith.constant 29 : i32
    %get3A_386 = arith.index_cast %get3A_385 : i32 to index
    %get3A_387 = arith.constant 0 : index
    %get3A_388 = tpu.vector_load %arg7[%get3A_386, %get3A_387] {strides = array<i32>} : memref<320x16xf32, #tpu.memory_space<vmem>>, vector<1x16xf32>,
    %get3A_389 = vector.shape_cast %get3A_388 : vector<1x16xf32> to vector<16xf32>
    %exp3A_390 = math.exp %get3A_389 : vector<16xf32>
    %sub3A_391 = arith.subf %get3A_389, %get3A_292 : vector<16xf32>
    %mul3A_392 = arith.mulf %exp3A_390, %sub3A_391 : vector<16xf32>
    %sub3A_393 = arith.subf %mul3A_392, %exp3A_390 : vector<16xf32>
    %add3A_394 = arith.addf %add3A_384, %sub3A_393 : vector<16xf32>
    %swap3A_395 = arith.constant 2 : i32
    %swap3A_396 = arith.index_cast %swap3A_395 : i32 to index
    %swap3A_397 = arith.constant 0 : index
    %swap3A_398 = tpu.vector_load %arg9[%swap3A_396, %swap3A_397] {strides = array<i32>} : memref<32x16xf32, #tpu.memory_space<vmem>>, vector<1x16xf32>,
    %swap3A_399 = vector.shape_cast %swap3A_398 : vector<1x16xf32> to vector<16xf32>
    %swap3A_400 = vector.shape_cast %add3A_394 : vector<16xf32> to vector<1x16xf32>
    tpu.vector_store %arg9[%swap3A_396, %swap3A_397], %swap3A_400 {strides = array<i32>} : memref<32x16xf32, #tpu.memory_space<vmem>>, vector<1x16xf32>,
    %get3A_401 = arith.constant 3 : i32
    %get3A_402 = arith.index_cast %get3A_401 : i32 to index
    %get3A_403 = arith.constant 0 : index
    %get3A_404 = tpu.vector_load %arg8[%get3A_402, %get3A_403] {strides = array<i32>} : memref<32x16xf32, #tpu.memory_space<vmem>>, vector<1x16xf32>,
    %get3A_405 = vector.shape_cast %get3A_404 : vector<1x16xf32> to vector<16xf32>
    %broadcast_in_dim3A_406 = arith.constant 0.000000e+00 : f32
    %broadcast_in_dim3A_407 = vector.broadcast %broadcast_in_dim3A_406 : f32 to vector<16xf32>
    %get3A_408 = arith.constant 30 : i32
    %get3A_409 = arith.index_cast %get3A_408 : i32 to index
    %get3A_410 = arith.constant 0 : index
    %get3A_411 = tpu.vector_load %arg7[%get3A_409, %get3A_410] {strides = array<i32>} : memref<320x16xf32, #tpu.memory_space<vmem>>, vector<1x16xf32>,
    %get3A_412 = vector.shape_cast %get3A_411 : vector<1x16xf32> to vector<16xf32>
    %exp3A_413 = math.exp %get3A_412 : vector<16xf32>
    %sub3A_414 = arith.subf %get3A_412, %get3A_405 : vector<16xf32>
    %mul3A_415 = arith.mulf %exp3A_413, %sub3A_414 : vector<16xf32>
    %sub3A_416 = arith.subf %mul3A_415, %exp3A_413 : vector<16xf32>
    %add3A_417 = arith.addf %broadcast_in_dim3A_407, %sub3A_416 : vector<16xf32>
    %get3A_418 = arith.constant 31 : i32
    %get3A_419 = arith.index_cast %get3A_418 : i32 to index
    %get3A_420 = arith.constant 0 : index
    %get3A_421 = tpu.vector_load %arg7[%get3A_419, %get3A_420] {strides = array<i32>} : memref<320x16xf32, #tpu.memory_space<vmem>>, vector<1x16xf32>,
    %get3A_422 = vector.shape_cast %get3A_421 : vector<1x16xf32> to vector<16xf32>
    %exp3A_423 = math.exp %get3A_422 : vector<16xf32>
    %sub3A_424 = arith.subf %get3A_422, %get3A_405 : vector<16xf32>
    %mul3A_425 = arith.mulf %exp3A_423, %sub3A_424 : vector<16xf32>
    %sub3A_426 = arith.subf %mul3A_425, %exp3A_423 : vector<16xf32>
    %add3A_427 = arith.addf %add3A_417, %sub3A_426 : vector<16xf32>
    %get3A_428 = arith.constant 32 : i32
    %get3A_429 = arith.index_cast %get3A_428 : i32 to index
    %get3A_430 = arith.constant 0 : index
    %get3A_431 = tpu.vector_load %arg7[%get3A_429, %get3A_430] {strides = array<i32>} : memref<320x16xf32, #tpu.memory_space<vmem>>, vector<1x16xf32>,
    %get3A_432 = vector.shape_cast %get3A_431 : vector<1x16xf32> to vector<16xf32>
    %exp3A_433 = math.exp %get3A_432 : vector<16xf32>
    %sub3A_434 = arith.subf %get3A_432, %get3A_405 : vector<16xf32>
    %mul3A_435 = arith.mulf %exp3A_433, %sub3A_434 : vector<16xf32>
    %sub3A_436 = arith.subf %mul3A_435, %exp3A_433 : vector<16xf32>
    %add3A_437 = arith.addf %add3A_427, %sub3A_436 : vector<16xf32>
    %get3A_438 = arith.constant 33 : i32
    %get3A_439 = arith.index_cast %get3A_438 : i32 to index
    %get3A_440 = arith.constant 0 : index
    %get3A_441 = tpu.vector_load %arg7[%get3A_439, %get3A_440] {strides = array<i32>} : memref<320x16xf32, #tpu.memory_space<vmem>>, vector<1x16xf32>,
    %get3A_442 = vector.shape_cast %get3A_441 : vector<1x16xf32> to vector<16xf32>
    %exp3A_443 = math.exp %get3A_442 : vector<16xf32>
    %sub3A_444 = arith.subf %get3A_442, %get3A_405 : vector<16xf32>
    %mul3A_445 = arith.mulf %exp3A_443, %sub3A_444 : vector<16xf32>
    %sub3A_446 = arith.subf %mul3A_445, %exp3A_443 : vector<16xf32>
    %add3A_447 = arith.addf %add3A_437, %sub3A_446 : vector<16xf32>
    %get3A_448 = arith.constant 34 : i32
    %get3A_449 = arith.index_cast %get3A_448 : i32 to index
    %get3A_450 = arith.constant 0 : index
    %get3A_451 = tpu.vector_load %arg7[%get3A_449, %get3A_450] {strides = array<i32>} : memref<320x16xf32, #tpu.memory_space<vmem>>, vector<1x16xf32>,
    %get3A_452 = vector.shape_cast %get3A_451 : vector<1x16xf32> to vector<16xf32>
    %exp3A_453 = math.exp %get3A_452 : vector<16xf32>
    %sub3A_454 = arith.subf %get3A_452, %get3A_405 : vector<16xf32>
    %mul3A_455 = arith.mulf %exp3A_453, %sub3A_454 : vector<16xf32>
    %sub3A_456 = arith.subf %mul3A_455, %exp3A_453 : vector<16xf32>
    %add3A_457 = arith.addf %add3A_447, %sub3A_456 : vector<16xf32>
    %get3A_458 = arith.constant 35 : i32
    %get3A_459 = arith.index_cast %get3A_458 : i32 to index
    %get3A_460 = arith.constant 0 : index
    %get3A_461 = tpu.vector_load %arg7[%get3A_459, %get3A_460] {strides = array<i32>} : memref<320x16xf32, #tpu.memory_space<vmem>>, vector<1x16xf32>,
    %get3A_462 = vector.shape_cast %get3A_461 : vector<1x16xf32> to vector<16xf32>
    %exp3A_463 = math.exp %get3A_462 : vector<16xf32>
    %sub3A_464 = arith.subf %get3A_462, %get3A_405 : vector<16xf32>
    %mul3A_465 = arith.mulf %exp3A_463, %sub3A_464 : vector<16xf32>
    %sub3A_466 = arith.subf %mul3A_465, %exp3A_463 : vector<16xf32>
    %add3A_467 = arith.addf %add3A_457, %sub3A_466 : vector<16xf32>
    %get3A_468 = arith.constant 36 : i32
    %get3A_469 = arith.index_cast %get3A_468 : i32 to index
    %get3A_470 = arith.constant 0 : index
    %get3A_471 = tpu.vector_load %arg7[%get3A_469, %get3A_470] {strides = array<i32>} : memref<320x16xf32, #tpu.memory_space<vmem>>, vector<1x16xf32>,
    %get3A_472 = vector.shape_cast %get3A_471 : vector<1x16xf32> to vector<16xf32>
    %exp3A_473 = math.exp %get3A_472 : vector<16xf32>
    %sub3A_474 = arith.subf %get3A_472, %get3A_405 : vector<16xf32>
    %mul3A_475 = arith.mulf %exp3A_473, %sub3A_474 : vector<16xf32>
    %sub3A_476 = arith.subf %mul3A_475, %exp3A_473 : vector<16xf32>
    %add3A_477 = arith.addf %add3A_467, %sub3A_476 : vector<16xf32>
    %get3A_478 = arith.constant 37 : i32
    %get3A_479 = arith.index_cast %get3A_478 : i32 to index
    %get3A_480 = arith.constant 0 : index
    %get3A_481 = tpu.vector_load %arg7[%get3A_479, %get3A_480] {strides = array<i32>} : memref<320x16xf32, #tpu.memory_space<vmem>>, vector<1x16xf32>,
    %get3A_482 = vector.shape_cast %get3A_481 : vector<1x16xf32> to vector<16xf32>
    %exp3A_483 = math.exp %get3A_482 : vector<16xf32>
    %sub3A_484 = arith.subf %get3A_482, %get3A_405 : vector<16xf32>
    %mul3A_485 = arith.mulf %exp3A_483, %sub3A_484 : vector<16xf32>
    %sub3A_486 = arith.subf %mul3A_485, %exp3A_483 : vector<16xf32>
    %add3A_487 = arith.addf %add3A_477, %sub3A_486 : vector<16xf32>
    %get3A_488 = arith.constant 38 : i32
    %get3A_489 = arith.index_cast %get3A_488 : i32 to index
    %get3A_490 = arith.constant 0 : index
    %get3A_491 = tpu.vector_load %arg7[%get3A_489, %get3A_490] {strides = array<i32>} : memref<320x16xf32, #tpu.memory_space<vmem>>, vector<1x16xf32>,
    %get3A_492 = vector.shape_cast %get3A_491 : vector<1x16xf32> to vector<16xf32>
    %exp3A_493 = math.exp %get3A_492 : vector<16xf32>
    %sub3A_494 = arith.subf %get3A_492, %get3A_405 : vector<16xf32>
    %mul3A_495 = arith.mulf %exp3A_493, %sub3A_494 : vector<16xf32>
    %sub3A_496 = arith.subf %mul3A_495, %exp3A_493 : vector<16xf32>
    %add3A_497 = arith.addf %add3A_487, %sub3A_496 : vector<16xf32>
    %get3A_498 = arith.constant 39 : i32
    %get3A_499 = arith.index_cast %get3A_498 : i32 to index
    %get3A_500 = arith.constant 0 : index
    %get3A_501 = tpu.vector_load %arg7[%get3A_499, %get3A_500] {strides = array<i32>} : memref<320x16xf32, #tpu.memory_space<vmem>>, vector<1x16xf32>,
    %get3A_502 = vector.shape_cast %get3A_501 : vector<1x16xf32> to vector<16xf32>
    %exp3A_503 = math.exp %get3A_502 : vector<16xf32>
    %sub3A_504 = arith.subf %get3A_502, %get3A_405 : vector<16xf32>
    %mul3A_505 = arith.mulf %exp3A_503, %sub3A_504 : vector<16xf32>
    %sub3A_506 = arith.subf %mul3A_505, %exp3A_503 : vector<16xf32>
    %add3A_507 = arith.addf %add3A_497, %sub3A_506 : vector<16xf32>
    %swap3A_508 = arith.constant 3 : i32
    %swap3A_509 = arith.index_cast %swap3A_508 : i32 to index
    %swap3A_510 = arith.constant 0 : index
    %swap3A_511 = tpu.vector_load %arg9[%swap3A_509, %swap3A_510] {strides = array<i32>} : memref<32x16xf32, #tpu.memory_space<vmem>>, vector<1x16xf32>,
    %swap3A_512 = vector.shape_cast %swap3A_511 : vector<1x16xf32> to vector<16xf32>
    %swap3A_513 = vector.shape_cast %add3A_507 : vector<16xf32> to vector<1x16xf32>
    tpu.vector_store %arg9[%swap3A_509, %swap3A_510], %swap3A_513 {strides = array<i32>} : memref<32x16xf32, #tpu.memory_space<vmem>>, vector<1x16xf32>,
    %get3A_514 = arith.constant 4 : i32
    %get3A_515 = arith.index_cast %get3A_514 : i32 to index
    %get3A_516 = arith.constant 0 : index
    %get3A_517 = tpu.vector_load %arg8[%get3A_515, %get3A_516] {strides = array<i32>} : memref<32x16xf32, #tpu.memory_space<vmem>>, vector<1x16xf32>,
    %get3A_518 = vector.shape_cast %get3A_517 : vector<1x16xf32> to vector<16xf32>
    %broadcast_in_dim3A_519 = arith.constant 0.000000e+00 : f32
    %broadcast_in_dim3A_520 = vector.broadcast %broadcast_in_dim3A_519 : f32 to vector<16xf32>
    %get3A_521 = arith.constant 40 : i32
    %get3A_522 = arith.index_cast %get3A_521 : i32 to index
    %get3A_523 = arith.constant 0 : index
    %get3A_524 = tpu.vector_load %arg7[%get3A_522, %get3A_523] {strides = array<i32>} : memref<320x16xf32, #tpu.memory_space<vmem>>, vector<1x16xf32>,
    %get3A_525 = vector.shape_cast %get3A_524 : vector<1x16xf32> to vector<16xf32>
    %exp3A_526 = math.exp %get3A_525 : vector<16xf32>
    %sub3A_527 = arith.subf %get3A_525, %get3A_518 : vector<16xf32>
    %mul3A_528 = arith.mulf %exp3A_526, %sub3A_527 : vector<16xf32>
    %sub3A_529 = arith.subf %mul3A_528, %exp3A_526 : vector<16xf32>
    %add3A_530 = arith.addf %broadcast_in_dim3A_520, %sub3A_529 : vector<16xf32>
    %get3A_531 = arith.constant 41 : i32
    %get3A_532 = arith.index_cast %get3A_531 : i32 to index
    %get3A_533 = arith.constant 0 : index
    %get3A_534 = tpu.vector_load %arg7[%get3A_532, %get3A_533] {strides = array<i32>} : memref<320x16xf32, #tpu.memory_space<vmem>>, vector<1x16xf32>,
    %get3A_535 = vector.shape_cast %get3A_534 : vector<1x16xf32> to vector<16xf32>
    %exp3A_536 = math.exp %get3A_535 : vector<16xf32>
    %sub3A_537 = arith.subf %get3A_535, %get3A_518 : vector<16xf32>
    %mul3A_538 = arith.mulf %exp3A_536, %sub3A_537 : vector<16xf32>
    %sub3A_539 = arith.subf %mul3A_538, %exp3A_536 : vector<16xf32>
    %add3A_540 = arith.addf %add3A_530, %sub3A_539 : vector<16xf32>
    %get3A_541 = arith.constant 42 : i32
    %get3A_542 = arith.index_cast %get3A_541 : i32 to index
    %get3A_543 = arith.constant 0 : index
    %get3A_544 = tpu.vector_load %arg7[%get3A_542, %get3A_543] {strides = array<i32>} : memref<320x16xf32, #tpu.memory_space<vmem>>, vector<1x16xf32>,
    %get3A_545 = vector.shape_cast %get3A_544 : vector<1x16xf32> to vector<16xf32>
    %exp3A_546 = math.exp %get3A_545 : vector<16xf32>
    %sub3A_547 = arith.subf %get3A_545, %get3A_518 : vector<16xf32>
    %mul3A_548 = arith.mulf %exp3A_546, %sub3A_547 : vector<16xf32>
    %sub3A_549 = arith.subf %mul3A_548, %exp3A_546 : vector<16xf32>
    %add3A_550 = arith.addf %add3A_540, %sub3A_549 : vector<16xf32>
    %get3A_551 = arith.constant 43 : i32
    %get3A_552 = arith.index_cast %get3A_551 : i32 to index
    %get3A_553 = arith.constant 0 : index
    %get3A_554 = tpu.vector_load %arg7[%get3A_552, %get3A_553] {strides = array<i32>} : memref<320x16xf32, #tpu.memory_space<vmem>>, vector<1x16xf32>,
    %get3A_555 = vector.shape_cast %get3A_554 : vector<1x16xf32> to vector<16xf32>
    %exp3A_556 = math.exp %get3A_555 : vector<16xf32>
    %sub3A_557 = arith.subf %get3A_555, %get3A_518 : vector<16xf32>
    %mul3A_558 = arith.mulf %exp3A_556, %sub3A_557 : vector<16xf32>
    %sub3A_559 = arith.subf %mul3A_558, %exp3A_556 : vector<16xf32>
    %add3A_560 = arith.addf %add3A_550, %sub3A_559 : vector<16xf32>
    %get3A_561 = arith.constant 44 : i32
    %get3A_562 = arith.index_cast %get3A_561 : i32 to index
    %get3A_563 = arith.constant 0 : index
    %get3A_564 = tpu.vector_load %arg7[%get3A_562, %get3A_563] {strides = array<i32>} : memref<320x16xf32, #tpu.memory_space<vmem>>, vector<1x16xf32>,
    %get3A_565 = vector.shape_cast %get3A_564 : vector<1x16xf32> to vector<16xf32>
    %exp3A_566 = math.exp %get3A_565 : vector<16xf32>
    %sub3A_567 = arith.subf %get3A_565, %get3A_518 : vector<16xf32>
    %mul3A_568 = arith.mulf %exp3A_566, %sub3A_567 : vector<16xf32>
    %sub3A_569 = arith.subf %mul3A_568, %exp3A_566 : vector<16xf32>
    %add3A_570 = arith.addf %add3A_560, %sub3A_569 : vector<16xf32>
    %get3A_571 = arith.constant 45 : i32
    %get3A_572 = arith.index_cast %get3A_571 : i32 to index
    %get3A_573 = arith.constant 0 : index
    %get3A_574 = tpu.vector_load %arg7[%get3A_572, %get3A_573] {strides = array<i32>} : memref<320x16xf32, #tpu.memory_space<vmem>>, vector<1x16xf32>,
    %get3A_575 = vector.shape_cast %get3A_574 : vector<1x16xf32> to vector<16xf32>
    %exp3A_576 = math.exp %get3A_575 : vector<16xf32>
    %sub3A_577 = arith.subf %get3A_575, %get3A_518 : vector<16xf32>
    %mul3A_578 = arith.mulf %exp3A_576, %sub3A_577 : vector<16xf32>
    %sub3A_579 = arith.subf %mul3A_578, %exp3A_576 : vector<16xf32>
    %add3A_580 = arith.addf %add3A_570, %sub3A_579 : vector<16xf32>
    %get3A_581 = arith.constant 46 : i32
    %get3A_582 = arith.index_cast %get3A_581 : i32 to index
    %get3A_583 = arith.constant 0 : index
    %get3A_584 = tpu.vector_load %arg7[%get3A_582, %get3A_583] {strides = array<i32>} : memref<320x16xf32, #tpu.memory_space<vmem>>, vector<1x16xf32>,
    %get3A_585 = vector.shape_cast %get3A_584 : vector<1x16xf32> to vector<16xf32>
    %exp3A_586 = math.exp %get3A_585 : vector<16xf32>
    %sub3A_587 = arith.subf %get3A_585, %get3A_518 : vector<16xf32>
    %mul3A_588 = arith.mulf %exp3A_586, %sub3A_587 : vector<16xf32>
    %sub3A_589 = arith.subf %mul3A_588, %exp3A_586 : vector<16xf32>
    %add3A_590 = arith.addf %add3A_580, %sub3A_589 : vector<16xf32>
    %get3A_591 = arith.constant 47 : i32
    %get3A_592 = arith.index_cast %get3A_591 : i32 to index
    %get3A_593 = arith.constant 0 : index
    %get3A_594 = tpu.vector_load %arg7[%get3A_592, %get3A_593] {strides = array<i32>} : memref<320x16xf32, #tpu.memory_space<vmem>>, vector<1x16xf32>,
    %get3A_595 = vector.shape_cast %get3A_594 : vector<1x16xf32> to vector<16xf32>
    %exp3A_596 = math.exp %get3A_595 : vector<16xf32>
    %sub3A_597 = arith.subf %get3A_595, %get3A_518 : vector<16xf32>
    %mul3A_598 = arith.mulf %exp3A_596, %sub3A_597 : vector<16xf32>
    %sub3A_599 = arith.subf %mul3A_598, %exp3A_596 : vector<16xf32>
    %add3A_600 = arith.addf %add3A_590, %sub3A_599 : vector<16xf32>
    %get3A_601 = arith.constant 48 : i32
    %get3A_602 = arith.index_cast %get3A_601 : i32 to index
    %get3A_603 = arith.constant 0 : index
    %get3A_604 = tpu.vector_load %arg7[%get3A_602, %get3A_603] {strides = array<i32>} : memref<320x16xf32, #tpu.memory_space<vmem>>, vector<1x16xf32>,
    %get3A_605 = vector.shape_cast %get3A_604 : vector<1x16xf32> to vector<16xf32>
    %exp3A_606 = math.exp %get3A_605 : vector<16xf32>
    %sub3A_607 = arith.subf %get3A_605, %get3A_518 : vector<16xf32>
    %mul3A_608 = arith.mulf %exp3A_606, %sub3A_607 : vector<16xf32>
    %sub3A_609 = arith.subf %mul3A_608, %exp3A_606 : vector<16xf32>
    %add3A_610 = arith.addf %add3A_600, %sub3A_609 : vector<16xf32>
    %get3A_611 = arith.constant 49 : i32
    %get3A_612 = arith.index_cast %get3A_611 : i32 to index
    %get3A_613 = arith.constant 0 : index
    %get3A_614 = tpu.vector_load %arg7[%get3A_612, %get3A_613] {strides = array<i32>} : memref<320x16xf32, #tpu.memory_space<vmem>>, vector<1x16xf32>,
    %get3A_615 = vector.shape_cast %get3A_614 : vector<1x16xf32> to vector<16xf32>
    %exp3A_616 = math.exp %get3A_615 : vector<16xf32>
    %sub3A_617 = arith.subf %get3A_615, %get3A_518 : vector<16xf32>
    %mul3A_618 = arith.mulf %exp3A_616, %sub3A_617 : vector<16xf32>
    %sub3A_619 = arith.subf %mul3A_618, %exp3A_616 : vector<16xf32>
    %add3A_620 = arith.addf %add3A_610, %sub3A_619 : vector<16xf32>
    %swap3A_621 = arith.constant 4 : i32
    %swap3A_622 = arith.index_cast %swap3A_621 : i32 to index
    %swap3A_623 = arith.constant 0 : index
    %swap3A_624 = tpu.vector_load %arg9[%swap3A_622, %swap3A_623] {strides = array<i32>} : memref<32x16xf32, #tpu.memory_space<vmem>>, vector<1x16xf32>,
    %swap3A_625 = vector.shape_cast %swap3A_624 : vector<1x16xf32> to vector<16xf32>
    %swap3A_626 = vector.shape_cast %add3A_620 : vector<16xf32> to vector<1x16xf32>
    tpu.vector_store %arg9[%swap3A_622, %swap3A_623], %swap3A_626 {strides = array<i32>} : memref<32x16xf32, #tpu.memory_space<vmem>>, vector<1x16xf32>,
    %get3A_627 = arith.constant 5 : i32
    %get3A_628 = arith.index_cast %get3A_627 : i32 to index
    %get3A_629 = arith.constant 0 : index
    %get3A_630 = tpu.vector_load %arg8[%get3A_628, %get3A_629] {strides = array<i32>} : memref<32x16xf32, #tpu.memory_space<vmem>>, vector<1x16xf32>,
    %get3A_631 = vector.shape_cast %get3A_630 : vector<1x16xf32> to vector<16xf32>
    %broadcast_in_dim3A_632 = arith.constant 0.000000e+00 : f32
    %broadcast_in_dim3A_633 = vector.broadcast %broadcast_in_dim3A_632 : f32 to vector<16xf32>
    %get3A_634 = arith.constant 50 : i32
    %get3A_635 = arith.index_cast %get3A_634 : i32 to index
    %get3A_636 = arith.constant 0 : index
    %get3A_637 = tpu.vector_load %arg7[%get3A_635, %get3A_636] {strides = array<i32>} : memref<320x16xf32, #tpu.memory_space<vmem>>, vector<1x16xf32>,
    %get3A_638 = vector.shape_cast %get3A_637 : vector<1x16xf32> to vector<16xf32>
    %exp3A_639 = math.exp %get3A_638 : vector<16xf32>
    %sub3A_640 = arith.subf %get3A_638, %get3A_631 : vector<16xf32>
    %mul3A_641 = arith.mulf %exp3A_639, %sub3A_640 : vector<16xf32>
    %sub3A_642 = arith.subf %mul3A_641, %exp3A_639 : vector<16xf32>
    %add3A_643 = arith.addf %broadcast_in_dim3A_633, %sub3A_642 : vector<16xf32>
    %get3A_644 = arith.constant 51 : i32
    %get3A_645 = arith.index_cast %get3A_644 : i32 to index
    %get3A_646 = arith.constant 0 : index
    %get3A_647 = tpu.vector_load %arg7[%get3A_645, %get3A_646] {strides = array<i32>} : memref<320x16xf32, #tpu.memory_space<vmem>>, vector<1x16xf32>,
    %get3A_648 = vector.shape_cast %get3A_647 : vector<1x16xf32> to vector<16xf32>
    %exp3A_649 = math.exp %get3A_648 : vector<16xf32>
    %sub3A_650 = arith.subf %get3A_648, %get3A_631 : vector<16xf32>
    %mul3A_651 = arith.mulf %exp3A_649, %sub3A_650 : vector<16xf32>
    %sub3A_652 = arith.subf %mul3A_651, %exp3A_649 : vector<16xf32>
    %add3A_653 = arith.addf %add3A_643, %sub3A_652 : vector<16xf32>
    %get3A_654 = arith.constant 52 : i32
    %get3A_655 = arith.index_cast %get3A_654 : i32 to index
    %get3A_656 = arith.constant 0 : index
    %get3A_657 = tpu.vector_load %arg7[%get3A_655, %get3A_656] {strides = array<i32>} : memref<320x16xf32, #tpu.memory_space<vmem>>, vector<1x16xf32>,
    %get3A_658 = vector.shape_cast %get3A_657 : vector<1x16xf32> to vector<16xf32>
    %exp3A_659 = math.exp %get3A_658 : vector<16xf32>
    %sub3A_660 = arith.subf %get3A_658, %get3A_631 : vector<16xf32>
    %mul3A_661 = arith.mulf %exp3A_659, %sub3A_660 : vector<16xf32>
    %sub3A_662 = arith.subf %mul3A_661, %exp3A_659 : vector<16xf32>
    %add3A_663 = arith.addf %add3A_653, %sub3A_662 : vector<16xf32>
    %get3A_664 = arith.constant 53 : i32
    %get3A_665 = arith.index_cast %get3A_664 : i32 to index
    %get3A_666 = arith.constant 0 : index
    %get3A_667 = tpu.vector_load %arg7[%get3A_665, %get3A_666] {strides = array<i32>} : memref<320x16xf32, #tpu.memory_space<vmem>>, vector<1x16xf32>,
    %get3A_668 = vector.shape_cast %get3A_667 : vector<1x16xf32> to vector<16xf32>
    %exp3A_669 = math.exp %get3A_668 : vector<16xf32>
    %sub3A_670 = arith.subf %get3A_668, %get3A_631 : vector<16xf32>
    %mul3A_671 = arith.mulf %exp3A_669, %sub3A_670 : vector<16xf32>
    %sub3A_672 = arith.subf %mul3A_671, %exp3A_669 : vector<16xf32>
    %add3A_673 = arith.addf %add3A_663, %sub3A_672 : vector<16xf32>
    %get3A_674 = arith.constant 54 : i32
    %get3A_675 = arith.index_cast %get3A_674 : i32 to index
    %get3A_676 = arith.constant 0 : index
    %get3A_677 = tpu.vector_load %arg7[%get3A_675, %get3A_676] {strides = array<i32>} : memref<320x16xf32, #tpu.memory_space<vmem>>, vector<1x16xf32>,
    %get3A_678 = vector.shape_cast %get3A_677 : vector<1x16xf32> to vector<16xf32>
    %exp3A_679 = math.exp %get3A_678 : vector<16xf32>
    %sub3A_680 = arith.subf %get3A_678, %get3A_631 : vector<16xf32>
    %mul3A_681 = arith.mulf %exp3A_679, %sub3A_680 : vector<16xf32>
    %sub3A_682 = arith.subf %mul3A_681, %exp3A_679 : vector<16xf32>
    %add3A_683 = arith.addf %add3A_673, %sub3A_682 : vector<16xf32>
    %get3A_684 = arith.constant 55 : i32
    %get3A_685 = arith.index_cast %get3A_684 : i32 to index
    %get3A_686 = arith.constant 0 : index
    %get3A_687 = tpu.vector_load %arg7[%get3A_685, %get3A_686] {strides = array<i32>} : memref<320x16xf32, #tpu.memory_space<vmem>>, vector<1x16xf32>,
    %get3A_688 = vector.shape_cast %get3A_687 : vector<1x16xf32> to vector<16xf32>
    %exp3A_689 = math.exp %get3A_688 : vector<16xf32>
    %sub3A_690 = arith.subf %get3A_688, %get3A_631 : vector<16xf32>
    %mul3A_691 = arith.mulf %exp3A_689, %sub3A_690 : vector<16xf32>
    %sub3A_692 = arith.subf %mul3A_691, %exp3A_689 : vector<16xf32>
    %add3A_693 = arith.addf %add3A_683, %sub3A_692 : vector<16xf32>
    %get3A_694 = arith.constant 56 : i32
    %get3A_695 = arith.index_cast %get3A_694 : i32 to index
    %get3A_696 = arith.constant 0 : index
    %get3A_697 = tpu.vector_load %arg7[%get3A_695, %get3A_696] {strides = array<i32>} : memref<320x16xf32, #tpu.memory_space<vmem>>, vector<1x16xf32>,
    %get3A_698 = vector.shape_cast %get3A_697 : vector<1x16xf32> to vector<16xf32>
    %exp3A_699 = math.exp %get3A_698 : vector<16xf32>
    %sub3A_700 = arith.subf %get3A_698, %get3A_631 : vector<16xf32>
    %mul3A_701 = arith.mulf %exp3A_699, %sub3A_700 : vector<16xf32>
    %sub3A_702 = arith.subf %mul3A_701, %exp3A_699 : vector<16xf32>
    %add3A_703 = arith.addf %add3A_693, %sub3A_702 : vector<16xf32>
    %get3A_704 = arith.constant 57 : i32
    %get3A_705 = arith.index_cast %get3A_704 : i32 to index
    %get3A_706 = arith.constant 0 : index
    %get3A_707 = tpu.vector_load %arg7[%get3A_705, %get3A_706] {strides = array<i32>} : memref<320x16xf32, #tpu.memory_space<vmem>>, vector<1x16xf32>,
    %get3A_708 = vector.shape_cast %get3A_707 : vector<1x16xf32> to vector<16xf32>
    %exp3A_709 = math.exp %get3A_708 : vector<16xf32>
    %sub3A_710 = arith.subf %get3A_708, %get3A_631 : vector<16xf32>
    %mul3A_711 = arith.mulf %exp3A_709, %sub3A_710 : vector<16xf32>
    %sub3A_712 = arith.subf %mul3A_711, %exp3A_709 : vector<16xf32>
    %add3A_713 = arith.addf %add3A_703, %sub3A_712 : vector<16xf32>
    %get3A_714 = arith.constant 58 : i32
    %get3A_715 = arith.index_cast %get3A_714 : i32 to index
    %get3A_716 = arith.constant 0 : index
    %get3A_717 = tpu.vector_load %arg7[%get3A_715, %get3A_716] {strides = array<i32>} : memref<320x16xf32, #tpu.memory_space<vmem>>, vector<1x16xf32>,
    %get3A_718 = vector.shape_cast %get3A_717 : vector<1x16xf32> to vector<16xf32>
    %exp3A_719 = math.exp %get3A_718 : vector<16xf32>
    %sub3A_720 = arith.subf %get3A_718, %get3A_631 : vector<16xf32>
    %mul3A_721 = arith.mulf %exp3A_719, %sub3A_720 : vector<16xf32>
    %sub3A_722 = arith.subf %mul3A_721, %exp3A_719 : vector<16xf32>
    %add3A_723 = arith.addf %add3A_713, %sub3A_722 : vector<16xf32>
    %get3A_724 = arith.constant 59 : i32
    %get3A_725 = arith.index_cast %get3A_724 : i32 to index
    %get3A_726 = arith.constant 0 : index
    %get3A_727 = tpu.vector_load %arg7[%get3A_725, %get3A_726] {strides = array<i32>} : memref<320x16xf32, #tpu.memory_space<vmem>>, vector<1x16xf32>,
    %get3A_728 = vector.shape_cast %get3A_727 : vector<1x16xf32> to vector<16xf32>
    %exp3A_729 = math.exp %get3A_728 : vector<16xf32>
    %sub3A_730 = arith.subf %get3A_728, %get3A_631 : vector<16xf32>
    %mul3A_731 = arith.mulf %exp3A_729, %sub3A_730 : vector<16xf32>
    %sub3A_732 = arith.subf %mul3A_731, %exp3A_729 : vector<16xf32>
    %add3A_733 = arith.addf %add3A_723, %sub3A_732 : vector<16xf32>
    %swap3A_734 = arith.constant 5 : i32
    %swap3A_735 = arith.index_cast %swap3A_734 : i32 to index
    %swap3A_736 = arith.constant 0 : index
    %swap3A_737 = tpu.vector_load %arg9[%swap3A_735, %swap3A_736] {strides = array<i32>} : memref<32x16xf32, #tpu.memory_space<vmem>>, vector<1x16xf32>,
    %swap3A_738 = vector.shape_cast %swap3A_737 : vector<1x16xf32> to vector<16xf32>
    %swap3A_739 = vector.shape_cast %add3A_733 : vector<16xf32> to vector<1x16xf32>
    tpu.vector_store %arg9[%swap3A_735, %swap3A_736], %swap3A_739 {strides = array<i32>} : memref<32x16xf32, #tpu.memory_space<vmem>>, vector<1x16xf32>,
    %get3A_740 = arith.constant 6 : i32
    %get3A_741 = arith.index_cast %get3A_740 : i32 to index
    %get3A_742 = arith.constant 0 : index
    %get3A_743 = tpu.vector_load %arg8[%get3A_741, %get3A_742] {strides = array<i32>} : memref<32x16xf32, #tpu.memory_space<vmem>>, vector<1x16xf32>,
    %get3A_744 = vector.shape_cast %get3A_743 : vector<1x16xf32> to vector<16xf32>
    %broadcast_in_dim3A_745 = arith.constant 0.000000e+00 : f32
    %broadcast_in_dim3A_746 = vector.broadcast %broadcast_in_dim3A_745 : f32 to vector<16xf32>
    %get3A_747 = arith.constant 60 : i32
    %get3A_748 = arith.index_cast %get3A_747 : i32 to index
    %get3A_749 = arith.constant 0 : index
    %get3A_750 = tpu.vector_load %arg7[%get3A_748, %get3A_749] {strides = array<i32>} : memref<320x16xf32, #tpu.memory_space<vmem>>, vector<1x16xf32>,
    %get3A_751 = vector.shape_cast %get3A_750 : vector<1x16xf32> to vector<16xf32>
    %exp3A_752 = math.exp %get3A_751 : vector<16xf32>
    %sub3A_753 = arith.subf %get3A_751, %get3A_744 : vector<16xf32>
    %mul3A_754 = arith.mulf %exp3A_752, %sub3A_753 : vector<16xf32>
    %sub3A_755 = arith.subf %mul3A_754, %exp3A_752 : vector<16xf32>
    %add3A_756 = arith.addf %broadcast_in_dim3A_746, %sub3A_755 : vector<16xf32>
    %get3A_757 = arith.constant 61 : i32
    %get3A_758 = arith.index_cast %get3A_757 : i32 to index
    %get3A_759 = arith.constant 0 : index
    %get3A_760 = tpu.vector_load %arg7[%get3A_758, %get3A_759] {strides = array<i32>} : memref<320x16xf32, #tpu.memory_space<vmem>>, vector<1x16xf32>,
    %get3A_761 = vector.shape_cast %get3A_760 : vector<1x16xf32> to vector<16xf32>
    %exp3A_762 = math.exp %get3A_761 : vector<16xf32>
    %sub3A_763 = arith.subf %get3A_761, %get3A_744 : vector<16xf32>
    %mul3A_764 = arith.mulf %exp3A_762, %sub3A_763 : vector<16xf32>
    %sub3A_765 = arith.subf %mul3A_764, %exp3A_762 : vector<16xf32>
    %add3A_766 = arith.addf %add3A_756, %sub3A_765 : vector<16xf32>
    %get3A_767 = arith.constant 62 : i32
    %get3A_768 = arith.index_cast %get3A_767 : i32 to index
    %get3A_769 = arith.constant 0 : index
    %get3A_770 = tpu.vector_load %arg7[%get3A_768, %get3A_769] {strides = array<i32>} : memref<320x16xf32, #tpu.memory_space<vmem>>, vector<1x16xf32>,
    %get3A_771 = vector.shape_cast %get3A_770 : vector<1x16xf32> to vector<16xf32>
    %exp3A_772 = math.exp %get3A_771 : vector<16xf32>
    %sub3A_773 = arith.subf %get3A_771, %get3A_744 : vector<16xf32>
    %mul3A_774 = arith.mulf %exp3A_772, %sub3A_773 : vector<16xf32>
    %sub3A_775 = arith.subf %mul3A_774, %exp3A_772 : vector<16xf32>
    %add3A_776 = arith.addf %add3A_766, %sub3A_775 : vector<16xf32>
    %get3A_777 = arith.constant 63 : i32
    %get3A_778 = arith.index_cast %get3A_777 : i32 to index
    %get3A_779 = arith.constant 0 : index
    %get3A_780 = tpu.vector_load %arg7[%get3A_778, %get3A_779] {strides = array<i32>} : memref<320x16xf32, #tpu.memory_space<vmem>>, vector<1x16xf32>,
    %get3A_781 = vector.shape_cast %get3A_780 : vector<1x16xf32> to vector<16xf32>
    %exp3A_782 = math.exp %get3A_781 : vector<16xf32>
    %sub3A_783 = arith.subf %get3A_781, %get3A_744 : vector<16xf32>
    %mul3A_784 = arith.mulf %exp3A_782, %sub3A_783 : vector<16xf32>
    %sub3A_785 = arith.subf %mul3A_784, %exp3A_782 : vector<16xf32>
    %add3A_786 = arith.addf %add3A_776, %sub3A_785 : vector<16xf32>
    %get3A_787 = arith.constant 64 : i32
    %get3A_788 = arith.index_cast %get3A_787 : i32 to index
    %get3A_789 = arith.constant 0 : index
    %get3A_790 = tpu.vector_load %arg7[%get3A_788, %get3A_789] {strides = array<i32>} : memref<320x16xf32, #tpu.memory_space<vmem>>, vector<1x16xf32>,
    %get3A_791 = vector.shape_cast %get3A_790 : vector<1x16xf32> to vector<16xf32>
    %exp3A_792 = math.exp %get3A_791 : vector<16xf32>
    %sub3A_793 = arith.subf %get3A_791, %get3A_744 : vector<16xf32>
    %mul3A_794 = arith.mulf %exp3A_792, %sub3A_793 : vector<16xf32>
    %sub3A_795 = arith.subf %mul3A_794, %exp3A_792 : vector<16xf32>
    %add3A_796 = arith.addf %add3A_786, %sub3A_795 : vector<16xf32>
    %get3A_797 = arith.constant 65 : i32
    %get3A_798 = arith.index_cast %get3A_797 : i32 to index
    %get3A_799 = arith.constant 0 : index
    %get3A_800 = tpu.vector_load %arg7[%get3A_798, %get3A_799] {strides = array<i32>} : memref<320x16xf32, #tpu.memory_space<vmem>>, vector<1x16xf32>,
    %get3A_801 = vector.shape_cast %get3A_800 : vector<1x16xf32> to vector<16xf32>
    %exp3A_802 = math.exp %get3A_801 : vector<16xf32>
    %sub3A_803 = arith.subf %get3A_801, %get3A_744 : vector<16xf32>
    %mul3A_804 = arith.mulf %exp3A_802, %sub3A_803 : vector<16xf32>
    %sub3A_805 = arith.subf %mul3A_804, %exp3A_802 : vector<16xf32>
    %add3A_806 = arith.addf %add3A_796, %sub3A_805 : vector<16xf32>
    %get3A_807 = arith.constant 66 : i32
    %get3A_808 = arith.index_cast %get3A_807 : i32 to index
    %get3A_809 = arith.constant 0 : index
    %get3A_810 = tpu.vector_load %arg7[%get3A_808, %get3A_809] {strides = array<i32>} : memref<320x16xf32, #tpu.memory_space<vmem>>, vector<1x16xf32>,
    %get3A_811 = vector.shape_cast %get3A_810 : vector<1x16xf32> to vector<16xf32>
    %exp3A_812 = math.exp %get3A_811 : vector<16xf32>
    %sub3A_813 = arith.subf %get3A_811, %get3A_744 : vector<16xf32>
    %mul3A_814 = arith.mulf %exp3A_812, %sub3A_813 : vector<16xf32>
    %sub3A_815 = arith.subf %mul3A_814, %exp3A_812 : vector<16xf32>
    %add3A_816 = arith.addf %add3A_806, %sub3A_815 : vector<16xf32>
    %get3A_817 = arith.constant 67 : i32
    %get3A_818 = arith.index_cast %get3A_817 : i32 to index
    %get3A_819 = arith.constant 0 : index
    %get3A_820 = tpu.vector_load %arg7[%get3A_818, %get3A_819] {strides = array<i32>} : memref<320x16xf32, #tpu.memory_space<vmem>>, vector<1x16xf32>,
    %get3A_821 = vector.shape_cast %get3A_820 : vector<1x16xf32> to vector<16xf32>
    %exp3A_822 = math.exp %get3A_821 : vector<16xf32>
    %sub3A_823 = arith.subf %get3A_821, %get3A_744 : vector<16xf32>
    %mul3A_824 = arith.mulf %exp3A_822, %sub3A_823 : vector<16xf32>
    %sub3A_825 = arith.subf %mul3A_824, %exp3A_822 : vector<16xf32>
    %add3A_826 = arith.addf %add3A_816, %sub3A_825 : vector<16xf32>
    %get3A_827 = arith.constant 68 : i32
    %get3A_828 = arith.index_cast %get3A_827 : i32 to index
    %get3A_829 = arith.constant 0 : index
    %get3A_830 = tpu.vector_load %arg7[%get3A_828, %get3A_829] {strides = array<i32>} : memref<320x16xf32, #tpu.memory_space<vmem>>, vector<1x16xf32>,
    %get3A_831 = vector.shape_cast %get3A_830 : vector<1x16xf32> to vector<16xf32>
    %exp3A_832 = math.exp %get3A_831 : vector<16xf32>
    %sub3A_833 = arith.subf %get3A_831, %get3A_744 : vector<16xf32>
    %mul3A_834 = arith.mulf %exp3A_832, %sub3A_833 : vector<16xf32>
    %sub3A_835 = arith.subf %mul3A_834, %exp3A_832 : vector<16xf32>
    %add3A_836 = arith.addf %add3A_826, %sub3A_835 : vector<16xf32>
    %get3A_837 = arith.constant 69 : i32
    %get3A_838 = arith.index_cast %get3A_837 : i32 to index
    %get3A_839 = arith.constant 0 : index
    %get3A_840 = tpu.vector_load %arg7[%get3A_838, %get3A_839] {strides = array<i32>} : memref<320x16xf32, #tpu.memory_space<vmem>>, vector<1x16xf32>,
    %get3A_841 = vector.shape_cast %get3A_840 : vector<1x16xf32> to vector<16xf32>
    %exp3A_842 = math.exp %get3A_841 : vector<16xf32>
    %sub3A_843 = arith.subf %get3A_841, %get3A_744 : vector<16xf32>
    %mul3A_844 = arith.mulf %exp3A_842, %sub3A_843 : vector<16xf32>
    %sub3A_845 = arith.subf %mul3A_844, %exp3A_842 : vector<16xf32>
    %add3A_846 = arith.addf %add3A_836, %sub3A_845 : vector<16xf32>
    %swap3A_847 = arith.constant 6 : i32
    %swap3A_848 = arith.index_cast %swap3A_847 : i32 to index
    %swap3A_849 = arith.constant 0 : index
    %swap3A_850 = tpu.vector_load %arg9[%swap3A_848, %swap3A_849] {strides = array<i32>} : memref<32x16xf32, #tpu.memory_space<vmem>>, vector<1x16xf32>,
    %swap3A_851 = vector.shape_cast %swap3A_850 : vector<1x16xf32> to vector<16xf32>
    %swap3A_852 = vector.shape_cast %add3A_846 : vector<16xf32> to vector<1x16xf32>
    tpu.vector_store %arg9[%swap3A_848, %swap3A_849], %swap3A_852 {strides = array<i32>} : memref<32x16xf32, #tpu.memory_space<vmem>>, vector<1x16xf32>,
    %get3A_853 = arith.constant 7 : i32
    %get3A_854 = arith.index_cast %get3A_853 : i32 to index
    %get3A_855 = arith.constant 0 : index
    %get3A_856 = tpu.vector_load %arg8[%get3A_854, %get3A_855] {strides = array<i32>} : memref<32x16xf32, #tpu.memory_space<vmem>>, vector<1x16xf32>,
    %get3A_857 = vector.shape_cast %get3A_856 : vector<1x16xf32> to vector<16xf32>
    %broadcast_in_dim3A_858 = arith.constant 0.000000e+00 : f32
    %broadcast_in_dim3A_859 = vector.broadcast %broadcast_in_dim3A_858 : f32 to vector<16xf32>
    %get3A_860 = arith.constant 70 : i32
    %get3A_861 = arith.index_cast %get3A_860 : i32 to index
    %get3A_862 = arith.constant 0 : index
    %get3A_863 = tpu.vector_load %arg7[%get3A_861, %get3A_862] {strides = array<i32>} : memref<320x16xf32, #tpu.memory_space<vmem>>, vector<1x16xf32>,
    %get3A_864 = vector.shape_cast %get3A_863 : vector<1x16xf32> to vector<16xf32>
    %exp3A_865 = math.exp %get3A_864 : vector<16xf32>
    %sub3A_866 = arith.subf %get3A_864, %get3A_857 : vector<16xf32>
    %mul3A_867 = arith.mulf %exp3A_865, %sub3A_866 : vector<16xf32>
    %sub3A_868 = arith.subf %mul3A_867, %exp3A_865 : vector<16xf32>
    %add3A_869 = arith.addf %broadcast_in_dim3A_859, %sub3A_868 : vector<16xf32>
    %get3A_870 = arith.constant 71 : i32
    %get3A_871 = arith.index_cast %get3A_870 : i32 to index
    %get3A_872 = arith.constant 0 : index
    %get3A_873 = tpu.vector_load %arg7[%get3A_871, %get3A_872] {strides = array<i32>} : memref<320x16xf32, #tpu.memory_space<vmem>>, vector<1x16xf32>,
    %get3A_874 = vector.shape_cast %get3A_873 : vector<1x16xf32> to vector<16xf32>
    %exp3A_875 = math.exp %get3A_874 : vector<16xf32>
    %sub3A_876 = arith.subf %get3A_874, %get3A_857 : vector<16xf32>
    %mul3A_877 = arith.mulf %exp3A_875, %sub3A_876 : vector<16xf32>
    %sub3A_878 = arith.subf %mul3A_877, %exp3A_875 : vector<16xf32>
    %add3A_879 = arith.addf %add3A_869, %sub3A_878 : vector<16xf32>
    %get3A_880 = arith.constant 72 : i32
    %get3A_881 = arith.index_cast %get3A_880 : i32 to index
    %get3A_882 = arith.constant 0 : index
    %get3A_883 = tpu.vector_load %arg7[%get3A_881, %get3A_882] {strides = array<i32>} : memref<320x16xf32, #tpu.memory_space<vmem>>, vector<1x16xf32>,
    %get3A_884 = vector.shape_cast %get3A_883 : vector<1x16xf32> to vector<16xf32>
    %exp3A_885 = math.exp %get3A_884 : vector<16xf32>
    %sub3A_886 = arith.subf %get3A_884, %get3A_857 : vector<16xf32>
    %mul3A_887 = arith.mulf %exp3A_885, %sub3A_886 : vector<16xf32>
    %sub3A_888 = arith.subf %mul3A_887, %exp3A_885 : vector<16xf32>
    %add3A_889 = arith.addf %add3A_879, %sub3A_888 : vector<16xf32>
    %get3A_890 = arith.constant 73 : i32
    %get3A_891 = arith.index_cast %get3A_890 : i32 to index
    %get3A_892 = arith.constant 0 : index
    %get3A_893 = tpu.vector_load %arg7[%get3A_891, %get3A_892] {strides = array<i32>} : memref<320x16xf32, #tpu.memory_space<vmem>>, vector<1x16xf32>,
    %get3A_894 = vector.shape_cast %get3A_893 : vector<1x16xf32> to vector<16xf32>
    %exp3A_895 = math.exp %get3A_894 : vector<16xf32>
    %sub3A_896 = arith.subf %get3A_894, %get3A_857 : vector<16xf32>
    %mul3A_897 = arith.mulf %exp3A_895, %sub3A_896 : vector<16xf32>
    %sub3A_898 = arith.subf %mul3A_897, %exp3A_895 : vector<16xf32>
    %add3A_899 = arith.addf %add3A_889, %sub3A_898 : vector<16xf32>
    %get3A_900 = arith.constant 74 : i32
    %get3A_901 = arith.index_cast %get3A_900 : i32 to index
    %get3A_902 = arith.constant 0 : index
    %get3A_903 = tpu.vector_load %arg7[%get3A_901, %get3A_902] {strides = array<i32>} : memref<320x16xf32, #tpu.memory_space<vmem>>, vector<1x16xf32>,
    %get3A_904 = vector.shape_cast %get3A_903 : vector<1x16xf32> to vector<16xf32>
    %exp3A_905 = math.exp %get3A_904 : vector<16xf32>
    %sub3A_906 = arith.subf %get3A_904, %get3A_857 : vector<16xf32>
    %mul3A_907 = arith.mulf %exp3A_905, %sub3A_906 : vector<16xf32>
    %sub3A_908 = arith.subf %mul3A_907, %exp3A_905 : vector<16xf32>
    %add3A_909 = arith.addf %add3A_899, %sub3A_908 : vector<16xf32>
    %get3A_910 = arith.constant 75 : i32
    %get3A_911 = arith.index_cast %get3A_910 : i32 to index
    %get3A_912 = arith.constant 0 : index
    %get3A_913 = tpu.vector_load %arg7[%get3A_911, %get3A_912] {strides = array<i32>} : memref<320x16xf32, #tpu.memory_space<vmem>>, vector<1x16xf32>,
    %get3A_914 = vector.shape_cast %get3A_913 : vector<1x16xf32> to vector<16xf32>
    %exp3A_915 = math.exp %get3A_914 : vector<16xf32>
    %sub3A_916 = arith.subf %get3A_914, %get3A_857 : vector<16xf32>
    %mul3A_917 = arith.mulf %exp3A_915, %sub3A_916 : vector<16xf32>
    %sub3A_918 = arith.subf %mul3A_917, %exp3A_915 : vector<16xf32>
    %add3A_919 = arith.addf %add3A_909, %sub3A_918 : vector<16xf32>
    %get3A_920 = arith.constant 76 : i32
    %get3A_921 = arith.index_cast %get3A_920 : i32 to index
    %get3A_922 = arith.constant 0 : index
    %get3A_923 = tpu.vector_load %arg7[%get3A_921, %get3A_922] {strides = array<i32>} : memref<320x16xf32, #tpu.memory_space<vmem>>, vector<1x16xf32>,
    %get3A_924 = vector.shape_cast %get3A_923 : vector<1x16xf32> to vector<16xf32>
    %exp3A_925 = math.exp %get3A_924 : vector<16xf32>
    %sub3A_926 = arith.subf %get3A_924, %get3A_857 : vector<16xf32>
    %mul3A_927 = arith.mulf %exp3A_925, %sub3A_926 : vector<16xf32>
    %sub3A_928 = arith.subf %mul3A_927, %exp3A_925 : vector<16xf32>
    %add3A_929 = arith.addf %add3A_919, %sub3A_928 : vector<16xf32>
    %get3A_930 = arith.constant 77 : i32
    %get3A_931 = arith.index_cast %get3A_930 : i32 to index
    %get3A_932 = arith.constant 0 : index
    %get3A_933 = tpu.vector_load %arg7[%get3A_931, %get3A_932] {strides = array<i32>} : memref<320x16xf32, #tpu.memory_space<vmem>>, vector<1x16xf32>,
    %get3A_934 = vector.shape_cast %get3A_933 : vector<1x16xf32> to vector<16xf32>
    %exp3A_935 = math.exp %get3A_934 : vector<16xf32>
    %sub3A_936 = arith.subf %get3A_934, %get3A_857 : vector<16xf32>
    %mul3A_937 = arith.mulf %exp3A_935, %sub3A_936 : vector<16xf32>
    %sub3A_938 = arith.subf %mul3A_937, %exp3A_935 : vector<16xf32>
    %add3A_939 = arith.addf %add3A_929, %sub3A_938 : vector<16xf32>
    %get3A_940 = arith.constant 78 : i32
    %get3A_941 = arith.index_cast %get3A_940 : i32 to index
    %get3A_942 = arith.constant 0 : index
    %get3A_943 = tpu.vector_load %arg7[%get3A_941, %get3A_942] {strides = array<i32>} : memref<320x16xf32, #tpu.memory_space<vmem>>, vector<1x16xf32>,
    %get3A_944 = vector.shape_cast %get3A_943 : vector<1x16xf32> to vector<16xf32>
    %exp3A_945 = math.exp %get3A_944 : vector<16xf32>
    %sub3A_946 = arith.subf %get3A_944, %get3A_857 : vector<16xf32>
    %mul3A_947 = arith.mulf %exp3A_945, %sub3A_946 : vector<16xf32>
    %sub3A_948 = arith.subf %mul3A_947, %exp3A_945 : vector<16xf32>
    %add3A_949 = arith.addf %add3A_939, %sub3A_948 : vector<16xf32>
    %get3A_950 = arith.constant 79 : i32
    %get3A_951 = arith.index_cast %get3A_950 : i32 to index
    %get3A_952 = arith.constant 0 : index
    %get3A_953 = tpu.vector_load %arg7[%get3A_951, %get3A_952] {strides = array<i32>} : memref<320x16xf32, #tpu.memory_space<vmem>>, vector<1x16xf32>,
    %get3A_954 = vector.shape_cast %get3A_953 : vector<1x16xf32> to vector<16xf32>
    %exp3A_955 = math.exp %get3A_954 : vector<16xf32>
    %sub3A_956 = arith.subf %get3A_954, %get3A_857 : vector<16xf32>
    %mul3A_957 = arith.mulf %exp3A_955, %sub3A_956 : vector<16xf32>
    %sub3A_958 = arith.subf %mul3A_957, %exp3A_955 : vector<16xf32>
    %add3A_959 = arith.addf %add3A_949, %sub3A_958 : vector<16xf32>
    %swap3A_960 = arith.constant 7 : i32
    %swap3A_961 = arith.index_cast %swap3A_960 : i32 to index
    %swap3A_962 = arith.constant 0 : index
    %swap3A_963 = tpu.vector_load %arg9[%swap3A_961, %swap3A_962] {strides = array<i32>} : memref<32x16xf32, #tpu.memory_space<vmem>>, vector<1x16xf32>,
    %swap3A_964 = vector.shape_cast %swap3A_963 : vector<1x16xf32> to vector<16xf32>
    %swap3A_965 = vector.shape_cast %add3A_959 : vector<16xf32> to vector<1x16xf32>
    tpu.vector_store %arg9[%swap3A_961, %swap3A_962], %swap3A_965 {strides = array<i32>} : memref<32x16xf32, #tpu.memory_space<vmem>>, vector<1x16xf32>,
    %get3A_966 = arith.constant 8 : i32
    %get3A_967 = arith.index_cast %get3A_966 : i32 to index
    %get3A_968 = arith.constant 0 : index
    %get3A_969 = tpu.vector_load %arg8[%get3A_967, %get3A_968] {strides = array<i32>} : memref<32x16xf32, #tpu.memory_space<vmem>>, vector<1x16xf32>,
    %get3A_970 = vector.shape_cast %get3A_969 : vector<1x16xf32> to vector<16xf32>
    %broadcast_in_dim3A_971 = arith.constant 0.000000e+00 : f32
    %broadcast_in_dim3A_972 = vector.broadcast %broadcast_in_dim3A_971 : f32 to vector<16xf32>
    %get3A_973 = arith.constant 80 : i32
    %get3A_974 = arith.index_cast %get3A_973 : i32 to index
    %get3A_975 = arith.constant 0 : index
    %get3A_976 = tpu.vector_load %arg7[%get3A_974, %get3A_975] {strides = array<i32>} : memref<320x16xf32, #tpu.memory_space<vmem>>, vector<1x16xf32>,
    %get3A_977 = vector.shape_cast %get3A_976 : vector<1x16xf32> to vector<16xf32>
    %exp3A_978 = math.exp %get3A_977 : vector<16xf32>
    %sub3A_979 = arith.subf %get3A_977, %get3A_970 : vector<16xf32>
    %mul3A_980 = arith.mulf %exp3A_978, %sub3A_979 : vector<16xf32>
    %sub3A_981 = arith.subf %mul3A_980, %exp3A_978 : vector<16xf32>
    %add3A_982 = arith.addf %broadcast_in_dim3A_972, %sub3A_981 : vector<16xf32>
    %get3A_983 = arith.constant 81 : i32
    %get3A_984 = arith.index_cast %get3A_983 : i32 to index
    %get3A_985 = arith.constant 0 : index
    %get3A_986 = tpu.vector_load %arg7[%get3A_984, %get3A_985] {strides = array<i32>} : memref<320x16xf32, #tpu.memory_space<vmem>>, vector<1x16xf32>,
    %get3A_987 = vector.shape_cast %get3A_986 : vector<1x16xf32> to vector<16xf32>
    %exp3A_988 = math.exp %get3A_987 : vector<16xf32>
    %sub3A_989 = arith.subf %get3A_987, %get3A_970 : vector<16xf32>
    %mul3A_990 = arith.mulf %exp3A_988, %sub3A_989 : vector<16xf32>
    %sub3A_991 = arith.subf %mul3A_990, %exp3A_988 : vector<16xf32>
    %add3A_992 = arith.addf %add3A_982, %sub3A_991 : vector<16xf32>
    %get3A_993 = arith.constant 82 : i32
    %get3A_994 = arith.index_cast %get3A_993 : i32 to index
    %get3A_995 = arith.constant 0 : index
    %get3A_996 = tpu.vector_load %arg7[%get3A_994, %get3A_995] {strides = array<i32>} : memref<320x16xf32, #tpu.memory_space<vmem>>, vector<1x16xf32>,
    %get3A_997 = vector.shape_cast %get3A_996 : vector<1x16xf32> to vector<16xf32>
    %exp3A_998 = math.exp %get3A_997 : vector<16xf32>
    %sub3A_999 = arith.subf %get3A_997, %get3A_970 : vector<16xf32>
    %mul3A_1000 = arith.mulf %exp3A_998, %sub3A_999 : vector<16xf32>
    %sub3A_1001 = arith.subf %mul3A_1000, %exp3A_998 : vector<16xf32>
    %add3A_1002 = arith.addf %add3A_992, %sub3A_1001 : vector<16xf32>
    %get3A_1003 = arith.constant 83 : i32
    %get3A_1004 = arith.index_cast %get3A_1003 : i32 to index
    %get3A_1005 = arith.constant 0 : index
    %get3A_1006 = tpu.vector_load %arg7[%get3A_1004, %get3A_1005] {strides = array<i32>} : memref<320x16xf32, #tpu.memory_space<vmem>>, vector<1x16xf32>,
    %get3A_1007 = vector.shape_cast %get3A_1006 : vector<1x16xf32> to vector<16xf32>
    %exp3A_1008 = math.exp %get3A_1007 : vector<16xf32>
    %sub3A_1009 = arith.subf %get3A_1007, %get3A_970 : vector<16xf32>
    %mul3A_1010 = arith.mulf %exp3A_1008, %sub3A_1009 : vector<16xf32>
    %sub3A_1011 = arith.subf %mul3A_1010, %exp3A_1008 : vector<16xf32>
    %add3A_1012 = arith.addf %add3A_1002, %sub3A_1011 : vector<16xf32>
    %get3A_1013 = arith.constant 84 : i32
    %get3A_1014 = arith.index_cast %get3A_1013 : i32 to index
    %get3A_1015 = arith.constant 0 : index
    %get3A_1016 = tpu.vector_load %arg7[%get3A_1014, %get3A_1015] {strides = array<i32>} : memref<320x16xf32, #tpu.memory_space<vmem>>, vector<1x16xf32>,
    %get3A_1017 = vector.shape_cast %get3A_1016 : vector<1x16xf32> to vector<16xf32>
    %exp3A_1018 = math.exp %get3A_1017 : vector<16xf32>
    %sub3A_1019 = arith.subf %get3A_1017, %get3A_970 : vector<16xf32>
    %mul3A_1020 = arith.mulf %exp3A_1018, %sub3A_1019 : vector<16xf32>
    %sub3A_1021 = arith.subf %mul3A_1020, %exp3A_1018 : vector<16xf32>
    %add3A_1022 = arith.addf %add3A_1012, %sub3A_1021 : vector<16xf32>
    %get3A_1023 = arith.constant 85 : i32
    %get3A_1024 = arith.index_cast %get3A_1023 : i32 to index
    %get3A_1025 = arith.constant 0 : index
    %get3A_1026 = tpu.vector_load %arg7[%get3A_1024, %get3A_1025] {strides = array<i32>} : memref<320x16xf32, #tpu.memory_space<vmem>>, vector<1x16xf32>,
    %get3A_1027 = vector.shape_cast %get3A_1026 : vector<1x16xf32> to vector<16xf32>
    %exp3A_1028 = math.exp %get3A_1027 : vector<16xf32>
    %sub3A_1029 = arith.subf %get3A_1027, %get3A_970 : vector<16xf32>
    %mul3A_1030 = arith.mulf %exp3A_1028, %sub3A_1029 : vector<16xf32>
    %sub3A_1031 = arith.subf %mul3A_1030, %exp3A_1028 : vector<16xf32>
    %add3A_1032 = arith.addf %add3A_1022, %sub3A_1031 : vector<16xf32>
    %get3A_1033 = arith.constant 86 : i32
    %get3A_1034 = arith.index_cast %get3A_1033 : i32 to index
    %get3A_1035 = arith.constant 0 : index
    %get3A_1036 = tpu.vector_load %arg7[%get3A_1034, %get3A_1035] {strides = array<i32>} : memref<320x16xf32, #tpu.memory_space<vmem>>, vector<1x16xf32>,
    %get3A_1037 = vector.shape_cast %get3A_1036 : vector<1x16xf32> to vector<16xf32>
    %exp3A_1038 = math.exp %get3A_1037 : vector<16xf32>
    %sub3A_1039 = arith.subf %get3A_1037, %get3A_970 : vector<16xf32>
    %mul3A_1040 = arith.mulf %exp3A_1038, %sub3A_1039 : vector<16xf32>
    %sub3A_1041 = arith.subf %mul3A_1040, %exp3A_1038 : vector<16xf32>
    %add3A_1042 = arith.addf %add3A_1032, %sub3A_1041 : vector<16xf32>
    %get3A_1043 = arith.constant 87 : i32
    %get3A_1044 = arith.index_cast %get3A_1043 : i32 to index
    %get3A_1045 = arith.constant 0 : index
    %get3A_1046 = tpu.vector_load %arg7[%get3A_1044, %get3A_1045] {strides = array<i32>} : memref<320x16xf32, #tpu.memory_space<vmem>>, vector<1x16xf32>,
    %get3A_1047 = vector.shape_cast %get3A_1046 : vector<1x16xf32> to vector<16xf32>
    %exp3A_1048 = math.exp %get3A_1047 : vector<16xf32>
    %sub3A_1049 = arith.subf %get3A_1047, %get3A_970 : vector<16xf32>
    %mul3A_1050 = arith.mulf %exp3A_1048, %sub3A_1049 : vector<16xf32>
    %sub3A_1051 = arith.subf %mul3A_1050, %exp3A_1048 : vector<16xf32>
    %add3A_1052 = arith.addf %add3A_1042, %sub3A_1051 : vector<16xf32>
    %get3A_1053 = arith.constant 88 : i32
    %get3A_1054 = arith.index_cast %get3A_1053 : i32 to index
    %get3A_1055 = arith.constant 0 : index
    %get3A_1056 = tpu.vector_load %arg7[%get3A_1054, %get3A_1055] {strides = array<i32>} : memref<320x16xf32, #tpu.memory_space<vmem>>, vector<1x16xf32>,
    %get3A_1057 = vector.shape_cast %get3A_1056 : vector<1x16xf32> to vector<16xf32>
    %exp3A_1058 = math.exp %get3A_1057 : vector<16xf32>
    %sub3A_1059 = arith.subf %get3A_1057, %get3A_970 : vector<16xf32>
    %mul3A_1060 = arith.mulf %exp3A_1058, %sub3A_1059 : vector<16xf32>
    %sub3A_1061 = arith.subf %mul3A_1060, %exp3A_1058 : vector<16xf32>
    %add3A_1062 = arith.addf %add3A_1052, %sub3A_1061 : vector<16xf32>
    %get3A_1063 = arith.constant 89 : i32
    %get3A_1064 = arith.index_cast %get3A_1063 : i32 to index
    %get3A_1065 = arith.constant 0 : index
    %get3A_1066 = tpu.vector_load %arg7[%get3A_1064, %get3A_1065] {strides = array<i32>} : memref<320x16xf32, #tpu.memory_space<vmem>>, vector<1x16xf32>,
    %get3A_1067 = vector.shape_cast %get3A_1066 : vector<1x16xf32> to vector<16xf32>
    %exp3A_1068 = math.exp %get3A_1067 : vector<16xf32>
    %sub3A_1069 = arith.subf %get3A_1067, %get3A_970 : vector<16xf32>
    %mul3A_1070 = arith.mulf %exp3A_1068, %sub3A_1069 : vector<16xf32>
    %sub3A_1071 = arith.subf %mul3A_1070, %exp3A_1068 : vector<16xf32>
    %add3A_1072 = arith.addf %add3A_1062, %sub3A_1071 : vector<16xf32>
    %swap3A_1073 = arith.constant 8 : i32
    %swap3A_1074 = arith.index_cast %swap3A_1073 : i32 to index
    %swap3A_1075 = arith.constant 0 : index
    %swap3A_1076 = tpu.vector_load %arg9[%swap3A_1074, %swap3A_1075] {strides = array<i32>} : memref<32x16xf32, #tpu.memory_space<vmem>>, vector<1x16xf32>,
    %swap3A_1077 = vector.shape_cast %swap3A_1076 : vector<1x16xf32> to vector<16xf32>
    %swap3A_1078 = vector.shape_cast %add3A_1072 : vector<16xf32> to vector<1x16xf32>
    tpu.vector_store %arg9[%swap3A_1074, %swap3A_1075], %swap3A_1078 {strides = array<i32>} : memref<32x16xf32, #tpu.memory_space<vmem>>, vector<1x16xf32>,
    %get3A_1079 = arith.constant 9 : i32
    %get3A_1080 = arith.index_cast %get3A_1079 : i32 to index
    %get3A_1081 = arith.constant 0 : index
    %get3A_1082 = tpu.vector_load %arg8[%get3A_1080, %get3A_1081] {strides = array<i32>} : memref<32x16xf32, #tpu.memory_space<vmem>>, vector<1x16xf32>,
    %get3A_1083 = vector.shape_cast %get3A_1082 : vector<1x16xf32> to vector<16xf32>
    %broadcast_in_dim3A_1084 = arith.constant 0.000000e+00 : f32
    %broadcast_in_dim3A_1085 = vector.broadcast %broadcast_in_dim3A_1084 : f32 to vector<16xf32>
    %get3A_1086 = arith.constant 90 : i32
    %get3A_1087 = arith.index_cast %get3A_1086 : i32 to index
    %get3A_1088 = arith.constant 0 : index
    %get3A_1089 = tpu.vector_load %arg7[%get3A_1087, %get3A_1088] {strides = array<i32>} : memref<320x16xf32, #tpu.memory_space<vmem>>, vector<1x16xf32>,
    %get3A_1090 = vector.shape_cast %get3A_1089 : vector<1x16xf32> to vector<16xf32>
    %exp3A_1091 = math.exp %get3A_1090 : vector<16xf32>
    %sub3A_1092 = arith.subf %get3A_1090, %get3A_1083 : vector<16xf32>
    %mul3A_1093 = arith.mulf %exp3A_1091, %sub3A_1092 : vector<16xf32>
    %sub3A_1094 = arith.subf %mul3A_1093, %exp3A_1091 : vector<16xf32>
    %add3A_1095 = arith.addf %broadcast_in_dim3A_1085, %sub3A_1094 : vector<16xf32>
    %get3A_1096 = arith.constant 91 : i32
    %get3A_1097 = arith.index_cast %get3A_1096 : i32 to index
    %get3A_1098 = arith.constant 0 : index
    %get3A_1099 = tpu.vector_load %arg7[%get3A_1097, %get3A_1098] {strides = array<i32>} : memref<320x16xf32, #tpu.memory_space<vmem>>, vector<1x16xf32>,
    %get3A_1100 = vector.shape_cast %get3A_1099 : vector<1x16xf32> to vector<16xf32>
    %exp3A_1101 = math.exp %get3A_1100 : vector<16xf32>
    %sub3A_1102 = arith.subf %get3A_1100, %get3A_1083 : vector<16xf32>
    %mul3A_1103 = arith.mulf %exp3A_1101, %sub3A_1102 : vector<16xf32>
    %sub3A_1104 = arith.subf %mul3A_1103, %exp3A_1101 : vector<16xf32>
    %add3A_1105 = arith.addf %add3A_1095, %sub3A_1104 : vector<16xf32>
    %get3A_1106 = arith.constant 92 : i32
    %get3A_1107 = arith.index_cast %get3A_1106 : i32 to index
    %get3A_1108 = arith.constant 0 : index
    %get3A_1109 = tpu.vector_load %arg7[%get3A_1107, %get3A_1108] {strides = array<i32>} : memref<320x16xf32, #tpu.memory_space<vmem>>, vector<1x16xf32>,
    %get3A_1110 = vector.shape_cast %get3A_1109 : vector<1x16xf32> to vector<16xf32>
    %exp3A_1111 = math.exp %get3A_1110 : vector<16xf32>
    %sub3A_1112 = arith.subf %get3A_1110, %get3A_1083 : vector<16xf32>
    %mul3A_1113 = arith.mulf %exp3A_1111, %sub3A_1112 : vector<16xf32>
    %sub3A_1114 = arith.subf %mul3A_1113, %exp3A_1111 : vector<16xf32>
    %add3A_1115 = arith.addf %add3A_1105, %sub3A_1114 : vector<16xf32>
    %get3A_1116 = arith.constant 93 : i32
    %get3A_1117 = arith.index_cast %get3A_1116 : i32 to index
    %get3A_1118 = arith.constant 0 : index
    %get3A_1119 = tpu.vector_load %arg7[%get3A_1117, %get3A_1118] {strides = array<i32>} : memref<320x16xf32, #tpu.memory_space<vmem>>, vector<1x16xf32>,
    %get3A_1120 = vector.shape_cast %get3A_1119 : vector<1x16xf32> to vector<16xf32>
    %exp3A_1121 = math.exp %get3A_1120 : vector<16xf32>
    %sub3A_1122 = arith.subf %get3A_1120, %get3A_1083 : vector<16xf32>
    %mul3A_1123 = arith.mulf %exp3A_1121, %sub3A_1122 : vector<16xf32>
    %sub3A_1124 = arith.subf %mul3A_1123, %exp3A_1121 : vector<16xf32>
    %add3A_1125 = arith.addf %add3A_1115, %sub3A_1124 : vector<16xf32>
    %get3A_1126 = arith.constant 94 : i32
    %get3A_1127 = arith.index_cast %get3A_1126 : i32 to index
    %get3A_1128 = arith.constant 0 : index
    %get3A_1129 = tpu.vector_load %arg7[%get3A_1127, %get3A_1128] {strides = array<i32>} : memref<320x16xf32, #tpu.memory_space<vmem>>, vector<1x16xf32>,
    %get3A_1130 = vector.shape_cast %get3A_1129 : vector<1x16xf32> to vector<16xf32>
    %exp3A_1131 = math.exp %get3A_1130 : vector<16xf32>
    %sub3A_1132 = arith.subf %get3A_1130, %get3A_1083 : vector<16xf32>
    %mul3A_1133 = arith.mulf %exp3A_1131, %sub3A_1132 : vector<16xf32>
    %sub3A_1134 = arith.subf %mul3A_1133, %exp3A_1131 : vector<16xf32>
    %add3A_1135 = arith.addf %add3A_1125, %sub3A_1134 : vector<16xf32>
    %get3A_1136 = arith.constant 95 : i32
    %get3A_1137 = arith.index_cast %get3A_1136 : i32 to index
    %get3A_1138 = arith.constant 0 : index
    %get3A_1139 = tpu.vector_load %arg7[%get3A_1137, %get3A_1138] {strides = array<i32>} : memref<320x16xf32, #tpu.memory_space<vmem>>, vector<1x16xf32>,
    %get3A_1140 = vector.shape_cast %get3A_1139 : vector<1x16xf32> to vector<16xf32>
    %exp3A_1141 = math.exp %get3A_1140 : vector<16xf32>
    %sub3A_1142 = arith.subf %get3A_1140, %get3A_1083 : vector<16xf32>
    %mul3A_1143 = arith.mulf %exp3A_1141, %sub3A_1142 : vector<16xf32>
    %sub3A_1144 = arith.subf %mul3A_1143, %exp3A_1141 : vector<16xf32>
    %add3A_1145 = arith.addf %add3A_1135, %sub3A_1144 : vector<16xf32>
    %get3A_1146 = arith.constant 96 : i32
    %get3A_1147 = arith.index_cast %get3A_1146 : i32 to index
    %get3A_1148 = arith.constant 0 : index
    %get3A_1149 = tpu.vector_load %arg7[%get3A_1147, %get3A_1148] {strides = array<i32>} : memref<320x16xf32, #tpu.memory_space<vmem>>, vector<1x16xf32>,
    %get3A_1150 = vector.shape_cast %get3A_1149 : vector<1x16xf32> to vector<16xf32>
    %exp3A_1151 = math.exp %get3A_1150 : vector<16xf32>
    %sub3A_1152 = arith.subf %get3A_1150, %get3A_1083 : vector<16xf32>
    %mul3A_1153 = arith.mulf %exp3A_1151, %sub3A_1152 : vector<16xf32>
    %sub3A_1154 = arith.subf %mul3A_1153, %exp3A_1151 : vector<16xf32>
    %add3A_1155 = arith.addf %add3A_1145, %sub3A_1154 : vector<16xf32>
    %get3A_1156 = arith.constant 97 : i32
    %get3A_1157 = arith.index_cast %get3A_1156 : i32 to index
    %get3A_1158 = arith.constant 0 : index
    %get3A_1159 = tpu.vector_load %arg7[%get3A_1157, %get3A_1158] {strides = array<i32>} : memref<320x16xf32, #tpu.memory_space<vmem>>, vector<1x16xf32>,
    %get3A_1160 = vector.shape_cast %get3A_1159 : vector<1x16xf32> to vector<16xf32>
    %exp3A_1161 = math.exp %get3A_1160 : vector<16xf32>
    %sub3A_1162 = arith.subf %get3A_1160, %get3A_1083 : vector<16xf32>
    %mul3A_1163 = arith.mulf %exp3A_1161, %sub3A_1162 : vector<16xf32>
    %sub3A_1164 = arith.subf %mul3A_1163, %exp3A_1161 : vector<16xf32>
    %add3A_1165 = arith.addf %add3A_1155, %sub3A_1164 : vector<16xf32>
    %get3A_1166 = arith.constant 98 : i32
    %get3A_1167 = arith.index_cast %get3A_1166 : i32 to index
    %get3A_1168 = arith.constant 0 : index
    %get3A_1169 = tpu.vector_load %arg7[%get3A_1167, %get3A_1168] {strides = array<i32>} : memref<320x16xf32, #tpu.memory_space<vmem>>, vector<1x16xf32>,
    %get3A_1170 = vector.shape_cast %get3A_1169 : vector<1x16xf32> to vector<16xf32>
    %exp3A_1171 = math.exp %get3A_1170 : vector<16xf32>
    %sub3A_1172 = arith.subf %get3A_1170, %get3A_1083 : vector<16xf32>
    %mul3A_1173 = arith.mulf %exp3A_1171, %sub3A_1172 : vector<16xf32>
    %sub3A_1174 = arith.subf %mul3A_1173, %exp3A_1171 : vector<16xf32>
    %add3A_1175 = arith.addf %add3A_1165, %sub3A_1174 : vector<16xf32>
    %get3A_1176 = arith.constant 99 : i32
    %get3A_1177 = arith.index_cast %get3A_1176 : i32 to index
    %get3A_1178 = arith.constant 0 : index
    %get3A_1179 = tpu.vector_load %arg7[%get3A_1177, %get3A_1178] {strides = array<i32>} : memref<320x16xf32, #tpu.memory_space<vmem>>, vector<1x16xf32>,
    %get3A_1180 = vector.shape_cast %get3A_1179 : vector<1x16xf32> to vector<16xf32>
    %exp3A_1181 = math.exp %get3A_1180 : vector<16xf32>
    %sub3A_1182 = arith.subf %get3A_1180, %get3A_1083 : vector<16xf32>
    %mul3A_1183 = arith.mulf %exp3A_1181, %sub3A_1182 : vector<16xf32>
    %sub3A_1184 = arith.subf %mul3A_1183, %exp3A_1181 : vector<16xf32>
    %add3A_1185 = arith.addf %add3A_1175, %sub3A_1184 : vector<16xf32>
    %swap3A_1186 = arith.constant 9 : i32
    %swap3A_1187 = arith.index_cast %swap3A_1186 : i32 to index
    %swap3A_1188 = arith.constant 0 : index
    %swap3A_1189 = tpu.vector_load %arg9[%swap3A_1187, %swap3A_1188] {strides = array<i32>} : memref<32x16xf32, #tpu.memory_space<vmem>>, vector<1x16xf32>,
    %swap3A_1190 = vector.shape_cast %swap3A_1189 : vector<1x16xf32> to vector<16xf32>
    %swap3A_1191 = vector.shape_cast %add3A_1185 : vector<16xf32> to vector<1x16xf32>
    tpu.vector_store %arg9[%swap3A_1187, %swap3A_1188], %swap3A_1191 {strides = array<i32>} : memref<32x16xf32, #tpu.memory_space<vmem>>, vector<1x16xf32>,
    %get3A_1192 = arith.constant 10 : i32
    %get3A_1193 = arith.index_cast %get3A_1192 : i32 to index
    %get3A_1194 = arith.constant 0 : index
    %get3A_1195 = tpu.vector_load %arg8[%get3A_1193, %get3A_1194] {strides = array<i32>} : memref<32x16xf32, #tpu.memory_space<vmem>>, vector<1x16xf32>,
    %get3A_1196 = vector.shape_cast %get3A_1195 : vector<1x16xf32> to vector<16xf32>
    %broadcast_in_dim3A_1197 = arith.constant 0.000000e+00 : f32
    %broadcast_in_dim3A_1198 = vector.broadcast %broadcast_in_dim3A_1197 : f32 to vector<16xf32>
    %get3A_1199 = arith.constant 100 : i32
    %get3A_1200 = arith.index_cast %get3A_1199 : i32 to index
    %get3A_1201 = arith.constant 0 : index
    %get3A_1202 = tpu.vector_load %arg7[%get3A_1200, %get3A_1201] {strides = array<i32>} : memref<320x16xf32, #tpu.memory_space<vmem>>, vector<1x16xf32>,
    %get3A_1203 = vector.shape_cast %get3A_1202 : vector<1x16xf32> to vector<16xf32>
    %exp3A_1204 = math.exp %get3A_1203 : vector<16xf32>
    %sub3A_1205 = arith.subf %get3A_1203, %get3A_1196 : vector<16xf32>
    %mul3A_1206 = arith.mulf %exp3A_1204, %sub3A_1205 : vector<16xf32>
    %sub3A_1207 = arith.subf %mul3A_1206, %exp3A_1204 : vector<16xf32>
    %add3A_1208 = arith.addf %broadcast_in_dim3A_1198, %sub3A_1207 : vector<16xf32>
    %get3A_1209 = arith.constant 101 : i32
    %get3A_1210 = arith.index_cast %get3A_1209 : i32 to index
    %get3A_1211 = arith.constant 0 : index
    %get3A_1212 = tpu.vector_load %arg7[%get3A_1210, %get3A_1211] {strides = array<i32>} : memref<320x16xf32, #tpu.memory_space<vmem>>, vector<1x16xf32>,
    %get3A_1213 = vector.shape_cast %get3A_1212 : vector<1x16xf32> to vector<16xf32>
    %exp3A_1214 = math.exp %get3A_1213 : vector<16xf32>
    %sub3A_1215 = arith.subf %get3A_1213, %get3A_1196 : vector<16xf32>
    %mul3A_1216 = arith.mulf %exp3A_1214, %sub3A_1215 : vector<16xf32>
    %sub3A_1217 = arith.subf %mul3A_1216, %exp3A_1214 : vector<16xf32>
    %add3A_1218 = arith.addf %add3A_1208, %sub3A_1217 : vector<16xf32>
    %get3A_1219 = arith.constant 102 : i32
    %get3A_1220 = arith.index_cast %get3A_1219 : i32 to index
    %get3A_1221 = arith.constant 0 : index
    %get3A_1222 = tpu.vector_load %arg7[%get3A_1220, %get3A_1221] {strides = array<i32>} : memref<320x16xf32, #tpu.memory_space<vmem>>, vector<1x16xf32>,
    %get3A_1223 = vector.shape_cast %get3A_1222 : vector<1x16xf32> to vector<16xf32>
    %exp3A_1224 = math.exp %get3A_1223 : vector<16xf32>
    %sub3A_1225 = arith.subf %get3A_1223, %get3A_1196 : vector<16xf32>
    %mul3A_1226 = arith.mulf %exp3A_1224, %sub3A_1225 : vector<16xf32>
    %sub3A_1227 = arith.subf %mul3A_1226, %exp3A_1224 : vector<16xf32>
    %add3A_1228 = arith.addf %add3A_1218, %sub3A_1227 : vector<16xf32>
    %get3A_1229 = arith.constant 103 : i32
    %get3A_1230 = arith.index_cast %get3A_1229 : i32 to index
    %get3A_1231 = arith.constant 0 : index
    %get3A_1232 = tpu.vector_load %arg7[%get3A_1230, %get3A_1231] {strides = array<i32>} : memref<320x16xf32, #tpu.memory_space<vmem>>, vector<1x16xf32>,
    %get3A_1233 = vector.shape_cast %get3A_1232 : vector<1x16xf32> to vector<16xf32>
    %exp3A_1234 = math.exp %get3A_1233 : vector<16xf32>
    %sub3A_1235 = arith.subf %get3A_1233, %get3A_1196 : vector<16xf32>
    %mul3A_1236 = arith.mulf %exp3A_1234, %sub3A_1235 : vector<16xf32>
    %sub3A_1237 = arith.subf %mul3A_1236, %exp3A_1234 : vector<16xf32>
    %add3A_1238 = arith.addf %add3A_1228, %sub3A_1237 : vector<16xf32>
    %get3A_1239 = arith.constant 104 : i32
    %get3A_1240 = arith.index_cast %get3A_1239 : i32 to index
    %get3A_1241 = arith.constant 0 : index
    %get3A_1242 = tpu.vector_load %arg7[%get3A_1240, %get3A_1241] {strides = array<i32>} : memref<320x16xf32, #tpu.memory_space<vmem>>, vector<1x16xf32>,
    %get3A_1243 = vector.shape_cast %get3A_1242 : vector<1x16xf32> to vector<16xf32>
    %exp3A_1244 = math.exp %get3A_1243 : vector<16xf32>
    %sub3A_1245 = arith.subf %get3A_1243, %get3A_1196 : vector<16xf32>
    %mul3A_1246 = arith.mulf %exp3A_1244, %sub3A_1245 : vector<16xf32>
    %sub3A_1247 = arith.subf %mul3A_1246, %exp3A_1244 : vector<16xf32>
    %add3A_1248 = arith.addf %add3A_1238, %sub3A_1247 : vector<16xf32>
    %get3A_1249 = arith.constant 105 : i32
    %get3A_1250 = arith.index_cast %get3A_1249 : i32 to index
    %get3A_1251 = arith.constant 0 : index
    %get3A_1252 = tpu.vector_load %arg7[%get3A_1250, %get3A_1251] {strides = array<i32>} : memref<320x16xf32, #tpu.memory_space<vmem>>, vector<1x16xf32>,
    %get3A_1253 = vector.shape_cast %get3A_1252 : vector<1x16xf32> to vector<16xf32>
    %exp3A_1254 = math.exp %get3A_1253 : vector<16xf32>
    %sub3A_1255 = arith.subf %get3A_1253, %get3A_1196 : vector<16xf32>
    %mul3A_1256 = arith.mulf %exp3A_1254, %sub3A_1255 : vector<16xf32>
    %sub3A_1257 = arith.subf %mul3A_1256, %exp3A_1254 : vector<16xf32>
    %add3A_1258 = arith.addf %add3A_1248, %sub3A_1257 : vector<16xf32>
    %get3A_1259 = arith.constant 106 : i32
    %get3A_1260 = arith.index_cast %get3A_1259 : i32 to index
    %get3A_1261 = arith.constant 0 : index
    %get3A_1262 = tpu.vector_load %arg7[%get3A_1260, %get3A_1261] {strides = array<i32>} : memref<320x16xf32, #tpu.memory_space<vmem>>, vector<1x16xf32>,
    %get3A_1263 = vector.shape_cast %get3A_1262 : vector<1x16xf32> to vector<16xf32>
    %exp3A_1264 = math.exp %get3A_1263 : vector<16xf32>
    %sub3A_1265 = arith.subf %get3A_1263, %get3A_1196 : vector<16xf32>
    %mul3A_1266 = arith.mulf %exp3A_1264, %sub3A_1265 : vector<16xf32>
    %sub3A_1267 = arith.subf %mul3A_1266, %exp3A_1264 : vector<16xf32>
    %add3A_1268 = arith.addf %add3A_1258, %sub3A_1267 : vector<16xf32>
    %get3A_1269 = arith.constant 107 : i32
    %get3A_1270 = arith.index_cast %get3A_1269 : i32 to index
    %get3A_1271 = arith.constant 0 : index
    %get3A_1272 = tpu.vector_load %arg7[%get3A_1270, %get3A_1271] {strides = array<i32>} : memref<320x16xf32, #tpu.memory_space<vmem>>, vector<1x16xf32>,
    %get3A_1273 = vector.shape_cast %get3A_1272 : vector<1x16xf32> to vector<16xf32>
    %exp3A_1274 = math.exp %get3A_1273 : vector<16xf32>
    %sub3A_1275 = arith.subf %get3A_1273, %get3A_1196 : vector<16xf32>
    %mul3A_1276 = arith.mulf %exp3A_1274, %sub3A_1275 : vector<16xf32>
    %sub3A_1277 = arith.subf %mul3A_1276, %exp3A_1274 : vector<16xf32>
    %add3A_1278 = arith.addf %add3A_1268, %sub3A_1277 : vector<16xf32>
    %get3A_1279 = arith.constant 108 : i32
    %get3A_1280 = arith.index_cast %get3A_1279 : i32 to index
    %get3A_1281 = arith.constant 0 : index
    %get3A_1282 = tpu.vector_load %arg7[%get3A_1280, %get3A_1281] {strides = array<i32>} : memref<320x16xf32, #tpu.memory_space<vmem>>, vector<1x16xf32>,
    %get3A_1283 = vector.shape_cast %get3A_1282 : vector<1x16xf32> to vector<16xf32>
    %exp3A_1284 = math.exp %get3A_1283 : vector<16xf32>
    %sub3A_1285 = arith.subf %get3A_1283, %get3A_1196 : vector<16xf32>
    %mul3A_1286 = arith.mulf %exp3A_1284, %sub3A_1285 : vector<16xf32>
    %sub3A_1287 = arith.subf %mul3A_1286, %exp3A_1284 : vector<16xf32>
    %add3A_1288 = arith.addf %add3A_1278, %sub3A_1287 : vector<16xf32>
    %get3A_1289 = arith.constant 109 : i32
    %get3A_1290 = arith.index_cast %get3A_1289 : i32 to index
    %get3A_1291 = arith.constant 0 : index
    %get3A_1292 = tpu.vector_load %arg7[%get3A_1290, %get3A_1291] {strides = array<i32>} : memref<320x16xf32, #tpu.memory_space<vmem>>, vector<1x16xf32>,
    %get3A_1293 = vector.shape_cast %get3A_1292 : vector<1x16xf32> to vector<16xf32>
    %exp3A_1294 = math.exp %get3A_1293 : vector<16xf32>
    %sub3A_1295 = arith.subf %get3A_1293, %get3A_1196 : vector<16xf32>
    %mul3A_1296 = arith.mulf %exp3A_1294, %sub3A_1295 : vector<16xf32>
    %sub3A_1297 = arith.subf %mul3A_1296, %exp3A_1294 : vector<16xf32>
    %add3A_1298 = arith.addf %add3A_1288, %sub3A_1297 : vector<16xf32>
    %swap3A_1299 = arith.constant 10 : i32
    %swap3A_1300 = arith.index_cast %swap3A_1299 : i32 to index
    %swap3A_1301 = arith.constant 0 : index
    %swap3A_1302 = tpu.vector_load %arg9[%swap3A_1300, %swap3A_1301] {strides = array<i32>} : memref<32x16xf32, #tpu.memory_space<vmem>>, vector<1x16xf32>,
    %swap3A_1303 = vector.shape_cast %swap3A_1302 : vector<1x16xf32> to vector<16xf32>
    %swap3A_1304 = vector.shape_cast %add3A_1298 : vector<16xf32> to vector<1x16xf32>
    tpu.vector_store %arg9[%swap3A_1300, %swap3A_1301], %swap3A_1304 {strides = array<i32>} : memref<32x16xf32, #tpu.memory_space<vmem>>, vector<1x16xf32>,
    %get3A_1305 = arith.constant 11 : i32
    %get3A_1306 = arith.index_cast %get3A_1305 : i32 to index
    %get3A_1307 = arith.constant 0 : index
    %get3A_1308 = tpu.vector_load %arg8[%get3A_1306, %get3A_1307] {strides = array<i32>} : memref<32x16xf32, #tpu.memory_space<vmem>>, vector<1x16xf32>,
    %get3A_1309 = vector.shape_cast %get3A_1308 : vector<1x16xf32> to vector<16xf32>
    %broadcast_in_dim3A_1310 = arith.constant 0.000000e+00 : f32
    %broadcast_in_dim3A_1311 = vector.broadcast %broadcast_in_dim3A_1310 : f32 to vector<16xf32>
    %get3A_1312 = arith.constant 110 : i32
    %get3A_1313 = arith.index_cast %get3A_1312 : i32 to index
    %get3A_1314 = arith.constant 0 : index
    %get3A_1315 = tpu.vector_load %arg7[%get3A_1313, %get3A_1314] {strides = array<i32>} : memref<320x16xf32, #tpu.memory_space<vmem>>, vector<1x16xf32>,
    %get3A_1316 = vector.shape_cast %get3A_1315 : vector<1x16xf32> to vector<16xf32>
    %exp3A_1317 = math.exp %get3A_1316 : vector<16xf32>
    %sub3A_1318 = arith.subf %get3A_1316, %get3A_1309 : vector<16xf32>
    %mul3A_1319 = arith.mulf %exp3A_1317, %sub3A_1318 : vector<16xf32>
    %sub3A_1320 = arith.subf %mul3A_1319, %exp3A_1317 : vector<16xf32>
    %add3A_1321 = arith.addf %broadcast_in_dim3A_1311, %sub3A_1320 : vector<16xf32>
    %get3A_1322 = arith.constant 111 : i32
    %get3A_1323 = arith.index_cast %get3A_1322 : i32 to index
    %get3A_1324 = arith.constant 0 : index
    %get3A_1325 = tpu.vector_load %arg7[%get3A_1323, %get3A_1324] {strides = array<i32>} : memref<320x16xf32, #tpu.memory_space<vmem>>, vector<1x16xf32>,
    %get3A_1326 = vector.shape_cast %get3A_1325 : vector<1x16xf32> to vector<16xf32>
    %exp3A_1327 = math.exp %get3A_1326 : vector<16xf32>
    %sub3A_1328 = arith.subf %get3A_1326, %get3A_1309 : vector<16xf32>
    %mul3A_1329 = arith.mulf %exp3A_1327, %sub3A_1328 : vector<16xf32>
    %sub3A_1330 = arith.subf %mul3A_1329, %exp3A_1327 : vector<16xf32>
    %add3A_1331 = arith.addf %add3A_1321, %sub3A_1330 : vector<16xf32>
    %get3A_1332 = arith.constant 112 : i32
    %get3A_1333 = arith.index_cast %get3A_1332 : i32 to index
    %get3A_1334 = arith.constant 0 : index
    %get3A_1335 = tpu.vector_load %arg7[%get3A_1333, %get3A_1334] {strides = array<i32>} : memref<320x16xf32, #tpu.memory_space<vmem>>, vector<1x16xf32>,
    %get3A_1336 = vector.shape_cast %get3A_1335 : vector<1x16xf32> to vector<16xf32>
    %exp3A_1337 = math.exp %get3A_1336 : vector<16xf32>
    %sub3A_1338 = arith.subf %get3A_1336, %get3A_1309 : vector<16xf32>
    %mul3A_1339 = arith.mulf %exp3A_1337, %sub3A_1338 : vector<16xf32>
    %sub3A_1340 = arith.subf %mul3A_1339, %exp3A_1337 : vector<16xf32>
    %add3A_1341 = arith.addf %add3A_1331, %sub3A_1340 : vector<16xf32>
    %get3A_1342 = arith.constant 113 : i32
    %get3A_1343 = arith.index_cast %get3A_1342 : i32 to index
    %get3A_1344 = arith.constant 0 : index
    %get3A_1345 = tpu.vector_load %arg7[%get3A_1343, %get3A_1344] {strides = array<i32>} : memref<320x16xf32, #tpu.memory_space<vmem>>, vector<1x16xf32>,
    %get3A_1346 = vector.shape_cast %get3A_1345 : vector<1x16xf32> to vector<16xf32>
    %exp3A_1347 = math.exp %get3A_1346 : vector<16xf32>
    %sub3A_1348 = arith.subf %get3A_1346, %get3A_1309 : vector<16xf32>
    %mul3A_1349 = arith.mulf %exp3A_1347, %sub3A_1348 : vector<16xf32>
    %sub3A_1350 = arith.subf %mul3A_1349, %exp3A_1347 : vector<16xf32>
    %add3A_1351 = arith.addf %add3A_1341, %sub3A_1350 : vector<16xf32>
    %get3A_1352 = arith.constant 114 : i32
    %get3A_1353 = arith.index_cast %get3A_1352 : i32 to index
    %get3A_1354 = arith.constant 0 : index
    %get3A_1355 = tpu.vector_load %arg7[%get3A_1353, %get3A_1354] {strides = array<i32>} : memref<320x16xf32, #tpu.memory_space<vmem>>, vector<1x16xf32>,
    %get3A_1356 = vector.shape_cast %get3A_1355 : vector<1x16xf32> to vector<16xf32>
    %exp3A_1357 = math.exp %get3A_1356 : vector<16xf32>
    %sub3A_1358 = arith.subf %get3A_1356, %get3A_1309 : vector<16xf32>
    %mul3A_1359 = arith.mulf %exp3A_1357, %sub3A_1358 : vector<16xf32>
    %sub3A_1360 = arith.subf %mul3A_1359, %exp3A_1357 : vector<16xf32>
    %add3A_1361 = arith.addf %add3A_1351, %sub3A_1360 : vector<16xf32>
    %get3A_1362 = arith.constant 115 : i32
    %get3A_1363 = arith.index_cast %get3A_1362 : i32 to index
    %get3A_1364 = arith.constant 0 : index
    %get3A_1365 = tpu.vector_load %arg7[%get3A_1363, %get3A_1364] {strides = array<i32>} : memref<320x16xf32, #tpu.memory_space<vmem>>, vector<1x16xf32>,
    %get3A_1366 = vector.shape_cast %get3A_1365 : vector<1x16xf32> to vector<16xf32>
    %exp3A_1367 = math.exp %get3A_1366 : vector<16xf32>
    %sub3A_1368 = arith.subf %get3A_1366, %get3A_1309 : vector<16xf32>
    %mul3A_1369 = arith.mulf %exp3A_1367, %sub3A_1368 : vector<16xf32>
    %sub3A_1370 = arith.subf %mul3A_1369, %exp3A_1367 : vector<16xf32>
    %add3A_1371 = arith.addf %add3A_1361, %sub3A_1370 : vector<16xf32>
    %get3A_1372 = arith.constant 116 : i32
    %get3A_1373 = arith.index_cast %get3A_1372 : i32 to index
    %get3A_1374 = arith.constant 0 : index
    %get3A_1375 = tpu.vector_load %arg7[%get3A_1373, %get3A_1374] {strides = array<i32>} : memref<320x16xf32, #tpu.memory_space<vmem>>, vector<1x16xf32>,
    %get3A_1376 = vector.shape_cast %get3A_1375 : vector<1x16xf32> to vector<16xf32>
    %exp3A_1377 = math.exp %get3A_1376 : vector<16xf32>
    %sub3A_1378 = arith.subf %get3A_1376, %get3A_1309 : vector<16xf32>
    %mul3A_1379 = arith.mulf %exp3A_1377, %sub3A_1378 : vector<16xf32>
    %sub3A_1380 = arith.subf %mul3A_1379, %exp3A_1377 : vector<16xf32>
    %add3A_1381 = arith.addf %add3A_1371, %sub3A_1380 : vector<16xf32>
    %get3A_1382 = arith.constant 117 : i32
    %get3A_1383 = arith.index_cast %get3A_1382 : i32 to index
    %get3A_1384 = arith.constant 0 : index
    %get3A_1385 = tpu.vector_load %arg7[%get3A_1383, %get3A_1384] {strides = array<i32>} : memref<320x16xf32, #tpu.memory_space<vmem>>, vector<1x16xf32>,
    %get3A_1386 = vector.shape_cast %get3A_1385 : vector<1x16xf32> to vector<16xf32>
    %exp3A_1387 = math.exp %get3A_1386 : vector<16xf32>
    %sub3A_1388 = arith.subf %get3A_1386, %get3A_1309 : vector<16xf32>
    %mul3A_1389 = arith.mulf %exp3A_1387, %sub3A_1388 : vector<16xf32>
    %sub3A_1390 = arith.subf %mul3A_1389, %exp3A_1387 : vector<16xf32>
    %add3A_1391 = arith.addf %add3A_1381, %sub3A_1390 : vector<16xf32>
    %get3A_1392 = arith.constant 118 : i32
    %get3A_1393 = arith.index_cast %get3A_1392 : i32 to index
    %get3A_1394 = arith.constant 0 : index
    %get3A_1395 = tpu.vector_load %arg7[%get3A_1393, %get3A_1394] {strides = array<i32>} : memref<320x16xf32, #tpu.memory_space<vmem>>, vector<1x16xf32>,
    %get3A_1396 = vector.shape_cast %get3A_1395 : vector<1x16xf32> to vector<16xf32>
    %exp3A_1397 = math.exp %get3A_1396 : vector<16xf32>
    %sub3A_1398 = arith.subf %get3A_1396, %get3A_1309 : vector<16xf32>
    %mul3A_1399 = arith.mulf %exp3A_1397, %sub3A_1398 : vector<16xf32>
    %sub3A_1400 = arith.subf %mul3A_1399, %exp3A_1397 : vector<16xf32>
    %add3A_1401 = arith.addf %add3A_1391, %sub3A_1400 : vector<16xf32>
    %get3A_1402 = arith.constant 119 : i32
    %get3A_1403 = arith.index_cast %get3A_1402 : i32 to index
    %get3A_1404 = arith.constant 0 : index
    %get3A_1405 = tpu.vector_load %arg7[%get3A_1403, %get3A_1404] {strides = array<i32>} : memref<320x16xf32, #tpu.memory_space<vmem>>, vector<1x16xf32>,
    %get3A_1406 = vector.shape_cast %get3A_1405 : vector<1x16xf32> to vector<16xf32>
    %exp3A_1407 = math.exp %get3A_1406 : vector<16xf32>
    %sub3A_1408 = arith.subf %get3A_1406, %get3A_1309 : vector<16xf32>
    %mul3A_1409 = arith.mulf %exp3A_1407, %sub3A_1408 : vector<16xf32>
    %sub3A_1410 = arith.subf %mul3A_1409, %exp3A_1407 : vector<16xf32>
    %add3A_1411 = arith.addf %add3A_1401, %sub3A_1410 : vector<16xf32>
    %swap3A_1412 = arith.constant 11 : i32
    %swap3A_1413 = arith.index_cast %swap3A_1412 : i32 to index
    %swap3A_1414 = arith.constant 0 : index
    %swap3A_1415 = tpu.vector_load %arg9[%swap3A_1413, %swap3A_1414] {strides = array<i32>} : memref<32x16xf32, #tpu.memory_space<vmem>>, vector<1x16xf32>,
    %swap3A_1416 = vector.shape_cast %swap3A_1415 : vector<1x16xf32> to vector<16xf32>
    %swap3A_1417 = vector.shape_cast %add3A_1411 : vector<16xf32> to vector<1x16xf32>
    tpu.vector_store %arg9[%swap3A_1413, %swap3A_1414], %swap3A_1417 {strides = array<i32>} : memref<32x16xf32, #tpu.memory_space<vmem>>, vector<1x16xf32>,
    %get3A_1418 = arith.constant 12 : i32
    %get3A_1419 = arith.index_cast %get3A_1418 : i32 to index
    %get3A_1420 = arith.constant 0 : index
    %get3A_1421 = tpu.vector_load %arg8[%get3A_1419, %get3A_1420] {strides = array<i32>} : memref<32x16xf32, #tpu.memory_space<vmem>>, vector<1x16xf32>,
    %get3A_1422 = vector.shape_cast %get3A_1421 : vector<1x16xf32> to vector<16xf32>
    %broadcast_in_dim3A_1423 = arith.constant 0.000000e+00 : f32
    %broadcast_in_dim3A_1424 = vector.broadcast %broadcast_in_dim3A_1423 : f32 to vector<16xf32>
    %get3A_1425 = arith.constant 120 : i32
    %get3A_1426 = arith.index_cast %get3A_1425 : i32 to index
    %get3A_1427 = arith.constant 0 : index
    %get3A_1428 = tpu.vector_load %arg7[%get3A_1426, %get3A_1427] {strides = array<i32>} : memref<320x16xf32, #tpu.memory_space<vmem>>, vector<1x16xf32>,
    %get3A_1429 = vector.shape_cast %get3A_1428 : vector<1x16xf32> to vector<16xf32>
    %exp3A_1430 = math.exp %get3A_1429 : vector<16xf32>
    %sub3A_1431 = arith.subf %get3A_1429, %get3A_1422 : vector<16xf32>
    %mul3A_1432 = arith.mulf %exp3A_1430, %sub3A_1431 : vector<16xf32>
    %sub3A_1433 = arith.subf %mul3A_1432, %exp3A_1430 : vector<16xf32>
    %add3A_1434 = arith.addf %broadcast_in_dim3A_1424, %sub3A_1433 : vector<16xf32>
    %get3A_1435 = arith.constant 121 : i32
    %get3A_1436 = arith.index_cast %get3A_1435 : i32 to index
    %get3A_1437 = arith.constant 0 : index
    %get3A_1438 = tpu.vector_load %arg7[%get3A_1436, %get3A_1437] {strides = array<i32>} : memref<320x16xf32, #tpu.memory_space<vmem>>, vector<1x16xf32>,
    %get3A_1439 = vector.shape_cast %get3A_1438 : vector<1x16xf32> to vector<16xf32>
    %exp3A_1440 = math.exp %get3A_1439 : vector<16xf32>
    %sub3A_1441 = arith.subf %get3A_1439, %get3A_1422 : vector<16xf32>
    %mul3A_1442 = arith.mulf %exp3A_1440, %sub3A_1441 : vector<16xf32>
    %sub3A_1443 = arith.subf %mul3A_1442, %exp3A_1440 : vector<16xf32>
    %add3A_1444 = arith.addf %add3A_1434, %sub3A_1443 : vector<16xf32>
    %get3A_1445 = arith.constant 122 : i32
    %get3A_1446 = arith.index_cast %get3A_1445 : i32 to index
    %get3A_1447 = arith.constant 0 : index
    %get3A_1448 = tpu.vector_load %arg7[%get3A_1446, %get3A_1447] {strides = array<i32>} : memref<320x16xf32, #tpu.memory_space<vmem>>, vector<1x16xf32>,
    %get3A_1449 = vector.shape_cast %get3A_1448 : vector<1x16xf32> to vector<16xf32>
    %exp3A_1450 = math.exp %get3A_1449 : vector<16xf32>
    %sub3A_1451 = arith.subf %get3A_1449, %get3A_1422 : vector<16xf32>
    %mul3A_1452 = arith.mulf %exp3A_1450, %sub3A_1451 : vector<16xf32>
    %sub3A_1453 = arith.subf %mul3A_1452, %exp3A_1450 : vector<16xf32>
    %add3A_1454 = arith.addf %add3A_1444, %sub3A_1453 : vector<16xf32>
    %get3A_1455 = arith.constant 123 : i32
    %get3A_1456 = arith.index_cast %get3A_1455 : i32 to index
    %get3A_1457 = arith.constant 0 : index
    %get3A_1458 = tpu.vector_load %arg7[%get3A_1456, %get3A_1457] {strides = array<i32>} : memref<320x16xf32, #tpu.memory_space<vmem>>, vector<1x16xf32>,
    %get3A_1459 = vector.shape_cast %get3A_1458 : vector<1x16xf32> to vector<16xf32>
    %exp3A_1460 = math.exp %get3A_1459 : vector<16xf32>
    %sub3A_1461 = arith.subf %get3A_1459, %get3A_1422 : vector<16xf32>
    %mul3A_1462 = arith.mulf %exp3A_1460, %sub3A_1461 : vector<16xf32>
    %sub3A_1463 = arith.subf %mul3A_1462, %exp3A_1460 : vector<16xf32>
    %add3A_1464 = arith.addf %add3A_1454, %sub3A_1463 : vector<16xf32>
    %get3A_1465 = arith.constant 124 : i32
    %get3A_1466 = arith.index_cast %get3A_1465 : i32 to index
    %get3A_1467 = arith.constant 0 : index
    %get3A_1468 = tpu.vector_load %arg7[%get3A_1466, %get3A_1467] {strides = array<i32>} : memref<320x16xf32, #tpu.memory_space<vmem>>, vector<1x16xf32>,
    %get3A_1469 = vector.shape_cast %get3A_1468 : vector<1x16xf32> to vector<16xf32>
    %exp3A_1470 = math.exp %get3A_1469 : vector<16xf32>
    %sub3A_1471 = arith.subf %get3A_1469, %get3A_1422 : vector<16xf32>
    %mul3A_1472 = arith.mulf %exp3A_1470, %sub3A_1471 : vector<16xf32>
    %sub3A_1473 = arith.subf %mul3A_1472, %exp3A_1470 : vector<16xf32>
    %add3A_1474 = arith.addf %add3A_1464, %sub3A_1473 : vector<16xf32>
    %get3A_1475 = arith.constant 125 : i32
    %get3A_1476 = arith.index_cast %get3A_1475 : i32 to index
    %get3A_1477 = arith.constant 0 : index
    %get3A_1478 = tpu.vector_load %arg7[%get3A_1476, %get3A_1477] {strides = array<i32>} : memref<320x16xf32, #tpu.memory_space<vmem>>, vector<1x16xf32>,
    %get3A_1479 = vector.shape_cast %get3A_1478 : vector<1x16xf32> to vector<16xf32>
    %exp3A_1480 = math.exp %get3A_1479 : vector<16xf32>
    %sub3A_1481 = arith.subf %get3A_1479, %get3A_1422 : vector<16xf32>
    %mul3A_1482 = arith.mulf %exp3A_1480, %sub3A_1481 : vector<16xf32>
    %sub3A_1483 = arith.subf %mul3A_1482, %exp3A_1480 : vector<16xf32>
    %add3A_1484 = arith.addf %add3A_1474, %sub3A_1483 : vector<16xf32>
    %get3A_1485 = arith.constant 126 : i32
    %get3A_1486 = arith.index_cast %get3A_1485 : i32 to index
    %get3A_1487 = arith.constant 0 : index
    %get3A_1488 = tpu.vector_load %arg7[%get3A_1486, %get3A_1487] {strides = array<i32>} : memref<320x16xf32, #tpu.memory_space<vmem>>, vector<1x16xf32>,
    %get3A_1489 = vector.shape_cast %get3A_1488 : vector<1x16xf32> to vector<16xf32>
    %exp3A_1490 = math.exp %get3A_1489 : vector<16xf32>
    %sub3A_1491 = arith.subf %get3A_1489, %get3A_1422 : vector<16xf32>
    %mul3A_1492 = arith.mulf %exp3A_1490, %sub3A_1491 : vector<16xf32>
    %sub3A_1493 = arith.subf %mul3A_1492, %exp3A_1490 : vector<16xf32>
    %add3A_1494 = arith.addf %add3A_1484, %sub3A_1493 : vector<16xf32>
    %get3A_1495 = arith.constant 127 : i32
    %get3A_1496 = arith.index_cast %get3A_1495 : i32 to index
    %get3A_1497 = arith.constant 0 : index
    %get3A_1498 = tpu.vector_load %arg7[%get3A_1496, %get3A_1497] {strides = array<i32>} : memref<320x16xf32, #tpu.memory_space<vmem>>, vector<1x16xf32>,
    %get3A_1499 = vector.shape_cast %get3A_1498 : vector<1x16xf32> to vector<16xf32>
    %exp3A_1500 = math.exp %get3A_1499 : vector<16xf32>
    %sub3A_1501 = arith.subf %get3A_1499, %get3A_1422 : vector<16xf32>
    %mul3A_1502 = arith.mulf %exp3A_1500, %sub3A_1501 : vector<16xf32>
    %sub3A_1503 = arith.subf %mul3A_1502, %exp3A_1500 : vector<16xf32>
    %add3A_1504 = arith.addf %add3A_1494, %sub3A_1503 : vector<16xf32>
    %get3A_1505 = arith.constant 128 : i32
    %get3A_1506 = arith.index_cast %get3A_1505 : i32 to index
    %get3A_1507 = arith.constant 0 : index
    %get3A_1508 = tpu.vector_load %arg7[%get3A_1506, %get3A_1507] {strides = array<i32>} : memref<320x16xf32, #tpu.memory_space<vmem>>, vector<1x16xf32>,
    %get3A_1509 = vector.shape_cast %get3A_1508 : vector<1x16xf32> to vector<16xf32>
    %exp3A_1510 = math.exp %get3A_1509 : vector<16xf32>
    %sub3A_1511 = arith.subf %get3A_1509, %get3A_1422 : vector<16xf32>
    %mul3A_1512 = arith.mulf %exp3A_1510, %sub3A_1511 : vector<16xf32>
    %sub3A_1513 = arith.subf %mul3A_1512, %exp3A_1510 : vector<16xf32>
    %add3A_1514 = arith.addf %add3A_1504, %sub3A_1513 : vector<16xf32>
    %get3A_1515 = arith.constant 129 : i32
    %get3A_1516 = arith.index_cast %get3A_1515 : i32 to index
    %get3A_1517 = arith.constant 0 : index
    %get3A_1518 = tpu.vector_load %arg7[%get3A_1516, %get3A_1517] {strides = array<i32>} : memref<320x16xf32, #tpu.memory_space<vmem>>, vector<1x16xf32>,
    %get3A_1519 = vector.shape_cast %get3A_1518 : vector<1x16xf32> to vector<16xf32>
    %exp3A_1520 = math.exp %get3A_1519 : vector<16xf32>
    %sub3A_1521 = arith.subf %get3A_1519, %get3A_1422 : vector<16xf32>
    %mul3A_1522 = arith.mulf %exp3A_1520, %sub3A_1521 : vector<16xf32>
    %sub3A_1523 = arith.subf %mul3A_1522, %exp3A_1520 : vector<16xf32>
    %add3A_1524 = arith.addf %add3A_1514, %sub3A_1523 : vector<16xf32>
    %swap3A_1525 = arith.constant 12 : i32
    %swap3A_1526 = arith.index_cast %swap3A_1525 : i32 to index
    %swap3A_1527 = arith.constant 0 : index
    %swap3A_1528 = tpu.vector_load %arg9[%swap3A_1526, %swap3A_1527] {strides = array<i32>} : memref<32x16xf32, #tpu.memory_space<vmem>>, vector<1x16xf32>,
    %swap3A_1529 = vector.shape_cast %swap3A_1528 : vector<1x16xf32> to vector<16xf32>
    %swap3A_1530 = vector.shape_cast %add3A_1524 : vector<16xf32> to vector<1x16xf32>
    tpu.vector_store %arg9[%swap3A_1526, %swap3A_1527], %swap3A_1530 {strides = array<i32>} : memref<32x16xf32, #tpu.memory_space<vmem>>, vector<1x16xf32>,
    %get3A_1531 = arith.constant 13 : i32
    %get3A_1532 = arith.index_cast %get3A_1531 : i32 to index
    %get3A_1533 = arith.constant 0 : index
    %get3A_1534 = tpu.vector_load %arg8[%get3A_1532, %get3A_1533] {strides = array<i32>} : memref<32x16xf32, #tpu.memory_space<vmem>>, vector<1x16xf32>,
    %get3A_1535 = vector.shape_cast %get3A_1534 : vector<1x16xf32> to vector<16xf32>
    %broadcast_in_dim3A_1536 = arith.constant 0.000000e+00 : f32
    %broadcast_in_dim3A_1537 = vector.broadcast %broadcast_in_dim3A_1536 : f32 to vector<16xf32>
    %get3A_1538 = arith.constant 130 : i32
    %get3A_1539 = arith.index_cast %get3A_1538 : i32 to index
    %get3A_1540 = arith.constant 0 : index
    %get3A_1541 = tpu.vector_load %arg7[%get3A_1539, %get3A_1540] {strides = array<i32>} : memref<320x16xf32, #tpu.memory_space<vmem>>, vector<1x16xf32>,
    %get3A_1542 = vector.shape_cast %get3A_1541 : vector<1x16xf32> to vector<16xf32>
    %exp3A_1543 = math.exp %get3A_1542 : vector<16xf32>
    %sub3A_1544 = arith.subf %get3A_1542, %get3A_1535 : vector<16xf32>
    %mul3A_1545 = arith.mulf %exp3A_1543, %sub3A_1544 : vector<16xf32>
    %sub3A_1546 = arith.subf %mul3A_1545, %exp3A_1543 : vector<16xf32>
    %add3A_1547 = arith.addf %broadcast_in_dim3A_1537, %sub3A_1546 : vector<16xf32>
    %get3A_1548 = arith.constant 131 : i32
    %get3A_1549 = arith.index_cast %get3A_1548 : i32 to index
    %get3A_1550 = arith.constant 0 : index
    %get3A_1551 = tpu.vector_load %arg7[%get3A_1549, %get3A_1550] {strides = array<i32>} : memref<320x16xf32, #tpu.memory_space<vmem>>, vector<1x16xf32>,
    %get3A_1552 = vector.shape_cast %get3A_1551 : vector<1x16xf32> to vector<16xf32>
    %exp3A_1553 = math.exp %get3A_1552 : vector<16xf32>
    %sub3A_1554 = arith.subf %get3A_1552, %get3A_1535 : vector<16xf32>
    %mul3A_1555 = arith.mulf %exp3A_1553, %sub3A_1554 : vector<16xf32>
    %sub3A_1556 = arith.subf %mul3A_1555, %exp3A_1553 : vector<16xf32>
    %add3A_1557 = arith.addf %add3A_1547, %sub3A_1556 : vector<16xf32>
    %get3A_1558 = arith.constant 132 : i32
    %get3A_1559 = arith.index_cast %get3A_1558 : i32 to index
    %get3A_1560 = arith.constant 0 : index
    %get3A_1561 = tpu.vector_load %arg7[%get3A_1559, %get3A_1560] {strides = array<i32>} : memref<320x16xf32, #tpu.memory_space<vmem>>, vector<1x16xf32>,
    %get3A_1562 = vector.shape_cast %get3A_1561 : vector<1x16xf32> to vector<16xf32>
    %exp3A_1563 = math.exp %get3A_1562 : vector<16xf32>
    %sub3A_1564 = arith.subf %get3A_1562, %get3A_1535 : vector<16xf32>
    %mul3A_1565 = arith.mulf %exp3A_1563, %sub3A_1564 : vector<16xf32>
    %sub3A_1566 = arith.subf %mul3A_1565, %exp3A_1563 : vector<16xf32>
    %add3A_1567 = arith.addf %add3A_1557, %sub3A_1566 : vector<16xf32>
    %get3A_1568 = arith.constant 133 : i32
    %get3A_1569 = arith.index_cast %get3A_1568 : i32 to index
    %get3A_1570 = arith.constant 0 : index
    %get3A_1571 = tpu.vector_load %arg7[%get3A_1569, %get3A_1570] {strides = array<i32>} : memref<320x16xf32, #tpu.memory_space<vmem>>, vector<1x16xf32>,
    %get3A_1572 = vector.shape_cast %get3A_1571 : vector<1x16xf32> to vector<16xf32>
    %exp3A_1573 = math.exp %get3A_1572 : vector<16xf32>
    %sub3A_1574 = arith.subf %get3A_1572, %get3A_1535 : vector<16xf32>
    %mul3A_1575 = arith.mulf %exp3A_1573, %sub3A_1574 : vector<16xf32>
    %sub3A_1576 = arith.subf %mul3A_1575, %exp3A_1573 : vector<16xf32>
    %add3A_1577 = arith.addf %add3A_1567, %sub3A_1576 : vector<16xf32>
    %get3A_1578 = arith.constant 134 : i32
    %get3A_1579 = arith.index_cast %get3A_1578 : i32 to index
    %get3A_1580 = arith.constant 0 : index
    %get3A_1581 = tpu.vector_load %arg7[%get3A_1579, %get3A_1580] {strides = array<i32>} : memref<320x16xf32, #tpu.memory_space<vmem>>, vector<1x16xf32>,
    %get3A_1582 = vector.shape_cast %get3A_1581 : vector<1x16xf32> to vector<16xf32>
    %exp3A_1583 = math.exp %get3A_1582 : vector<16xf32>
    %sub3A_1584 = arith.subf %get3A_1582, %get3A_1535 : vector<16xf32>
    %mul3A_1585 = arith.mulf %exp3A_1583, %sub3A_1584 : vector<16xf32>
    %sub3A_1586 = arith.subf %mul3A_1585, %exp3A_1583 : vector<16xf32>
    %add3A_1587 = arith.addf %add3A_1577, %sub3A_1586 : vector<16xf32>
    %get3A_1588 = arith.constant 135 : i32
    %get3A_1589 = arith.index_cast %get3A_1588 : i32 to index
    %get3A_1590 = arith.constant 0 : index
    %get3A_1591 = tpu.vector_load %arg7[%get3A_1589, %get3A_1590] {strides = array<i32>} : memref<320x16xf32, #tpu.memory_space<vmem>>, vector<1x16xf32>,
    %get3A_1592 = vector.shape_cast %get3A_1591 : vector<1x16xf32> to vector<16xf32>
    %exp3A_1593 = math.exp %get3A_1592 : vector<16xf32>
    %sub3A_1594 = arith.subf %get3A_1592, %get3A_1535 : vector<16xf32>
    %mul3A_1595 = arith.mulf %exp3A_1593, %sub3A_1594 : vector<16xf32>
    %sub3A_1596 = arith.subf %mul3A_1595, %exp3A_1593 : vector<16xf32>
    %add3A_1597 = arith.addf %add3A_1587, %sub3A_1596 : vector<16xf32>
    %get3A_1598 = arith.constant 136 : i32
    %get3A_1599 = arith.index_cast %get3A_1598 : i32 to index
    %get3A_1600 = arith.constant 0 : index
    %get3A_1601 = tpu.vector_load %arg7[%get3A_1599, %get3A_1600] {strides = array<i32>} : memref<320x16xf32, #tpu.memory_space<vmem>>, vector<1x16xf32>,
    %get3A_1602 = vector.shape_cast %get3A_1601 : vector<1x16xf32> to vector<16xf32>
    %exp3A_1603 = math.exp %get3A_1602 : vector<16xf32>
    %sub3A_1604 = arith.subf %get3A_1602, %get3A_1535 : vector<16xf32>
    %mul3A_1605 = arith.mulf %exp3A_1603, %sub3A_1604 : vector<16xf32>
    %sub3A_1606 = arith.subf %mul3A_1605, %exp3A_1603 : vector<16xf32>
    %add3A_1607 = arith.addf %add3A_1597, %sub3A_1606 : vector<16xf32>
    %get3A_1608 = arith.constant 137 : i32
    %get3A_1609 = arith.index_cast %get3A_1608 : i32 to index
    %get3A_1610 = arith.constant 0 : index
    %get3A_1611 = tpu.vector_load %arg7[%get3A_1609, %get3A_1610] {strides = array<i32>} : memref<320x16xf32, #tpu.memory_space<vmem>>, vector<1x16xf32>,
    %get3A_1612 = vector.shape_cast %get3A_1611 : vector<1x16xf32> to vector<16xf32>
    %exp3A_1613 = math.exp %get3A_1612 : vector<16xf32>
    %sub3A_1614 = arith.subf %get3A_1612, %get3A_1535 : vector<16xf32>
    %mul3A_1615 = arith.mulf %exp3A_1613, %sub3A_1614 : vector<16xf32>
    %sub3A_1616 = arith.subf %mul3A_1615, %exp3A_1613 : vector<16xf32>
    %add3A_1617 = arith.addf %add3A_1607, %sub3A_1616 : vector<16xf32>
    %get3A_1618 = arith.constant 138 : i32
    %get3A_1619 = arith.index_cast %get3A_1618 : i32 to index
    %get3A_1620 = arith.constant 0 : index
    %get3A_1621 = tpu.vector_load %arg7[%get3A_1619, %get3A_1620] {strides = array<i32>} : memref<320x16xf32, #tpu.memory_space<vmem>>, vector<1x16xf32>,
    %get3A_1622 = vector.shape_cast %get3A_1621 : vector<1x16xf32> to vector<16xf32>
    %exp3A_1623 = math.exp %get3A_1622 : vector<16xf32>
    %sub3A_1624 = arith.subf %get3A_1622, %get3A_1535 : vector<16xf32>
    %mul3A_1625 = arith.mulf %exp3A_1623, %sub3A_1624 : vector<16xf32>
    %sub3A_1626 = arith.subf %mul3A_1625, %exp3A_1623 : vector<16xf32>
    %add3A_1627 = arith.addf %add3A_1617, %sub3A_1626 : vector<16xf32>
    %get3A_1628 = arith.constant 139 : i32
    %get3A_1629 = arith.index_cast %get3A_1628 : i32 to index
    %get3A_1630 = arith.constant 0 : index
    %get3A_1631 = tpu.vector_load %arg7[%get3A_1629, %get3A_1630] {strides = array<i32>} : memref<320x16xf32, #tpu.memory_space<vmem>>, vector<1x16xf32>,
    %get3A_1632 = vector.shape_cast %get3A_1631 : vector<1x16xf32> to vector<16xf32>
    %exp3A_1633 = math.exp %get3A_1632 : vector<16xf32>
    %sub3A_1634 = arith.subf %get3A_1632, %get3A_1535 : vector<16xf32>
    %mul3A_1635 = arith.mulf %exp3A_1633, %sub3A_1634 : vector<16xf32>
    %sub3A_1636 = arith.subf %mul3A_1635, %exp3A_1633 : vector<16xf32>
    %add3A_1637 = arith.addf %add3A_1627, %sub3A_1636 : vector<16xf32>
    %swap3A_1638 = arith.constant 13 : i32
    %swap3A_1639 = arith.index_cast %swap3A_1638 : i32 to index
    %swap3A_1640 = arith.constant 0 : index
    %swap3A_1641 = tpu.vector_load %arg9[%swap3A_1639, %swap3A_1640] {strides = array<i32>} : memref<32x16xf32, #tpu.memory_space<vmem>>, vector<1x16xf32>,
    %swap3A_1642 = vector.shape_cast %swap3A_1641 : vector<1x16xf32> to vector<16xf32>
    %swap3A_1643 = vector.shape_cast %add3A_1637 : vector<16xf32> to vector<1x16xf32>
    tpu.vector_store %arg9[%swap3A_1639, %swap3A_1640], %swap3A_1643 {strides = array<i32>} : memref<32x16xf32, #tpu.memory_space<vmem>>, vector<1x16xf32>,
    %get3A_1644 = arith.constant 14 : i32
    %get3A_1645 = arith.index_cast %get3A_1644 : i32 to index
    %get3A_1646 = arith.constant 0 : index
    %get3A_1647 = tpu.vector_load %arg8[%get3A_1645, %get3A_1646] {strides = array<i32>} : memref<32x16xf32, #tpu.memory_space<vmem>>, vector<1x16xf32>,
    %get3A_1648 = vector.shape_cast %get3A_1647 : vector<1x16xf32> to vector<16xf32>
    %broadcast_in_dim3A_1649 = arith.constant 0.000000e+00 : f32
    %broadcast_in_dim3A_1650 = vector.broadcast %broadcast_in_dim3A_1649 : f32 to vector<16xf32>
    %get3A_1651 = arith.constant 140 : i32
    %get3A_1652 = arith.index_cast %get3A_1651 : i32 to index
    %get3A_1653 = arith.constant 0 : index
    %get3A_1654 = tpu.vector_load %arg7[%get3A_1652, %get3A_1653] {strides = array<i32>} : memref<320x16xf32, #tpu.memory_space<vmem>>, vector<1x16xf32>,
    %get3A_1655 = vector.shape_cast %get3A_1654 : vector<1x16xf32> to vector<16xf32>
    %exp3A_1656 = math.exp %get3A_1655 : vector<16xf32>
    %sub3A_1657 = arith.subf %get3A_1655, %get3A_1648 : vector<16xf32>
    %mul3A_1658 = arith.mulf %exp3A_1656, %sub3A_1657 : vector<16xf32>
    %sub3A_1659 = arith.subf %mul3A_1658, %exp3A_1656 : vector<16xf32>
    %add3A_1660 = arith.addf %broadcast_in_dim3A_1650, %sub3A_1659 : vector<16xf32>
    %get3A_1661 = arith.constant 141 : i32
    %get3A_1662 = arith.index_cast %get3A_1661 : i32 to index
    %get3A_1663 = arith.constant 0 : index
    %get3A_1664 = tpu.vector_load %arg7[%get3A_1662, %get3A_1663] {strides = array<i32>} : memref<320x16xf32, #tpu.memory_space<vmem>>, vector<1x16xf32>,
    %get3A_1665 = vector.shape_cast %get3A_1664 : vector<1x16xf32> to vector<16xf32>
    %exp3A_1666 = math.exp %get3A_1665 : vector<16xf32>
    %sub3A_1667 = arith.subf %get3A_1665, %get3A_1648 : vector<16xf32>
    %mul3A_1668 = arith.mulf %exp3A_1666, %sub3A_1667 : vector<16xf32>
    %sub3A_1669 = arith.subf %mul3A_1668, %exp3A_1666 : vector<16xf32>
    %add3A_1670 = arith.addf %add3A_1660, %sub3A_1669 : vector<16xf32>
    %get3A_1671 = arith.constant 142 : i32
    %get3A_1672 = arith.index_cast %get3A_1671 : i32 to index
    %get3A_1673 = arith.constant 0 : index
    %get3A_1674 = tpu.vector_load %arg7[%get3A_1672, %get3A_1673] {strides = array<i32>} : memref<320x16xf32, #tpu.memory_space<vmem>>, vector<1x16xf32>,
    %get3A_1675 = vector.shape_cast %get3A_1674 : vector<1x16xf32> to vector<16xf32>
    %exp3A_1676 = math.exp %get3A_1675 : vector<16xf32>
    %sub3A_1677 = arith.subf %get3A_1675, %get3A_1648 : vector<16xf32>
    %mul3A_1678 = arith.mulf %exp3A_1676, %sub3A_1677 : vector<16xf32>
    %sub3A_1679 = arith.subf %mul3A_1678, %exp3A_1676 : vector<16xf32>
    %add3A_1680 = arith.addf %add3A_1670, %sub3A_1679 : vector<16xf32>
    %get3A_1681 = arith.constant 143 : i32
    %get3A_1682 = arith.index_cast %get3A_1681 : i32 to index
    %get3A_1683 = arith.constant 0 : index
    %get3A_1684 = tpu.vector_load %arg7[%get3A_1682, %get3A_1683] {strides = array<i32>} : memref<320x16xf32, #tpu.memory_space<vmem>>, vector<1x16xf32>,
    %get3A_1685 = vector.shape_cast %get3A_1684 : vector<1x16xf32> to vector<16xf32>
    %exp3A_1686 = math.exp %get3A_1685 : vector<16xf32>
    %sub3A_1687 = arith.subf %get3A_1685, %get3A_1648 : vector<16xf32>
    %mul3A_1688 = arith.mulf %exp3A_1686, %sub3A_1687 : vector<16xf32>
    %sub3A_1689 = arith.subf %mul3A_1688, %exp3A_1686 : vector<16xf32>
    %add3A_1690 = arith.addf %add3A_1680, %sub3A_1689 : vector<16xf32>
    %get3A_1691 = arith.constant 144 : i32
    %get3A_1692 = arith.index_cast %get3A_1691 : i32 to index
    %get3A_1693 = arith.constant 0 : index
    %get3A_1694 = tpu.vector_load %arg7[%get3A_1692, %get3A_1693] {strides = array<i32>} : memref<320x16xf32, #tpu.memory_space<vmem>>, vector<1x16xf32>,
    %get3A_1695 = vector.shape_cast %get3A_1694 : vector<1x16xf32> to vector<16xf32>
    %exp3A_1696 = math.exp %get3A_1695 : vector<16xf32>
    %sub3A_1697 = arith.subf %get3A_1695, %get3A_1648 : vector<16xf32>
    %mul3A_1698 = arith.mulf %exp3A_1696, %sub3A_1697 : vector<16xf32>
    %sub3A_1699 = arith.subf %mul3A_1698, %exp3A_1696 : vector<16xf32>
    %add3A_1700 = arith.addf %add3A_1690, %sub3A_1699 : vector<16xf32>
    %get3A_1701 = arith.constant 145 : i32
    %get3A_1702 = arith.index_cast %get3A_1701 : i32 to index
    %get3A_1703 = arith.constant 0 : index
    %get3A_1704 = tpu.vector_load %arg7[%get3A_1702, %get3A_1703] {strides = array<i32>} : memref<320x16xf32, #tpu.memory_space<vmem>>, vector<1x16xf32>,
    %get3A_1705 = vector.shape_cast %get3A_1704 : vector<1x16xf32> to vector<16xf32>
    %exp3A_1706 = math.exp %get3A_1705 : vector<16xf32>
    %sub3A_1707 = arith.subf %get3A_1705, %get3A_1648 : vector<16xf32>
    %mul3A_1708 = arith.mulf %exp3A_1706, %sub3A_1707 : vector<16xf32>
    %sub3A_1709 = arith.subf %mul3A_1708, %exp3A_1706 : vector<16xf32>
    %add3A_1710 = arith.addf %add3A_1700, %sub3A_1709 : vector<16xf32>
    %get3A_1711 = arith.constant 146 : i32
    %get3A_1712 = arith.index_cast %get3A_1711 : i32 to index
    %get3A_1713 = arith.constant 0 : index
    %get3A_1714 = tpu.vector_load %arg7[%get3A_1712, %get3A_1713] {strides = array<i32>} : memref<320x16xf32, #tpu.memory_space<vmem>>, vector<1x16xf32>,
    %get3A_1715 = vector.shape_cast %get3A_1714 : vector<1x16xf32> to vector<16xf32>
    %exp3A_1716 = math.exp %get3A_1715 : vector<16xf32>
    %sub3A_1717 = arith.subf %get3A_1715, %get3A_1648 : vector<16xf32>
    %mul3A_1718 = arith.mulf %exp3A_1716, %sub3A_1717 : vector<16xf32>
    %sub3A_1719 = arith.subf %mul3A_1718, %exp3A_1716 : vector<16xf32>
    %add3A_1720 = arith.addf %add3A_1710, %sub3A_1719 : vector<16xf32>
    %get3A_1721 = arith.constant 147 : i32
    %get3A_1722 = arith.index_cast %get3A_1721 : i32 to index
    %get3A_1723 = arith.constant 0 : index
    %get3A_1724 = tpu.vector_load %arg7[%get3A_1722, %get3A_1723] {strides = array<i32>} : memref<320x16xf32, #tpu.memory_space<vmem>>, vector<1x16xf32>,
    %get3A_1725 = vector.shape_cast %get3A_1724 : vector<1x16xf32> to vector<16xf32>
    %exp3A_1726 = math.exp %get3A_1725 : vector<16xf32>
    %sub3A_1727 = arith.subf %get3A_1725, %get3A_1648 : vector<16xf32>
    %mul3A_1728 = arith.mulf %exp3A_1726, %sub3A_1727 : vector<16xf32>
    %sub3A_1729 = arith.subf %mul3A_1728, %exp3A_1726 : vector<16xf32>
    %add3A_1730 = arith.addf %add3A_1720, %sub3A_1729 : vector<16xf32>
    %get3A_1731 = arith.constant 148 : i32
    %get3A_1732 = arith.index_cast %get3A_1731 : i32 to index
    %get3A_1733 = arith.constant 0 : index
    %get3A_1734 = tpu.vector_load %arg7[%get3A_1732, %get3A_1733] {strides = array<i32>} : memref<320x16xf32, #tpu.memory_space<vmem>>, vector<1x16xf32>,
    %get3A_1735 = vector.shape_cast %get3A_1734 : vector<1x16xf32> to vector<16xf32>
    %exp3A_1736 = math.exp %get3A_1735 : vector<16xf32>
    %sub3A_1737 = arith.subf %get3A_1735, %get3A_1648 : vector<16xf32>
    %mul3A_1738 = arith.mulf %exp3A_1736, %sub3A_1737 : vector<16xf32>
    %sub3A_1739 = arith.subf %mul3A_1738, %exp3A_1736 : vector<16xf32>
    %add3A_1740 = arith.addf %add3A_1730, %sub3A_1739 : vector<16xf32>
    %get3A_1741 = arith.constant 149 : i32
    %get3A_1742 = arith.index_cast %get3A_1741 : i32 to index
    %get3A_1743 = arith.constant 0 : index
    %get3A_1744 = tpu.vector_load %arg7[%get3A_1742, %get3A_1743] {strides = array<i32>} : memref<320x16xf32, #tpu.memory_space<vmem>>, vector<1x16xf32>,
    %get3A_1745 = vector.shape_cast %get3A_1744 : vector<1x16xf32> to vector<16xf32>
    %exp3A_1746 = math.exp %get3A_1745 : vector<16xf32>
    %sub3A_1747 = arith.subf %get3A_1745, %get3A_1648 : vector<16xf32>
    %mul3A_1748 = arith.mulf %exp3A_1746, %sub3A_1747 : vector<16xf32>
    %sub3A_1749 = arith.subf %mul3A_1748, %exp3A_1746 : vector<16xf32>
    %add3A_1750 = arith.addf %add3A_1740, %sub3A_1749 : vector<16xf32>
    %swap3A_1751 = arith.constant 14 : i32
    %swap3A_1752 = arith.index_cast %swap3A_1751 : i32 to index
    %swap3A_1753 = arith.constant 0 : index
    %swap3A_1754 = tpu.vector_load %arg9[%swap3A_1752, %swap3A_1753] {strides = array<i32>} : memref<32x16xf32, #tpu.memory_space<vmem>>, vector<1x16xf32>,
    %swap3A_1755 = vector.shape_cast %swap3A_1754 : vector<1x16xf32> to vector<16xf32>
    %swap3A_1756 = vector.shape_cast %add3A_1750 : vector<16xf32> to vector<1x16xf32>
    tpu.vector_store %arg9[%swap3A_1752, %swap3A_1753], %swap3A_1756 {strides = array<i32>} : memref<32x16xf32, #tpu.memory_space<vmem>>, vector<1x16xf32>,
    %get3A_1757 = arith.constant 15 : i32
    %get3A_1758 = arith.index_cast %get3A_1757 : i32 to index
    %get3A_1759 = arith.constant 0 : index
    %get3A_1760 = tpu.vector_load %arg8[%get3A_1758, %get3A_1759] {strides = array<i32>} : memref<32x16xf32, #tpu.memory_space<vmem>>, vector<1x16xf32>,
    %get3A_1761 = vector.shape_cast %get3A_1760 : vector<1x16xf32> to vector<16xf32>
    %broadcast_in_dim3A_1762 = arith.constant 0.000000e+00 : f32
    %broadcast_in_dim3A_1763 = vector.broadcast %broadcast_in_dim3A_1762 : f32 to vector<16xf32>
    %get3A_1764 = arith.constant 150 : i32
    %get3A_1765 = arith.index_cast %get3A_1764 : i32 to index
    %get3A_1766 = arith.constant 0 : index
    %get3A_1767 = tpu.vector_load %arg7[%get3A_1765, %get3A_1766] {strides = array<i32>} : memref<320x16xf32, #tpu.memory_space<vmem>>, vector<1x16xf32>,
    %get3A_1768 = vector.shape_cast %get3A_1767 : vector<1x16xf32> to vector<16xf32>
    %exp3A_1769 = math.exp %get3A_1768 : vector<16xf32>
    %sub3A_1770 = arith.subf %get3A_1768, %get3A_1761 : vector<16xf32>
    %mul3A_1771 = arith.mulf %exp3A_1769, %sub3A_1770 : vector<16xf32>
    %sub3A_1772 = arith.subf %mul3A_1771, %exp3A_1769 : vector<16xf32>
    %add3A_1773 = arith.addf %broadcast_in_dim3A_1763, %sub3A_1772 : vector<16xf32>
    %get3A_1774 = arith.constant 151 : i32
    %get3A_1775 = arith.index_cast %get3A_1774 : i32 to index
    %get3A_1776 = arith.constant 0 : index
    %get3A_1777 = tpu.vector_load %arg7[%get3A_1775, %get3A_1776] {strides = array<i32>} : memref<320x16xf32, #tpu.memory_space<vmem>>, vector<1x16xf32>,
    %get3A_1778 = vector.shape_cast %get3A_1777 : vector<1x16xf32> to vector<16xf32>
    %exp3A_1779 = math.exp %get3A_1778 : vector<16xf32>
    %sub3A_1780 = arith.subf %get3A_1778, %get3A_1761 : vector<16xf32>
    %mul3A_1781 = arith.mulf %exp3A_1779, %sub3A_1780 : vector<16xf32>
    %sub3A_1782 = arith.subf %mul3A_1781, %exp3A_1779 : vector<16xf32>
    %add3A_1783 = arith.addf %add3A_1773, %sub3A_1782 : vector<16xf32>
    %get3A_1784 = arith.constant 152 : i32
    %get3A_1785 = arith.index_cast %get3A_1784 : i32 to index
    %get3A_1786 = arith.constant 0 : index
    %get3A_1787 = tpu.vector_load %arg7[%get3A_1785, %get3A_1786] {strides = array<i32>} : memref<320x16xf32, #tpu.memory_space<vmem>>, vector<1x16xf32>,
    %get3A_1788 = vector.shape_cast %get3A_1787 : vector<1x16xf32> to vector<16xf32>
    %exp3A_1789 = math.exp %get3A_1788 : vector<16xf32>
    %sub3A_1790 = arith.subf %get3A_1788, %get3A_1761 : vector<16xf32>
    %mul3A_1791 = arith.mulf %exp3A_1789, %sub3A_1790 : vector<16xf32>
    %sub3A_1792 = arith.subf %mul3A_1791, %exp3A_1789 : vector<16xf32>
    %add3A_1793 = arith.addf %add3A_1783, %sub3A_1792 : vector<16xf32>
    %get3A_1794 = arith.constant 153 : i32
    %get3A_1795 = arith.index_cast %get3A_1794 : i32 to index
    %get3A_1796 = arith.constant 0 : index
    %get3A_1797 = tpu.vector_load %arg7[%get3A_1795, %get3A_1796] {strides = array<i32>} : memref<320x16xf32, #tpu.memory_space<vmem>>, vector<1x16xf32>,
    %get3A_1798 = vector.shape_cast %get3A_1797 : vector<1x16xf32> to vector<16xf32>
    %exp3A_1799 = math.exp %get3A_1798 : vector<16xf32>
    %sub3A_1800 = arith.subf %get3A_1798, %get3A_1761 : vector<16xf32>
    %mul3A_1801 = arith.mulf %exp3A_1799, %sub3A_1800 : vector<16xf32>
    %sub3A_1802 = arith.subf %mul3A_1801, %exp3A_1799 : vector<16xf32>
    %add3A_1803 = arith.addf %add3A_1793, %sub3A_1802 : vector<16xf32>
    %get3A_1804 = arith.constant 154 : i32
    %get3A_1805 = arith.index_cast %get3A_1804 : i32 to index
    %get3A_1806 = arith.constant 0 : index
    %get3A_1807 = tpu.vector_load %arg7[%get3A_1805, %get3A_1806] {strides = array<i32>} : memref<320x16xf32, #tpu.memory_space<vmem>>, vector<1x16xf32>,
    %get3A_1808 = vector.shape_cast %get3A_1807 : vector<1x16xf32> to vector<16xf32>
    %exp3A_1809 = math.exp %get3A_1808 : vector<16xf32>
    %sub3A_1810 = arith.subf %get3A_1808, %get3A_1761 : vector<16xf32>
    %mul3A_1811 = arith.mulf %exp3A_1809, %sub3A_1810 : vector<16xf32>
    %sub3A_1812 = arith.subf %mul3A_1811, %exp3A_1809 : vector<16xf32>
    %add3A_1813 = arith.addf %add3A_1803, %sub3A_1812 : vector<16xf32>
    %get3A_1814 = arith.constant 155 : i32
    %get3A_1815 = arith.index_cast %get3A_1814 : i32 to index
    %get3A_1816 = arith.constant 0 : index
    %get3A_1817 = tpu.vector_load %arg7[%get3A_1815, %get3A_1816] {strides = array<i32>} : memref<320x16xf32, #tpu.memory_space<vmem>>, vector<1x16xf32>,
    %get3A_1818 = vector.shape_cast %get3A_1817 : vector<1x16xf32> to vector<16xf32>
    %exp3A_1819 = math.exp %get3A_1818 : vector<16xf32>
    %sub3A_1820 = arith.subf %get3A_1818, %get3A_1761 : vector<16xf32>
    %mul3A_1821 = arith.mulf %exp3A_1819, %sub3A_1820 : vector<16xf32>
    %sub3A_1822 = arith.subf %mul3A_1821, %exp3A_1819 : vector<16xf32>
    %add3A_1823 = arith.addf %add3A_1813, %sub3A_1822 : vector<16xf32>
    %get3A_1824 = arith.constant 156 : i32
    %get3A_1825 = arith.index_cast %get3A_1824 : i32 to index
    %get3A_1826 = arith.constant 0 : index
    %get3A_1827 = tpu.vector_load %arg7[%get3A_1825, %get3A_1826] {strides = array<i32>} : memref<320x16xf32, #tpu.memory_space<vmem>>, vector<1x16xf32>,
    %get3A_1828 = vector.shape_cast %get3A_1827 : vector<1x16xf32> to vector<16xf32>
    %exp3A_1829 = math.exp %get3A_1828 : vector<16xf32>
    %sub3A_1830 = arith.subf %get3A_1828, %get3A_1761 : vector<16xf32>
    %mul3A_1831 = arith.mulf %exp3A_1829, %sub3A_1830 : vector<16xf32>
    %sub3A_1832 = arith.subf %mul3A_1831, %exp3A_1829 : vector<16xf32>
    %add3A_1833 = arith.addf %add3A_1823, %sub3A_1832 : vector<16xf32>
    %get3A_1834 = arith.constant 157 : i32
    %get3A_1835 = arith.index_cast %get3A_1834 : i32 to index
    %get3A_1836 = arith.constant 0 : index
    %get3A_1837 = tpu.vector_load %arg7[%get3A_1835, %get3A_1836] {strides = array<i32>} : memref<320x16xf32, #tpu.memory_space<vmem>>, vector<1x16xf32>,
    %get3A_1838 = vector.shape_cast %get3A_1837 : vector<1x16xf32> to vector<16xf32>
    %exp3A_1839 = math.exp %get3A_1838 : vector<16xf32>
    %sub3A_1840 = arith.subf %get3A_1838, %get3A_1761 : vector<16xf32>
    %mul3A_1841 = arith.mulf %exp3A_1839, %sub3A_1840 : vector<16xf32>
    %sub3A_1842 = arith.subf %mul3A_1841, %exp3A_1839 : vector<16xf32>
    %add3A_1843 = arith.addf %add3A_1833, %sub3A_1842 : vector<16xf32>
    %get3A_1844 = arith.constant 158 : i32
    %get3A_1845 = arith.index_cast %get3A_1844 : i32 to index
    %get3A_1846 = arith.constant 0 : index
    %get3A_1847 = tpu.vector_load %arg7[%get3A_1845, %get3A_1846] {strides = array<i32>} : memref<320x16xf32, #tpu.memory_space<vmem>>, vector<1x16xf32>,
    %get3A_1848 = vector.shape_cast %get3A_1847 : vector<1x16xf32> to vector<16xf32>
    %exp3A_1849 = math.exp %get3A_1848 : vector<16xf32>
    %sub3A_1850 = arith.subf %get3A_1848, %get3A_1761 : vector<16xf32>
    %mul3A_1851 = arith.mulf %exp3A_1849, %sub3A_1850 : vector<16xf32>
    %sub3A_1852 = arith.subf %mul3A_1851, %exp3A_1849 : vector<16xf32>
    %add3A_1853 = arith.addf %add3A_1843, %sub3A_1852 : vector<16xf32>
    %get3A_1854 = arith.constant 159 : i32
    %get3A_1855 = arith.index_cast %get3A_1854 : i32 to index
    %get3A_1856 = arith.constant 0 : index
    %get3A_1857 = tpu.vector_load %arg7[%get3A_1855, %get3A_1856] {strides = array<i32>} : memref<320x16xf32, #tpu.memory_space<vmem>>, vector<1x16xf32>,
    %get3A_1858 = vector.shape_cast %get3A_1857 : vector<1x16xf32> to vector<16xf32>
    %exp3A_1859 = math.exp %get3A_1858 : vector<16xf32>
    %sub3A_1860 = arith.subf %get3A_1858, %get3A_1761 : vector<16xf32>
    %mul3A_1861 = arith.mulf %exp3A_1859, %sub3A_1860 : vector<16xf32>
    %sub3A_1862 = arith.subf %mul3A_1861, %exp3A_1859 : vector<16xf32>
    %add3A_1863 = arith.addf %add3A_1853, %sub3A_1862 : vector<16xf32>
    %swap3A_1864 = arith.constant 15 : i32
    %swap3A_1865 = arith.index_cast %swap3A_1864 : i32 to index
    %swap3A_1866 = arith.constant 0 : index
    %swap3A_1867 = tpu.vector_load %arg9[%swap3A_1865, %swap3A_1866] {strides = array<i32>} : memref<32x16xf32, #tpu.memory_space<vmem>>, vector<1x16xf32>,
    %swap3A_1868 = vector.shape_cast %swap3A_1867 : vector<1x16xf32> to vector<16xf32>
    %swap3A_1869 = vector.shape_cast %add3A_1863 : vector<16xf32> to vector<1x16xf32>
    tpu.vector_store %arg9[%swap3A_1865, %swap3A_1866], %swap3A_1869 {strides = array<i32>} : memref<32x16xf32, #tpu.memory_space<vmem>>, vector<1x16xf32>,
    %get3A_1870 = arith.constant 16 : i32
    %get3A_1871 = arith.index_cast %get3A_1870 : i32 to index
    %get3A_1872 = arith.constant 0 : index
    %get3A_1873 = tpu.vector_load %arg8[%get3A_1871, %get3A_1872] {strides = array<i32>} : memref<32x16xf32, #tpu.memory_space<vmem>>, vector<1x16xf32>,
    %get3A_1874 = vector.shape_cast %get3A_1873 : vector<1x16xf32> to vector<16xf32>
    %broadcast_in_dim3A_1875 = arith.constant 0.000000e+00 : f32
    %broadcast_in_dim3A_1876 = vector.broadcast %broadcast_in_dim3A_1875 : f32 to vector<16xf32>
    %get3A_1877 = arith.constant 160 : i32
    %get3A_1878 = arith.index_cast %get3A_1877 : i32 to index
    %get3A_1879 = arith.constant 0 : index
    %get3A_1880 = tpu.vector_load %arg7[%get3A_1878, %get3A_1879] {strides = array<i32>} : memref<320x16xf32, #tpu.memory_space<vmem>>, vector<1x16xf32>,
    %get3A_1881 = vector.shape_cast %get3A_1880 : vector<1x16xf32> to vector<16xf32>
    %exp3A_1882 = math.exp %get3A_1881 : vector<16xf32>
    %sub3A_1883 = arith.subf %get3A_1881, %get3A_1874 : vector<16xf32>
    %mul3A_1884 = arith.mulf %exp3A_1882, %sub3A_1883 : vector<16xf32>
    %sub3A_1885 = arith.subf %mul3A_1884, %exp3A_1882 : vector<16xf32>
    %add3A_1886 = arith.addf %broadcast_in_dim3A_1876, %sub3A_1885 : vector<16xf32>
    %get3A_1887 = arith.constant 161 : i32
    %get3A_1888 = arith.index_cast %get3A_1887 : i32 to index
    %get3A_1889 = arith.constant 0 : index
    %get3A_1890 = tpu.vector_load %arg7[%get3A_1888, %get3A_1889] {strides = array<i32>} : memref<320x16xf32, #tpu.memory_space<vmem>>, vector<1x16xf32>,
    %get3A_1891 = vector.shape_cast %get3A_1890 : vector<1x16xf32> to vector<16xf32>
    %exp3A_1892 = math.exp %get3A_1891 : vector<16xf32>
    %sub3A_1893 = arith.subf %get3A_1891, %get3A_1874 : vector<16xf32>
    %mul3A_1894 = arith.mulf %exp3A_1892, %sub3A_1893 : vector<16xf32>
    %sub3A_1895 = arith.subf %mul3A_1894, %exp3A_1892 : vector<16xf32>
    %add3A_1896 = arith.addf %add3A_1886, %sub3A_1895 : vector<16xf32>
    %get3A_1897 = arith.constant 162 : i32
    %get3A_1898 = arith.index_cast %get3A_1897 : i32 to index
    %get3A_1899 = arith.constant 0 : index
    %get3A_1900 = tpu.vector_load %arg7[%get3A_1898, %get3A_1899] {strides = array<i32>} : memref<320x16xf32, #tpu.memory_space<vmem>>, vector<1x16xf32>,
    %get3A_1901 = vector.shape_cast %get3A_1900 : vector<1x16xf32> to vector<16xf32>
    %exp3A_1902 = math.exp %get3A_1901 : vector<16xf32>
    %sub3A_1903 = arith.subf %get3A_1901, %get3A_1874 : vector<16xf32>
    %mul3A_1904 = arith.mulf %exp3A_1902, %sub3A_1903 : vector<16xf32>
    %sub3A_1905 = arith.subf %mul3A_1904, %exp3A_1902 : vector<16xf32>
    %add3A_1906 = arith.addf %add3A_1896, %sub3A_1905 : vector<16xf32>
    %get3A_1907 = arith.constant 163 : i32
    %get3A_1908 = arith.index_cast %get3A_1907 : i32 to index
    %get3A_1909 = arith.constant 0 : index
    %get3A_1910 = tpu.vector_load %arg7[%get3A_1908, %get3A_1909] {strides = array<i32>} : memref<320x16xf32, #tpu.memory_space<vmem>>, vector<1x16xf32>,
    %get3A_1911 = vector.shape_cast %get3A_1910 : vector<1x16xf32> to vector<16xf32>
    %exp3A_1912 = math.exp %get3A_1911 : vector<16xf32>
    %sub3A_1913 = arith.subf %get3A_1911, %get3A_1874 : vector<16xf32>
    %mul3A_1914 = arith.mulf %exp3A_1912, %sub3A_1913 : vector<16xf32>
    %sub3A_1915 = arith.subf %mul3A_1914, %exp3A_1912 : vector<16xf32>
    %add3A_1916 = arith.addf %add3A_1906, %sub3A_1915 : vector<16xf32>
    %get3A_1917 = arith.constant 164 : i32
    %get3A_1918 = arith.index_cast %get3A_1917 : i32 to index
    %get3A_1919 = arith.constant 0 : index
    %get3A_1920 = tpu.vector_load %arg7[%get3A_1918, %get3A_1919] {strides = array<i32>} : memref<320x16xf32, #tpu.memory_space<vmem>>, vector<1x16xf32>,
    %get3A_1921 = vector.shape_cast %get3A_1920 : vector<1x16xf32> to vector<16xf32>
    %exp3A_1922 = math.exp %get3A_1921 : vector<16xf32>
    %sub3A_1923 = arith.subf %get3A_1921, %get3A_1874 : vector<16xf32>
    %mul3A_1924 = arith.mulf %exp3A_1922, %sub3A_1923 : vector<16xf32>
    %sub3A_1925 = arith.subf %mul3A_1924, %exp3A_1922 : vector<16xf32>
    %add3A_1926 = arith.addf %add3A_1916, %sub3A_1925 : vector<16xf32>
    %get3A_1927 = arith.constant 165 : i32
    %get3A_1928 = arith.index_cast %get3A_1927 : i32 to index
    %get3A_1929 = arith.constant 0 : index
    %get3A_1930 = tpu.vector_load %arg7[%get3A_1928, %get3A_1929] {strides = array<i32>} : memref<320x16xf32, #tpu.memory_space<vmem>>, vector<1x16xf32>,
    %get3A_1931 = vector.shape_cast %get3A_1930 : vector<1x16xf32> to vector<16xf32>
    %exp3A_1932 = math.exp %get3A_1931 : vector<16xf32>
    %sub3A_1933 = arith.subf %get3A_1931, %get3A_1874 : vector<16xf32>
    %mul3A_1934 = arith.mulf %exp3A_1932, %sub3A_1933 : vector<16xf32>
    %sub3A_1935 = arith.subf %mul3A_1934, %exp3A_1932 : vector<16xf32>
    %add3A_1936 = arith.addf %add3A_1926, %sub3A_1935 : vector<16xf32>
    %get3A_1937 = arith.constant 166 : i32
    %get3A_1938 = arith.index_cast %get3A_1937 : i32 to index
    %get3A_1939 = arith.constant 0 : index
    %get3A_1940 = tpu.vector_load %arg7[%get3A_1938, %get3A_1939] {strides = array<i32>} : memref<320x16xf32, #tpu.memory_space<vmem>>, vector<1x16xf32>,
    %get3A_1941 = vector.shape_cast %get3A_1940 : vector<1x16xf32> to vector<16xf32>
    %exp3A_1942 = math.exp %get3A_1941 : vector<16xf32>
    %sub3A_1943 = arith.subf %get3A_1941, %get3A_1874 : vector<16xf32>
    %mul3A_1944 = arith.mulf %exp3A_1942, %sub3A_1943 : vector<16xf32>
    %sub3A_1945 = arith.subf %mul3A_1944, %exp3A_1942 : vector<16xf32>
    %add3A_1946 = arith.addf %add3A_1936, %sub3A_1945 : vector<16xf32>
    %get3A_1947 = arith.constant 167 : i32
    %get3A_1948 = arith.index_cast %get3A_1947 : i32 to index
    %get3A_1949 = arith.constant 0 : index
    %get3A_1950 = tpu.vector_load %arg7[%get3A_1948, %get3A_1949] {strides = array<i32>} : memref<320x16xf32, #tpu.memory_space<vmem>>, vector<1x16xf32>,
    %get3A_1951 = vector.shape_cast %get3A_1950 : vector<1x16xf32> to vector<16xf32>
    %exp3A_1952 = math.exp %get3A_1951 : vector<16xf32>
    %sub3A_1953 = arith.subf %get3A_1951, %get3A_1874 : vector<16xf32>
    %mul3A_1954 = arith.mulf %exp3A_1952, %sub3A_1953 : vector<16xf32>
    %sub3A_1955 = arith.subf %mul3A_1954, %exp3A_1952 : vector<16xf32>
    %add3A_1956 = arith.addf %add3A_1946, %sub3A_1955 : vector<16xf32>
    %get3A_1957 = arith.constant 168 : i32
    %get3A_1958 = arith.index_cast %get3A_1957 : i32 to index
    %get3A_1959 = arith.constant 0 : index
    %get3A_1960 = tpu.vector_load %arg7[%get3A_1958, %get3A_1959] {strides = array<i32>} : memref<320x16xf32, #tpu.memory_space<vmem>>, vector<1x16xf32>,
    %get3A_1961 = vector.shape_cast %get3A_1960 : vector<1x16xf32> to vector<16xf32>
    %exp3A_1962 = math.exp %get3A_1961 : vector<16xf32>
    %sub3A_1963 = arith.subf %get3A_1961, %get3A_1874 : vector<16xf32>
    %mul3A_1964 = arith.mulf %exp3A_1962, %sub3A_1963 : vector<16xf32>
    %sub3A_1965 = arith.subf %mul3A_1964, %exp3A_1962 : vector<16xf32>
    %add3A_1966 = arith.addf %add3A_1956, %sub3A_1965 : vector<16xf32>
    %get3A_1967 = arith.constant 169 : i32
    %get3A_1968 = arith.index_cast %get3A_1967 : i32 to index
    %get3A_1969 = arith.constant 0 : index
    %get3A_1970 = tpu.vector_load %arg7[%get3A_1968, %get3A_1969] {strides = array<i32>} : memref<320x16xf32, #tpu.memory_space<vmem>>, vector<1x16xf32>,
    %get3A_1971 = vector.shape_cast %get3A_1970 : vector<1x16xf32> to vector<16xf32>
    %exp3A_1972 = math.exp %get3A_1971 : vector<16xf32>
    %sub3A_1973 = arith.subf %get3A_1971, %get3A_1874 : vector<16xf32>
    %mul3A_1974 = arith.mulf %exp3A_1972, %sub3A_1973 : vector<16xf32>
    %sub3A_1975 = arith.subf %mul3A_1974, %exp3A_1972 : vector<16xf32>
    %add3A_1976 = arith.addf %add3A_1966, %sub3A_1975 : vector<16xf32>
    %swap3A_1977 = arith.constant 16 : i32
    %swap3A_1978 = arith.index_cast %swap3A_1977 : i32 to index
    %swap3A_1979 = arith.constant 0 : index
    %swap3A_1980 = tpu.vector_load %arg9[%swap3A_1978, %swap3A_1979] {strides = array<i32>} : memref<32x16xf32, #tpu.memory_space<vmem>>, vector<1x16xf32>,
    %swap3A_1981 = vector.shape_cast %swap3A_1980 : vector<1x16xf32> to vector<16xf32>
    %swap3A_1982 = vector.shape_cast %add3A_1976 : vector<16xf32> to vector<1x16xf32>
    tpu.vector_store %arg9[%swap3A_1978, %swap3A_1979], %swap3A_1982 {strides = array<i32>} : memref<32x16xf32, #tpu.memory_space<vmem>>, vector<1x16xf32>,
    %get3A_1983 = arith.constant 17 : i32
    %get3A_1984 = arith.index_cast %get3A_1983 : i32 to index
    %get3A_1985 = arith.constant 0 : index
    %get3A_1986 = tpu.vector_load %arg8[%get3A_1984, %get3A_1985] {strides = array<i32>} : memref<32x16xf32, #tpu.memory_space<vmem>>, vector<1x16xf32>,
    %get3A_1987 = vector.shape_cast %get3A_1986 : vector<1x16xf32> to vector<16xf32>
    %broadcast_in_dim3A_1988 = arith.constant 0.000000e+00 : f32
    %broadcast_in_dim3A_1989 = vector.broadcast %broadcast_in_dim3A_1988 : f32 to vector<16xf32>
    %get3A_1990 = arith.constant 170 : i32
    %get3A_1991 = arith.index_cast %get3A_1990 : i32 to index
    %get3A_1992 = arith.constant 0 : index
    %get3A_1993 = tpu.vector_load %arg7[%get3A_1991, %get3A_1992] {strides = array<i32>} : memref<320x16xf32, #tpu.memory_space<vmem>>, vector<1x16xf32>,
    %get3A_1994 = vector.shape_cast %get3A_1993 : vector<1x16xf32> to vector<16xf32>
    %exp3A_1995 = math.exp %get3A_1994 : vector<16xf32>
    %sub3A_1996 = arith.subf %get3A_1994, %get3A_1987 : vector<16xf32>
    %mul3A_1997 = arith.mulf %exp3A_1995, %sub3A_1996 : vector<16xf32>
    %sub3A_1998 = arith.subf %mul3A_1997, %exp3A_1995 : vector<16xf32>
    %add3A_1999 = arith.addf %broadcast_in_dim3A_1989, %sub3A_1998 : vector<16xf32>
    %get3A_2000 = arith.constant 171 : i32
    %get3A_2001 = arith.index_cast %get3A_2000 : i32 to index
    %get3A_2002 = arith.constant 0 : index
    %get3A_2003 = tpu.vector_load %arg7[%get3A_2001, %get3A_2002] {strides = array<i32>} : memref<320x16xf32, #tpu.memory_space<vmem>>, vector<1x16xf32>,
    %get3A_2004 = vector.shape_cast %get3A_2003 : vector<1x16xf32> to vector<16xf32>
    %exp3A_2005 = math.exp %get3A_2004 : vector<16xf32>
    %sub3A_2006 = arith.subf %get3A_2004, %get3A_1987 : vector<16xf32>
    %mul3A_2007 = arith.mulf %exp3A_2005, %sub3A_2006 : vector<16xf32>
    %sub3A_2008 = arith.subf %mul3A_2007, %exp3A_2005 : vector<16xf32>
    %add3A_2009 = arith.addf %add3A_1999, %sub3A_2008 : vector<16xf32>
    %get3A_2010 = arith.constant 172 : i32
    %get3A_2011 = arith.index_cast %get3A_2010 : i32 to index
    %get3A_2012 = arith.constant 0 : index
    %get3A_2013 = tpu.vector_load %arg7[%get3A_2011, %get3A_2012] {strides = array<i32>} : memref<320x16xf32, #tpu.memory_space<vmem>>, vector<1x16xf32>,
    %get3A_2014 = vector.shape_cast %get3A_2013 : vector<1x16xf32> to vector<16xf32>
    %exp3A_2015 = math.exp %get3A_2014 : vector<16xf32>
    %sub3A_2016 = arith.subf %get3A_2014, %get3A_1987 : vector<16xf32>
    %mul3A_2017 = arith.mulf %exp3A_2015, %sub3A_2016 : vector<16xf32>
    %sub3A_2018 = arith.subf %mul3A_2017, %exp3A_2015 : vector<16xf32>
    %add3A_2019 = arith.addf %add3A_2009, %sub3A_2018 : vector<16xf32>
    %get3A_2020 = arith.constant 173 : i32
    %get3A_2021 = arith.index_cast %get3A_2020 : i32 to index
    %get3A_2022 = arith.constant 0 : index
    %get3A_2023 = tpu.vector_load %arg7[%get3A_2021, %get3A_2022] {strides = array<i32>} : memref<320x16xf32, #tpu.memory_space<vmem>>, vector<1x16xf32>,
    %get3A_2024 = vector.shape_cast %get3A_2023 : vector<1x16xf32> to vector<16xf32>
    %exp3A_2025 = math.exp %get3A_2024 : vector<16xf32>
    %sub3A_2026 = arith.subf %get3A_2024, %get3A_1987 : vector<16xf32>
    %mul3A_2027 = arith.mulf %exp3A_2025, %sub3A_2026 : vector<16xf32>
    %sub3A_2028 = arith.subf %mul3A_2027, %exp3A_2025 : vector<16xf32>
    %add3A_2029 = arith.addf %add3A_2019, %sub3A_2028 : vector<16xf32>
    %get3A_2030 = arith.constant 174 : i32
    %get3A_2031 = arith.index_cast %get3A_2030 : i32 to index
    %get3A_2032 = arith.constant 0 : index
    %get3A_2033 = tpu.vector_load %arg7[%get3A_2031, %get3A_2032] {strides = array<i32>} : memref<320x16xf32, #tpu.memory_space<vmem>>, vector<1x16xf32>,
    %get3A_2034 = vector.shape_cast %get3A_2033 : vector<1x16xf32> to vector<16xf32>
    %exp3A_2035 = math.exp %get3A_2034 : vector<16xf32>
    %sub3A_2036 = arith.subf %get3A_2034, %get3A_1987 : vector<16xf32>
    %mul3A_2037 = arith.mulf %exp3A_2035, %sub3A_2036 : vector<16xf32>
    %sub3A_2038 = arith.subf %mul3A_2037, %exp3A_2035 : vector<16xf32>
    %add3A_2039 = arith.addf %add3A_2029, %sub3A_2038 : vector<16xf32>
    %get3A_2040 = arith.constant 175 : i32
    %get3A_2041 = arith.index_cast %get3A_2040 : i32 to index
    %get3A_2042 = arith.constant 0 : index
    %get3A_2043 = tpu.vector_load %arg7[%get3A_2041, %get3A_2042] {strides = array<i32>} : memref<320x16xf32, #tpu.memory_space<vmem>>, vector<1x16xf32>,
    %get3A_2044 = vector.shape_cast %get3A_2043 : vector<1x16xf32> to vector<16xf32>
    %exp3A_2045 = math.exp %get3A_2044 : vector<16xf32>
    %sub3A_2046 = arith.subf %get3A_2044, %get3A_1987 : vector<16xf32>
    %mul3A_2047 = arith.mulf %exp3A_2045, %sub3A_2046 : vector<16xf32>
    %sub3A_2048 = arith.subf %mul3A_2047, %exp3A_2045 : vector<16xf32>
    %add3A_2049 = arith.addf %add3A_2039, %sub3A_2048 : vector<16xf32>
    %get3A_2050 = arith.constant 176 : i32
    %get3A_2051 = arith.index_cast %get3A_2050 : i32 to index
    %get3A_2052 = arith.constant 0 : index
    %get3A_2053 = tpu.vector_load %arg7[%get3A_2051, %get3A_2052] {strides = array<i32>} : memref<320x16xf32, #tpu.memory_space<vmem>>, vector<1x16xf32>,
    %get3A_2054 = vector.shape_cast %get3A_2053 : vector<1x16xf32> to vector<16xf32>
    %exp3A_2055 = math.exp %get3A_2054 : vector<16xf32>
    %sub3A_2056 = arith.subf %get3A_2054, %get3A_1987 : vector<16xf32>
    %mul3A_2057 = arith.mulf %exp3A_2055, %sub3A_2056 : vector<16xf32>
    %sub3A_2058 = arith.subf %mul3A_2057, %exp3A_2055 : vector<16xf32>
    %add3A_2059 = arith.addf %add3A_2049, %sub3A_2058 : vector<16xf32>
    %get3A_2060 = arith.constant 177 : i32
    %get3A_2061 = arith.index_cast %get3A_2060 : i32 to index
    %get3A_2062 = arith.constant 0 : index
    %get3A_2063 = tpu.vector_load %arg7[%get3A_2061, %get3A_2062] {strides = array<i32>} : memref<320x16xf32, #tpu.memory_space<vmem>>, vector<1x16xf32>,
    %get3A_2064 = vector.shape_cast %get3A_2063 : vector<1x16xf32> to vector<16xf32>
    %exp3A_2065 = math.exp %get3A_2064 : vector<16xf32>
    %sub3A_2066 = arith.subf %get3A_2064, %get3A_1987 : vector<16xf32>
    %mul3A_2067 = arith.mulf %exp3A_2065, %sub3A_2066 : vector<16xf32>
    %sub3A_2068 = arith.subf %mul3A_2067, %exp3A_2065 : vector<16xf32>
    %add3A_2069 = arith.addf %add3A_2059, %sub3A_2068 : vector<16xf32>
    %get3A_2070 = arith.constant 178 : i32
    %get3A_2071 = arith.index_cast %get3A_2070 : i32 to index
    %get3A_2072 = arith.constant 0 : index
    %get3A_2073 = tpu.vector_load %arg7[%get3A_2071, %get3A_2072] {strides = array<i32>} : memref<320x16xf32, #tpu.memory_space<vmem>>, vector<1x16xf32>,
    %get3A_2074 = vector.shape_cast %get3A_2073 : vector<1x16xf32> to vector<16xf32>
    %exp3A_2075 = math.exp %get3A_2074 : vector<16xf32>
    %sub3A_2076 = arith.subf %get3A_2074, %get3A_1987 : vector<16xf32>
    %mul3A_2077 = arith.mulf %exp3A_2075, %sub3A_2076 : vector<16xf32>
    %sub3A_2078 = arith.subf %mul3A_2077, %exp3A_2075 : vector<16xf32>
    %add3A_2079 = arith.addf %add3A_2069, %sub3A_2078 : vector<16xf32>
    %get3A_2080 = arith.constant 179 : i32
    %get3A_2081 = arith.index_cast %get3A_2080 : i32 to index
    %get3A_2082 = arith.constant 0 : index
    %get3A_2083 = tpu.vector_load %arg7[%get3A_2081, %get3A_2082] {strides = array<i32>} : memref<320x16xf32, #tpu.memory_space<vmem>>, vector<1x16xf32>,
    %get3A_2084 = vector.shape_cast %get3A_2083 : vector<1x16xf32> to vector<16xf32>
    %exp3A_2085 = math.exp %get3A_2084 : vector<16xf32>
    %sub3A_2086 = arith.subf %get3A_2084, %get3A_1987 : vector<16xf32>
    %mul3A_2087 = arith.mulf %exp3A_2085, %sub3A_2086 : vector<16xf32>
    %sub3A_2088 = arith.subf %mul3A_2087, %exp3A_2085 : vector<16xf32>
    %add3A_2089 = arith.addf %add3A_2079, %sub3A_2088 : vector<16xf32>
    %swap3A_2090 = arith.constant 17 : i32
    %swap3A_2091 = arith.index_cast %swap3A_2090 : i32 to index
    %swap3A_2092 = arith.constant 0 : index
    %swap3A_2093 = tpu.vector_load %arg9[%swap3A_2091, %swap3A_2092] {strides = array<i32>} : memref<32x16xf32, #tpu.memory_space<vmem>>, vector<1x16xf32>,
    %swap3A_2094 = vector.shape_cast %swap3A_2093 : vector<1x16xf32> to vector<16xf32>
    %swap3A_2095 = vector.shape_cast %add3A_2089 : vector<16xf32> to vector<1x16xf32>
    tpu.vector_store %arg9[%swap3A_2091, %swap3A_2092], %swap3A_2095 {strides = array<i32>} : memref<32x16xf32, #tpu.memory_space<vmem>>, vector<1x16xf32>,
    %get3A_2096 = arith.constant 18 : i32
    %get3A_2097 = arith.index_cast %get3A_2096 : i32 to index
    %get3A_2098 = arith.constant 0 : index
    %get3A_2099 = tpu.vector_load %arg8[%get3A_2097, %get3A_2098] {strides = array<i32>} : memref<32x16xf32, #tpu.memory_space<vmem>>, vector<1x16xf32>,
    %get3A_2100 = vector.shape_cast %get3A_2099 : vector<1x16xf32> to vector<16xf32>
    %broadcast_in_dim3A_2101 = arith.constant 0.000000e+00 : f32
    %broadcast_in_dim3A_2102 = vector.broadcast %broadcast_in_dim3A_2101 : f32 to vector<16xf32>
    %get3A_2103 = arith.constant 180 : i32
    %get3A_2104 = arith.index_cast %get3A_2103 : i32 to index
    %get3A_2105 = arith.constant 0 : index
    %get3A_2106 = tpu.vector_load %arg7[%get3A_2104, %get3A_2105] {strides = array<i32>} : memref<320x16xf32, #tpu.memory_space<vmem>>, vector<1x16xf32>,
    %get3A_2107 = vector.shape_cast %get3A_2106 : vector<1x16xf32> to vector<16xf32>
    %exp3A_2108 = math.exp %get3A_2107 : vector<16xf32>
    %sub3A_2109 = arith.subf %get3A_2107, %get3A_2100 : vector<16xf32>
    %mul3A_2110 = arith.mulf %exp3A_2108, %sub3A_2109 : vector<16xf32>
    %sub3A_2111 = arith.subf %mul3A_2110, %exp3A_2108 : vector<16xf32>
    %add3A_2112 = arith.addf %broadcast_in_dim3A_2102, %sub3A_2111 : vector<16xf32>
    %get3A_2113 = arith.constant 181 : i32
    %get3A_2114 = arith.index_cast %get3A_2113 : i32 to index
    %get3A_2115 = arith.constant 0 : index
    %get3A_2116 = tpu.vector_load %arg7[%get3A_2114, %get3A_2115] {strides = array<i32>} : memref<320x16xf32, #tpu.memory_space<vmem>>, vector<1x16xf32>,
    %get3A_2117 = vector.shape_cast %get3A_2116 : vector<1x16xf32> to vector<16xf32>
    %exp3A_2118 = math.exp %get3A_2117 : vector<16xf32>
    %sub3A_2119 = arith.subf %get3A_2117, %get3A_2100 : vector<16xf32>
    %mul3A_2120 = arith.mulf %exp3A_2118, %sub3A_2119 : vector<16xf32>
    %sub3A_2121 = arith.subf %mul3A_2120, %exp3A_2118 : vector<16xf32>
    %add3A_2122 = arith.addf %add3A_2112, %sub3A_2121 : vector<16xf32>
    %get3A_2123 = arith.constant 182 : i32
    %get3A_2124 = arith.index_cast %get3A_2123 : i32 to index
    %get3A_2125 = arith.constant 0 : index
    %get3A_2126 = tpu.vector_load %arg7[%get3A_2124, %get3A_2125] {strides = array<i32>} : memref<320x16xf32, #tpu.memory_space<vmem>>, vector<1x16xf32>,
    %get3A_2127 = vector.shape_cast %get3A_2126 : vector<1x16xf32> to vector<16xf32>
    %exp3A_2128 = math.exp %get3A_2127 : vector<16xf32>
    %sub3A_2129 = arith.subf %get3A_2127, %get3A_2100 : vector<16xf32>
    %mul3A_2130 = arith.mulf %exp3A_2128, %sub3A_2129 : vector<16xf32>
    %sub3A_2131 = arith.subf %mul3A_2130, %exp3A_2128 : vector<16xf32>
    %add3A_2132 = arith.addf %add3A_2122, %sub3A_2131 : vector<16xf32>
    %get3A_2133 = arith.constant 183 : i32
    %get3A_2134 = arith.index_cast %get3A_2133 : i32 to index
    %get3A_2135 = arith.constant 0 : index
    %get3A_2136 = tpu.vector_load %arg7[%get3A_2134, %get3A_2135] {strides = array<i32>} : memref<320x16xf32, #tpu.memory_space<vmem>>, vector<1x16xf32>,
    %get3A_2137 = vector.shape_cast %get3A_2136 : vector<1x16xf32> to vector<16xf32>
    %exp3A_2138 = math.exp %get3A_2137 : vector<16xf32>
    %sub3A_2139 = arith.subf %get3A_2137, %get3A_2100 : vector<16xf32>
    %mul3A_2140 = arith.mulf %exp3A_2138, %sub3A_2139 : vector<16xf32>
    %sub3A_2141 = arith.subf %mul3A_2140, %exp3A_2138 : vector<16xf32>
    %add3A_2142 = arith.addf %add3A_2132, %sub3A_2141 : vector<16xf32>
    %get3A_2143 = arith.constant 184 : i32
    %get3A_2144 = arith.index_cast %get3A_2143 : i32 to index
    %get3A_2145 = arith.constant 0 : index
    %get3A_2146 = tpu.vector_load %arg7[%get3A_2144, %get3A_2145] {strides = array<i32>} : memref<320x16xf32, #tpu.memory_space<vmem>>, vector<1x16xf32>,
    %get3A_2147 = vector.shape_cast %get3A_2146 : vector<1x16xf32> to vector<16xf32>
    %exp3A_2148 = math.exp %get3A_2147 : vector<16xf32>
    %sub3A_2149 = arith.subf %get3A_2147, %get3A_2100 : vector<16xf32>
    %mul3A_2150 = arith.mulf %exp3A_2148, %sub3A_2149 : vector<16xf32>
    %sub3A_2151 = arith.subf %mul3A_2150, %exp3A_2148 : vector<16xf32>
    %add3A_2152 = arith.addf %add3A_2142, %sub3A_2151 : vector<16xf32>
    %get3A_2153 = arith.constant 185 : i32
    %get3A_2154 = arith.index_cast %get3A_2153 : i32 to index
    %get3A_2155 = arith.constant 0 : index
    %get3A_2156 = tpu.vector_load %arg7[%get3A_2154, %get3A_2155] {strides = array<i32>} : memref<320x16xf32, #tpu.memory_space<vmem>>, vector<1x16xf32>,
    %get3A_2157 = vector.shape_cast %get3A_2156 : vector<1x16xf32> to vector<16xf32>
    %exp3A_2158 = math.exp %get3A_2157 : vector<16xf32>
    %sub3A_2159 = arith.subf %get3A_2157, %get3A_2100 : vector<16xf32>
    %mul3A_2160 = arith.mulf %exp3A_2158, %sub3A_2159 : vector<16xf32>
    %sub3A_2161 = arith.subf %mul3A_2160, %exp3A_2158 : vector<16xf32>
    %add3A_2162 = arith.addf %add3A_2152, %sub3A_2161 : vector<16xf32>
    %get3A_2163 = arith.constant 186 : i32
    %get3A_2164 = arith.index_cast %get3A_2163 : i32 to index
    %get3A_2165 = arith.constant 0 : index
    %get3A_2166 = tpu.vector_load %arg7[%get3A_2164, %get3A_2165] {strides = array<i32>} : memref<320x16xf32, #tpu.memory_space<vmem>>, vector<1x16xf32>,
    %get3A_2167 = vector.shape_cast %get3A_2166 : vector<1x16xf32> to vector<16xf32>
    %exp3A_2168 = math.exp %get3A_2167 : vector<16xf32>
    %sub3A_2169 = arith.subf %get3A_2167, %get3A_2100 : vector<16xf32>
    %mul3A_2170 = arith.mulf %exp3A_2168, %sub3A_2169 : vector<16xf32>
    %sub3A_2171 = arith.subf %mul3A_2170, %exp3A_2168 : vector<16xf32>
    %add3A_2172 = arith.addf %add3A_2162, %sub3A_2171 : vector<16xf32>
    %get3A_2173 = arith.constant 187 : i32
    %get3A_2174 = arith.index_cast %get3A_2173 : i32 to index
    %get3A_2175 = arith.constant 0 : index
    %get3A_2176 = tpu.vector_load %arg7[%get3A_2174, %get3A_2175] {strides = array<i32>} : memref<320x16xf32, #tpu.memory_space<vmem>>, vector<1x16xf32>,
    %get3A_2177 = vector.shape_cast %get3A_2176 : vector<1x16xf32> to vector<16xf32>
    %exp3A_2178 = math.exp %get3A_2177 : vector<16xf32>
    %sub3A_2179 = arith.subf %get3A_2177, %get3A_2100 : vector<16xf32>
    %mul3A_2180 = arith.mulf %exp3A_2178, %sub3A_2179 : vector<16xf32>
    %sub3A_2181 = arith.subf %mul3A_2180, %exp3A_2178 : vector<16xf32>
    %add3A_2182 = arith.addf %add3A_2172, %sub3A_2181 : vector<16xf32>
    %get3A_2183 = arith.constant 188 : i32
    %get3A_2184 = arith.index_cast %get3A_2183 : i32 to index
    %get3A_2185 = arith.constant 0 : index
    %get3A_2186 = tpu.vector_load %arg7[%get3A_2184, %get3A_2185] {strides = array<i32>} : memref<320x16xf32, #tpu.memory_space<vmem>>, vector<1x16xf32>,
    %get3A_2187 = vector.shape_cast %get3A_2186 : vector<1x16xf32> to vector<16xf32>
    %exp3A_2188 = math.exp %get3A_2187 : vector<16xf32>
    %sub3A_2189 = arith.subf %get3A_2187, %get3A_2100 : vector<16xf32>
    %mul3A_2190 = arith.mulf %exp3A_2188, %sub3A_2189 : vector<16xf32>
    %sub3A_2191 = arith.subf %mul3A_2190, %exp3A_2188 : vector<16xf32>
    %add3A_2192 = arith.addf %add3A_2182, %sub3A_2191 : vector<16xf32>
    %get3A_2193 = arith.constant 189 : i32
    %get3A_2194 = arith.index_cast %get3A_2193 : i32 to index
    %get3A_2195 = arith.constant 0 : index
    %get3A_2196 = tpu.vector_load %arg7[%get3A_2194, %get3A_2195] {strides = array<i32>} : memref<320x16xf32, #tpu.memory_space<vmem>>, vector<1x16xf32>,
    %get3A_2197 = vector.shape_cast %get3A_2196 : vector<1x16xf32> to vector<16xf32>
    %exp3A_2198 = math.exp %get3A_2197 : vector<16xf32>
    %sub3A_2199 = arith.subf %get3A_2197, %get3A_2100 : vector<16xf32>
    %mul3A_2200 = arith.mulf %exp3A_2198, %sub3A_2199 : vector<16xf32>
    %sub3A_2201 = arith.subf %mul3A_2200, %exp3A_2198 : vector<16xf32>
    %add3A_2202 = arith.addf %add3A_2192, %sub3A_2201 : vector<16xf32>
    %swap3A_2203 = arith.constant 18 : i32
    %swap3A_2204 = arith.index_cast %swap3A_2203 : i32 to index
    %swap3A_2205 = arith.constant 0 : index
    %swap3A_2206 = tpu.vector_load %arg9[%swap3A_2204, %swap3A_2205] {strides = array<i32>} : memref<32x16xf32, #tpu.memory_space<vmem>>, vector<1x16xf32>,
    %swap3A_2207 = vector.shape_cast %swap3A_2206 : vector<1x16xf32> to vector<16xf32>
    %swap3A_2208 = vector.shape_cast %add3A_2202 : vector<16xf32> to vector<1x16xf32>
    tpu.vector_store %arg9[%swap3A_2204, %swap3A_2205], %swap3A_2208 {strides = array<i32>} : memref<32x16xf32, #tpu.memory_space<vmem>>, vector<1x16xf32>,
    %get3A_2209 = arith.constant 19 : i32
    %get3A_2210 = arith.index_cast %get3A_2209 : i32 to index
    %get3A_2211 = arith.constant 0 : index
    %get3A_2212 = tpu.vector_load %arg8[%get3A_2210, %get3A_2211] {strides = array<i32>} : memref<32x16xf32, #tpu.memory_space<vmem>>, vector<1x16xf32>,
    %get3A_2213 = vector.shape_cast %get3A_2212 : vector<1x16xf32> to vector<16xf32>
    %broadcast_in_dim3A_2214 = arith.constant 0.000000e+00 : f32
    %broadcast_in_dim3A_2215 = vector.broadcast %broadcast_in_dim3A_2214 : f32 to vector<16xf32>
    %get3A_2216 = arith.constant 190 : i32
    %get3A_2217 = arith.index_cast %get3A_2216 : i32 to index
    %get3A_2218 = arith.constant 0 : index
    %get3A_2219 = tpu.vector_load %arg7[%get3A_2217, %get3A_2218] {strides = array<i32>} : memref<320x16xf32, #tpu.memory_space<vmem>>, vector<1x16xf32>,
    %get3A_2220 = vector.shape_cast %get3A_2219 : vector<1x16xf32> to vector<16xf32>
    %exp3A_2221 = math.exp %get3A_2220 : vector<16xf32>
    %sub3A_2222 = arith.subf %get3A_2220, %get3A_2213 : vector<16xf32>
    %mul3A_2223 = arith.mulf %exp3A_2221, %sub3A_2222 : vector<16xf32>
    %sub3A_2224 = arith.subf %mul3A_2223, %exp3A_2221 : vector<16xf32>
    %add3A_2225 = arith.addf %broadcast_in_dim3A_2215, %sub3A_2224 : vector<16xf32>
    %get3A_2226 = arith.constant 191 : i32
    %get3A_2227 = arith.index_cast %get3A_2226 : i32 to index
    %get3A_2228 = arith.constant 0 : index
    %get3A_2229 = tpu.vector_load %arg7[%get3A_2227, %get3A_2228] {strides = array<i32>} : memref<320x16xf32, #tpu.memory_space<vmem>>, vector<1x16xf32>,
    %get3A_2230 = vector.shape_cast %get3A_2229 : vector<1x16xf32> to vector<16xf32>
    %exp3A_2231 = math.exp %get3A_2230 : vector<16xf32>
    %sub3A_2232 = arith.subf %get3A_2230, %get3A_2213 : vector<16xf32>
    %mul3A_2233 = arith.mulf %exp3A_2231, %sub3A_2232 : vector<16xf32>
    %sub3A_2234 = arith.subf %mul3A_2233, %exp3A_2231 : vector<16xf32>
    %add3A_2235 = arith.addf %add3A_2225, %sub3A_2234 : vector<16xf32>
    %get3A_2236 = arith.constant 192 : i32
    %get3A_2237 = arith.index_cast %get3A_2236 : i32 to index
    %get3A_2238 = arith.constant 0 : index
    %get3A_2239 = tpu.vector_load %arg7[%get3A_2237, %get3A_2238] {strides = array<i32>} : memref<320x16xf32, #tpu.memory_space<vmem>>, vector<1x16xf32>,
    %get3A_2240 = vector.shape_cast %get3A_2239 : vector<1x16xf32> to vector<16xf32>
    %exp3A_2241 = math.exp %get3A_2240 : vector<16xf32>
    %sub3A_2242 = arith.subf %get3A_2240, %get3A_2213 : vector<16xf32>
    %mul3A_2243 = arith.mulf %exp3A_2241, %sub3A_2242 : vector<16xf32>
    %sub3A_2244 = arith.subf %mul3A_2243, %exp3A_2241 : vector<16xf32>
    %add3A_2245 = arith.addf %add3A_2235, %sub3A_2244 : vector<16xf32>
    %get3A_2246 = arith.constant 193 : i32
    %get3A_2247 = arith.index_cast %get3A_2246 : i32 to index
    %get3A_2248 = arith.constant 0 : index
    %get3A_2249 = tpu.vector_load %arg7[%get3A_2247, %get3A_2248] {strides = array<i32>} : memref<320x16xf32, #tpu.memory_space<vmem>>, vector<1x16xf32>,
    %get3A_2250 = vector.shape_cast %get3A_2249 : vector<1x16xf32> to vector<16xf32>
    %exp3A_2251 = math.exp %get3A_2250 : vector<16xf32>
    %sub3A_2252 = arith.subf %get3A_2250, %get3A_2213 : vector<16xf32>
    %mul3A_2253 = arith.mulf %exp3A_2251, %sub3A_2252 : vector<16xf32>
    %sub3A_2254 = arith.subf %mul3A_2253, %exp3A_2251 : vector<16xf32>
    %add3A_2255 = arith.addf %add3A_2245, %sub3A_2254 : vector<16xf32>
    %get3A_2256 = arith.constant 194 : i32
    %get3A_2257 = arith.index_cast %get3A_2256 : i32 to index
    %get3A_2258 = arith.constant 0 : index
    %get3A_2259 = tpu.vector_load %arg7[%get3A_2257, %get3A_2258] {strides = array<i32>} : memref<320x16xf32, #tpu.memory_space<vmem>>, vector<1x16xf32>,
    %get3A_2260 = vector.shape_cast %get3A_2259 : vector<1x16xf32> to vector<16xf32>
    %exp3A_2261 = math.exp %get3A_2260 : vector<16xf32>
    %sub3A_2262 = arith.subf %get3A_2260, %get3A_2213 : vector<16xf32>
    %mul3A_2263 = arith.mulf %exp3A_2261, %sub3A_2262 : vector<16xf32>
    %sub3A_2264 = arith.subf %mul3A_2263, %exp3A_2261 : vector<16xf32>
    %add3A_2265 = arith.addf %add3A_2255, %sub3A_2264 : vector<16xf32>
    %get3A_2266 = arith.constant 195 : i32
    %get3A_2267 = arith.index_cast %get3A_2266 : i32 to index
    %get3A_2268 = arith.constant 0 : index
    %get3A_2269 = tpu.vector_load %arg7[%get3A_2267, %get3A_2268] {strides = array<i32>} : memref<320x16xf32, #tpu.memory_space<vmem>>, vector<1x16xf32>,
    %get3A_2270 = vector.shape_cast %get3A_2269 : vector<1x16xf32> to vector<16xf32>
    %exp3A_2271 = math.exp %get3A_2270 : vector<16xf32>
    %sub3A_2272 = arith.subf %get3A_2270, %get3A_2213 : vector<16xf32>
    %mul3A_2273 = arith.mulf %exp3A_2271, %sub3A_2272 : vector<16xf32>
    %sub3A_2274 = arith.subf %mul3A_2273, %exp3A_2271 : vector<16xf32>
    %add3A_2275 = arith.addf %add3A_2265, %sub3A_2274 : vector<16xf32>
    %get3A_2276 = arith.constant 196 : i32
    %get3A_2277 = arith.index_cast %get3A_2276 : i32 to index
    %get3A_2278 = arith.constant 0 : index
    %get3A_2279 = tpu.vector_load %arg7[%get3A_2277, %get3A_2278] {strides = array<i32>} : memref<320x16xf32, #tpu.memory_space<vmem>>, vector<1x16xf32>,
    %get3A_2280 = vector.shape_cast %get3A_2279 : vector<1x16xf32> to vector<16xf32>
    %exp3A_2281 = math.exp %get3A_2280 : vector<16xf32>
    %sub3A_2282 = arith.subf %get3A_2280, %get3A_2213 : vector<16xf32>
    %mul3A_2283 = arith.mulf %exp3A_2281, %sub3A_2282 : vector<16xf32>
    %sub3A_2284 = arith.subf %mul3A_2283, %exp3A_2281 : vector<16xf32>
    %add3A_2285 = arith.addf %add3A_2275, %sub3A_2284 : vector<16xf32>
    %get3A_2286 = arith.constant 197 : i32
    %get3A_2287 = arith.index_cast %get3A_2286 : i32 to index
    %get3A_2288 = arith.constant 0 : index
    %get3A_2289 = tpu.vector_load %arg7[%get3A_2287, %get3A_2288] {strides = array<i32>} : memref<320x16xf32, #tpu.memory_space<vmem>>, vector<1x16xf32>,
    %get3A_2290 = vector.shape_cast %get3A_2289 : vector<1x16xf32> to vector<16xf32>
    %exp3A_2291 = math.exp %get3A_2290 : vector<16xf32>
    %sub3A_2292 = arith.subf %get3A_2290, %get3A_2213 : vector<16xf32>
    %mul3A_2293 = arith.mulf %exp3A_2291, %sub3A_2292 : vector<16xf32>
    %sub3A_2294 = arith.subf %mul3A_2293, %exp3A_2291 : vector<16xf32>
    %add3A_2295 = arith.addf %add3A_2285, %sub3A_2294 : vector<16xf32>
    %get3A_2296 = arith.constant 198 : i32
    %get3A_2297 = arith.index_cast %get3A_2296 : i32 to index
    %get3A_2298 = arith.constant 0 : index
    %get3A_2299 = tpu.vector_load %arg7[%get3A_2297, %get3A_2298] {strides = array<i32>} : memref<320x16xf32, #tpu.memory_space<vmem>>, vector<1x16xf32>,
    %get3A_2300 = vector.shape_cast %get3A_2299 : vector<1x16xf32> to vector<16xf32>
    %exp3A_2301 = math.exp %get3A_2300 : vector<16xf32>
    %sub3A_2302 = arith.subf %get3A_2300, %get3A_2213 : vector<16xf32>
    %mul3A_2303 = arith.mulf %exp3A_2301, %sub3A_2302 : vector<16xf32>
    %sub3A_2304 = arith.subf %mul3A_2303, %exp3A_2301 : vector<16xf32>
    %add3A_2305 = arith.addf %add3A_2295, %sub3A_2304 : vector<16xf32>
    %get3A_2306 = arith.constant 199 : i32
    %get3A_2307 = arith.index_cast %get3A_2306 : i32 to index
    %get3A_2308 = arith.constant 0 : index
    %get3A_2309 = tpu.vector_load %arg7[%get3A_2307, %get3A_2308] {strides = array<i32>} : memref<320x16xf32, #tpu.memory_space<vmem>>, vector<1x16xf32>,
    %get3A_2310 = vector.shape_cast %get3A_2309 : vector<1x16xf32> to vector<16xf32>
    %exp3A_2311 = math.exp %get3A_2310 : vector<16xf32>
    %sub3A_2312 = arith.subf %get3A_2310, %get3A_2213 : vector<16xf32>
    %mul3A_2313 = arith.mulf %exp3A_2311, %sub3A_2312 : vector<16xf32>
    %sub3A_2314 = arith.subf %mul3A_2313, %exp3A_2311 : vector<16xf32>
    %add3A_2315 = arith.addf %add3A_2305, %sub3A_2314 : vector<16xf32>
    %swap3A_2316 = arith.constant 19 : i32
    %swap3A_2317 = arith.index_cast %swap3A_2316 : i32 to index
    %swap3A_2318 = arith.constant 0 : index
    %swap3A_2319 = tpu.vector_load %arg9[%swap3A_2317, %swap3A_2318] {strides = array<i32>} : memref<32x16xf32, #tpu.memory_space<vmem>>, vector<1x16xf32>,
    %swap3A_2320 = vector.shape_cast %swap3A_2319 : vector<1x16xf32> to vector<16xf32>
    %swap3A_2321 = vector.shape_cast %add3A_2315 : vector<16xf32> to vector<1x16xf32>
    tpu.vector_store %arg9[%swap3A_2317, %swap3A_2318], %swap3A_2321 {strides = array<i32>} : memref<32x16xf32, #tpu.memory_space<vmem>>, vector<1x16xf32>,
    %get3A_2322 = arith.constant 20 : i32
    %get3A_2323 = arith.index_cast %get3A_2322 : i32 to index
    %get3A_2324 = arith.constant 0 : index
    %get3A_2325 = tpu.vector_load %arg8[%get3A_2323, %get3A_2324] {strides = array<i32>} : memref<32x16xf32, #tpu.memory_space<vmem>>, vector<1x16xf32>,
    %get3A_2326 = vector.shape_cast %get3A_2325 : vector<1x16xf32> to vector<16xf32>
    %broadcast_in_dim3A_2327 = arith.constant 0.000000e+00 : f32
    %broadcast_in_dim3A_2328 = vector.broadcast %broadcast_in_dim3A_2327 : f32 to vector<16xf32>
    %get3A_2329 = arith.constant 200 : i32
    %get3A_2330 = arith.index_cast %get3A_2329 : i32 to index
    %get3A_2331 = arith.constant 0 : index
    %get3A_2332 = tpu.vector_load %arg7[%get3A_2330, %get3A_2331] {strides = array<i32>} : memref<320x16xf32, #tpu.memory_space<vmem>>, vector<1x16xf32>,
    %get3A_2333 = vector.shape_cast %get3A_2332 : vector<1x16xf32> to vector<16xf32>
    %exp3A_2334 = math.exp %get3A_2333 : vector<16xf32>
    %sub3A_2335 = arith.subf %get3A_2333, %get3A_2326 : vector<16xf32>
    %mul3A_2336 = arith.mulf %exp3A_2334, %sub3A_2335 : vector<16xf32>
    %sub3A_2337 = arith.subf %mul3A_2336, %exp3A_2334 : vector<16xf32>
    %add3A_2338 = arith.addf %broadcast_in_dim3A_2328, %sub3A_2337 : vector<16xf32>
    %get3A_2339 = arith.constant 201 : i32
    %get3A_2340 = arith.index_cast %get3A_2339 : i32 to index
    %get3A_2341 = arith.constant 0 : index
    %get3A_2342 = tpu.vector_load %arg7[%get3A_2340, %get3A_2341] {strides = array<i32>} : memref<320x16xf32, #tpu.memory_space<vmem>>, vector<1x16xf32>,
    %get3A_2343 = vector.shape_cast %get3A_2342 : vector<1x16xf32> to vector<16xf32>
    %exp3A_2344 = math.exp %get3A_2343 : vector<16xf32>
    %sub3A_2345 = arith.subf %get3A_2343, %get3A_2326 : vector<16xf32>
    %mul3A_2346 = arith.mulf %exp3A_2344, %sub3A_2345 : vector<16xf32>
    %sub3A_2347 = arith.subf %mul3A_2346, %exp3A_2344 : vector<16xf32>
    %add3A_2348 = arith.addf %add3A_2338, %sub3A_2347 : vector<16xf32>
    %get3A_2349 = arith.constant 202 : i32
    %get3A_2350 = arith.index_cast %get3A_2349 : i32 to index
    %get3A_2351 = arith.constant 0 : index
    %get3A_2352 = tpu.vector_load %arg7[%get3A_2350, %get3A_2351] {strides = array<i32>} : memref<320x16xf32, #tpu.memory_space<vmem>>, vector<1x16xf32>,
    %get3A_2353 = vector.shape_cast %get3A_2352 : vector<1x16xf32> to vector<16xf32>
    %exp3A_2354 = math.exp %get3A_2353 : vector<16xf32>
    %sub3A_2355 = arith.subf %get3A_2353, %get3A_2326 : vector<16xf32>
    %mul3A_2356 = arith.mulf %exp3A_2354, %sub3A_2355 : vector<16xf32>
    %sub3A_2357 = arith.subf %mul3A_2356, %exp3A_2354 : vector<16xf32>
    %add3A_2358 = arith.addf %add3A_2348, %sub3A_2357 : vector<16xf32>
    %get3A_2359 = arith.constant 203 : i32
    %get3A_2360 = arith.index_cast %get3A_2359 : i32 to index
    %get3A_2361 = arith.constant 0 : index
    %get3A_2362 = tpu.vector_load %arg7[%get3A_2360, %get3A_2361] {strides = array<i32>} : memref<320x16xf32, #tpu.memory_space<vmem>>, vector<1x16xf32>,
    %get3A_2363 = vector.shape_cast %get3A_2362 : vector<1x16xf32> to vector<16xf32>
    %exp3A_2364 = math.exp %get3A_2363 : vector<16xf32>
    %sub3A_2365 = arith.subf %get3A_2363, %get3A_2326 : vector<16xf32>
    %mul3A_2366 = arith.mulf %exp3A_2364, %sub3A_2365 : vector<16xf32>
    %sub3A_2367 = arith.subf %mul3A_2366, %exp3A_2364 : vector<16xf32>
    %add3A_2368 = arith.addf %add3A_2358, %sub3A_2367 : vector<16xf32>
    %get3A_2369 = arith.constant 204 : i32
    %get3A_2370 = arith.index_cast %get3A_2369 : i32 to index
    %get3A_2371 = arith.constant 0 : index
    %get3A_2372 = tpu.vector_load %arg7[%get3A_2370, %get3A_2371] {strides = array<i32>} : memref<320x16xf32, #tpu.memory_space<vmem>>, vector<1x16xf32>,
    %get3A_2373 = vector.shape_cast %get3A_2372 : vector<1x16xf32> to vector<16xf32>
    %exp3A_2374 = math.exp %get3A_2373 : vector<16xf32>
    %sub3A_2375 = arith.subf %get3A_2373, %get3A_2326 : vector<16xf32>
    %mul3A_2376 = arith.mulf %exp3A_2374, %sub3A_2375 : vector<16xf32>
    %sub3A_2377 = arith.subf %mul3A_2376, %exp3A_2374 : vector<16xf32>
    %add3A_2378 = arith.addf %add3A_2368, %sub3A_2377 : vector<16xf32>
    %get3A_2379 = arith.constant 205 : i32
    %get3A_2380 = arith.index_cast %get3A_2379 : i32 to index
    %get3A_2381 = arith.constant 0 : index
    %get3A_2382 = tpu.vector_load %arg7[%get3A_2380, %get3A_2381] {strides = array<i32>} : memref<320x16xf32, #tpu.memory_space<vmem>>, vector<1x16xf32>,
    %get3A_2383 = vector.shape_cast %get3A_2382 : vector<1x16xf32> to vector<16xf32>
    %exp3A_2384 = math.exp %get3A_2383 : vector<16xf32>
    %sub3A_2385 = arith.subf %get3A_2383, %get3A_2326 : vector<16xf32>
    %mul3A_2386 = arith.mulf %exp3A_2384, %sub3A_2385 : vector<16xf32>
    %sub3A_2387 = arith.subf %mul3A_2386, %exp3A_2384 : vector<16xf32>
    %add3A_2388 = arith.addf %add3A_2378, %sub3A_2387 : vector<16xf32>
    %get3A_2389 = arith.constant 206 : i32
    %get3A_2390 = arith.index_cast %get3A_2389 : i32 to index
    %get3A_2391 = arith.constant 0 : index
    %get3A_2392 = tpu.vector_load %arg7[%get3A_2390, %get3A_2391] {strides = array<i32>} : memref<320x16xf32, #tpu.memory_space<vmem>>, vector<1x16xf32>,
    %get3A_2393 = vector.shape_cast %get3A_2392 : vector<1x16xf32> to vector<16xf32>
    %exp3A_2394 = math.exp %get3A_2393 : vector<16xf32>
    %sub3A_2395 = arith.subf %get3A_2393, %get3A_2326 : vector<16xf32>
    %mul3A_2396 = arith.mulf %exp3A_2394, %sub3A_2395 : vector<16xf32>
    %sub3A_2397 = arith.subf %mul3A_2396, %exp3A_2394 : vector<16xf32>
    %add3A_2398 = arith.addf %add3A_2388, %sub3A_2397 : vector<16xf32>
    %get3A_2399 = arith.constant 207 : i32
    %get3A_2400 = arith.index_cast %get3A_2399 : i32 to index
    %get3A_2401 = arith.constant 0 : index
    %get3A_2402 = tpu.vector_load %arg7[%get3A_2400, %get3A_2401] {strides = array<i32>} : memref<320x16xf32, #tpu.memory_space<vmem>>, vector<1x16xf32>,
    %get3A_2403 = vector.shape_cast %get3A_2402 : vector<1x16xf32> to vector<16xf32>
    %exp3A_2404 = math.exp %get3A_2403 : vector<16xf32>
    %sub3A_2405 = arith.subf %get3A_2403, %get3A_2326 : vector<16xf32>
    %mul3A_2406 = arith.mulf %exp3A_2404, %sub3A_2405 : vector<16xf32>
    %sub3A_2407 = arith.subf %mul3A_2406, %exp3A_2404 : vector<16xf32>
    %add3A_2408 = arith.addf %add3A_2398, %sub3A_2407 : vector<16xf32>
    %get3A_2409 = arith.constant 208 : i32
    %get3A_2410 = arith.index_cast %get3A_2409 : i32 to index
    %get3A_2411 = arith.constant 0 : index
    %get3A_2412 = tpu.vector_load %arg7[%get3A_2410, %get3A_2411] {strides = array<i32>} : memref<320x16xf32, #tpu.memory_space<vmem>>, vector<1x16xf32>,
    %get3A_2413 = vector.shape_cast %get3A_2412 : vector<1x16xf32> to vector<16xf32>
    %exp3A_2414 = math.exp %get3A_2413 : vector<16xf32>
    %sub3A_2415 = arith.subf %get3A_2413, %get3A_2326 : vector<16xf32>
    %mul3A_2416 = arith.mulf %exp3A_2414, %sub3A_2415 : vector<16xf32>
    %sub3A_2417 = arith.subf %mul3A_2416, %exp3A_2414 : vector<16xf32>
    %add3A_2418 = arith.addf %add3A_2408, %sub3A_2417 : vector<16xf32>
    %get3A_2419 = arith.constant 209 : i32
    %get3A_2420 = arith.index_cast %get3A_2419 : i32 to index
    %get3A_2421 = arith.constant 0 : index
    %get3A_2422 = tpu.vector_load %arg7[%get3A_2420, %get3A_2421] {strides = array<i32>} : memref<320x16xf32, #tpu.memory_space<vmem>>, vector<1x16xf32>,
    %get3A_2423 = vector.shape_cast %get3A_2422 : vector<1x16xf32> to vector<16xf32>
    %exp3A_2424 = math.exp %get3A_2423 : vector<16xf32>
    %sub3A_2425 = arith.subf %get3A_2423, %get3A_2326 : vector<16xf32>
    %mul3A_2426 = arith.mulf %exp3A_2424, %sub3A_2425 : vector<16xf32>
    %sub3A_2427 = arith.subf %mul3A_2426, %exp3A_2424 : vector<16xf32>
    %add3A_2428 = arith.addf %add3A_2418, %sub3A_2427 : vector<16xf32>
    %swap3A_2429 = arith.constant 20 : i32
    %swap3A_2430 = arith.index_cast %swap3A_2429 : i32 to index
    %swap3A_2431 = arith.constant 0 : index
    %swap3A_2432 = tpu.vector_load %arg9[%swap3A_2430, %swap3A_2431] {strides = array<i32>} : memref<32x16xf32, #tpu.memory_space<vmem>>, vector<1x16xf32>,
    %swap3A_2433 = vector.shape_cast %swap3A_2432 : vector<1x16xf32> to vector<16xf32>
    %swap3A_2434 = vector.shape_cast %add3A_2428 : vector<16xf32> to vector<1x16xf32>
    tpu.vector_store %arg9[%swap3A_2430, %swap3A_2431], %swap3A_2434 {strides = array<i32>} : memref<32x16xf32, #tpu.memory_space<vmem>>, vector<1x16xf32>,
    %get3A_2435 = arith.constant 21 : i32
    %get3A_2436 = arith.index_cast %get3A_2435 : i32 to index
    %get3A_2437 = arith.constant 0 : index
    %get3A_2438 = tpu.vector_load %arg8[%get3A_2436, %get3A_2437] {strides = array<i32>} : memref<32x16xf32, #tpu.memory_space<vmem>>, vector<1x16xf32>,
    %get3A_2439 = vector.shape_cast %get3A_2438 : vector<1x16xf32> to vector<16xf32>
    %broadcast_in_dim3A_2440 = arith.constant 0.000000e+00 : f32
    %broadcast_in_dim3A_2441 = vector.broadcast %broadcast_in_dim3A_2440 : f32 to vector<16xf32>
    %get3A_2442 = arith.constant 210 : i32
    %get3A_2443 = arith.index_cast %get3A_2442 : i32 to index
    %get3A_2444 = arith.constant 0 : index
    %get3A_2445 = tpu.vector_load %arg7[%get3A_2443, %get3A_2444] {strides = array<i32>} : memref<320x16xf32, #tpu.memory_space<vmem>>, vector<1x16xf32>,
    %get3A_2446 = vector.shape_cast %get3A_2445 : vector<1x16xf32> to vector<16xf32>
    %exp3A_2447 = math.exp %get3A_2446 : vector<16xf32>
    %sub3A_2448 = arith.subf %get3A_2446, %get3A_2439 : vector<16xf32>
    %mul3A_2449 = arith.mulf %exp3A_2447, %sub3A_2448 : vector<16xf32>
    %sub3A_2450 = arith.subf %mul3A_2449, %exp3A_2447 : vector<16xf32>
    %add3A_2451 = arith.addf %broadcast_in_dim3A_2441, %sub3A_2450 : vector<16xf32>
    %get3A_2452 = arith.constant 211 : i32
    %get3A_2453 = arith.index_cast %get3A_2452 : i32 to index
    %get3A_2454 = arith.constant 0 : index
    %get3A_2455 = tpu.vector_load %arg7[%get3A_2453, %get3A_2454] {strides = array<i32>} : memref<320x16xf32, #tpu.memory_space<vmem>>, vector<1x16xf32>,
    %get3A_2456 = vector.shape_cast %get3A_2455 : vector<1x16xf32> to vector<16xf32>
    %exp3A_2457 = math.exp %get3A_2456 : vector<16xf32>
    %sub3A_2458 = arith.subf %get3A_2456, %get3A_2439 : vector<16xf32>
    %mul3A_2459 = arith.mulf %exp3A_2457, %sub3A_2458 : vector<16xf32>
    %sub3A_2460 = arith.subf %mul3A_2459, %exp3A_2457 : vector<16xf32>
    %add3A_2461 = arith.addf %add3A_2451, %sub3A_2460 : vector<16xf32>
    %get3A_2462 = arith.constant 212 : i32
    %get3A_2463 = arith.index_cast %get3A_2462 : i32 to index
    %get3A_2464 = arith.constant 0 : index
    %get3A_2465 = tpu.vector_load %arg7[%get3A_2463, %get3A_2464] {strides = array<i32>} : memref<320x16xf32, #tpu.memory_space<vmem>>, vector<1x16xf32>,
    %get3A_2466 = vector.shape_cast %get3A_2465 : vector<1x16xf32> to vector<16xf32>
    %exp3A_2467 = math.exp %get3A_2466 : vector<16xf32>
    %sub3A_2468 = arith.subf %get3A_2466, %get3A_2439 : vector<16xf32>
    %mul3A_2469 = arith.mulf %exp3A_2467, %sub3A_2468 : vector<16xf32>
    %sub3A_2470 = arith.subf %mul3A_2469, %exp3A_2467 : vector<16xf32>
    %add3A_2471 = arith.addf %add3A_2461, %sub3A_2470 : vector<16xf32>
    %get3A_2472 = arith.constant 213 : i32
    %get3A_2473 = arith.index_cast %get3A_2472 : i32 to index
    %get3A_2474 = arith.constant 0 : index
    %get3A_2475 = tpu.vector_load %arg7[%get3A_2473, %get3A_2474] {strides = array<i32>} : memref<320x16xf32, #tpu.memory_space<vmem>>, vector<1x16xf32>,
    %get3A_2476 = vector.shape_cast %get3A_2475 : vector<1x16xf32> to vector<16xf32>
    %exp3A_2477 = math.exp %get3A_2476 : vector<16xf32>
    %sub3A_2478 = arith.subf %get3A_2476, %get3A_2439 : vector<16xf32>
    %mul3A_2479 = arith.mulf %exp3A_2477, %sub3A_2478 : vector<16xf32>
    %sub3A_2480 = arith.subf %mul3A_2479, %exp3A_2477 : vector<16xf32>
    %add3A_2481 = arith.addf %add3A_2471, %sub3A_2480 : vector<16xf32>
    %get3A_2482 = arith.constant 214 : i32
    %get3A_2483 = arith.index_cast %get3A_2482 : i32 to index
    %get3A_2484 = arith.constant 0 : index
    %get3A_2485 = tpu.vector_load %arg7[%get3A_2483, %get3A_2484] {strides = array<i32>} : memref<320x16xf32, #tpu.memory_space<vmem>>, vector<1x16xf32>,
    %get3A_2486 = vector.shape_cast %get3A_2485 : vector<1x16xf32> to vector<16xf32>
    %exp3A_2487 = math.exp %get3A_2486 : vector<16xf32>
    %sub3A_2488 = arith.subf %get3A_2486, %get3A_2439 : vector<16xf32>
    %mul3A_2489 = arith.mulf %exp3A_2487, %sub3A_2488 : vector<16xf32>
    %sub3A_2490 = arith.subf %mul3A_2489, %exp3A_2487 : vector<16xf32>
    %add3A_2491 = arith.addf %add3A_2481, %sub3A_2490 : vector<16xf32>
    %get3A_2492 = arith.constant 215 : i32
    %get3A_2493 = arith.index_cast %get3A_2492 : i32 to index
    %get3A_2494 = arith.constant 0 : index
    %get3A_2495 = tpu.vector_load %arg7[%get3A_2493, %get3A_2494] {strides = array<i32>} : memref<320x16xf32, #tpu.memory_space<vmem>>, vector<1x16xf32>,
    %get3A_2496 = vector.shape_cast %get3A_2495 : vector<1x16xf32> to vector<16xf32>
    %exp3A_2497 = math.exp %get3A_2496 : vector<16xf32>
    %sub3A_2498 = arith.subf %get3A_2496, %get3A_2439 : vector<16xf32>
    %mul3A_2499 = arith.mulf %exp3A_2497, %sub3A_2498 : vector<16xf32>
    %sub3A_2500 = arith.subf %mul3A_2499, %exp3A_2497 : vector<16xf32>
    %add3A_2501 = arith.addf %add3A_2491, %sub3A_2500 : vector<16xf32>
    %get3A_2502 = arith.constant 216 : i32
    %get3A_2503 = arith.index_cast %get3A_2502 : i32 to index
    %get3A_2504 = arith.constant 0 : index
    %get3A_2505 = tpu.vector_load %arg7[%get3A_2503, %get3A_2504] {strides = array<i32>} : memref<320x16xf32, #tpu.memory_space<vmem>>, vector<1x16xf32>,
    %get3A_2506 = vector.shape_cast %get3A_2505 : vector<1x16xf32> to vector<16xf32>
    %exp3A_2507 = math.exp %get3A_2506 : vector<16xf32>
    %sub3A_2508 = arith.subf %get3A_2506, %get3A_2439 : vector<16xf32>
    %mul3A_2509 = arith.mulf %exp3A_2507, %sub3A_2508 : vector<16xf32>
    %sub3A_2510 = arith.subf %mul3A_2509, %exp3A_2507 : vector<16xf32>
    %add3A_2511 = arith.addf %add3A_2501, %sub3A_2510 : vector<16xf32>
    %get3A_2512 = arith.constant 217 : i32
    %get3A_2513 = arith.index_cast %get3A_2512 : i32 to index
    %get3A_2514 = arith.constant 0 : index
    %get3A_2515 = tpu.vector_load %arg7[%get3A_2513, %get3A_2514] {strides = array<i32>} : memref<320x16xf32, #tpu.memory_space<vmem>>, vector<1x16xf32>,
    %get3A_2516 = vector.shape_cast %get3A_2515 : vector<1x16xf32> to vector<16xf32>
    %exp3A_2517 = math.exp %get3A_2516 : vector<16xf32>
    %sub3A_2518 = arith.subf %get3A_2516, %get3A_2439 : vector<16xf32>
    %mul3A_2519 = arith.mulf %exp3A_2517, %sub3A_2518 : vector<16xf32>
    %sub3A_2520 = arith.subf %mul3A_2519, %exp3A_2517 : vector<16xf32>
    %add3A_2521 = arith.addf %add3A_2511, %sub3A_2520 : vector<16xf32>
    %get3A_2522 = arith.constant 218 : i32
    %get3A_2523 = arith.index_cast %get3A_2522 : i32 to index
    %get3A_2524 = arith.constant 0 : index
    %get3A_2525 = tpu.vector_load %arg7[%get3A_2523, %get3A_2524] {strides = array<i32>} : memref<320x16xf32, #tpu.memory_space<vmem>>, vector<1x16xf32>,
    %get3A_2526 = vector.shape_cast %get3A_2525 : vector<1x16xf32> to vector<16xf32>
    %exp3A_2527 = math.exp %get3A_2526 : vector<16xf32>
    %sub3A_2528 = arith.subf %get3A_2526, %get3A_2439 : vector<16xf32>
    %mul3A_2529 = arith.mulf %exp3A_2527, %sub3A_2528 : vector<16xf32>
    %sub3A_2530 = arith.subf %mul3A_2529, %exp3A_2527 : vector<16xf32>
    %add3A_2531 = arith.addf %add3A_2521, %sub3A_2530 : vector<16xf32>
    %get3A_2532 = arith.constant 219 : i32
    %get3A_2533 = arith.index_cast %get3A_2532 : i32 to index
    %get3A_2534 = arith.constant 0 : index
    %get3A_2535 = tpu.vector_load %arg7[%get3A_2533, %get3A_2534] {strides = array<i32>} : memref<320x16xf32, #tpu.memory_space<vmem>>, vector<1x16xf32>,
    %get3A_2536 = vector.shape_cast %get3A_2535 : vector<1x16xf32> to vector<16xf32>
    %exp3A_2537 = math.exp %get3A_2536 : vector<16xf32>
    %sub3A_2538 = arith.subf %get3A_2536, %get3A_2439 : vector<16xf32>
    %mul3A_2539 = arith.mulf %exp3A_2537, %sub3A_2538 : vector<16xf32>
    %sub3A_2540 = arith.subf %mul3A_2539, %exp3A_2537 : vector<16xf32>
    %add3A_2541 = arith.addf %add3A_2531, %sub3A_2540 : vector<16xf32>
    %swap3A_2542 = arith.constant 21 : i32
    %swap3A_2543 = arith.index_cast %swap3A_2542 : i32 to index
    %swap3A_2544 = arith.constant 0 : index
    %swap3A_2545 = tpu.vector_load %arg9[%swap3A_2543, %swap3A_2544] {strides = array<i32>} : memref<32x16xf32, #tpu.memory_space<vmem>>, vector<1x16xf32>,
    %swap3A_2546 = vector.shape_cast %swap3A_2545 : vector<1x16xf32> to vector<16xf32>
    %swap3A_2547 = vector.shape_cast %add3A_2541 : vector<16xf32> to vector<1x16xf32>
    tpu.vector_store %arg9[%swap3A_2543, %swap3A_2544], %swap3A_2547 {strides = array<i32>} : memref<32x16xf32, #tpu.memory_space<vmem>>, vector<1x16xf32>,
    %get3A_2548 = arith.constant 22 : i32
    %get3A_2549 = arith.index_cast %get3A_2548 : i32 to index
    %get3A_2550 = arith.constant 0 : index
    %get3A_2551 = tpu.vector_load %arg8[%get3A_2549, %get3A_2550] {strides = array<i32>} : memref<32x16xf32, #tpu.memory_space<vmem>>, vector<1x16xf32>,
    %get3A_2552 = vector.shape_cast %get3A_2551 : vector<1x16xf32> to vector<16xf32>
    %broadcast_in_dim3A_2553 = arith.constant 0.000000e+00 : f32
    %broadcast_in_dim3A_2554 = vector.broadcast %broadcast_in_dim3A_2553 : f32 to vector<16xf32>
    %get3A_2555 = arith.constant 220 : i32
    %get3A_2556 = arith.index_cast %get3A_2555 : i32 to index
    %get3A_2557 = arith.constant 0 : index
    %get3A_2558 = tpu.vector_load %arg7[%get3A_2556, %get3A_2557] {strides = array<i32>} : memref<320x16xf32, #tpu.memory_space<vmem>>, vector<1x16xf32>,
    %get3A_2559 = vector.shape_cast %get3A_2558 : vector<1x16xf32> to vector<16xf32>
    %exp3A_2560 = math.exp %get3A_2559 : vector<16xf32>
    %sub3A_2561 = arith.subf %get3A_2559, %get3A_2552 : vector<16xf32>
    %mul3A_2562 = arith.mulf %exp3A_2560, %sub3A_2561 : vector<16xf32>
    %sub3A_2563 = arith.subf %mul3A_2562, %exp3A_2560 : vector<16xf32>
    %add3A_2564 = arith.addf %broadcast_in_dim3A_2554, %sub3A_2563 : vector<16xf32>
    %get3A_2565 = arith.constant 221 : i32
    %get3A_2566 = arith.index_cast %get3A_2565 : i32 to index
    %get3A_2567 = arith.constant 0 : index
    %get3A_2568 = tpu.vector_load %arg7[%get3A_2566, %get3A_2567] {strides = array<i32>} : memref<320x16xf32, #tpu.memory_space<vmem>>, vector<1x16xf32>,
    %get3A_2569 = vector.shape_cast %get3A_2568 : vector<1x16xf32> to vector<16xf32>
    %exp3A_2570 = math.exp %get3A_2569 : vector<16xf32>
    %sub3A_2571 = arith.subf %get3A_2569, %get3A_2552 : vector<16xf32>
    %mul3A_2572 = arith.mulf %exp3A_2570, %sub3A_2571 : vector<16xf32>
    %sub3A_2573 = arith.subf %mul3A_2572, %exp3A_2570 : vector<16xf32>
    %add3A_2574 = arith.addf %add3A_2564, %sub3A_2573 : vector<16xf32>
    %get3A_2575 = arith.constant 222 : i32
    %get3A_2576 = arith.index_cast %get3A_2575 : i32 to index
    %get3A_2577 = arith.constant 0 : index
    %get3A_2578 = tpu.vector_load %arg7[%get3A_2576, %get3A_2577] {strides = array<i32>} : memref<320x16xf32, #tpu.memory_space<vmem>>, vector<1x16xf32>,
    %get3A_2579 = vector.shape_cast %get3A_2578 : vector<1x16xf32> to vector<16xf32>
    %exp3A_2580 = math.exp %get3A_2579 : vector<16xf32>
    %sub3A_2581 = arith.subf %get3A_2579, %get3A_2552 : vector<16xf32>
    %mul3A_2582 = arith.mulf %exp3A_2580, %sub3A_2581 : vector<16xf32>
    %sub3A_2583 = arith.subf %mul3A_2582, %exp3A_2580 : vector<16xf32>
    %add3A_2584 = arith.addf %add3A_2574, %sub3A_2583 : vector<16xf32>
    %get3A_2585 = arith.constant 223 : i32
    %get3A_2586 = arith.index_cast %get3A_2585 : i32 to index
    %get3A_2587 = arith.constant 0 : index
    %get3A_2588 = tpu.vector_load %arg7[%get3A_2586, %get3A_2587] {strides = array<i32>} : memref<320x16xf32, #tpu.memory_space<vmem>>, vector<1x16xf32>,
    %get3A_2589 = vector.shape_cast %get3A_2588 : vector<1x16xf32> to vector<16xf32>
    %exp3A_2590 = math.exp %get3A_2589 : vector<16xf32>
    %sub3A_2591 = arith.subf %get3A_2589, %get3A_2552 : vector<16xf32>
    %mul3A_2592 = arith.mulf %exp3A_2590, %sub3A_2591 : vector<16xf32>
    %sub3A_2593 = arith.subf %mul3A_2592, %exp3A_2590 : vector<16xf32>
    %add3A_2594 = arith.addf %add3A_2584, %sub3A_2593 : vector<16xf32>
    %get3A_2595 = arith.constant 224 : i32
    %get3A_2596 = arith.index_cast %get3A_2595 : i32 to index
    %get3A_2597 = arith.constant 0 : index
    %get3A_2598 = tpu.vector_load %arg7[%get3A_2596, %get3A_2597] {strides = array<i32>} : memref<320x16xf32, #tpu.memory_space<vmem>>, vector<1x16xf32>,
    %get3A_2599 = vector.shape_cast %get3A_2598 : vector<1x16xf32> to vector<16xf32>
    %exp3A_2600 = math.exp %get3A_2599 : vector<16xf32>
    %sub3A_2601 = arith.subf %get3A_2599, %get3A_2552 : vector<16xf32>
    %mul3A_2602 = arith.mulf %exp3A_2600, %sub3A_2601 : vector<16xf32>
    %sub3A_2603 = arith.subf %mul3A_2602, %exp3A_2600 : vector<16xf32>
    %add3A_2604 = arith.addf %add3A_2594, %sub3A_2603 : vector<16xf32>
    %get3A_2605 = arith.constant 225 : i32
    %get3A_2606 = arith.index_cast %get3A_2605 : i32 to index
    %get3A_2607 = arith.constant 0 : index
    %get3A_2608 = tpu.vector_load %arg7[%get3A_2606, %get3A_2607] {strides = array<i32>} : memref<320x16xf32, #tpu.memory_space<vmem>>, vector<1x16xf32>,
    %get3A_2609 = vector.shape_cast %get3A_2608 : vector<1x16xf32> to vector<16xf32>
    %exp3A_2610 = math.exp %get3A_2609 : vector<16xf32>
    %sub3A_2611 = arith.subf %get3A_2609, %get3A_2552 : vector<16xf32>
    %mul3A_2612 = arith.mulf %exp3A_2610, %sub3A_2611 : vector<16xf32>
    %sub3A_2613 = arith.subf %mul3A_2612, %exp3A_2610 : vector<16xf32>
    %add3A_2614 = arith.addf %add3A_2604, %sub3A_2613 : vector<16xf32>
    %get3A_2615 = arith.constant 226 : i32
    %get3A_2616 = arith.index_cast %get3A_2615 : i32 to index
    %get3A_2617 = arith.constant 0 : index
    %get3A_2618 = tpu.vector_load %arg7[%get3A_2616, %get3A_2617] {strides = array<i32>} : memref<320x16xf32, #tpu.memory_space<vmem>>, vector<1x16xf32>,
    %get3A_2619 = vector.shape_cast %get3A_2618 : vector<1x16xf32> to vector<16xf32>
    %exp3A_2620 = math.exp %get3A_2619 : vector<16xf32>
    %sub3A_2621 = arith.subf %get3A_2619, %get3A_2552 : vector<16xf32>
    %mul3A_2622 = arith.mulf %exp3A_2620, %sub3A_2621 : vector<16xf32>
    %sub3A_2623 = arith.subf %mul3A_2622, %exp3A_2620 : vector<16xf32>
    %add3A_2624 = arith.addf %add3A_2614, %sub3A_2623 : vector<16xf32>
    %get3A_2625 = arith.constant 227 : i32
    %get3A_2626 = arith.index_cast %get3A_2625 : i32 to index
    %get3A_2627 = arith.constant 0 : index
    %get3A_2628 = tpu.vector_load %arg7[%get3A_2626, %get3A_2627] {strides = array<i32>} : memref<320x16xf32, #tpu.memory_space<vmem>>, vector<1x16xf32>,
    %get3A_2629 = vector.shape_cast %get3A_2628 : vector<1x16xf32> to vector<16xf32>
    %exp3A_2630 = math.exp %get3A_2629 : vector<16xf32>
    %sub3A_2631 = arith.subf %get3A_2629, %get3A_2552 : vector<16xf32>
    %mul3A_2632 = arith.mulf %exp3A_2630, %sub3A_2631 : vector<16xf32>
    %sub3A_2633 = arith.subf %mul3A_2632, %exp3A_2630 : vector<16xf32>
    %add3A_2634 = arith.addf %add3A_2624, %sub3A_2633 : vector<16xf32>
    %get3A_2635 = arith.constant 228 : i32
    %get3A_2636 = arith.index_cast %get3A_2635 : i32 to index
    %get3A_2637 = arith.constant 0 : index
    %get3A_2638 = tpu.vector_load %arg7[%get3A_2636, %get3A_2637] {strides = array<i32>} : memref<320x16xf32, #tpu.memory_space<vmem>>, vector<1x16xf32>,
    %get3A_2639 = vector.shape_cast %get3A_2638 : vector<1x16xf32> to vector<16xf32>
    %exp3A_2640 = math.exp %get3A_2639 : vector<16xf32>
    %sub3A_2641 = arith.subf %get3A_2639, %get3A_2552 : vector<16xf32>
    %mul3A_2642 = arith.mulf %exp3A_2640, %sub3A_2641 : vector<16xf32>
    %sub3A_2643 = arith.subf %mul3A_2642, %exp3A_2640 : vector<16xf32>
    %add3A_2644 = arith.addf %add3A_2634, %sub3A_2643 : vector<16xf32>
    %get3A_2645 = arith.constant 229 : i32
    %get3A_2646 = arith.index_cast %get3A_2645 : i32 to index
    %get3A_2647 = arith.constant 0 : index
    %get3A_2648 = tpu.vector_load %arg7[%get3A_2646, %get3A_2647] {strides = array<i32>} : memref<320x16xf32, #tpu.memory_space<vmem>>, vector<1x16xf32>,
    %get3A_2649 = vector.shape_cast %get3A_2648 : vector<1x16xf32> to vector<16xf32>
    %exp3A_2650 = math.exp %get3A_2649 : vector<16xf32>
    %sub3A_2651 = arith.subf %get3A_2649, %get3A_2552 : vector<16xf32>
    %mul3A_2652 = arith.mulf %exp3A_2650, %sub3A_2651 : vector<16xf32>
    %sub3A_2653 = arith.subf %mul3A_2652, %exp3A_2650 : vector<16xf32>
    %add3A_2654 = arith.addf %add3A_2644, %sub3A_2653 : vector<16xf32>
    %swap3A_2655 = arith.constant 22 : i32
    %swap3A_2656 = arith.index_cast %swap3A_2655 : i32 to index
    %swap3A_2657 = arith.constant 0 : index
    %swap3A_2658 = tpu.vector_load %arg9[%swap3A_2656, %swap3A_2657] {strides = array<i32>} : memref<32x16xf32, #tpu.memory_space<vmem>>, vector<1x16xf32>,
    %swap3A_2659 = vector.shape_cast %swap3A_2658 : vector<1x16xf32> to vector<16xf32>
    %swap3A_2660 = vector.shape_cast %add3A_2654 : vector<16xf32> to vector<1x16xf32>
    tpu.vector_store %arg9[%swap3A_2656, %swap3A_2657], %swap3A_2660 {strides = array<i32>} : memref<32x16xf32, #tpu.memory_space<vmem>>, vector<1x16xf32>,
    %get3A_2661 = arith.constant 23 : i32
    %get3A_2662 = arith.index_cast %get3A_2661 : i32 to index
    %get3A_2663 = arith.constant 0 : index
    %get3A_2664 = tpu.vector_load %arg8[%get3A_2662, %get3A_2663] {strides = array<i32>} : memref<32x16xf32, #tpu.memory_space<vmem>>, vector<1x16xf32>,
    %get3A_2665 = vector.shape_cast %get3A_2664 : vector<1x16xf32> to vector<16xf32>
    %broadcast_in_dim3A_2666 = arith.constant 0.000000e+00 : f32
    %broadcast_in_dim3A_2667 = vector.broadcast %broadcast_in_dim3A_2666 : f32 to vector<16xf32>
    %get3A_2668 = arith.constant 230 : i32
    %get3A_2669 = arith.index_cast %get3A_2668 : i32 to index
    %get3A_2670 = arith.constant 0 : index
    %get3A_2671 = tpu.vector_load %arg7[%get3A_2669, %get3A_2670] {strides = array<i32>} : memref<320x16xf32, #tpu.memory_space<vmem>>, vector<1x16xf32>,
    %get3A_2672 = vector.shape_cast %get3A_2671 : vector<1x16xf32> to vector<16xf32>
    %exp3A_2673 = math.exp %get3A_2672 : vector<16xf32>
    %sub3A_2674 = arith.subf %get3A_2672, %get3A_2665 : vector<16xf32>
    %mul3A_2675 = arith.mulf %exp3A_2673, %sub3A_2674 : vector<16xf32>
    %sub3A_2676 = arith.subf %mul3A_2675, %exp3A_2673 : vector<16xf32>
    %add3A_2677 = arith.addf %broadcast_in_dim3A_2667, %sub3A_2676 : vector<16xf32>
    %get3A_2678 = arith.constant 231 : i32
    %get3A_2679 = arith.index_cast %get3A_2678 : i32 to index
    %get3A_2680 = arith.constant 0 : index
    %get3A_2681 = tpu.vector_load %arg7[%get3A_2679, %get3A_2680] {strides = array<i32>} : memref<320x16xf32, #tpu.memory_space<vmem>>, vector<1x16xf32>,
    %get3A_2682 = vector.shape_cast %get3A_2681 : vector<1x16xf32> to vector<16xf32>
    %exp3A_2683 = math.exp %get3A_2682 : vector<16xf32>
    %sub3A_2684 = arith.subf %get3A_2682, %get3A_2665 : vector<16xf32>
    %mul3A_2685 = arith.mulf %exp3A_2683, %sub3A_2684 : vector<16xf32>
    %sub3A_2686 = arith.subf %mul3A_2685, %exp3A_2683 : vector<16xf32>
    %add3A_2687 = arith.addf %add3A_2677, %sub3A_2686 : vector<16xf32>
    %get3A_2688 = arith.constant 232 : i32
    %get3A_2689 = arith.index_cast %get3A_2688 : i32 to index
    %get3A_2690 = arith.constant 0 : index
    %get3A_2691 = tpu.vector_load %arg7[%get3A_2689, %get3A_2690] {strides = array<i32>} : memref<320x16xf32, #tpu.memory_space<vmem>>, vector<1x16xf32>,
    %get3A_2692 = vector.shape_cast %get3A_2691 : vector<1x16xf32> to vector<16xf32>
    %exp3A_2693 = math.exp %get3A_2692 : vector<16xf32>
    %sub3A_2694 = arith.subf %get3A_2692, %get3A_2665 : vector<16xf32>
    %mul3A_2695 = arith.mulf %exp3A_2693, %sub3A_2694 : vector<16xf32>
    %sub3A_2696 = arith.subf %mul3A_2695, %exp3A_2693 : vector<16xf32>
    %add3A_2697 = arith.addf %add3A_2687, %sub3A_2696 : vector<16xf32>
    %get3A_2698 = arith.constant 233 : i32
    %get3A_2699 = arith.index_cast %get3A_2698 : i32 to index
    %get3A_2700 = arith.constant 0 : index
    %get3A_2701 = tpu.vector_load %arg7[%get3A_2699, %get3A_2700] {strides = array<i32>} : memref<320x16xf32, #tpu.memory_space<vmem>>, vector<1x16xf32>,
    %get3A_2702 = vector.shape_cast %get3A_2701 : vector<1x16xf32> to vector<16xf32>
    %exp3A_2703 = math.exp %get3A_2702 : vector<16xf32>
    %sub3A_2704 = arith.subf %get3A_2702, %get3A_2665 : vector<16xf32>
    %mul3A_2705 = arith.mulf %exp3A_2703, %sub3A_2704 : vector<16xf32>
    %sub3A_2706 = arith.subf %mul3A_2705, %exp3A_2703 : vector<16xf32>
    %add3A_2707 = arith.addf %add3A_2697, %sub3A_2706 : vector<16xf32>
    %get3A_2708 = arith.constant 234 : i32
    %get3A_2709 = arith.index_cast %get3A_2708 : i32 to index
    %get3A_2710 = arith.constant 0 : index
    %get3A_2711 = tpu.vector_load %arg7[%get3A_2709, %get3A_2710] {strides = array<i32>} : memref<320x16xf32, #tpu.memory_space<vmem>>, vector<1x16xf32>,
    %get3A_2712 = vector.shape_cast %get3A_2711 : vector<1x16xf32> to vector<16xf32>
    %exp3A_2713 = math.exp %get3A_2712 : vector<16xf32>
    %sub3A_2714 = arith.subf %get3A_2712, %get3A_2665 : vector<16xf32>
    %mul3A_2715 = arith.mulf %exp3A_2713, %sub3A_2714 : vector<16xf32>
    %sub3A_2716 = arith.subf %mul3A_2715, %exp3A_2713 : vector<16xf32>
    %add3A_2717 = arith.addf %add3A_2707, %sub3A_2716 : vector<16xf32>
    %get3A_2718 = arith.constant 235 : i32
    %get3A_2719 = arith.index_cast %get3A_2718 : i32 to index
    %get3A_2720 = arith.constant 0 : index
    %get3A_2721 = tpu.vector_load %arg7[%get3A_2719, %get3A_2720] {strides = array<i32>} : memref<320x16xf32, #tpu.memory_space<vmem>>, vector<1x16xf32>,
    %get3A_2722 = vector.shape_cast %get3A_2721 : vector<1x16xf32> to vector<16xf32>
    %exp3A_2723 = math.exp %get3A_2722 : vector<16xf32>
    %sub3A_2724 = arith.subf %get3A_2722, %get3A_2665 : vector<16xf32>
    %mul3A_2725 = arith.mulf %exp3A_2723, %sub3A_2724 : vector<16xf32>
    %sub3A_2726 = arith.subf %mul3A_2725, %exp3A_2723 : vector<16xf32>
    %add3A_2727 = arith.addf %add3A_2717, %sub3A_2726 : vector<16xf32>
    %get3A_2728 = arith.constant 236 : i32
    %get3A_2729 = arith.index_cast %get3A_2728 : i32 to index
    %get3A_2730 = arith.constant 0 : index
    %get3A_2731 = tpu.vector_load %arg7[%get3A_2729, %get3A_2730] {strides = array<i32>} : memref<320x16xf32, #tpu.memory_space<vmem>>, vector<1x16xf32>,
    %get3A_2732 = vector.shape_cast %get3A_2731 : vector<1x16xf32> to vector<16xf32>
    %exp3A_2733 = math.exp %get3A_2732 : vector<16xf32>
    %sub3A_2734 = arith.subf %get3A_2732, %get3A_2665 : vector<16xf32>
    %mul3A_2735 = arith.mulf %exp3A_2733, %sub3A_2734 : vector<16xf32>
    %sub3A_2736 = arith.subf %mul3A_2735, %exp3A_2733 : vector<16xf32>
    %add3A_2737 = arith.addf %add3A_2727, %sub3A_2736 : vector<16xf32>
    %get3A_2738 = arith.constant 237 : i32
    %get3A_2739 = arith.index_cast %get3A_2738 : i32 to index
    %get3A_2740 = arith.constant 0 : index
    %get3A_2741 = tpu.vector_load %arg7[%get3A_2739, %get3A_2740] {strides = array<i32>} : memref<320x16xf32, #tpu.memory_space<vmem>>, vector<1x16xf32>,
    %get3A_2742 = vector.shape_cast %get3A_2741 : vector<1x16xf32> to vector<16xf32>
    %exp3A_2743 = math.exp %get3A_2742 : vector<16xf32>
    %sub3A_2744 = arith.subf %get3A_2742, %get3A_2665 : vector<16xf32>
    %mul3A_2745 = arith.mulf %exp3A_2743, %sub3A_2744 : vector<16xf32>
    %sub3A_2746 = arith.subf %mul3A_2745, %exp3A_2743 : vector<16xf32>
    %add3A_2747 = arith.addf %add3A_2737, %sub3A_2746 : vector<16xf32>
    %get3A_2748 = arith.constant 238 : i32
    %get3A_2749 = arith.index_cast %get3A_2748 : i32 to index
    %get3A_2750 = arith.constant 0 : index
    %get3A_2751 = tpu.vector_load %arg7[%get3A_2749, %get3A_2750] {strides = array<i32>} : memref<320x16xf32, #tpu.memory_space<vmem>>, vector<1x16xf32>,
    %get3A_2752 = vector.shape_cast %get3A_2751 : vector<1x16xf32> to vector<16xf32>
    %exp3A_2753 = math.exp %get3A_2752 : vector<16xf32>
    %sub3A_2754 = arith.subf %get3A_2752, %get3A_2665 : vector<16xf32>
    %mul3A_2755 = arith.mulf %exp3A_2753, %sub3A_2754 : vector<16xf32>
    %sub3A_2756 = arith.subf %mul3A_2755, %exp3A_2753 : vector<16xf32>
    %add3A_2757 = arith.addf %add3A_2747, %sub3A_2756 : vector<16xf32>
    %get3A_2758 = arith.constant 239 : i32
    %get3A_2759 = arith.index_cast %get3A_2758 : i32 to index
    %get3A_2760 = arith.constant 0 : index
    %get3A_2761 = tpu.vector_load %arg7[%get3A_2759, %get3A_2760] {strides = array<i32>} : memref<320x16xf32, #tpu.memory_space<vmem>>, vector<1x16xf32>,
    %get3A_2762 = vector.shape_cast %get3A_2761 : vector<1x16xf32> to vector<16xf32>
    %exp3A_2763 = math.exp %get3A_2762 : vector<16xf32>
    %sub3A_2764 = arith.subf %get3A_2762, %get3A_2665 : vector<16xf32>
    %mul3A_2765 = arith.mulf %exp3A_2763, %sub3A_2764 : vector<16xf32>
    %sub3A_2766 = arith.subf %mul3A_2765, %exp3A_2763 : vector<16xf32>
    %add3A_2767 = arith.addf %add3A_2757, %sub3A_2766 : vector<16xf32>
    %swap3A_2768 = arith.constant 23 : i32
    %swap3A_2769 = arith.index_cast %swap3A_2768 : i32 to index
    %swap3A_2770 = arith.constant 0 : index
    %swap3A_2771 = tpu.vector_load %arg9[%swap3A_2769, %swap3A_2770] {strides = array<i32>} : memref<32x16xf32, #tpu.memory_space<vmem>>, vector<1x16xf32>,
    %swap3A_2772 = vector.shape_cast %swap3A_2771 : vector<1x16xf32> to vector<16xf32>
    %swap3A_2773 = vector.shape_cast %add3A_2767 : vector<16xf32> to vector<1x16xf32>
    tpu.vector_store %arg9[%swap3A_2769, %swap3A_2770], %swap3A_2773 {strides = array<i32>} : memref<32x16xf32, #tpu.memory_space<vmem>>, vector<1x16xf32>,
    %get3A_2774 = arith.constant 24 : i32
    %get3A_2775 = arith.index_cast %get3A_2774 : i32 to index
    %get3A_2776 = arith.constant 0 : index
    %get3A_2777 = tpu.vector_load %arg8[%get3A_2775, %get3A_2776] {strides = array<i32>} : memref<32x16xf32, #tpu.memory_space<vmem>>, vector<1x16xf32>,
    %get3A_2778 = vector.shape_cast %get3A_2777 : vector<1x16xf32> to vector<16xf32>
    %broadcast_in_dim3A_2779 = arith.constant 0.000000e+00 : f32
    %broadcast_in_dim3A_2780 = vector.broadcast %broadcast_in_dim3A_2779 : f32 to vector<16xf32>
    %get3A_2781 = arith.constant 240 : i32
    %get3A_2782 = arith.index_cast %get3A_2781 : i32 to index
    %get3A_2783 = arith.constant 0 : index
    %get3A_2784 = tpu.vector_load %arg7[%get3A_2782, %get3A_2783] {strides = array<i32>} : memref<320x16xf32, #tpu.memory_space<vmem>>, vector<1x16xf32>,
    %get3A_2785 = vector.shape_cast %get3A_2784 : vector<1x16xf32> to vector<16xf32>
    %exp3A_2786 = math.exp %get3A_2785 : vector<16xf32>
    %sub3A_2787 = arith.subf %get3A_2785, %get3A_2778 : vector<16xf32>
    %mul3A_2788 = arith.mulf %exp3A_2786, %sub3A_2787 : vector<16xf32>
    %sub3A_2789 = arith.subf %mul3A_2788, %exp3A_2786 : vector<16xf32>
    %add3A_2790 = arith.addf %broadcast_in_dim3A_2780, %sub3A_2789 : vector<16xf32>
    %get3A_2791 = arith.constant 241 : i32
    %get3A_2792 = arith.index_cast %get3A_2791 : i32 to index
    %get3A_2793 = arith.constant 0 : index
    %get3A_2794 = tpu.vector_load %arg7[%get3A_2792, %get3A_2793] {strides = array<i32>} : memref<320x16xf32, #tpu.memory_space<vmem>>, vector<1x16xf32>,
    %get3A_2795 = vector.shape_cast %get3A_2794 : vector<1x16xf32> to vector<16xf32>
    %exp3A_2796 = math.exp %get3A_2795 : vector<16xf32>
    %sub3A_2797 = arith.subf %get3A_2795, %get3A_2778 : vector<16xf32>
    %mul3A_2798 = arith.mulf %exp3A_2796, %sub3A_2797 : vector<16xf32>
    %sub3A_2799 = arith.subf %mul3A_2798, %exp3A_2796 : vector<16xf32>
    %add3A_2800 = arith.addf %add3A_2790, %sub3A_2799 : vector<16xf32>
    %get3A_2801 = arith.constant 242 : i32
    %get3A_2802 = arith.index_cast %get3A_2801 : i32 to index
    %get3A_2803 = arith.constant 0 : index
    %get3A_2804 = tpu.vector_load %arg7[%get3A_2802, %get3A_2803] {strides = array<i32>} : memref<320x16xf32, #tpu.memory_space<vmem>>, vector<1x16xf32>,
    %get3A_2805 = vector.shape_cast %get3A_2804 : vector<1x16xf32> to vector<16xf32>
    %exp3A_2806 = math.exp %get3A_2805 : vector<16xf32>
    %sub3A_2807 = arith.subf %get3A_2805, %get3A_2778 : vector<16xf32>
    %mul3A_2808 = arith.mulf %exp3A_2806, %sub3A_2807 : vector<16xf32>
    %sub3A_2809 = arith.subf %mul3A_2808, %exp3A_2806 : vector<16xf32>
    %add3A_2810 = arith.addf %add3A_2800, %sub3A_2809 : vector<16xf32>
    %get3A_2811 = arith.constant 243 : i32
    %get3A_2812 = arith.index_cast %get3A_2811 : i32 to index
    %get3A_2813 = arith.constant 0 : index
    %get3A_2814 = tpu.vector_load %arg7[%get3A_2812, %get3A_2813] {strides = array<i32>} : memref<320x16xf32, #tpu.memory_space<vmem>>, vector<1x16xf32>,
    %get3A_2815 = vector.shape_cast %get3A_2814 : vector<1x16xf32> to vector<16xf32>
    %exp3A_2816 = math.exp %get3A_2815 : vector<16xf32>
    %sub3A_2817 = arith.subf %get3A_2815, %get3A_2778 : vector<16xf32>
    %mul3A_2818 = arith.mulf %exp3A_2816, %sub3A_2817 : vector<16xf32>
    %sub3A_2819 = arith.subf %mul3A_2818, %exp3A_2816 : vector<16xf32>
    %add3A_2820 = arith.addf %add3A_2810, %sub3A_2819 : vector<16xf32>
    %get3A_2821 = arith.constant 244 : i32
    %get3A_2822 = arith.index_cast %get3A_2821 : i32 to index
    %get3A_2823 = arith.constant 0 : index
    %get3A_2824 = tpu.vector_load %arg7[%get3A_2822, %get3A_2823] {strides = array<i32>} : memref<320x16xf32, #tpu.memory_space<vmem>>, vector<1x16xf32>,
    %get3A_2825 = vector.shape_cast %get3A_2824 : vector<1x16xf32> to vector<16xf32>
    %exp3A_2826 = math.exp %get3A_2825 : vector<16xf32>
    %sub3A_2827 = arith.subf %get3A_2825, %get3A_2778 : vector<16xf32>
    %mul3A_2828 = arith.mulf %exp3A_2826, %sub3A_2827 : vector<16xf32>
    %sub3A_2829 = arith.subf %mul3A_2828, %exp3A_2826 : vector<16xf32>
    %add3A_2830 = arith.addf %add3A_2820, %sub3A_2829 : vector<16xf32>
    %get3A_2831 = arith.constant 245 : i32
    %get3A_2832 = arith.index_cast %get3A_2831 : i32 to index
    %get3A_2833 = arith.constant 0 : index
    %get3A_2834 = tpu.vector_load %arg7[%get3A_2832, %get3A_2833] {strides = array<i32>} : memref<320x16xf32, #tpu.memory_space<vmem>>, vector<1x16xf32>,
    %get3A_2835 = vector.shape_cast %get3A_2834 : vector<1x16xf32> to vector<16xf32>
    %exp3A_2836 = math.exp %get3A_2835 : vector<16xf32>
    %sub3A_2837 = arith.subf %get3A_2835, %get3A_2778 : vector<16xf32>
    %mul3A_2838 = arith.mulf %exp3A_2836, %sub3A_2837 : vector<16xf32>
    %sub3A_2839 = arith.subf %mul3A_2838, %exp3A_2836 : vector<16xf32>
    %add3A_2840 = arith.addf %add3A_2830, %sub3A_2839 : vector<16xf32>
    %get3A_2841 = arith.constant 246 : i32
    %get3A_2842 = arith.index_cast %get3A_2841 : i32 to index
    %get3A_2843 = arith.constant 0 : index
    %get3A_2844 = tpu.vector_load %arg7[%get3A_2842, %get3A_2843] {strides = array<i32>} : memref<320x16xf32, #tpu.memory_space<vmem>>, vector<1x16xf32>,
    %get3A_2845 = vector.shape_cast %get3A_2844 : vector<1x16xf32> to vector<16xf32>
    %exp3A_2846 = math.exp %get3A_2845 : vector<16xf32>
    %sub3A_2847 = arith.subf %get3A_2845, %get3A_2778 : vector<16xf32>
    %mul3A_2848 = arith.mulf %exp3A_2846, %sub3A_2847 : vector<16xf32>
    %sub3A_2849 = arith.subf %mul3A_2848, %exp3A_2846 : vector<16xf32>
    %add3A_2850 = arith.addf %add3A_2840, %sub3A_2849 : vector<16xf32>
    %get3A_2851 = arith.constant 247 : i32
    %get3A_2852 = arith.index_cast %get3A_2851 : i32 to index
    %get3A_2853 = arith.constant 0 : index
    %get3A_2854 = tpu.vector_load %arg7[%get3A_2852, %get3A_2853] {strides = array<i32>} : memref<320x16xf32, #tpu.memory_space<vmem>>, vector<1x16xf32>,
    %get3A_2855 = vector.shape_cast %get3A_2854 : vector<1x16xf32> to vector<16xf32>
    %exp3A_2856 = math.exp %get3A_2855 : vector<16xf32>
    %sub3A_2857 = arith.subf %get3A_2855, %get3A_2778 : vector<16xf32>
    %mul3A_2858 = arith.mulf %exp3A_2856, %sub3A_2857 : vector<16xf32>
    %sub3A_2859 = arith.subf %mul3A_2858, %exp3A_2856 : vector<16xf32>
    %add3A_2860 = arith.addf %add3A_2850, %sub3A_2859 : vector<16xf32>
    %get3A_2861 = arith.constant 248 : i32
    %get3A_2862 = arith.index_cast %get3A_2861 : i32 to index
    %get3A_2863 = arith.constant 0 : index
    %get3A_2864 = tpu.vector_load %arg7[%get3A_2862, %get3A_2863] {strides = array<i32>} : memref<320x16xf32, #tpu.memory_space<vmem>>, vector<1x16xf32>,
    %get3A_2865 = vector.shape_cast %get3A_2864 : vector<1x16xf32> to vector<16xf32>
    %exp3A_2866 = math.exp %get3A_2865 : vector<16xf32>
    %sub3A_2867 = arith.subf %get3A_2865, %get3A_2778 : vector<16xf32>
    %mul3A_2868 = arith.mulf %exp3A_2866, %sub3A_2867 : vector<16xf32>
    %sub3A_2869 = arith.subf %mul3A_2868, %exp3A_2866 : vector<16xf32>
    %add3A_2870 = arith.addf %add3A_2860, %sub3A_2869 : vector<16xf32>
    %get3A_2871 = arith.constant 249 : i32
    %get3A_2872 = arith.index_cast %get3A_2871 : i32 to index
    %get3A_2873 = arith.constant 0 : index
    %get3A_2874 = tpu.vector_load %arg7[%get3A_2872, %get3A_2873] {strides = array<i32>} : memref<320x16xf32, #tpu.memory_space<vmem>>, vector<1x16xf32>,
    %get3A_2875 = vector.shape_cast %get3A_2874 : vector<1x16xf32> to vector<16xf32>
    %exp3A_2876 = math.exp %get3A_2875 : vector<16xf32>
    %sub3A_2877 = arith.subf %get3A_2875, %get3A_2778 : vector<16xf32>
    %mul3A_2878 = arith.mulf %exp3A_2876, %sub3A_2877 : vector<16xf32>
    %sub3A_2879 = arith.subf %mul3A_2878, %exp3A_2876 : vector<16xf32>
    %add3A_2880 = arith.addf %add3A_2870, %sub3A_2879 : vector<16xf32>
    %swap3A_2881 = arith.constant 24 : i32
    %swap3A_2882 = arith.index_cast %swap3A_2881 : i32 to index
    %swap3A_2883 = arith.constant 0 : index
    %swap3A_2884 = tpu.vector_load %arg9[%swap3A_2882, %swap3A_2883] {strides = array<i32>} : memref<32x16xf32, #tpu.memory_space<vmem>>, vector<1x16xf32>,
    %swap3A_2885 = vector.shape_cast %swap3A_2884 : vector<1x16xf32> to vector<16xf32>
    %swap3A_2886 = vector.shape_cast %add3A_2880 : vector<16xf32> to vector<1x16xf32>
    tpu.vector_store %arg9[%swap3A_2882, %swap3A_2883], %swap3A_2886 {strides = array<i32>} : memref<32x16xf32, #tpu.memory_space<vmem>>, vector<1x16xf32>,
    %get3A_2887 = arith.constant 25 : i32
    %get3A_2888 = arith.index_cast %get3A_2887 : i32 to index
    %get3A_2889 = arith.constant 0 : index
    %get3A_2890 = tpu.vector_load %arg8[%get3A_2888, %get3A_2889] {strides = array<i32>} : memref<32x16xf32, #tpu.memory_space<vmem>>, vector<1x16xf32>,
    %get3A_2891 = vector.shape_cast %get3A_2890 : vector<1x16xf32> to vector<16xf32>
    %broadcast_in_dim3A_2892 = arith.constant 0.000000e+00 : f32
    %broadcast_in_dim3A_2893 = vector.broadcast %broadcast_in_dim3A_2892 : f32 to vector<16xf32>
    %get3A_2894 = arith.constant 250 : i32
    %get3A_2895 = arith.index_cast %get3A_2894 : i32 to index
    %get3A_2896 = arith.constant 0 : index
    %get3A_2897 = tpu.vector_load %arg7[%get3A_2895, %get3A_2896] {strides = array<i32>} : memref<320x16xf32, #tpu.memory_space<vmem>>, vector<1x16xf32>,
    %get3A_2898 = vector.shape_cast %get3A_2897 : vector<1x16xf32> to vector<16xf32>
    %exp3A_2899 = math.exp %get3A_2898 : vector<16xf32>
    %sub3A_2900 = arith.subf %get3A_2898, %get3A_2891 : vector<16xf32>
    %mul3A_2901 = arith.mulf %exp3A_2899, %sub3A_2900 : vector<16xf32>
    %sub3A_2902 = arith.subf %mul3A_2901, %exp3A_2899 : vector<16xf32>
    %add3A_2903 = arith.addf %broadcast_in_dim3A_2893, %sub3A_2902 : vector<16xf32>
    %get3A_2904 = arith.constant 251 : i32
    %get3A_2905 = arith.index_cast %get3A_2904 : i32 to index
    %get3A_2906 = arith.constant 0 : index
    %get3A_2907 = tpu.vector_load %arg7[%get3A_2905, %get3A_2906] {strides = array<i32>} : memref<320x16xf32, #tpu.memory_space<vmem>>, vector<1x16xf32>,
    %get3A_2908 = vector.shape_cast %get3A_2907 : vector<1x16xf32> to vector<16xf32>
    %exp3A_2909 = math.exp %get3A_2908 : vector<16xf32>
    %sub3A_2910 = arith.subf %get3A_2908, %get3A_2891 : vector<16xf32>
    %mul3A_2911 = arith.mulf %exp3A_2909, %sub3A_2910 : vector<16xf32>
    %sub3A_2912 = arith.subf %mul3A_2911, %exp3A_2909 : vector<16xf32>
    %add3A_2913 = arith.addf %add3A_2903, %sub3A_2912 : vector<16xf32>
    %get3A_2914 = arith.constant 252 : i32
    %get3A_2915 = arith.index_cast %get3A_2914 : i32 to index
    %get3A_2916 = arith.constant 0 : index
    %get3A_2917 = tpu.vector_load %arg7[%get3A_2915, %get3A_2916] {strides = array<i32>} : memref<320x16xf32, #tpu.memory_space<vmem>>, vector<1x16xf32>,
    %get3A_2918 = vector.shape_cast %get3A_2917 : vector<1x16xf32> to vector<16xf32>
    %exp3A_2919 = math.exp %get3A_2918 : vector<16xf32>
    %sub3A_2920 = arith.subf %get3A_2918, %get3A_2891 : vector<16xf32>
    %mul3A_2921 = arith.mulf %exp3A_2919, %sub3A_2920 : vector<16xf32>
    %sub3A_2922 = arith.subf %mul3A_2921, %exp3A_2919 : vector<16xf32>
    %add3A_2923 = arith.addf %add3A_2913, %sub3A_2922 : vector<16xf32>
    %get3A_2924 = arith.constant 253 : i32
    %get3A_2925 = arith.index_cast %get3A_2924 : i32 to index
    %get3A_2926 = arith.constant 0 : index
    %get3A_2927 = tpu.vector_load %arg7[%get3A_2925, %get3A_2926] {strides = array<i32>} : memref<320x16xf32, #tpu.memory_space<vmem>>, vector<1x16xf32>,
    %get3A_2928 = vector.shape_cast %get3A_2927 : vector<1x16xf32> to vector<16xf32>
    %exp3A_2929 = math.exp %get3A_2928 : vector<16xf32>
    %sub3A_2930 = arith.subf %get3A_2928, %get3A_2891 : vector<16xf32>
    %mul3A_2931 = arith.mulf %exp3A_2929, %sub3A_2930 : vector<16xf32>
    %sub3A_2932 = arith.subf %mul3A_2931, %exp3A_2929 : vector<16xf32>
    %add3A_2933 = arith.addf %add3A_2923, %sub3A_2932 : vector<16xf32>
    %get3A_2934 = arith.constant 254 : i32
    %get3A_2935 = arith.index_cast %get3A_2934 : i32 to index
    %get3A_2936 = arith.constant 0 : index
    %get3A_2937 = tpu.vector_load %arg7[%get3A_2935, %get3A_2936] {strides = array<i32>} : memref<320x16xf32, #tpu.memory_space<vmem>>, vector<1x16xf32>,
    %get3A_2938 = vector.shape_cast %get3A_2937 : vector<1x16xf32> to vector<16xf32>
    %exp3A_2939 = math.exp %get3A_2938 : vector<16xf32>
    %sub3A_2940 = arith.subf %get3A_2938, %get3A_2891 : vector<16xf32>
    %mul3A_2941 = arith.mulf %exp3A_2939, %sub3A_2940 : vector<16xf32>
    %sub3A_2942 = arith.subf %mul3A_2941, %exp3A_2939 : vector<16xf32>
    %add3A_2943 = arith.addf %add3A_2933, %sub3A_2942 : vector<16xf32>
    %get3A_2944 = arith.constant 255 : i32
    %get3A_2945 = arith.index_cast %get3A_2944 : i32 to index
    %get3A_2946 = arith.constant 0 : index
    %get3A_2947 = tpu.vector_load %arg7[%get3A_2945, %get3A_2946] {strides = array<i32>} : memref<320x16xf32, #tpu.memory_space<vmem>>, vector<1x16xf32>,
    %get3A_2948 = vector.shape_cast %get3A_2947 : vector<1x16xf32> to vector<16xf32>
    %exp3A_2949 = math.exp %get3A_2948 : vector<16xf32>
    %sub3A_2950 = arith.subf %get3A_2948, %get3A_2891 : vector<16xf32>
    %mul3A_2951 = arith.mulf %exp3A_2949, %sub3A_2950 : vector<16xf32>
    %sub3A_2952 = arith.subf %mul3A_2951, %exp3A_2949 : vector<16xf32>
    %add3A_2953 = arith.addf %add3A_2943, %sub3A_2952 : vector<16xf32>
    %get3A_2954 = arith.constant 256 : i32
    %get3A_2955 = arith.index_cast %get3A_2954 : i32 to index
    %get3A_2956 = arith.constant 0 : index
    %get3A_2957 = tpu.vector_load %arg7[%get3A_2955, %get3A_2956] {strides = array<i32>} : memref<320x16xf32, #tpu.memory_space<vmem>>, vector<1x16xf32>,
    %get3A_2958 = vector.shape_cast %get3A_2957 : vector<1x16xf32> to vector<16xf32>
    %exp3A_2959 = math.exp %get3A_2958 : vector<16xf32>
    %sub3A_2960 = arith.subf %get3A_2958, %get3A_2891 : vector<16xf32>
    %mul3A_2961 = arith.mulf %exp3A_2959, %sub3A_2960 : vector<16xf32>
    %sub3A_2962 = arith.subf %mul3A_2961, %exp3A_2959 : vector<16xf32>
    %add3A_2963 = arith.addf %add3A_2953, %sub3A_2962 : vector<16xf32>
    %get3A_2964 = arith.constant 257 : i32
    %get3A_2965 = arith.index_cast %get3A_2964 : i32 to index
    %get3A_2966 = arith.constant 0 : index
    %get3A_2967 = tpu.vector_load %arg7[%get3A_2965, %get3A_2966] {strides = array<i32>} : memref<320x16xf32, #tpu.memory_space<vmem>>, vector<1x16xf32>,
    %get3A_2968 = vector.shape_cast %get3A_2967 : vector<1x16xf32> to vector<16xf32>
    %exp3A_2969 = math.exp %get3A_2968 : vector<16xf32>
    %sub3A_2970 = arith.subf %get3A_2968, %get3A_2891 : vector<16xf32>
    %mul3A_2971 = arith.mulf %exp3A_2969, %sub3A_2970 : vector<16xf32>
    %sub3A_2972 = arith.subf %mul3A_2971, %exp3A_2969 : vector<16xf32>
    %add3A_2973 = arith.addf %add3A_2963, %sub3A_2972 : vector<16xf32>
    %get3A_2974 = arith.constant 258 : i32
    %get3A_2975 = arith.index_cast %get3A_2974 : i32 to index
    %get3A_2976 = arith.constant 0 : index
    %get3A_2977 = tpu.vector_load %arg7[%get3A_2975, %get3A_2976] {strides = array<i32>} : memref<320x16xf32, #tpu.memory_space<vmem>>, vector<1x16xf32>,
    %get3A_2978 = vector.shape_cast %get3A_2977 : vector<1x16xf32> to vector<16xf32>
    %exp3A_2979 = math.exp %get3A_2978 : vector<16xf32>
    %sub3A_2980 = arith.subf %get3A_2978, %get3A_2891 : vector<16xf32>
    %mul3A_2981 = arith.mulf %exp3A_2979, %sub3A_2980 : vector<16xf32>
    %sub3A_2982 = arith.subf %mul3A_2981, %exp3A_2979 : vector<16xf32>
    %add3A_2983 = arith.addf %add3A_2973, %sub3A_2982 : vector<16xf32>
    %get3A_2984 = arith.constant 259 : i32
    %get3A_2985 = arith.index_cast %get3A_2984 : i32 to index
    %get3A_2986 = arith.constant 0 : index
    %get3A_2987 = tpu.vector_load %arg7[%get3A_2985, %get3A_2986] {strides = array<i32>} : memref<320x16xf32, #tpu.memory_space<vmem>>, vector<1x16xf32>,
    %get3A_2988 = vector.shape_cast %get3A_2987 : vector<1x16xf32> to vector<16xf32>
    %exp3A_2989 = math.exp %get3A_2988 : vector<16xf32>
    %sub3A_2990 = arith.subf %get3A_2988, %get3A_2891 : vector<16xf32>
    %mul3A_2991 = arith.mulf %exp3A_2989, %sub3A_2990 : vector<16xf32>
    %sub3A_2992 = arith.subf %mul3A_2991, %exp3A_2989 : vector<16xf32>
    %add3A_2993 = arith.addf %add3A_2983, %sub3A_2992 : vector<16xf32>
    %swap3A_2994 = arith.constant 25 : i32
    %swap3A_2995 = arith.index_cast %swap3A_2994 : i32 to index
    %swap3A_2996 = arith.constant 0 : index
    %swap3A_2997 = tpu.vector_load %arg9[%swap3A_2995, %swap3A_2996] {strides = array<i32>} : memref<32x16xf32, #tpu.memory_space<vmem>>, vector<1x16xf32>,
    %swap3A_2998 = vector.shape_cast %swap3A_2997 : vector<1x16xf32> to vector<16xf32>
    %swap3A_2999 = vector.shape_cast %add3A_2993 : vector<16xf32> to vector<1x16xf32>
    tpu.vector_store %arg9[%swap3A_2995, %swap3A_2996], %swap3A_2999 {strides = array<i32>} : memref<32x16xf32, #tpu.memory_space<vmem>>, vector<1x16xf32>,
    %get3A_3000 = arith.constant 26 : i32
    %get3A_3001 = arith.index_cast %get3A_3000 : i32 to index
    %get3A_3002 = arith.constant 0 : index
    %get3A_3003 = tpu.vector_load %arg8[%get3A_3001, %get3A_3002] {strides = array<i32>} : memref<32x16xf32, #tpu.memory_space<vmem>>, vector<1x16xf32>,
    %get3A_3004 = vector.shape_cast %get3A_3003 : vector<1x16xf32> to vector<16xf32>
    %broadcast_in_dim3A_3005 = arith.constant 0.000000e+00 : f32
    %broadcast_in_dim3A_3006 = vector.broadcast %broadcast_in_dim3A_3005 : f32 to vector<16xf32>
    %get3A_3007 = arith.constant 260 : i32
    %get3A_3008 = arith.index_cast %get3A_3007 : i32 to index
    %get3A_3009 = arith.constant 0 : index
    %get3A_3010 = tpu.vector_load %arg7[%get3A_3008, %get3A_3009] {strides = array<i32>} : memref<320x16xf32, #tpu.memory_space<vmem>>, vector<1x16xf32>,
    %get3A_3011 = vector.shape_cast %get3A_3010 : vector<1x16xf32> to vector<16xf32>
    %exp3A_3012 = math.exp %get3A_3011 : vector<16xf32>
    %sub3A_3013 = arith.subf %get3A_3011, %get3A_3004 : vector<16xf32>
    %mul3A_3014 = arith.mulf %exp3A_3012, %sub3A_3013 : vector<16xf32>
    %sub3A_3015 = arith.subf %mul3A_3014, %exp3A_3012 : vector<16xf32>
    %add3A_3016 = arith.addf %broadcast_in_dim3A_3006, %sub3A_3015 : vector<16xf32>
    %get3A_3017 = arith.constant 261 : i32
    %get3A_3018 = arith.index_cast %get3A_3017 : i32 to index
    %get3A_3019 = arith.constant 0 : index
    %get3A_3020 = tpu.vector_load %arg7[%get3A_3018, %get3A_3019] {strides = array<i32>} : memref<320x16xf32, #tpu.memory_space<vmem>>, vector<1x16xf32>,
    %get3A_3021 = vector.shape_cast %get3A_3020 : vector<1x16xf32> to vector<16xf32>
    %exp3A_3022 = math.exp %get3A_3021 : vector<16xf32>
    %sub3A_3023 = arith.subf %get3A_3021, %get3A_3004 : vector<16xf32>
    %mul3A_3024 = arith.mulf %exp3A_3022, %sub3A_3023 : vector<16xf32>
    %sub3A_3025 = arith.subf %mul3A_3024, %exp3A_3022 : vector<16xf32>
    %add3A_3026 = arith.addf %add3A_3016, %sub3A_3025 : vector<16xf32>
    %get3A_3027 = arith.constant 262 : i32
    %get3A_3028 = arith.index_cast %get3A_3027 : i32 to index
    %get3A_3029 = arith.constant 0 : index
    %get3A_3030 = tpu.vector_load %arg7[%get3A_3028, %get3A_3029] {strides = array<i32>} : memref<320x16xf32, #tpu.memory_space<vmem>>, vector<1x16xf32>,
    %get3A_3031 = vector.shape_cast %get3A_3030 : vector<1x16xf32> to vector<16xf32>
    %exp3A_3032 = math.exp %get3A_3031 : vector<16xf32>
    %sub3A_3033 = arith.subf %get3A_3031, %get3A_3004 : vector<16xf32>
    %mul3A_3034 = arith.mulf %exp3A_3032, %sub3A_3033 : vector<16xf32>
    %sub3A_3035 = arith.subf %mul3A_3034, %exp3A_3032 : vector<16xf32>
    %add3A_3036 = arith.addf %add3A_3026, %sub3A_3035 : vector<16xf32>
    %get3A_3037 = arith.constant 263 : i32
    %get3A_3038 = arith.index_cast %get3A_3037 : i32 to index
    %get3A_3039 = arith.constant 0 : index
    %get3A_3040 = tpu.vector_load %arg7[%get3A_3038, %get3A_3039] {strides = array<i32>} : memref<320x16xf32, #tpu.memory_space<vmem>>, vector<1x16xf32>,
    %get3A_3041 = vector.shape_cast %get3A_3040 : vector<1x16xf32> to vector<16xf32>
    %exp3A_3042 = math.exp %get3A_3041 : vector<16xf32>
    %sub3A_3043 = arith.subf %get3A_3041, %get3A_3004 : vector<16xf32>
    %mul3A_3044 = arith.mulf %exp3A_3042, %sub3A_3043 : vector<16xf32>
    %sub3A_3045 = arith.subf %mul3A_3044, %exp3A_3042 : vector<16xf32>
    %add3A_3046 = arith.addf %add3A_3036, %sub3A_3045 : vector<16xf32>
    %get3A_3047 = arith.constant 264 : i32
    %get3A_3048 = arith.index_cast %get3A_3047 : i32 to index
    %get3A_3049 = arith.constant 0 : index
    %get3A_3050 = tpu.vector_load %arg7[%get3A_3048, %get3A_3049] {strides = array<i32>} : memref<320x16xf32, #tpu.memory_space<vmem>>, vector<1x16xf32>,
    %get3A_3051 = vector.shape_cast %get3A_3050 : vector<1x16xf32> to vector<16xf32>
    %exp3A_3052 = math.exp %get3A_3051 : vector<16xf32>
    %sub3A_3053 = arith.subf %get3A_3051, %get3A_3004 : vector<16xf32>
    %mul3A_3054 = arith.mulf %exp3A_3052, %sub3A_3053 : vector<16xf32>
    %sub3A_3055 = arith.subf %mul3A_3054, %exp3A_3052 : vector<16xf32>
    %add3A_3056 = arith.addf %add3A_3046, %sub3A_3055 : vector<16xf32>
    %get3A_3057 = arith.constant 265 : i32
    %get3A_3058 = arith.index_cast %get3A_3057 : i32 to index
    %get3A_3059 = arith.constant 0 : index
    %get3A_3060 = tpu.vector_load %arg7[%get3A_3058, %get3A_3059] {strides = array<i32>} : memref<320x16xf32, #tpu.memory_space<vmem>>, vector<1x16xf32>,
    %get3A_3061 = vector.shape_cast %get3A_3060 : vector<1x16xf32> to vector<16xf32>
    %exp3A_3062 = math.exp %get3A_3061 : vector<16xf32>
    %sub3A_3063 = arith.subf %get3A_3061, %get3A_3004 : vector<16xf32>
    %mul3A_3064 = arith.mulf %exp3A_3062, %sub3A_3063 : vector<16xf32>
    %sub3A_3065 = arith.subf %mul3A_3064, %exp3A_3062 : vector<16xf32>
    %add3A_3066 = arith.addf %add3A_3056, %sub3A_3065 : vector<16xf32>
    %get3A_3067 = arith.constant 266 : i32
    %get3A_3068 = arith.index_cast %get3A_3067 : i32 to index
    %get3A_3069 = arith.constant 0 : index
    %get3A_3070 = tpu.vector_load %arg7[%get3A_3068, %get3A_3069] {strides = array<i32>} : memref<320x16xf32, #tpu.memory_space<vmem>>, vector<1x16xf32>,
    %get3A_3071 = vector.shape_cast %get3A_3070 : vector<1x16xf32> to vector<16xf32>
    %exp3A_3072 = math.exp %get3A_3071 : vector<16xf32>
    %sub3A_3073 = arith.subf %get3A_3071, %get3A_3004 : vector<16xf32>
    %mul3A_3074 = arith.mulf %exp3A_3072, %sub3A_3073 : vector<16xf32>
    %sub3A_3075 = arith.subf %mul3A_3074, %exp3A_3072 : vector<16xf32>
    %add3A_3076 = arith.addf %add3A_3066, %sub3A_3075 : vector<16xf32>
    %get3A_3077 = arith.constant 267 : i32
    %get3A_3078 = arith.index_cast %get3A_3077 : i32 to index
    %get3A_3079 = arith.constant 0 : index
    %get3A_3080 = tpu.vector_load %arg7[%get3A_3078, %get3A_3079] {strides = array<i32>} : memref<320x16xf32, #tpu.memory_space<vmem>>, vector<1x16xf32>,
    %get3A_3081 = vector.shape_cast %get3A_3080 : vector<1x16xf32> to vector<16xf32>
    %exp3A_3082 = math.exp %get3A_3081 : vector<16xf32>
    %sub3A_3083 = arith.subf %get3A_3081, %get3A_3004 : vector<16xf32>
    %mul3A_3084 = arith.mulf %exp3A_3082, %sub3A_3083 : vector<16xf32>
    %sub3A_3085 = arith.subf %mul3A_3084, %exp3A_3082 : vector<16xf32>
    %add3A_3086 = arith.addf %add3A_3076, %sub3A_3085 : vector<16xf32>
    %get3A_3087 = arith.constant 268 : i32
    %get3A_3088 = arith.index_cast %get3A_3087 : i32 to index
    %get3A_3089 = arith.constant 0 : index
    %get3A_3090 = tpu.vector_load %arg7[%get3A_3088, %get3A_3089] {strides = array<i32>} : memref<320x16xf32, #tpu.memory_space<vmem>>, vector<1x16xf32>,
    %get3A_3091 = vector.shape_cast %get3A_3090 : vector<1x16xf32> to vector<16xf32>
    %exp3A_3092 = math.exp %get3A_3091 : vector<16xf32>
    %sub3A_3093 = arith.subf %get3A_3091, %get3A_3004 : vector<16xf32>
    %mul3A_3094 = arith.mulf %exp3A_3092, %sub3A_3093 : vector<16xf32>
    %sub3A_3095 = arith.subf %mul3A_3094, %exp3A_3092 : vector<16xf32>
    %add3A_3096 = arith.addf %add3A_3086, %sub3A_3095 : vector<16xf32>
    %get3A_3097 = arith.constant 269 : i32
    %get3A_3098 = arith.index_cast %get3A_3097 : i32 to index
    %get3A_3099 = arith.constant 0 : index
    %get3A_3100 = tpu.vector_load %arg7[%get3A_3098, %get3A_3099] {strides = array<i32>} : memref<320x16xf32, #tpu.memory_space<vmem>>, vector<1x16xf32>,
    %get3A_3101 = vector.shape_cast %get3A_3100 : vector<1x16xf32> to vector<16xf32>
    %exp3A_3102 = math.exp %get3A_3101 : vector<16xf32>
    %sub3A_3103 = arith.subf %get3A_3101, %get3A_3004 : vector<16xf32>
    %mul3A_3104 = arith.mulf %exp3A_3102, %sub3A_3103 : vector<16xf32>
    %sub3A_3105 = arith.subf %mul3A_3104, %exp3A_3102 : vector<16xf32>
    %add3A_3106 = arith.addf %add3A_3096, %sub3A_3105 : vector<16xf32>
    %swap3A_3107 = arith.constant 26 : i32
    %swap3A_3108 = arith.index_cast %swap3A_3107 : i32 to index
    %swap3A_3109 = arith.constant 0 : index
    %swap3A_3110 = tpu.vector_load %arg9[%swap3A_3108, %swap3A_3109] {strides = array<i32>} : memref<32x16xf32, #tpu.memory_space<vmem>>, vector<1x16xf32>,
    %swap3A_3111 = vector.shape_cast %swap3A_3110 : vector<1x16xf32> to vector<16xf32>
    %swap3A_3112 = vector.shape_cast %add3A_3106 : vector<16xf32> to vector<1x16xf32>
    tpu.vector_store %arg9[%swap3A_3108, %swap3A_3109], %swap3A_3112 {strides = array<i32>} : memref<32x16xf32, #tpu.memory_space<vmem>>, vector<1x16xf32>,
    %get3A_3113 = arith.constant 27 : i32
    %get3A_3114 = arith.index_cast %get3A_3113 : i32 to index
    %get3A_3115 = arith.constant 0 : index
    %get3A_3116 = tpu.vector_load %arg8[%get3A_3114, %get3A_3115] {strides = array<i32>} : memref<32x16xf32, #tpu.memory_space<vmem>>, vector<1x16xf32>,
    %get3A_3117 = vector.shape_cast %get3A_3116 : vector<1x16xf32> to vector<16xf32>
    %broadcast_in_dim3A_3118 = arith.constant 0.000000e+00 : f32
    %broadcast_in_dim3A_3119 = vector.broadcast %broadcast_in_dim3A_3118 : f32 to vector<16xf32>
    %get3A_3120 = arith.constant 270 : i32
    %get3A_3121 = arith.index_cast %get3A_3120 : i32 to index
    %get3A_3122 = arith.constant 0 : index
    %get3A_3123 = tpu.vector_load %arg7[%get3A_3121, %get3A_3122] {strides = array<i32>} : memref<320x16xf32, #tpu.memory_space<vmem>>, vector<1x16xf32>,
    %get3A_3124 = vector.shape_cast %get3A_3123 : vector<1x16xf32> to vector<16xf32>
    %exp3A_3125 = math.exp %get3A_3124 : vector<16xf32>
    %sub3A_3126 = arith.subf %get3A_3124, %get3A_3117 : vector<16xf32>
    %mul3A_3127 = arith.mulf %exp3A_3125, %sub3A_3126 : vector<16xf32>
    %sub3A_3128 = arith.subf %mul3A_3127, %exp3A_3125 : vector<16xf32>
    %add3A_3129 = arith.addf %broadcast_in_dim3A_3119, %sub3A_3128 : vector<16xf32>
    %get3A_3130 = arith.constant 271 : i32
    %get3A_3131 = arith.index_cast %get3A_3130 : i32 to index
    %get3A_3132 = arith.constant 0 : index
    %get3A_3133 = tpu.vector_load %arg7[%get3A_3131, %get3A_3132] {strides = array<i32>} : memref<320x16xf32, #tpu.memory_space<vmem>>, vector<1x16xf32>,
    %get3A_3134 = vector.shape_cast %get3A_3133 : vector<1x16xf32> to vector<16xf32>
    %exp3A_3135 = math.exp %get3A_3134 : vector<16xf32>
    %sub3A_3136 = arith.subf %get3A_3134, %get3A_3117 : vector<16xf32>
    %mul3A_3137 = arith.mulf %exp3A_3135, %sub3A_3136 : vector<16xf32>
    %sub3A_3138 = arith.subf %mul3A_3137, %exp3A_3135 : vector<16xf32>
    %add3A_3139 = arith.addf %add3A_3129, %sub3A_3138 : vector<16xf32>
    %get3A_3140 = arith.constant 272 : i32
    %get3A_3141 = arith.index_cast %get3A_3140 : i32 to index
    %get3A_3142 = arith.constant 0 : index
    %get3A_3143 = tpu.vector_load %arg7[%get3A_3141, %get3A_3142] {strides = array<i32>} : memref<320x16xf32, #tpu.memory_space<vmem>>, vector<1x16xf32>,
    %get3A_3144 = vector.shape_cast %get3A_3143 : vector<1x16xf32> to vector<16xf32>
    %exp3A_3145 = math.exp %get3A_3144 : vector<16xf32>
    %sub3A_3146 = arith.subf %get3A_3144, %get3A_3117 : vector<16xf32>
    %mul3A_3147 = arith.mulf %exp3A_3145, %sub3A_3146 : vector<16xf32>
    %sub3A_3148 = arith.subf %mul3A_3147, %exp3A_3145 : vector<16xf32>
    %add3A_3149 = arith.addf %add3A_3139, %sub3A_3148 : vector<16xf32>
    %get3A_3150 = arith.constant 273 : i32
    %get3A_3151 = arith.index_cast %get3A_3150 : i32 to index
    %get3A_3152 = arith.constant 0 : index
    %get3A_3153 = tpu.vector_load %arg7[%get3A_3151, %get3A_3152] {strides = array<i32>} : memref<320x16xf32, #tpu.memory_space<vmem>>, vector<1x16xf32>,
    %get3A_3154 = vector.shape_cast %get3A_3153 : vector<1x16xf32> to vector<16xf32>
    %exp3A_3155 = math.exp %get3A_3154 : vector<16xf32>
    %sub3A_3156 = arith.subf %get3A_3154, %get3A_3117 : vector<16xf32>
    %mul3A_3157 = arith.mulf %exp3A_3155, %sub3A_3156 : vector<16xf32>
    %sub3A_3158 = arith.subf %mul3A_3157, %exp3A_3155 : vector<16xf32>
    %add3A_3159 = arith.addf %add3A_3149, %sub3A_3158 : vector<16xf32>
    %get3A_3160 = arith.constant 274 : i32
    %get3A_3161 = arith.index_cast %get3A_3160 : i32 to index
    %get3A_3162 = arith.constant 0 : index
    %get3A_3163 = tpu.vector_load %arg7[%get3A_3161, %get3A_3162] {strides = array<i32>} : memref<320x16xf32, #tpu.memory_space<vmem>>, vector<1x16xf32>,
    %get3A_3164 = vector.shape_cast %get3A_3163 : vector<1x16xf32> to vector<16xf32>
    %exp3A_3165 = math.exp %get3A_3164 : vector<16xf32>
    %sub3A_3166 = arith.subf %get3A_3164, %get3A_3117 : vector<16xf32>
    %mul3A_3167 = arith.mulf %exp3A_3165, %sub3A_3166 : vector<16xf32>
    %sub3A_3168 = arith.subf %mul3A_3167, %exp3A_3165 : vector<16xf32>
    %add3A_3169 = arith.addf %add3A_3159, %sub3A_3168 : vector<16xf32>
    %get3A_3170 = arith.constant 275 : i32
    %get3A_3171 = arith.index_cast %get3A_3170 : i32 to index
    %get3A_3172 = arith.constant 0 : index
    %get3A_3173 = tpu.vector_load %arg7[%get3A_3171, %get3A_3172] {strides = array<i32>} : memref<320x16xf32, #tpu.memory_space<vmem>>, vector<1x16xf32>,
    %get3A_3174 = vector.shape_cast %get3A_3173 : vector<1x16xf32> to vector<16xf32>
    %exp3A_3175 = math.exp %get3A_3174 : vector<16xf32>
    %sub3A_3176 = arith.subf %get3A_3174, %get3A_3117 : vector<16xf32>
    %mul3A_3177 = arith.mulf %exp3A_3175, %sub3A_3176 : vector<16xf32>
    %sub3A_3178 = arith.subf %mul3A_3177, %exp3A_3175 : vector<16xf32>
    %add3A_3179 = arith.addf %add3A_3169, %sub3A_3178 : vector<16xf32>
    %get3A_3180 = arith.constant 276 : i32
    %get3A_3181 = arith.index_cast %get3A_3180 : i32 to index
    %get3A_3182 = arith.constant 0 : index
    %get3A_3183 = tpu.vector_load %arg7[%get3A_3181, %get3A_3182] {strides = array<i32>} : memref<320x16xf32, #tpu.memory_space<vmem>>, vector<1x16xf32>,
    %get3A_3184 = vector.shape_cast %get3A_3183 : vector<1x16xf32> to vector<16xf32>
    %exp3A_3185 = math.exp %get3A_3184 : vector<16xf32>
    %sub3A_3186 = arith.subf %get3A_3184, %get3A_3117 : vector<16xf32>
    %mul3A_3187 = arith.mulf %exp3A_3185, %sub3A_3186 : vector<16xf32>
    %sub3A_3188 = arith.subf %mul3A_3187, %exp3A_3185 : vector<16xf32>
    %add3A_3189 = arith.addf %add3A_3179, %sub3A_3188 : vector<16xf32>
    %get3A_3190 = arith.constant 277 : i32
    %get3A_3191 = arith.index_cast %get3A_3190 : i32 to index
    %get3A_3192 = arith.constant 0 : index
    %get3A_3193 = tpu.vector_load %arg7[%get3A_3191, %get3A_3192] {strides = array<i32>} : memref<320x16xf32, #tpu.memory_space<vmem>>, vector<1x16xf32>,
    %get3A_3194 = vector.shape_cast %get3A_3193 : vector<1x16xf32> to vector<16xf32>
    %exp3A_3195 = math.exp %get3A_3194 : vector<16xf32>
    %sub3A_3196 = arith.subf %get3A_3194, %get3A_3117 : vector<16xf32>
    %mul3A_3197 = arith.mulf %exp3A_3195, %sub3A_3196 : vector<16xf32>
    %sub3A_3198 = arith.subf %mul3A_3197, %exp3A_3195 : vector<16xf32>
    %add3A_3199 = arith.addf %add3A_3189, %sub3A_3198 : vector<16xf32>
    %get3A_3200 = arith.constant 278 : i32
    %get3A_3201 = arith.index_cast %get3A_3200 : i32 to index
    %get3A_3202 = arith.constant 0 : index
    %get3A_3203 = tpu.vector_load %arg7[%get3A_3201, %get3A_3202] {strides = array<i32>} : memref<320x16xf32, #tpu.memory_space<vmem>>, vector<1x16xf32>,
    %get3A_3204 = vector.shape_cast %get3A_3203 : vector<1x16xf32> to vector<16xf32>
    %exp3A_3205 = math.exp %get3A_3204 : vector<16xf32>
    %sub3A_3206 = arith.subf %get3A_3204, %get3A_3117 : vector<16xf32>
    %mul3A_3207 = arith.mulf %exp3A_3205, %sub3A_3206 : vector<16xf32>
    %sub3A_3208 = arith.subf %mul3A_3207, %exp3A_3205 : vector<16xf32>
    %add3A_3209 = arith.addf %add3A_3199, %sub3A_3208 : vector<16xf32>
    %get3A_3210 = arith.constant 279 : i32
    %get3A_3211 = arith.index_cast %get3A_3210 : i32 to index
    %get3A_3212 = arith.constant 0 : index
    %get3A_3213 = tpu.vector_load %arg7[%get3A_3211, %get3A_3212] {strides = array<i32>} : memref<320x16xf32, #tpu.memory_space<vmem>>, vector<1x16xf32>,
    %get3A_3214 = vector.shape_cast %get3A_3213 : vector<1x16xf32> to vector<16xf32>
    %exp3A_3215 = math.exp %get3A_3214 : vector<16xf32>
    %sub3A_3216 = arith.subf %get3A_3214, %get3A_3117 : vector<16xf32>
    %mul3A_3217 = arith.mulf %exp3A_3215, %sub3A_3216 : vector<16xf32>
    %sub3A_3218 = arith.subf %mul3A_3217, %exp3A_3215 : vector<16xf32>
    %add3A_3219 = arith.addf %add3A_3209, %sub3A_3218 : vector<16xf32>
    %swap3A_3220 = arith.constant 27 : i32
    %swap3A_3221 = arith.index_cast %swap3A_3220 : i32 to index
    %swap3A_3222 = arith.constant 0 : index
    %swap3A_3223 = tpu.vector_load %arg9[%swap3A_3221, %swap3A_3222] {strides = array<i32>} : memref<32x16xf32, #tpu.memory_space<vmem>>, vector<1x16xf32>,
    %swap3A_3224 = vector.shape_cast %swap3A_3223 : vector<1x16xf32> to vector<16xf32>
    %swap3A_3225 = vector.shape_cast %add3A_3219 : vector<16xf32> to vector<1x16xf32>
    tpu.vector_store %arg9[%swap3A_3221, %swap3A_3222], %swap3A_3225 {strides = array<i32>} : memref<32x16xf32, #tpu.memory_space<vmem>>, vector<1x16xf32>,
    %get3A_3226 = arith.constant 28 : i32
    %get3A_3227 = arith.index_cast %get3A_3226 : i32 to index
    %get3A_3228 = arith.constant 0 : index
    %get3A_3229 = tpu.vector_load %arg8[%get3A_3227, %get3A_3228] {strides = array<i32>} : memref<32x16xf32, #tpu.memory_space<vmem>>, vector<1x16xf32>,
    %get3A_3230 = vector.shape_cast %get3A_3229 : vector<1x16xf32> to vector<16xf32>
    %broadcast_in_dim3A_3231 = arith.constant 0.000000e+00 : f32
    %broadcast_in_dim3A_3232 = vector.broadcast %broadcast_in_dim3A_3231 : f32 to vector<16xf32>
    %get3A_3233 = arith.constant 280 : i32
    %get3A_3234 = arith.index_cast %get3A_3233 : i32 to index
    %get3A_3235 = arith.constant 0 : index
    %get3A_3236 = tpu.vector_load %arg7[%get3A_3234, %get3A_3235] {strides = array<i32>} : memref<320x16xf32, #tpu.memory_space<vmem>>, vector<1x16xf32>,
    %get3A_3237 = vector.shape_cast %get3A_3236 : vector<1x16xf32> to vector<16xf32>
    %exp3A_3238 = math.exp %get3A_3237 : vector<16xf32>
    %sub3A_3239 = arith.subf %get3A_3237, %get3A_3230 : vector<16xf32>
    %mul3A_3240 = arith.mulf %exp3A_3238, %sub3A_3239 : vector<16xf32>
    %sub3A_3241 = arith.subf %mul3A_3240, %exp3A_3238 : vector<16xf32>
    %add3A_3242 = arith.addf %broadcast_in_dim3A_3232, %sub3A_3241 : vector<16xf32>
    %get3A_3243 = arith.constant 281 : i32
    %get3A_3244 = arith.index_cast %get3A_3243 : i32 to index
    %get3A_3245 = arith.constant 0 : index
    %get3A_3246 = tpu.vector_load %arg7[%get3A_3244, %get3A_3245] {strides = array<i32>} : memref<320x16xf32, #tpu.memory_space<vmem>>, vector<1x16xf32>,
    %get3A_3247 = vector.shape_cast %get3A_3246 : vector<1x16xf32> to vector<16xf32>
    %exp3A_3248 = math.exp %get3A_3247 : vector<16xf32>
    %sub3A_3249 = arith.subf %get3A_3247, %get3A_3230 : vector<16xf32>
    %mul3A_3250 = arith.mulf %exp3A_3248, %sub3A_3249 : vector<16xf32>
    %sub3A_3251 = arith.subf %mul3A_3250, %exp3A_3248 : vector<16xf32>
    %add3A_3252 = arith.addf %add3A_3242, %sub3A_3251 : vector<16xf32>
    %get3A_3253 = arith.constant 282 : i32
    %get3A_3254 = arith.index_cast %get3A_3253 : i32 to index
    %get3A_3255 = arith.constant 0 : index
    %get3A_3256 = tpu.vector_load %arg7[%get3A_3254, %get3A_3255] {strides = array<i32>} : memref<320x16xf32, #tpu.memory_space<vmem>>, vector<1x16xf32>,
    %get3A_3257 = vector.shape_cast %get3A_3256 : vector<1x16xf32> to vector<16xf32>
    %exp3A_3258 = math.exp %get3A_3257 : vector<16xf32>
    %sub3A_3259 = arith.subf %get3A_3257, %get3A_3230 : vector<16xf32>
    %mul3A_3260 = arith.mulf %exp3A_3258, %sub3A_3259 : vector<16xf32>
    %sub3A_3261 = arith.subf %mul3A_3260, %exp3A_3258 : vector<16xf32>
    %add3A_3262 = arith.addf %add3A_3252, %sub3A_3261 : vector<16xf32>
    %get3A_3263 = arith.constant 283 : i32
    %get3A_3264 = arith.index_cast %get3A_3263 : i32 to index
    %get3A_3265 = arith.constant 0 : index
    %get3A_3266 = tpu.vector_load %arg7[%get3A_3264, %get3A_3265] {strides = array<i32>} : memref<320x16xf32, #tpu.memory_space<vmem>>, vector<1x16xf32>,
    %get3A_3267 = vector.shape_cast %get3A_3266 : vector<1x16xf32> to vector<16xf32>
    %exp3A_3268 = math.exp %get3A_3267 : vector<16xf32>
    %sub3A_3269 = arith.subf %get3A_3267, %get3A_3230 : vector<16xf32>
    %mul3A_3270 = arith.mulf %exp3A_3268, %sub3A_3269 : vector<16xf32>
    %sub3A_3271 = arith.subf %mul3A_3270, %exp3A_3268 : vector<16xf32>
    %add3A_3272 = arith.addf %add3A_3262, %sub3A_3271 : vector<16xf32>
    %get3A_3273 = arith.constant 284 : i32
    %get3A_3274 = arith.index_cast %get3A_3273 : i32 to index
    %get3A_3275 = arith.constant 0 : index
    %get3A_3276 = tpu.vector_load %arg7[%get3A_3274, %get3A_3275] {strides = array<i32>} : memref<320x16xf32, #tpu.memory_space<vmem>>, vector<1x16xf32>,
    %get3A_3277 = vector.shape_cast %get3A_3276 : vector<1x16xf32> to vector<16xf32>
    %exp3A_3278 = math.exp %get3A_3277 : vector<16xf32>
    %sub3A_3279 = arith.subf %get3A_3277, %get3A_3230 : vector<16xf32>
    %mul3A_3280 = arith.mulf %exp3A_3278, %sub3A_3279 : vector<16xf32>
    %sub3A_3281 = arith.subf %mul3A_3280, %exp3A_3278 : vector<16xf32>
    %add3A_3282 = arith.addf %add3A_3272, %sub3A_3281 : vector<16xf32>
    %get3A_3283 = arith.constant 285 : i32
    %get3A_3284 = arith.index_cast %get3A_3283 : i32 to index
    %get3A_3285 = arith.constant 0 : index
    %get3A_3286 = tpu.vector_load %arg7[%get3A_3284, %get3A_3285] {strides = array<i32>} : memref<320x16xf32, #tpu.memory_space<vmem>>, vector<1x16xf32>,
    %get3A_3287 = vector.shape_cast %get3A_3286 : vector<1x16xf32> to vector<16xf32>
    %exp3A_3288 = math.exp %get3A_3287 : vector<16xf32>
    %sub3A_3289 = arith.subf %get3A_3287, %get3A_3230 : vector<16xf32>
    %mul3A_3290 = arith.mulf %exp3A_3288, %sub3A_3289 : vector<16xf32>
    %sub3A_3291 = arith.subf %mul3A_3290, %exp3A_3288 : vector<16xf32>
    %add3A_3292 = arith.addf %add3A_3282, %sub3A_3291 : vector<16xf32>
    %get3A_3293 = arith.constant 286 : i32
    %get3A_3294 = arith.index_cast %get3A_3293 : i32 to index
    %get3A_3295 = arith.constant 0 : index
    %get3A_3296 = tpu.vector_load %arg7[%get3A_3294, %get3A_3295] {strides = array<i32>} : memref<320x16xf32, #tpu.memory_space<vmem>>, vector<1x16xf32>,
    %get3A_3297 = vector.shape_cast %get3A_3296 : vector<1x16xf32> to vector<16xf32>
    %exp3A_3298 = math.exp %get3A_3297 : vector<16xf32>
    %sub3A_3299 = arith.subf %get3A_3297, %get3A_3230 : vector<16xf32>
    %mul3A_3300 = arith.mulf %exp3A_3298, %sub3A_3299 : vector<16xf32>
    %sub3A_3301 = arith.subf %mul3A_3300, %exp3A_3298 : vector<16xf32>
    %add3A_3302 = arith.addf %add3A_3292, %sub3A_3301 : vector<16xf32>
    %get3A_3303 = arith.constant 287 : i32
    %get3A_3304 = arith.index_cast %get3A_3303 : i32 to index
    %get3A_3305 = arith.constant 0 : index
    %get3A_3306 = tpu.vector_load %arg7[%get3A_3304, %get3A_3305] {strides = array<i32>} : memref<320x16xf32, #tpu.memory_space<vmem>>, vector<1x16xf32>,
    %get3A_3307 = vector.shape_cast %get3A_3306 : vector<1x16xf32> to vector<16xf32>
    %exp3A_3308 = math.exp %get3A_3307 : vector<16xf32>
    %sub3A_3309 = arith.subf %get3A_3307, %get3A_3230 : vector<16xf32>
    %mul3A_3310 = arith.mulf %exp3A_3308, %sub3A_3309 : vector<16xf32>
    %sub3A_3311 = arith.subf %mul3A_3310, %exp3A_3308 : vector<16xf32>
    %add3A_3312 = arith.addf %add3A_3302, %sub3A_3311 : vector<16xf32>
    %get3A_3313 = arith.constant 288 : i32
    %get3A_3314 = arith.index_cast %get3A_3313 : i32 to index
    %get3A_3315 = arith.constant 0 : index
    %get3A_3316 = tpu.vector_load %arg7[%get3A_3314, %get3A_3315] {strides = array<i32>} : memref<320x16xf32, #tpu.memory_space<vmem>>, vector<1x16xf32>,
    %get3A_3317 = vector.shape_cast %get3A_3316 : vector<1x16xf32> to vector<16xf32>
    %exp3A_3318 = math.exp %get3A_3317 : vector<16xf32>
    %sub3A_3319 = arith.subf %get3A_3317, %get3A_3230 : vector<16xf32>
    %mul3A_3320 = arith.mulf %exp3A_3318, %sub3A_3319 : vector<16xf32>
    %sub3A_3321 = arith.subf %mul3A_3320, %exp3A_3318 : vector<16xf32>
    %add3A_3322 = arith.addf %add3A_3312, %sub3A_3321 : vector<16xf32>
    %get3A_3323 = arith.constant 289 : i32
    %get3A_3324 = arith.index_cast %get3A_3323 : i32 to index
    %get3A_3325 = arith.constant 0 : index
    %get3A_3326 = tpu.vector_load %arg7[%get3A_3324, %get3A_3325] {strides = array<i32>} : memref<320x16xf32, #tpu.memory_space<vmem>>, vector<1x16xf32>,
    %get3A_3327 = vector.shape_cast %get3A_3326 : vector<1x16xf32> to vector<16xf32>
    %exp3A_3328 = math.exp %get3A_3327 : vector<16xf32>
    %sub3A_3329 = arith.subf %get3A_3327, %get3A_3230 : vector<16xf32>
    %mul3A_3330 = arith.mulf %exp3A_3328, %sub3A_3329 : vector<16xf32>
    %sub3A_3331 = arith.subf %mul3A_3330, %exp3A_3328 : vector<16xf32>
    %add3A_3332 = arith.addf %add3A_3322, %sub3A_3331 : vector<16xf32>
    %swap3A_3333 = arith.constant 28 : i32
    %swap3A_3334 = arith.index_cast %swap3A_3333 : i32 to index
    %swap3A_3335 = arith.constant 0 : index
    %swap3A_3336 = tpu.vector_load %arg9[%swap3A_3334, %swap3A_3335] {strides = array<i32>} : memref<32x16xf32, #tpu.memory_space<vmem>>, vector<1x16xf32>,
    %swap3A_3337 = vector.shape_cast %swap3A_3336 : vector<1x16xf32> to vector<16xf32>
    %swap3A_3338 = vector.shape_cast %add3A_3332 : vector<16xf32> to vector<1x16xf32>
    tpu.vector_store %arg9[%swap3A_3334, %swap3A_3335], %swap3A_3338 {strides = array<i32>} : memref<32x16xf32, #tpu.memory_space<vmem>>, vector<1x16xf32>,
    %get3A_3339 = arith.constant 29 : i32
    %get3A_3340 = arith.index_cast %get3A_3339 : i32 to index
    %get3A_3341 = arith.constant 0 : index
    %get3A_3342 = tpu.vector_load %arg8[%get3A_3340, %get3A_3341] {strides = array<i32>} : memref<32x16xf32, #tpu.memory_space<vmem>>, vector<1x16xf32>,
    %get3A_3343 = vector.shape_cast %get3A_3342 : vector<1x16xf32> to vector<16xf32>
    %broadcast_in_dim3A_3344 = arith.constant 0.000000e+00 : f32
    %broadcast_in_dim3A_3345 = vector.broadcast %broadcast_in_dim3A_3344 : f32 to vector<16xf32>
    %get3A_3346 = arith.constant 290 : i32
    %get3A_3347 = arith.index_cast %get3A_3346 : i32 to index
    %get3A_3348 = arith.constant 0 : index
    %get3A_3349 = tpu.vector_load %arg7[%get3A_3347, %get3A_3348] {strides = array<i32>} : memref<320x16xf32, #tpu.memory_space<vmem>>, vector<1x16xf32>,
    %get3A_3350 = vector.shape_cast %get3A_3349 : vector<1x16xf32> to vector<16xf32>
    %exp3A_3351 = math.exp %get3A_3350 : vector<16xf32>
    %sub3A_3352 = arith.subf %get3A_3350, %get3A_3343 : vector<16xf32>
    %mul3A_3353 = arith.mulf %exp3A_3351, %sub3A_3352 : vector<16xf32>
    %sub3A_3354 = arith.subf %mul3A_3353, %exp3A_3351 : vector<16xf32>
    %add3A_3355 = arith.addf %broadcast_in_dim3A_3345, %sub3A_3354 : vector<16xf32>
    %get3A_3356 = arith.constant 291 : i32
    %get3A_3357 = arith.index_cast %get3A_3356 : i32 to index
    %get3A_3358 = arith.constant 0 : index
    %get3A_3359 = tpu.vector_load %arg7[%get3A_3357, %get3A_3358] {strides = array<i32>} : memref<320x16xf32, #tpu.memory_space<vmem>>, vector<1x16xf32>,
    %get3A_3360 = vector.shape_cast %get3A_3359 : vector<1x16xf32> to vector<16xf32>
    %exp3A_3361 = math.exp %get3A_3360 : vector<16xf32>
    %sub3A_3362 = arith.subf %get3A_3360, %get3A_3343 : vector<16xf32>
    %mul3A_3363 = arith.mulf %exp3A_3361, %sub3A_3362 : vector<16xf32>
    %sub3A_3364 = arith.subf %mul3A_3363, %exp3A_3361 : vector<16xf32>
    %add3A_3365 = arith.addf %add3A_3355, %sub3A_3364 : vector<16xf32>
    %get3A_3366 = arith.constant 292 : i32
    %get3A_3367 = arith.index_cast %get3A_3366 : i32 to index
    %get3A_3368 = arith.constant 0 : index
    %get3A_3369 = tpu.vector_load %arg7[%get3A_3367, %get3A_3368] {strides = array<i32>} : memref<320x16xf32, #tpu.memory_space<vmem>>, vector<1x16xf32>,
    %get3A_3370 = vector.shape_cast %get3A_3369 : vector<1x16xf32> to vector<16xf32>
    %exp3A_3371 = math.exp %get3A_3370 : vector<16xf32>
    %sub3A_3372 = arith.subf %get3A_3370, %get3A_3343 : vector<16xf32>
    %mul3A_3373 = arith.mulf %exp3A_3371, %sub3A_3372 : vector<16xf32>
    %sub3A_3374 = arith.subf %mul3A_3373, %exp3A_3371 : vector<16xf32>
    %add3A_3375 = arith.addf %add3A_3365, %sub3A_3374 : vector<16xf32>
    %get3A_3376 = arith.constant 293 : i32
    %get3A_3377 = arith.index_cast %get3A_3376 : i32 to index
    %get3A_3378 = arith.constant 0 : index
    %get3A_3379 = tpu.vector_load %arg7[%get3A_3377, %get3A_3378] {strides = array<i32>} : memref<320x16xf32, #tpu.memory_space<vmem>>, vector<1x16xf32>,
    %get3A_3380 = vector.shape_cast %get3A_3379 : vector<1x16xf32> to vector<16xf32>
    %exp3A_3381 = math.exp %get3A_3380 : vector<16xf32>
    %sub3A_3382 = arith.subf %get3A_3380, %get3A_3343 : vector<16xf32>
    %mul3A_3383 = arith.mulf %exp3A_3381, %sub3A_3382 : vector<16xf32>
    %sub3A_3384 = arith.subf %mul3A_3383, %exp3A_3381 : vector<16xf32>
    %add3A_3385 = arith.addf %add3A_3375, %sub3A_3384 : vector<16xf32>
    %get3A_3386 = arith.constant 294 : i32
    %get3A_3387 = arith.index_cast %get3A_3386 : i32 to index
    %get3A_3388 = arith.constant 0 : index
    %get3A_3389 = tpu.vector_load %arg7[%get3A_3387, %get3A_3388] {strides = array<i32>} : memref<320x16xf32, #tpu.memory_space<vmem>>, vector<1x16xf32>,
    %get3A_3390 = vector.shape_cast %get3A_3389 : vector<1x16xf32> to vector<16xf32>
    %exp3A_3391 = math.exp %get3A_3390 : vector<16xf32>
    %sub3A_3392 = arith.subf %get3A_3390, %get3A_3343 : vector<16xf32>
    %mul3A_3393 = arith.mulf %exp3A_3391, %sub3A_3392 : vector<16xf32>
    %sub3A_3394 = arith.subf %mul3A_3393, %exp3A_3391 : vector<16xf32>
    %add3A_3395 = arith.addf %add3A_3385, %sub3A_3394 : vector<16xf32>
    %get3A_3396 = arith.constant 295 : i32
    %get3A_3397 = arith.index_cast %get3A_3396 : i32 to index
    %get3A_3398 = arith.constant 0 : index
    %get3A_3399 = tpu.vector_load %arg7[%get3A_3397, %get3A_3398] {strides = array<i32>} : memref<320x16xf32, #tpu.memory_space<vmem>>, vector<1x16xf32>,
    %get3A_3400 = vector.shape_cast %get3A_3399 : vector<1x16xf32> to vector<16xf32>
    %exp3A_3401 = math.exp %get3A_3400 : vector<16xf32>
    %sub3A_3402 = arith.subf %get3A_3400, %get3A_3343 : vector<16xf32>
    %mul3A_3403 = arith.mulf %exp3A_3401, %sub3A_3402 : vector<16xf32>
    %sub3A_3404 = arith.subf %mul3A_3403, %exp3A_3401 : vector<16xf32>
    %add3A_3405 = arith.addf %add3A_3395, %sub3A_3404 : vector<16xf32>
    %get3A_3406 = arith.constant 296 : i32
    %get3A_3407 = arith.index_cast %get3A_3406 : i32 to index
    %get3A_3408 = arith.constant 0 : index
    %get3A_3409 = tpu.vector_load %arg7[%get3A_3407, %get3A_3408] {strides = array<i32>} : memref<320x16xf32, #tpu.memory_space<vmem>>, vector<1x16xf32>,
    %get3A_3410 = vector.shape_cast %get3A_3409 : vector<1x16xf32> to vector<16xf32>
    %exp3A_3411 = math.exp %get3A_3410 : vector<16xf32>
    %sub3A_3412 = arith.subf %get3A_3410, %get3A_3343 : vector<16xf32>
    %mul3A_3413 = arith.mulf %exp3A_3411, %sub3A_3412 : vector<16xf32>
    %sub3A_3414 = arith.subf %mul3A_3413, %exp3A_3411 : vector<16xf32>
    %add3A_3415 = arith.addf %add3A_3405, %sub3A_3414 : vector<16xf32>
    %get3A_3416 = arith.constant 297 : i32
    %get3A_3417 = arith.index_cast %get3A_3416 : i32 to index
    %get3A_3418 = arith.constant 0 : index
    %get3A_3419 = tpu.vector_load %arg7[%get3A_3417, %get3A_3418] {strides = array<i32>} : memref<320x16xf32, #tpu.memory_space<vmem>>, vector<1x16xf32>,
    %get3A_3420 = vector.shape_cast %get3A_3419 : vector<1x16xf32> to vector<16xf32>
    %exp3A_3421 = math.exp %get3A_3420 : vector<16xf32>
    %sub3A_3422 = arith.subf %get3A_3420, %get3A_3343 : vector<16xf32>
    %mul3A_3423 = arith.mulf %exp3A_3421, %sub3A_3422 : vector<16xf32>
    %sub3A_3424 = arith.subf %mul3A_3423, %exp3A_3421 : vector<16xf32>
    %add3A_3425 = arith.addf %add3A_3415, %sub3A_3424 : vector<16xf32>
    %get3A_3426 = arith.constant 298 : i32
    %get3A_3427 = arith.index_cast %get3A_3426 : i32 to index
    %get3A_3428 = arith.constant 0 : index
    %get3A_3429 = tpu.vector_load %arg7[%get3A_3427, %get3A_3428] {strides = array<i32>} : memref<320x16xf32, #tpu.memory_space<vmem>>, vector<1x16xf32>,
    %get3A_3430 = vector.shape_cast %get3A_3429 : vector<1x16xf32> to vector<16xf32>
    %exp3A_3431 = math.exp %get3A_3430 : vector<16xf32>
    %sub3A_3432 = arith.subf %get3A_3430, %get3A_3343 : vector<16xf32>
    %mul3A_3433 = arith.mulf %exp3A_3431, %sub3A_3432 : vector<16xf32>
    %sub3A_3434 = arith.subf %mul3A_3433, %exp3A_3431 : vector<16xf32>
    %add3A_3435 = arith.addf %add3A_3425, %sub3A_3434 : vector<16xf32>
    %get3A_3436 = arith.constant 299 : i32
    %get3A_3437 = arith.index_cast %get3A_3436 : i32 to index
    %get3A_3438 = arith.constant 0 : index
    %get3A_3439 = tpu.vector_load %arg7[%get3A_3437, %get3A_3438] {strides = array<i32>} : memref<320x16xf32, #tpu.memory_space<vmem>>, vector<1x16xf32>,
    %get3A_3440 = vector.shape_cast %get3A_3439 : vector<1x16xf32> to vector<16xf32>
    %exp3A_3441 = math.exp %get3A_3440 : vector<16xf32>
    %sub3A_3442 = arith.subf %get3A_3440, %get3A_3343 : vector<16xf32>
    %mul3A_3443 = arith.mulf %exp3A_3441, %sub3A_3442 : vector<16xf32>
    %sub3A_3444 = arith.subf %mul3A_3443, %exp3A_3441 : vector<16xf32>
    %add3A_3445 = arith.addf %add3A_3435, %sub3A_3444 : vector<16xf32>
    %swap3A_3446 = arith.constant 29 : i32
    %swap3A_3447 = arith.index_cast %swap3A_3446 : i32 to index
    %swap3A_3448 = arith.constant 0 : index
    %swap3A_3449 = tpu.vector_load %arg9[%swap3A_3447, %swap3A_3448] {strides = array<i32>} : memref<32x16xf32, #tpu.memory_space<vmem>>, vector<1x16xf32>,
    %swap3A_3450 = vector.shape_cast %swap3A_3449 : vector<1x16xf32> to vector<16xf32>
    %swap3A_3451 = vector.shape_cast %add3A_3445 : vector<16xf32> to vector<1x16xf32>
    tpu.vector_store %arg9[%swap3A_3447, %swap3A_3448], %swap3A_3451 {strides = array<i32>} : memref<32x16xf32, #tpu.memory_space<vmem>>, vector<1x16xf32>,
    %get3A_3452 = arith.constant 30 : i32
    %get3A_3453 = arith.index_cast %get3A_3452 : i32 to index
    %get3A_3454 = arith.constant 0 : index
    %get3A_3455 = tpu.vector_load %arg8[%get3A_3453, %get3A_3454] {strides = array<i32>} : memref<32x16xf32, #tpu.memory_space<vmem>>, vector<1x16xf32>,
    %get3A_3456 = vector.shape_cast %get3A_3455 : vector<1x16xf32> to vector<16xf32>
    %broadcast_in_dim3A_3457 = arith.constant 0.000000e+00 : f32
    %broadcast_in_dim3A_3458 = vector.broadcast %broadcast_in_dim3A_3457 : f32 to vector<16xf32>
    %get3A_3459 = arith.constant 300 : i32
    %get3A_3460 = arith.index_cast %get3A_3459 : i32 to index
    %get3A_3461 = arith.constant 0 : index
    %get3A_3462 = tpu.vector_load %arg7[%get3A_3460, %get3A_3461] {strides = array<i32>} : memref<320x16xf32, #tpu.memory_space<vmem>>, vector<1x16xf32>,
    %get3A_3463 = vector.shape_cast %get3A_3462 : vector<1x16xf32> to vector<16xf32>
    %exp3A_3464 = math.exp %get3A_3463 : vector<16xf32>
    %sub3A_3465 = arith.subf %get3A_3463, %get3A_3456 : vector<16xf32>
    %mul3A_3466 = arith.mulf %exp3A_3464, %sub3A_3465 : vector<16xf32>
    %sub3A_3467 = arith.subf %mul3A_3466, %exp3A_3464 : vector<16xf32>
    %add3A_3468 = arith.addf %broadcast_in_dim3A_3458, %sub3A_3467 : vector<16xf32>
    %get3A_3469 = arith.constant 301 : i32
    %get3A_3470 = arith.index_cast %get3A_3469 : i32 to index
    %get3A_3471 = arith.constant 0 : index
    %get3A_3472 = tpu.vector_load %arg7[%get3A_3470, %get3A_3471] {strides = array<i32>} : memref<320x16xf32, #tpu.memory_space<vmem>>, vector<1x16xf32>,
    %get3A_3473 = vector.shape_cast %get3A_3472 : vector<1x16xf32> to vector<16xf32>
    %exp3A_3474 = math.exp %get3A_3473 : vector<16xf32>
    %sub3A_3475 = arith.subf %get3A_3473, %get3A_3456 : vector<16xf32>
    %mul3A_3476 = arith.mulf %exp3A_3474, %sub3A_3475 : vector<16xf32>
    %sub3A_3477 = arith.subf %mul3A_3476, %exp3A_3474 : vector<16xf32>
    %add3A_3478 = arith.addf %add3A_3468, %sub3A_3477 : vector<16xf32>
    %get3A_3479 = arith.constant 302 : i32
    %get3A_3480 = arith.index_cast %get3A_3479 : i32 to index
    %get3A_3481 = arith.constant 0 : index
    %get3A_3482 = tpu.vector_load %arg7[%get3A_3480, %get3A_3481] {strides = array<i32>} : memref<320x16xf32, #tpu.memory_space<vmem>>, vector<1x16xf32>,
    %get3A_3483 = vector.shape_cast %get3A_3482 : vector<1x16xf32> to vector<16xf32>
    %exp3A_3484 = math.exp %get3A_3483 : vector<16xf32>
    %sub3A_3485 = arith.subf %get3A_3483, %get3A_3456 : vector<16xf32>
    %mul3A_3486 = arith.mulf %exp3A_3484, %sub3A_3485 : vector<16xf32>
    %sub3A_3487 = arith.subf %mul3A_3486, %exp3A_3484 : vector<16xf32>
    %add3A_3488 = arith.addf %add3A_3478, %sub3A_3487 : vector<16xf32>
    %get3A_3489 = arith.constant 303 : i32
    %get3A_3490 = arith.index_cast %get3A_3489 : i32 to index
    %get3A_3491 = arith.constant 0 : index
    %get3A_3492 = tpu.vector_load %arg7[%get3A_3490, %get3A_3491] {strides = array<i32>} : memref<320x16xf32, #tpu.memory_space<vmem>>, vector<1x16xf32>,
    %get3A_3493 = vector.shape_cast %get3A_3492 : vector<1x16xf32> to vector<16xf32>
    %exp3A_3494 = math.exp %get3A_3493 : vector<16xf32>
    %sub3A_3495 = arith.subf %get3A_3493, %get3A_3456 : vector<16xf32>
    %mul3A_3496 = arith.mulf %exp3A_3494, %sub3A_3495 : vector<16xf32>
    %sub3A_3497 = arith.subf %mul3A_3496, %exp3A_3494 : vector<16xf32>
    %add3A_3498 = arith.addf %add3A_3488, %sub3A_3497 : vector<16xf32>
    %get3A_3499 = arith.constant 304 : i32
    %get3A_3500 = arith.index_cast %get3A_3499 : i32 to index
    %get3A_3501 = arith.constant 0 : index
    %get3A_3502 = tpu.vector_load %arg7[%get3A_3500, %get3A_3501] {strides = array<i32>} : memref<320x16xf32, #tpu.memory_space<vmem>>, vector<1x16xf32>,
    %get3A_3503 = vector.shape_cast %get3A_3502 : vector<1x16xf32> to vector<16xf32>
    %exp3A_3504 = math.exp %get3A_3503 : vector<16xf32>
    %sub3A_3505 = arith.subf %get3A_3503, %get3A_3456 : vector<16xf32>
    %mul3A_3506 = arith.mulf %exp3A_3504, %sub3A_3505 : vector<16xf32>
    %sub3A_3507 = arith.subf %mul3A_3506, %exp3A_3504 : vector<16xf32>
    %add3A_3508 = arith.addf %add3A_3498, %sub3A_3507 : vector<16xf32>
    %get3A_3509 = arith.constant 305 : i32
    %get3A_3510 = arith.index_cast %get3A_3509 : i32 to index
    %get3A_3511 = arith.constant 0 : index
    %get3A_3512 = tpu.vector_load %arg7[%get3A_3510, %get3A_3511] {strides = array<i32>} : memref<320x16xf32, #tpu.memory_space<vmem>>, vector<1x16xf32>,
    %get3A_3513 = vector.shape_cast %get3A_3512 : vector<1x16xf32> to vector<16xf32>
    %exp3A_3514 = math.exp %get3A_3513 : vector<16xf32>
    %sub3A_3515 = arith.subf %get3A_3513, %get3A_3456 : vector<16xf32>
    %mul3A_3516 = arith.mulf %exp3A_3514, %sub3A_3515 : vector<16xf32>
    %sub3A_3517 = arith.subf %mul3A_3516, %exp3A_3514 : vector<16xf32>
    %add3A_3518 = arith.addf %add3A_3508, %sub3A_3517 : vector<16xf32>
    %get3A_3519 = arith.constant 306 : i32
    %get3A_3520 = arith.index_cast %get3A_3519 : i32 to index
    %get3A_3521 = arith.constant 0 : index
    %get3A_3522 = tpu.vector_load %arg7[%get3A_3520, %get3A_3521] {strides = array<i32>} : memref<320x16xf32, #tpu.memory_space<vmem>>, vector<1x16xf32>,
    %get3A_3523 = vector.shape_cast %get3A_3522 : vector<1x16xf32> to vector<16xf32>
    %exp3A_3524 = math.exp %get3A_3523 : vector<16xf32>
    %sub3A_3525 = arith.subf %get3A_3523, %get3A_3456 : vector<16xf32>
    %mul3A_3526 = arith.mulf %exp3A_3524, %sub3A_3525 : vector<16xf32>
    %sub3A_3527 = arith.subf %mul3A_3526, %exp3A_3524 : vector<16xf32>
    %add3A_3528 = arith.addf %add3A_3518, %sub3A_3527 : vector<16xf32>
    %get3A_3529 = arith.constant 307 : i32
    %get3A_3530 = arith.index_cast %get3A_3529 : i32 to index
    %get3A_3531 = arith.constant 0 : index
    %get3A_3532 = tpu.vector_load %arg7[%get3A_3530, %get3A_3531] {strides = array<i32>} : memref<320x16xf32, #tpu.memory_space<vmem>>, vector<1x16xf32>,
    %get3A_3533 = vector.shape_cast %get3A_3532 : vector<1x16xf32> to vector<16xf32>
    %exp3A_3534 = math.exp %get3A_3533 : vector<16xf32>
    %sub3A_3535 = arith.subf %get3A_3533, %get3A_3456 : vector<16xf32>
    %mul3A_3536 = arith.mulf %exp3A_3534, %sub3A_3535 : vector<16xf32>
    %sub3A_3537 = arith.subf %mul3A_3536, %exp3A_3534 : vector<16xf32>
    %add3A_3538 = arith.addf %add3A_3528, %sub3A_3537 : vector<16xf32>
    %get3A_3539 = arith.constant 308 : i32
    %get3A_3540 = arith.index_cast %get3A_3539 : i32 to index
    %get3A_3541 = arith.constant 0 : index
    %get3A_3542 = tpu.vector_load %arg7[%get3A_3540, %get3A_3541] {strides = array<i32>} : memref<320x16xf32, #tpu.memory_space<vmem>>, vector<1x16xf32>,
    %get3A_3543 = vector.shape_cast %get3A_3542 : vector<1x16xf32> to vector<16xf32>
    %exp3A_3544 = math.exp %get3A_3543 : vector<16xf32>
    %sub3A_3545 = arith.subf %get3A_3543, %get3A_3456 : vector<16xf32>
    %mul3A_3546 = arith.mulf %exp3A_3544, %sub3A_3545 : vector<16xf32>
    %sub3A_3547 = arith.subf %mul3A_3546, %exp3A_3544 : vector<16xf32>
    %add3A_3548 = arith.addf %add3A_3538, %sub3A_3547 : vector<16xf32>
    %get3A_3549 = arith.constant 309 : i32
    %get3A_3550 = arith.index_cast %get3A_3549 : i32 to index
    %get3A_3551 = arith.constant 0 : index
    %get3A_3552 = tpu.vector_load %arg7[%get3A_3550, %get3A_3551] {strides = array<i32>} : memref<320x16xf32, #tpu.memory_space<vmem>>, vector<1x16xf32>,
    %get3A_3553 = vector.shape_cast %get3A_3552 : vector<1x16xf32> to vector<16xf32>
    %exp3A_3554 = math.exp %get3A_3553 : vector<16xf32>
    %sub3A_3555 = arith.subf %get3A_3553, %get3A_3456 : vector<16xf32>
    %mul3A_3556 = arith.mulf %exp3A_3554, %sub3A_3555 : vector<16xf32>
    %sub3A_3557 = arith.subf %mul3A_3556, %exp3A_3554 : vector<16xf32>
    %add3A_3558 = arith.addf %add3A_3548, %sub3A_3557 : vector<16xf32>
    %swap3A_3559 = arith.constant 30 : i32
    %swap3A_3560 = arith.index_cast %swap3A_3559 : i32 to index
    %swap3A_3561 = arith.constant 0 : index
    %swap3A_3562 = tpu.vector_load %arg9[%swap3A_3560, %swap3A_3561] {strides = array<i32>} : memref<32x16xf32, #tpu.memory_space<vmem>>, vector<1x16xf32>,
    %swap3A_3563 = vector.shape_cast %swap3A_3562 : vector<1x16xf32> to vector<16xf32>
    %swap3A_3564 = vector.shape_cast %add3A_3558 : vector<16xf32> to vector<1x16xf32>
    tpu.vector_store %arg9[%swap3A_3560, %swap3A_3561], %swap3A_3564 {strides = array<i32>} : memref<32x16xf32, #tpu.memory_space<vmem>>, vector<1x16xf32>,
    %get3A_3565 = arith.constant 31 : i32
    %get3A_3566 = arith.index_cast %get3A_3565 : i32 to index
    %get3A_3567 = arith.constant 0 : index
    %get3A_3568 = tpu.vector_load %arg8[%get3A_3566, %get3A_3567] {strides = array<i32>} : memref<32x16xf32, #tpu.memory_space<vmem>>, vector<1x16xf32>,
    %get3A_3569 = vector.shape_cast %get3A_3568 : vector<1x16xf32> to vector<16xf32>
    %broadcast_in_dim3A_3570 = arith.constant 0.000000e+00 : f32
    %broadcast_in_dim3A_3571 = vector.broadcast %broadcast_in_dim3A_3570 : f32 to vector<16xf32>
    %get3A_3572 = arith.constant 310 : i32
    %get3A_3573 = arith.index_cast %get3A_3572 : i32 to index
    %get3A_3574 = arith.constant 0 : index
    %get3A_3575 = tpu.vector_load %arg7[%get3A_3573, %get3A_3574] {strides = array<i32>} : memref<320x16xf32, #tpu.memory_space<vmem>>, vector<1x16xf32>,
    %get3A_3576 = vector.shape_cast %get3A_3575 : vector<1x16xf32> to vector<16xf32>
    %exp3A_3577 = math.exp %get3A_3576 : vector<16xf32>
    %sub3A_3578 = arith.subf %get3A_3576, %get3A_3569 : vector<16xf32>
    %mul3A_3579 = arith.mulf %exp3A_3577, %sub3A_3578 : vector<16xf32>
    %sub3A_3580 = arith.subf %mul3A_3579, %exp3A_3577 : vector<16xf32>
    %add3A_3581 = arith.addf %broadcast_in_dim3A_3571, %sub3A_3580 : vector<16xf32>
    %get3A_3582 = arith.constant 311 : i32
    %get3A_3583 = arith.index_cast %get3A_3582 : i32 to index
    %get3A_3584 = arith.constant 0 : index
    %get3A_3585 = tpu.vector_load %arg7[%get3A_3583, %get3A_3584] {strides = array<i32>} : memref<320x16xf32, #tpu.memory_space<vmem>>, vector<1x16xf32>,
    %get3A_3586 = vector.shape_cast %get3A_3585 : vector<1x16xf32> to vector<16xf32>
    %exp3A_3587 = math.exp %get3A_3586 : vector<16xf32>
    %sub3A_3588 = arith.subf %get3A_3586, %get3A_3569 : vector<16xf32>
    %mul3A_3589 = arith.mulf %exp3A_3587, %sub3A_3588 : vector<16xf32>
    %sub3A_3590 = arith.subf %mul3A_3589, %exp3A_3587 : vector<16xf32>
    %add3A_3591 = arith.addf %add3A_3581, %sub3A_3590 : vector<16xf32>
    %get3A_3592 = arith.constant 312 : i32
    %get3A_3593 = arith.index_cast %get3A_3592 : i32 to index
    %get3A_3594 = arith.constant 0 : index
    %get3A_3595 = tpu.vector_load %arg7[%get3A_3593, %get3A_3594] {strides = array<i32>} : memref<320x16xf32, #tpu.memory_space<vmem>>, vector<1x16xf32>,
    %get3A_3596 = vector.shape_cast %get3A_3595 : vector<1x16xf32> to vector<16xf32>
    %exp3A_3597 = math.exp %get3A_3596 : vector<16xf32>
    %sub3A_3598 = arith.subf %get3A_3596, %get3A_3569 : vector<16xf32>
    %mul3A_3599 = arith.mulf %exp3A_3597, %sub3A_3598 : vector<16xf32>
    %sub3A_3600 = arith.subf %mul3A_3599, %exp3A_3597 : vector<16xf32>
    %add3A_3601 = arith.addf %add3A_3591, %sub3A_3600 : vector<16xf32>
    %get3A_3602 = arith.constant 313 : i32
    %get3A_3603 = arith.index_cast %get3A_3602 : i32 to index
    %get3A_3604 = arith.constant 0 : index
    %get3A_3605 = tpu.vector_load %arg7[%get3A_3603, %get3A_3604] {strides = array<i32>} : memref<320x16xf32, #tpu.memory_space<vmem>>, vector<1x16xf32>,
    %get3A_3606 = vector.shape_cast %get3A_3605 : vector<1x16xf32> to vector<16xf32>
    %exp3A_3607 = math.exp %get3A_3606 : vector<16xf32>
    %sub3A_3608 = arith.subf %get3A_3606, %get3A_3569 : vector<16xf32>
    %mul3A_3609 = arith.mulf %exp3A_3607, %sub3A_3608 : vector<16xf32>
    %sub3A_3610 = arith.subf %mul3A_3609, %exp3A_3607 : vector<16xf32>
    %add3A_3611 = arith.addf %add3A_3601, %sub3A_3610 : vector<16xf32>
    %get3A_3612 = arith.constant 314 : i32
    %get3A_3613 = arith.index_cast %get3A_3612 : i32 to index
    %get3A_3614 = arith.constant 0 : index
    %get3A_3615 = tpu.vector_load %arg7[%get3A_3613, %get3A_3614] {strides = array<i32>} : memref<320x16xf32, #tpu.memory_space<vmem>>, vector<1x16xf32>,
    %get3A_3616 = vector.shape_cast %get3A_3615 : vector<1x16xf32> to vector<16xf32>
    %exp3A_3617 = math.exp %get3A_3616 : vector<16xf32>
    %sub3A_3618 = arith.subf %get3A_3616, %get3A_3569 : vector<16xf32>
    %mul3A_3619 = arith.mulf %exp3A_3617, %sub3A_3618 : vector<16xf32>
    %sub3A_3620 = arith.subf %mul3A_3619, %exp3A_3617 : vector<16xf32>
    %add3A_3621 = arith.addf %add3A_3611, %sub3A_3620 : vector<16xf32>
    %get3A_3622 = arith.constant 315 : i32
    %get3A_3623 = arith.index_cast %get3A_3622 : i32 to index
    %get3A_3624 = arith.constant 0 : index
    %get3A_3625 = tpu.vector_load %arg7[%get3A_3623, %get3A_3624] {strides = array<i32>} : memref<320x16xf32, #tpu.memory_space<vmem>>, vector<1x16xf32>,
    %get3A_3626 = vector.shape_cast %get3A_3625 : vector<1x16xf32> to vector<16xf32>
    %exp3A_3627 = math.exp %get3A_3626 : vector<16xf32>
    %sub3A_3628 = arith.subf %get3A_3626, %get3A_3569 : vector<16xf32>
    %mul3A_3629 = arith.mulf %exp3A_3627, %sub3A_3628 : vector<16xf32>
    %sub3A_3630 = arith.subf %mul3A_3629, %exp3A_3627 : vector<16xf32>
    %add3A_3631 = arith.addf %add3A_3621, %sub3A_3630 : vector<16xf32>
    %get3A_3632 = arith.constant 316 : i32
    %get3A_3633 = arith.index_cast %get3A_3632 : i32 to index
    %get3A_3634 = arith.constant 0 : index
    %get3A_3635 = tpu.vector_load %arg7[%get3A_3633, %get3A_3634] {strides = array<i32>} : memref<320x16xf32, #tpu.memory_space<vmem>>, vector<1x16xf32>,
    %get3A_3636 = vector.shape_cast %get3A_3635 : vector<1x16xf32> to vector<16xf32>
    %exp3A_3637 = math.exp %get3A_3636 : vector<16xf32>
    %sub3A_3638 = arith.subf %get3A_3636, %get3A_3569 : vector<16xf32>
    %mul3A_3639 = arith.mulf %exp3A_3637, %sub3A_3638 : vector<16xf32>
    %sub3A_3640 = arith.subf %mul3A_3639, %exp3A_3637 : vector<16xf32>
    %add3A_3641 = arith.addf %add3A_3631, %sub3A_3640 : vector<16xf32>
    %get3A_3642 = arith.constant 317 : i32
    %get3A_3643 = arith.index_cast %get3A_3642 : i32 to index
    %get3A_3644 = arith.constant 0 : index
    %get3A_3645 = tpu.vector_load %arg7[%get3A_3643, %get3A_3644] {strides = array<i32>} : memref<320x16xf32, #tpu.memory_space<vmem>>, vector<1x16xf32>,
    %get3A_3646 = vector.shape_cast %get3A_3645 : vector<1x16xf32> to vector<16xf32>
    %exp3A_3647 = math.exp %get3A_3646 : vector<16xf32>
    %sub3A_3648 = arith.subf %get3A_3646, %get3A_3569 : vector<16xf32>
    %mul3A_3649 = arith.mulf %exp3A_3647, %sub3A_3648 : vector<16xf32>
    %sub3A_3650 = arith.subf %mul3A_3649, %exp3A_3647 : vector<16xf32>
    %add3A_3651 = arith.addf %add3A_3641, %sub3A_3650 : vector<16xf32>
    %get3A_3652 = arith.constant 318 : i32
    %get3A_3653 = arith.index_cast %get3A_3652 : i32 to index
    %get3A_3654 = arith.constant 0 : index
    %get3A_3655 = tpu.vector_load %arg7[%get3A_3653, %get3A_3654] {strides = array<i32>} : memref<320x16xf32, #tpu.memory_space<vmem>>, vector<1x16xf32>,
    %get3A_3656 = vector.shape_cast %get3A_3655 : vector<1x16xf32> to vector<16xf32>
    %exp3A_3657 = math.exp %get3A_3656 : vector<16xf32>
    %sub3A_3658 = arith.subf %get3A_3656, %get3A_3569 : vector<16xf32>
    %mul3A_3659 = arith.mulf %exp3A_3657, %sub3A_3658 : vector<16xf32>
    %sub3A_3660 = arith.subf %mul3A_3659, %exp3A_3657 : vector<16xf32>
    %add3A_3661 = arith.addf %add3A_3651, %sub3A_3660 : vector<16xf32>
    %get3A_3662 = arith.constant 319 : i32
    %get3A_3663 = arith.index_cast %get3A_3662 : i32 to index
    %get3A_3664 = arith.constant 0 : index
    %get3A_3665 = tpu.vector_load %arg7[%get3A_3663, %get3A_3664] {strides = array<i32>} : memref<320x16xf32, #tpu.memory_space<vmem>>, vector<1x16xf32>,
    %get3A_3666 = vector.shape_cast %get3A_3665 : vector<1x16xf32> to vector<16xf32>
    %exp3A_3667 = math.exp %get3A_3666 : vector<16xf32>
    %sub3A_3668 = arith.subf %get3A_3666, %get3A_3569 : vector<16xf32>
    %mul3A_3669 = arith.mulf %exp3A_3667, %sub3A_3668 : vector<16xf32>
    %sub3A_3670 = arith.subf %mul3A_3669, %exp3A_3667 : vector<16xf32>
    %add3A_3671 = arith.addf %add3A_3661, %sub3A_3670 : vector<16xf32>
    %swap3A_3672 = arith.constant 31 : i32
    %swap3A_3673 = arith.index_cast %swap3A_3672 : i32 to index
    %swap3A_3674 = arith.constant 0 : index
    %swap3A_3675 = tpu.vector_load %arg9[%swap3A_3673, %swap3A_3674] {strides = array<i32>} : memref<32x16xf32, #tpu.memory_space<vmem>>, vector<1x16xf32>,
    %swap3A_3676 = vector.shape_cast %swap3A_3675 : vector<1x16xf32> to vector<16xf32>
    %swap3A_3677 = vector.shape_cast %add3A_3671 : vector<16xf32> to vector<1x16xf32>
    tpu.vector_store %arg9[%swap3A_3673, %swap3A_3674], %swap3A_3677 {strides = array<i32>} : memref<32x16xf32, #tpu.memory_space<vmem>>, vector<1x16xf32>,
    "tpu.region"() ({
      %run_scoped3A = tpu.sem_alloc : memref<!tpu.dma_semaphore, #tpu.memory_space<semaphore_mem>>
      %dma_start3A_3678 = arith.constant 0 : i32
      %dma_start3A_3679 = tpu.memref_slice %arg5[%mul3A_2, %dma_start3A_3678] : memref<1024x16xf32, #tpu.memory_space<hbm>> -> memref<32x16xf32, #tpu.memory_space<hbm>>
      %dma_start3A_3680 = arith.constant 0 : i32
      %dma_start3A_3681 = tpu.memref_slice %arg5[%mul3A_2, %dma_start3A_3680] : memref<1024x16xf32, #tpu.memory_space<hbm>> -> memref<32x16xf32, #tpu.memory_space<hbm>>
      tpu.enqueue_dma source(%arg9 : memref<32x16xf32, #tpu.memory_space<vmem>>) target(%dma_start3A_3681 : memref<32x16xf32, #tpu.memory_space<hbm>>) target_semaphore(%run_scoped3A : memref<!tpu.dma_semaphore, #tpu.memory_space<semaphore_mem>>)
      %dma_wait3A_3682 = arith.constant 0 : i32
      %dma_wait3A_3683 = tpu.memref_slice %arg5[%mul3A_2, %dma_wait3A_3682] : memref<1024x16xf32, #tpu.memory_space<hbm>> -> memref<32x16xf32, #tpu.memory_space<hbm>>
      %dma_wait3A_3684 = arith.constant 0 : i32
      %dma_wait3A_3685 = tpu.memref_slice %arg5[%mul3A_2, %dma_wait3A_3684] : memref<1024x16xf32, #tpu.memory_space<hbm>> -> memref<32x16xf32, #tpu.memory_space<hbm>>
      tpu.wait_dma2 semaphore(%run_scoped3A : memref<!tpu.dma_semaphore, #tpu.memory_space<semaphore_mem>>) src(%arg9 : memref<32x16xf32, #tpu.memory_space<vmem>>) dst(%dma_wait3A_3685 : memref<32x16xf32, #tpu.memory_space<hbm>>)
      tpu.yield
    }) : () -> ()
    return
  }
}

module attributes {stable_mosaic.version = 14 : i64} {
  func.func @_topn_kernel(%arg0: i32, %arg1: memref<1024x16xf32, #tpu.memory_space<vmem>>, %arg2: memref<2048x16xf32, #tpu.memory_space<vmem>>, %arg3: memref<1024x16xi32, #tpu.memory_space<vmem>>, %arg4: memref<1024x16xf32, #tpu.memory_space<vmem>>, %arg5: memref<1024x16xi32, #tpu.memory_space<vmem>>, %arg6: memref<1024x16xf32, #tpu.memory_space<vmem>>, %arg7: memref<1024x16xi32, #tpu.memory_space<vmem>>, %arg8: memref<1024x2048xf32, #tpu.memory_space<vmem>>) attributes {dimension_semantics = [#tpu.dimension_semantics<arbitrary>], iteration_bounds = array<i64: 49>, scalar_prefetch = 0 : i64, scratch_operands = 5 : i64, tpu.core_type = #tpu.core_type<tc>, window_params = [{pipeline_mode = #tpu.pipeline_mode<synchronous>, transform_indices = @transform_0, window_bounds = array<i64: 1024, 16>}, {transform_indices = @transform_1, window_bounds = array<i64: 2048, 16>}, {pipeline_mode = #tpu.pipeline_mode<synchronous>, transform_indices = @transform_2, window_bounds = array<i64: 1024, 16>}]} {
    %eq3A = arith.constant 0 : i32
    %eq3A_0 = arith.cmpi eq, %arg0, %eq3A : i32
    %convert_element_type3A = arith.extui %eq3A_0 : i1 to i32
    %cond3A = arith.constant 0x7F800000 : f32
    %cond3A_1 = arith.constant 1073741824 : i32
    %cond3A_2 = arith.constant 0 : i32
    %cond3A_3 = arith.cmpi ne, %convert_element_type3A, %cond3A_2 : i32
    scf.if %cond3A_3 {
      %broadcast_in_dim3A_124 = vector.broadcast %cond3A : f32 to vector<1024x16xf32>
      %swap3A = arith.constant 0 : index
      %swap3A_125 = arith.constant 0 : index
      %swap3A_126 = vector.load %arg4[%swap3A, %swap3A_125] : memref<1024x16xf32, #tpu.memory_space<vmem>>, vector<1024x16xf32>
      tpu.vector_store %arg4[%swap3A, %swap3A_125], %broadcast_in_dim3A_124 {strides = array<i32>} : memref<1024x16xf32, #tpu.memory_space<vmem>>, vector<1024x16xf32>,
      %broadcast_in_dim3A_127 = vector.broadcast %cond3A_1 : i32 to vector<1024x16xi32>
      %swap3A_128 = arith.constant 0 : index
      %swap3A_129 = arith.constant 0 : index
      %swap3A_130 = vector.load %arg5[%swap3A_128, %swap3A_129] : memref<1024x16xi32, #tpu.memory_space<vmem>>, vector<1024x16xi32>
      tpu.vector_store %arg5[%swap3A_128, %swap3A_129], %broadcast_in_dim3A_127 {strides = array<i32>} : memref<1024x16xi32, #tpu.memory_space<vmem>>, vector<1024x16xi32>,
    } else {
    }
    %get3A = arith.constant 0 : index
    %get3A_4 = arith.constant 0 : index
    %get3A_5 = vector.load %arg1[%get3A, %get3A_4] : memref<1024x16xf32, #tpu.memory_space<vmem>>, vector<1024x16xf32>
    %get3A_6 = arith.constant 0 : index
    %get3A_7 = arith.constant 0 : index
    %get3A_8 = vector.load %arg2[%get3A_6, %get3A_7] : memref<2048x16xf32, #tpu.memory_space<vmem>>, vector<2048x16xf32>
    %dot_general3A = arith.constant dense<0.000000e+00> : vector<1024x2048xf32>
    %dot_general3A_9 = tpu.matmul %get3A_5, %get3A_8, %dot_general3A {dimension_numbers = #tpu.dot_dimension_numbers<[1], [1], [0], [0], [0, 0, 1, 0], [], []>, transpose_lhs_hint = false} : vector<1024x16xf32>, vector<2048x16xf32>, vector<1024x2048xf32> -> vector<1024x2048xf32>
    %mul3A = arith.mulf %get3A_5, %get3A_5 : vector<1024x16xf32>
    %reduce_sum3A = arith.constant dense<0.000000e+00> : vector<1024xf32>
    %reduce_sum3A_10 = vector.multi_reduction <add>, %mul3A, %reduce_sum3A [1] : vector<1024x16xf32> to vector<1024xf32>
    %broadcast_in_dim3A = vector.shape_cast %reduce_sum3A_10 : vector<1024xf32> to vector<1024x1xf32>
    %broadcast_in_dim3A_11 = arith.constant 1.000000e+00 : f32
    %broadcast_in_dim3A_12 = vector.broadcast %broadcast_in_dim3A_11 : f32 to vector<1x16xf32>
    %mul3A_13 = arith.mulf %get3A_8, %get3A_8 : vector<2048x16xf32>
    %dot_general3A_14 = arith.constant dense<0.000000e+00> : vector<1x2048xf32>
    %dot_general3A_15 = tpu.matmul %broadcast_in_dim3A_12, %mul3A_13, %dot_general3A_14 {dimension_numbers = #tpu.dot_dimension_numbers<[1], [1], [0], [0], [0, 0, 1, 0], [], []>, precision = #tpu.contract_precision<fp32>, transpose_lhs_hint = false} : vector<1x16xf32>, vector<2048x16xf32>, vector<1x2048xf32> -> vector<1x2048xf32>
    %add3A = vector.broadcast %broadcast_in_dim3A : vector<1024x1xf32> to vector<1024x2048xf32>
    %add3A_16 = vector.broadcast %dot_general3A_15 : vector<1x2048xf32> to vector<1024x2048xf32>
    %add3A_17 = arith.addf %add3A, %add3A_16 : vector<1024x2048xf32>
    %mul3A_18 = arith.constant 2.000000e+00 : f32
    %mul3A_19 = vector.broadcast %mul3A_18 : f32 to vector<1024x2048xf32>
    %mul3A_20 = arith.mulf %mul3A_19, %dot_general3A_9 : vector<1024x2048xf32>
    %sub3A = arith.subf %add3A_17, %mul3A_20 : vector<1024x2048xf32>
    %get3A_21 = arith.constant 0 : index
    %get3A_22 = arith.constant 9 : index
    %get3A_23 = vector.load %arg4[%get3A_21, %get3A_22] : memref<1024x16xf32, #tpu.memory_space<vmem>>, vector<1024x1xf32>
    %lt3A = vector.broadcast %get3A_23 : vector<1024x1xf32> to vector<1024x2048xf32>
    %lt3A_24 = arith.cmpf olt, %sub3A, %lt3A : vector<1024x2048xf32>
    %convert_element_type3A_25 = arith.extui %lt3A_24 : vector<1024x2048xi1> to vector<1024x2048xi32>
    %reduce_sum3A_26 = arith.constant dense<0> : vector<1024xi32>
    %reduce_sum3A_27 = vector.multi_reduction <add>, %convert_element_type3A_25, %reduce_sum3A_26 [1] : vector<1024x2048xi32> to vector<1024xi32>
    %reduce_max3A = vector.shape_cast %reduce_sum3A_27 : vector<1024xi32> to vector<1x1024xi32>
    %reduce_max3A_28 = arith.constant dense<-2147483648> : vector<1xi32>
    %reduce_max3A_29 = vector.multi_reduction <maxsi>, %reduce_max3A, %reduce_max3A_28 [1] : vector<1x1024xi32> to vector<1xi32>
    %reduce_max3A_30 = vector.shape_cast %reduce_max3A_29 : vector<1xi32> to vector<1x1xi32>
    %reduce_max3A_31 = vector.extract %reduce_max3A_30[0, 0] : i32 from vector<1x1xi32>
    %gt3A = arith.constant 0 : i32
    %gt3A_32 = arith.cmpi sgt, %reduce_max3A_31, %gt3A : i32
    %convert_element_type3A_33 = arith.extui %gt3A_32 : i1 to i32
    %cond3A_34 = arith.constant 0x7F800000 : f32
    %cond3A_35 = arith.constant 1073741824 : i32
    %cond3A_36 = arith.constant 0 : i32
    %cond3A_37 = arith.cmpi ne, %convert_element_type3A_33, %cond3A_36 : i32
    scf.if %cond3A_37 {
      %broadcast_in_dim3A_124 = vector.broadcast %cond3A_34 : f32 to vector<1024x16xf32>
      %swap3A = arith.constant 0 : index
      %swap3A_125 = arith.constant 0 : index
      %swap3A_126 = vector.load %arg6[%swap3A, %swap3A_125] : memref<1024x16xf32, #tpu.memory_space<vmem>>, vector<1024x16xf32>
      tpu.vector_store %arg6[%swap3A, %swap3A_125], %broadcast_in_dim3A_124 {strides = array<i32>} : memref<1024x16xf32, #tpu.memory_space<vmem>>, vector<1024x16xf32>,
      %broadcast_in_dim3A_127 = vector.broadcast %cond3A_35 : i32 to vector<1024x16xi32>
      %swap3A_128 = arith.constant 0 : index
      %swap3A_129 = arith.constant 0 : index
      %swap3A_130 = vector.load %arg7[%swap3A_128, %swap3A_129] : memref<1024x16xi32, #tpu.memory_space<vmem>>, vector<1024x16xi32>
      tpu.vector_store %arg7[%swap3A_128, %swap3A_129], %broadcast_in_dim3A_127 {strides = array<i32>} : memref<1024x16xi32, #tpu.memory_space<vmem>>, vector<1024x16xi32>,
      %broadcast_in_dim3A_131 = vector.broadcast %cond3A_34 : f32 to vector<1024x2048xf32>
      %select_n3A = arith.select %lt3A_24, %sub3A, %broadcast_in_dim3A_131 : vector<1024x2048xi1>, vector<1024x2048xf32>
      %swap3A_132 = arith.constant 0 : index
      %swap3A_133 = arith.constant 0 : index
      %swap3A_134 = vector.load %arg8[%swap3A_132, %swap3A_133] : memref<1024x2048xf32, #tpu.memory_space<vmem>>, vector<1024x2048xf32>
      tpu.vector_store %arg8[%swap3A_132, %swap3A_133], %select_n3A {strides = array<i32>} : memref<1024x2048xf32, #tpu.memory_space<vmem>>, vector<1024x2048xf32>,
    } else {
    }
    %mul3A_38 = arith.constant 2048 : i32
    %mul3A_39 = arith.muli %arg0, %mul3A_38 : i32
    %iota3A = tpu.iota {dimensions = array<i32: 1>} : vector<1024x2048xi32>
    %add3A_40 = vector.broadcast %mul3A_39 : i32 to vector<1024x2048xi32>
    %add3A_41 = arith.addi %add3A_40, %iota3A : vector<1024x2048xi32>
    %gt3A_42 = arith.constant 0 : i32
    %gt3A_43 = arith.cmpi sgt, %reduce_max3A_31, %gt3A_42 : i32
    %convert_element_type3A_44 = arith.extui %gt3A_43 : i1 to i32
    %cond3A_45 = arith.constant 1073741824 : i32
    %cond3A_46 = arith.constant 0x7F800000 : f32
    %cond3A_47 = arith.constant 0 : i32
    %cond3A_48 = arith.cmpi ne, %convert_element_type3A_44, %cond3A_47 : i32
    scf.if %cond3A_48 {
      %get3A_124 = arith.constant 0 : index
      %get3A_125 = arith.constant 0 : index
      %get3A_126 = vector.load %arg8[%get3A_124, %get3A_125] : memref<1024x2048xf32, #tpu.memory_space<vmem>>, vector<1024x2048xf32>
      %reduce_min3A = arith.constant dense<0x7F800000> : vector<1024xf32>
      %reduce_min3A_127 = vector.multi_reduction <minimumf>, %get3A_126, %reduce_min3A [1] : vector<1024x2048xf32> to vector<1024xf32>
      %broadcast_in_dim3A_128 = vector.shape_cast %reduce_min3A_127 : vector<1024xf32> to vector<1024x1xf32>
      %eq3A_129 = vector.broadcast %broadcast_in_dim3A_128 : vector<1024x1xf32> to vector<1024x2048xf32>
      %eq3A_130 = arith.cmpf oeq, %get3A_126, %eq3A_129 : vector<1024x2048xf32>
      %broadcast_in_dim3A_131 = vector.broadcast %cond3A_45 : i32 to vector<1024x2048xi32>
      %select_n3A = arith.select %eq3A_130, %add3A_41, %broadcast_in_dim3A_131 : vector<1024x2048xi1>, vector<1024x2048xi32>
      %reduce_min3A_132 = arith.constant dense<2147483647> : vector<1024xi32>
      %reduce_min3A_133 = vector.multi_reduction <minsi>, %select_n3A, %reduce_min3A_132 [1] : vector<1024x2048xi32> to vector<1024xi32>
      %broadcast_in_dim3A_134 = vector.shape_cast %reduce_min3A_133 : vector<1024xi32> to vector<1024x1xi32>
      %swap3A = arith.constant 0 : index
      %swap3A_135 = arith.constant 0 : index
      %swap3A_136 = vector.load %arg6[%swap3A, %swap3A_135] : memref<1024x16xf32, #tpu.memory_space<vmem>>, vector<1024x1xf32>
      tpu.vector_store %arg6[%swap3A, %swap3A_135], %broadcast_in_dim3A_128 {strides = array<i32>} : memref<1024x16xf32, #tpu.memory_space<vmem>>, vector<1024x1xf32>,
      %swap3A_137 = arith.constant 0 : index
      %swap3A_138 = arith.constant 0 : index
      %swap3A_139 = vector.load %arg7[%swap3A_137, %swap3A_138] : memref<1024x16xi32, #tpu.memory_space<vmem>>, vector<1024x1xi32>
      tpu.vector_store %arg7[%swap3A_137, %swap3A_138], %broadcast_in_dim3A_134 {strides = array<i32>} : memref<1024x16xi32, #tpu.memory_space<vmem>>, vector<1024x1xi32>,
      %eq3A_140 = vector.broadcast %broadcast_in_dim3A_134 : vector<1024x1xi32> to vector<1024x2048xi32>
      %eq3A_141 = arith.cmpi eq, %add3A_41, %eq3A_140 : vector<1024x2048xi32>
      %and3A = arith.andi %eq3A_130, %eq3A_141 : vector<1024x2048xi1>
      %broadcast_in_dim3A_142 = vector.broadcast %cond3A_46 : f32 to vector<1024x2048xf32>
      %select_n3A_143 = arith.select %and3A, %broadcast_in_dim3A_142, %get3A_126 : vector<1024x2048xi1>, vector<1024x2048xf32>
      %swap3A_144 = arith.constant 0 : index
      %swap3A_145 = arith.constant 0 : index
      %swap3A_146 = vector.load %arg8[%swap3A_144, %swap3A_145] : memref<1024x2048xf32, #tpu.memory_space<vmem>>, vector<1024x2048xf32>
      tpu.vector_store %arg8[%swap3A_144, %swap3A_145], %select_n3A_143 {strides = array<i32>} : memref<1024x2048xf32, #tpu.memory_space<vmem>>, vector<1024x2048xf32>,
    } else {
    }
    %gt3A_49 = arith.constant 1 : i32
    %gt3A_50 = arith.cmpi sgt, %reduce_max3A_31, %gt3A_49 : i32
    %convert_element_type3A_51 = arith.extui %gt3A_50 : i1 to i32
    %cond3A_52 = arith.constant 1073741824 : i32
    %cond3A_53 = arith.constant 0x7F800000 : f32
    %cond3A_54 = arith.constant 0 : i32
    %cond3A_55 = arith.cmpi ne, %convert_element_type3A_51, %cond3A_54 : i32
    scf.if %cond3A_55 {
      %get3A_124 = arith.constant 0 : index
      %get3A_125 = arith.constant 0 : index
      %get3A_126 = vector.load %arg8[%get3A_124, %get3A_125] : memref<1024x2048xf32, #tpu.memory_space<vmem>>, vector<1024x2048xf32>
      %reduce_min3A = arith.constant dense<0x7F800000> : vector<1024xf32>
      %reduce_min3A_127 = vector.multi_reduction <minimumf>, %get3A_126, %reduce_min3A [1] : vector<1024x2048xf32> to vector<1024xf32>
      %broadcast_in_dim3A_128 = vector.shape_cast %reduce_min3A_127 : vector<1024xf32> to vector<1024x1xf32>
      %eq3A_129 = vector.broadcast %broadcast_in_dim3A_128 : vector<1024x1xf32> to vector<1024x2048xf32>
      %eq3A_130 = arith.cmpf oeq, %get3A_126, %eq3A_129 : vector<1024x2048xf32>
      %broadcast_in_dim3A_131 = vector.broadcast %cond3A_52 : i32 to vector<1024x2048xi32>
      %select_n3A = arith.select %eq3A_130, %add3A_41, %broadcast_in_dim3A_131 : vector<1024x2048xi1>, vector<1024x2048xi32>
      %reduce_min3A_132 = arith.constant dense<2147483647> : vector<1024xi32>
      %reduce_min3A_133 = vector.multi_reduction <minsi>, %select_n3A, %reduce_min3A_132 [1] : vector<1024x2048xi32> to vector<1024xi32>
      %broadcast_in_dim3A_134 = vector.shape_cast %reduce_min3A_133 : vector<1024xi32> to vector<1024x1xi32>
      %swap3A = arith.constant 0 : index
      %swap3A_135 = arith.constant 1 : index
      %swap3A_136 = vector.load %arg6[%swap3A, %swap3A_135] : memref<1024x16xf32, #tpu.memory_space<vmem>>, vector<1024x1xf32>
      tpu.vector_store %arg6[%swap3A, %swap3A_135], %broadcast_in_dim3A_128 {strides = array<i32>} : memref<1024x16xf32, #tpu.memory_space<vmem>>, vector<1024x1xf32>,
      %swap3A_137 = arith.constant 0 : index
      %swap3A_138 = arith.constant 1 : index
      %swap3A_139 = vector.load %arg7[%swap3A_137, %swap3A_138] : memref<1024x16xi32, #tpu.memory_space<vmem>>, vector<1024x1xi32>
      tpu.vector_store %arg7[%swap3A_137, %swap3A_138], %broadcast_in_dim3A_134 {strides = array<i32>} : memref<1024x16xi32, #tpu.memory_space<vmem>>, vector<1024x1xi32>,
      %eq3A_140 = vector.broadcast %broadcast_in_dim3A_134 : vector<1024x1xi32> to vector<1024x2048xi32>
      %eq3A_141 = arith.cmpi eq, %add3A_41, %eq3A_140 : vector<1024x2048xi32>
      %and3A = arith.andi %eq3A_130, %eq3A_141 : vector<1024x2048xi1>
      %broadcast_in_dim3A_142 = vector.broadcast %cond3A_53 : f32 to vector<1024x2048xf32>
      %select_n3A_143 = arith.select %and3A, %broadcast_in_dim3A_142, %get3A_126 : vector<1024x2048xi1>, vector<1024x2048xf32>
      %swap3A_144 = arith.constant 0 : index
      %swap3A_145 = arith.constant 0 : index
      %swap3A_146 = vector.load %arg8[%swap3A_144, %swap3A_145] : memref<1024x2048xf32, #tpu.memory_space<vmem>>, vector<1024x2048xf32>
      tpu.vector_store %arg8[%swap3A_144, %swap3A_145], %select_n3A_143 {strides = array<i32>} : memref<1024x2048xf32, #tpu.memory_space<vmem>>, vector<1024x2048xf32>,
    } else {
    }
    %gt3A_56 = arith.constant 2 : i32
    %gt3A_57 = arith.cmpi sgt, %reduce_max3A_31, %gt3A_56 : i32
    %convert_element_type3A_58 = arith.extui %gt3A_57 : i1 to i32
    %cond3A_59 = arith.constant 1073741824 : i32
    %cond3A_60 = arith.constant 0x7F800000 : f32
    %cond3A_61 = arith.constant 0 : i32
    %cond3A_62 = arith.cmpi ne, %convert_element_type3A_58, %cond3A_61 : i32
    scf.if %cond3A_62 {
      %get3A_124 = arith.constant 0 : index
      %get3A_125 = arith.constant 0 : index
      %get3A_126 = vector.load %arg8[%get3A_124, %get3A_125] : memref<1024x2048xf32, #tpu.memory_space<vmem>>, vector<1024x2048xf32>
      %reduce_min3A = arith.constant dense<0x7F800000> : vector<1024xf32>
      %reduce_min3A_127 = vector.multi_reduction <minimumf>, %get3A_126, %reduce_min3A [1] : vector<1024x2048xf32> to vector<1024xf32>
      %broadcast_in_dim3A_128 = vector.shape_cast %reduce_min3A_127 : vector<1024xf32> to vector<1024x1xf32>
      %eq3A_129 = vector.broadcast %broadcast_in_dim3A_128 : vector<1024x1xf32> to vector<1024x2048xf32>
      %eq3A_130 = arith.cmpf oeq, %get3A_126, %eq3A_129 : vector<1024x2048xf32>
      %broadcast_in_dim3A_131 = vector.broadcast %cond3A_59 : i32 to vector<1024x2048xi32>
      %select_n3A = arith.select %eq3A_130, %add3A_41, %broadcast_in_dim3A_131 : vector<1024x2048xi1>, vector<1024x2048xi32>
      %reduce_min3A_132 = arith.constant dense<2147483647> : vector<1024xi32>
      %reduce_min3A_133 = vector.multi_reduction <minsi>, %select_n3A, %reduce_min3A_132 [1] : vector<1024x2048xi32> to vector<1024xi32>
      %broadcast_in_dim3A_134 = vector.shape_cast %reduce_min3A_133 : vector<1024xi32> to vector<1024x1xi32>
      %swap3A = arith.constant 0 : index
      %swap3A_135 = arith.constant 2 : index
      %swap3A_136 = vector.load %arg6[%swap3A, %swap3A_135] : memref<1024x16xf32, #tpu.memory_space<vmem>>, vector<1024x1xf32>
      tpu.vector_store %arg6[%swap3A, %swap3A_135], %broadcast_in_dim3A_128 {strides = array<i32>} : memref<1024x16xf32, #tpu.memory_space<vmem>>, vector<1024x1xf32>,
      %swap3A_137 = arith.constant 0 : index
      %swap3A_138 = arith.constant 2 : index
      %swap3A_139 = vector.load %arg7[%swap3A_137, %swap3A_138] : memref<1024x16xi32, #tpu.memory_space<vmem>>, vector<1024x1xi32>
      tpu.vector_store %arg7[%swap3A_137, %swap3A_138], %broadcast_in_dim3A_134 {strides = array<i32>} : memref<1024x16xi32, #tpu.memory_space<vmem>>, vector<1024x1xi32>,
      %eq3A_140 = vector.broadcast %broadcast_in_dim3A_134 : vector<1024x1xi32> to vector<1024x2048xi32>
      %eq3A_141 = arith.cmpi eq, %add3A_41, %eq3A_140 : vector<1024x2048xi32>
      %and3A = arith.andi %eq3A_130, %eq3A_141 : vector<1024x2048xi1>
      %broadcast_in_dim3A_142 = vector.broadcast %cond3A_60 : f32 to vector<1024x2048xf32>
      %select_n3A_143 = arith.select %and3A, %broadcast_in_dim3A_142, %get3A_126 : vector<1024x2048xi1>, vector<1024x2048xf32>
      %swap3A_144 = arith.constant 0 : index
      %swap3A_145 = arith.constant 0 : index
      %swap3A_146 = vector.load %arg8[%swap3A_144, %swap3A_145] : memref<1024x2048xf32, #tpu.memory_space<vmem>>, vector<1024x2048xf32>
      tpu.vector_store %arg8[%swap3A_144, %swap3A_145], %select_n3A_143 {strides = array<i32>} : memref<1024x2048xf32, #tpu.memory_space<vmem>>, vector<1024x2048xf32>,
    } else {
    }
    %gt3A_63 = arith.constant 3 : i32
    %gt3A_64 = arith.cmpi sgt, %reduce_max3A_31, %gt3A_63 : i32
    %convert_element_type3A_65 = arith.extui %gt3A_64 : i1 to i32
    %cond3A_66 = arith.constant 1073741824 : i32
    %cond3A_67 = arith.constant 0x7F800000 : f32
    %cond3A_68 = arith.constant 0 : i32
    %cond3A_69 = arith.cmpi ne, %convert_element_type3A_65, %cond3A_68 : i32
    scf.if %cond3A_69 {
      %get3A_124 = arith.constant 0 : index
      %get3A_125 = arith.constant 0 : index
      %get3A_126 = vector.load %arg8[%get3A_124, %get3A_125] : memref<1024x2048xf32, #tpu.memory_space<vmem>>, vector<1024x2048xf32>
      %reduce_min3A = arith.constant dense<0x7F800000> : vector<1024xf32>
      %reduce_min3A_127 = vector.multi_reduction <minimumf>, %get3A_126, %reduce_min3A [1] : vector<1024x2048xf32> to vector<1024xf32>
      %broadcast_in_dim3A_128 = vector.shape_cast %reduce_min3A_127 : vector<1024xf32> to vector<1024x1xf32>
      %eq3A_129 = vector.broadcast %broadcast_in_dim3A_128 : vector<1024x1xf32> to vector<1024x2048xf32>
      %eq3A_130 = arith.cmpf oeq, %get3A_126, %eq3A_129 : vector<1024x2048xf32>
      %broadcast_in_dim3A_131 = vector.broadcast %cond3A_66 : i32 to vector<1024x2048xi32>
      %select_n3A = arith.select %eq3A_130, %add3A_41, %broadcast_in_dim3A_131 : vector<1024x2048xi1>, vector<1024x2048xi32>
      %reduce_min3A_132 = arith.constant dense<2147483647> : vector<1024xi32>
      %reduce_min3A_133 = vector.multi_reduction <minsi>, %select_n3A, %reduce_min3A_132 [1] : vector<1024x2048xi32> to vector<1024xi32>
      %broadcast_in_dim3A_134 = vector.shape_cast %reduce_min3A_133 : vector<1024xi32> to vector<1024x1xi32>
      %swap3A = arith.constant 0 : index
      %swap3A_135 = arith.constant 3 : index
      %swap3A_136 = vector.load %arg6[%swap3A, %swap3A_135] : memref<1024x16xf32, #tpu.memory_space<vmem>>, vector<1024x1xf32>
      tpu.vector_store %arg6[%swap3A, %swap3A_135], %broadcast_in_dim3A_128 {strides = array<i32>} : memref<1024x16xf32, #tpu.memory_space<vmem>>, vector<1024x1xf32>,
      %swap3A_137 = arith.constant 0 : index
      %swap3A_138 = arith.constant 3 : index
      %swap3A_139 = vector.load %arg7[%swap3A_137, %swap3A_138] : memref<1024x16xi32, #tpu.memory_space<vmem>>, vector<1024x1xi32>
      tpu.vector_store %arg7[%swap3A_137, %swap3A_138], %broadcast_in_dim3A_134 {strides = array<i32>} : memref<1024x16xi32, #tpu.memory_space<vmem>>, vector<1024x1xi32>,
      %eq3A_140 = vector.broadcast %broadcast_in_dim3A_134 : vector<1024x1xi32> to vector<1024x2048xi32>
      %eq3A_141 = arith.cmpi eq, %add3A_41, %eq3A_140 : vector<1024x2048xi32>
      %and3A = arith.andi %eq3A_130, %eq3A_141 : vector<1024x2048xi1>
      %broadcast_in_dim3A_142 = vector.broadcast %cond3A_67 : f32 to vector<1024x2048xf32>
      %select_n3A_143 = arith.select %and3A, %broadcast_in_dim3A_142, %get3A_126 : vector<1024x2048xi1>, vector<1024x2048xf32>
      %swap3A_144 = arith.constant 0 : index
      %swap3A_145 = arith.constant 0 : index
      %swap3A_146 = vector.load %arg8[%swap3A_144, %swap3A_145] : memref<1024x2048xf32, #tpu.memory_space<vmem>>, vector<1024x2048xf32>
      tpu.vector_store %arg8[%swap3A_144, %swap3A_145], %select_n3A_143 {strides = array<i32>} : memref<1024x2048xf32, #tpu.memory_space<vmem>>, vector<1024x2048xf32>,
    } else {
    }
    %gt3A_70 = arith.constant 4 : i32
    %gt3A_71 = arith.cmpi sgt, %reduce_max3A_31, %gt3A_70 : i32
    %convert_element_type3A_72 = arith.extui %gt3A_71 : i1 to i32
    %cond3A_73 = arith.constant 1073741824 : i32
    %cond3A_74 = arith.constant 0x7F800000 : f32
    %cond3A_75 = arith.constant 0 : i32
    %cond3A_76 = arith.cmpi ne, %convert_element_type3A_72, %cond3A_75 : i32
    scf.if %cond3A_76 {
      %get3A_124 = arith.constant 0 : index
      %get3A_125 = arith.constant 0 : index
      %get3A_126 = vector.load %arg8[%get3A_124, %get3A_125] : memref<1024x2048xf32, #tpu.memory_space<vmem>>, vector<1024x2048xf32>
      %reduce_min3A = arith.constant dense<0x7F800000> : vector<1024xf32>
      %reduce_min3A_127 = vector.multi_reduction <minimumf>, %get3A_126, %reduce_min3A [1] : vector<1024x2048xf32> to vector<1024xf32>
      %broadcast_in_dim3A_128 = vector.shape_cast %reduce_min3A_127 : vector<1024xf32> to vector<1024x1xf32>
      %eq3A_129 = vector.broadcast %broadcast_in_dim3A_128 : vector<1024x1xf32> to vector<1024x2048xf32>
      %eq3A_130 = arith.cmpf oeq, %get3A_126, %eq3A_129 : vector<1024x2048xf32>
      %broadcast_in_dim3A_131 = vector.broadcast %cond3A_73 : i32 to vector<1024x2048xi32>
      %select_n3A = arith.select %eq3A_130, %add3A_41, %broadcast_in_dim3A_131 : vector<1024x2048xi1>, vector<1024x2048xi32>
      %reduce_min3A_132 = arith.constant dense<2147483647> : vector<1024xi32>
      %reduce_min3A_133 = vector.multi_reduction <minsi>, %select_n3A, %reduce_min3A_132 [1] : vector<1024x2048xi32> to vector<1024xi32>
      %broadcast_in_dim3A_134 = vector.shape_cast %reduce_min3A_133 : vector<1024xi32> to vector<1024x1xi32>
      %swap3A = arith.constant 0 : index
      %swap3A_135 = arith.constant 4 : index
      %swap3A_136 = vector.load %arg6[%swap3A, %swap3A_135] : memref<1024x16xf32, #tpu.memory_space<vmem>>, vector<1024x1xf32>
      tpu.vector_store %arg6[%swap3A, %swap3A_135], %broadcast_in_dim3A_128 {strides = array<i32>} : memref<1024x16xf32, #tpu.memory_space<vmem>>, vector<1024x1xf32>,
      %swap3A_137 = arith.constant 0 : index
      %swap3A_138 = arith.constant 4 : index
      %swap3A_139 = vector.load %arg7[%swap3A_137, %swap3A_138] : memref<1024x16xi32, #tpu.memory_space<vmem>>, vector<1024x1xi32>
      tpu.vector_store %arg7[%swap3A_137, %swap3A_138], %broadcast_in_dim3A_134 {strides = array<i32>} : memref<1024x16xi32, #tpu.memory_space<vmem>>, vector<1024x1xi32>,
      %eq3A_140 = vector.broadcast %broadcast_in_dim3A_134 : vector<1024x1xi32> to vector<1024x2048xi32>
      %eq3A_141 = arith.cmpi eq, %add3A_41, %eq3A_140 : vector<1024x2048xi32>
      %and3A = arith.andi %eq3A_130, %eq3A_141 : vector<1024x2048xi1>
      %broadcast_in_dim3A_142 = vector.broadcast %cond3A_74 : f32 to vector<1024x2048xf32>
      %select_n3A_143 = arith.select %and3A, %broadcast_in_dim3A_142, %get3A_126 : vector<1024x2048xi1>, vector<1024x2048xf32>
      %swap3A_144 = arith.constant 0 : index
      %swap3A_145 = arith.constant 0 : index
      %swap3A_146 = vector.load %arg8[%swap3A_144, %swap3A_145] : memref<1024x2048xf32, #tpu.memory_space<vmem>>, vector<1024x2048xf32>
      tpu.vector_store %arg8[%swap3A_144, %swap3A_145], %select_n3A_143 {strides = array<i32>} : memref<1024x2048xf32, #tpu.memory_space<vmem>>, vector<1024x2048xf32>,
    } else {
    }
    %gt3A_77 = arith.constant 5 : i32
    %gt3A_78 = arith.cmpi sgt, %reduce_max3A_31, %gt3A_77 : i32
    %convert_element_type3A_79 = arith.extui %gt3A_78 : i1 to i32
    %cond3A_80 = arith.constant 1073741824 : i32
    %cond3A_81 = arith.constant 0x7F800000 : f32
    %cond3A_82 = arith.constant 0 : i32
    %cond3A_83 = arith.cmpi ne, %convert_element_type3A_79, %cond3A_82 : i32
    scf.if %cond3A_83 {
      %get3A_124 = arith.constant 0 : index
      %get3A_125 = arith.constant 0 : index
      %get3A_126 = vector.load %arg8[%get3A_124, %get3A_125] : memref<1024x2048xf32, #tpu.memory_space<vmem>>, vector<1024x2048xf32>
      %reduce_min3A = arith.constant dense<0x7F800000> : vector<1024xf32>
      %reduce_min3A_127 = vector.multi_reduction <minimumf>, %get3A_126, %reduce_min3A [1] : vector<1024x2048xf32> to vector<1024xf32>
      %broadcast_in_dim3A_128 = vector.shape_cast %reduce_min3A_127 : vector<1024xf32> to vector<1024x1xf32>
      %eq3A_129 = vector.broadcast %broadcast_in_dim3A_128 : vector<1024x1xf32> to vector<1024x2048xf32>
      %eq3A_130 = arith.cmpf oeq, %get3A_126, %eq3A_129 : vector<1024x2048xf32>
      %broadcast_in_dim3A_131 = vector.broadcast %cond3A_80 : i32 to vector<1024x2048xi32>
      %select_n3A = arith.select %eq3A_130, %add3A_41, %broadcast_in_dim3A_131 : vector<1024x2048xi1>, vector<1024x2048xi32>
      %reduce_min3A_132 = arith.constant dense<2147483647> : vector<1024xi32>
      %reduce_min3A_133 = vector.multi_reduction <minsi>, %select_n3A, %reduce_min3A_132 [1] : vector<1024x2048xi32> to vector<1024xi32>
      %broadcast_in_dim3A_134 = vector.shape_cast %reduce_min3A_133 : vector<1024xi32> to vector<1024x1xi32>
      %swap3A = arith.constant 0 : index
      %swap3A_135 = arith.constant 5 : index
      %swap3A_136 = vector.load %arg6[%swap3A, %swap3A_135] : memref<1024x16xf32, #tpu.memory_space<vmem>>, vector<1024x1xf32>
      tpu.vector_store %arg6[%swap3A, %swap3A_135], %broadcast_in_dim3A_128 {strides = array<i32>} : memref<1024x16xf32, #tpu.memory_space<vmem>>, vector<1024x1xf32>,
      %swap3A_137 = arith.constant 0 : index
      %swap3A_138 = arith.constant 5 : index
      %swap3A_139 = vector.load %arg7[%swap3A_137, %swap3A_138] : memref<1024x16xi32, #tpu.memory_space<vmem>>, vector<1024x1xi32>
      tpu.vector_store %arg7[%swap3A_137, %swap3A_138], %broadcast_in_dim3A_134 {strides = array<i32>} : memref<1024x16xi32, #tpu.memory_space<vmem>>, vector<1024x1xi32>,
      %eq3A_140 = vector.broadcast %broadcast_in_dim3A_134 : vector<1024x1xi32> to vector<1024x2048xi32>
      %eq3A_141 = arith.cmpi eq, %add3A_41, %eq3A_140 : vector<1024x2048xi32>
      %and3A = arith.andi %eq3A_130, %eq3A_141 : vector<1024x2048xi1>
      %broadcast_in_dim3A_142 = vector.broadcast %cond3A_81 : f32 to vector<1024x2048xf32>
      %select_n3A_143 = arith.select %and3A, %broadcast_in_dim3A_142, %get3A_126 : vector<1024x2048xi1>, vector<1024x2048xf32>
      %swap3A_144 = arith.constant 0 : index
      %swap3A_145 = arith.constant 0 : index
      %swap3A_146 = vector.load %arg8[%swap3A_144, %swap3A_145] : memref<1024x2048xf32, #tpu.memory_space<vmem>>, vector<1024x2048xf32>
      tpu.vector_store %arg8[%swap3A_144, %swap3A_145], %select_n3A_143 {strides = array<i32>} : memref<1024x2048xf32, #tpu.memory_space<vmem>>, vector<1024x2048xf32>,
    } else {
    }
    %gt3A_84 = arith.constant 6 : i32
    %gt3A_85 = arith.cmpi sgt, %reduce_max3A_31, %gt3A_84 : i32
    %convert_element_type3A_86 = arith.extui %gt3A_85 : i1 to i32
    %cond3A_87 = arith.constant 1073741824 : i32
    %cond3A_88 = arith.constant 0x7F800000 : f32
    %cond3A_89 = arith.constant 0 : i32
    %cond3A_90 = arith.cmpi ne, %convert_element_type3A_86, %cond3A_89 : i32
    scf.if %cond3A_90 {
      %get3A_124 = arith.constant 0 : index
      %get3A_125 = arith.constant 0 : index
      %get3A_126 = vector.load %arg8[%get3A_124, %get3A_125] : memref<1024x2048xf32, #tpu.memory_space<vmem>>, vector<1024x2048xf32>
      %reduce_min3A = arith.constant dense<0x7F800000> : vector<1024xf32>
      %reduce_min3A_127 = vector.multi_reduction <minimumf>, %get3A_126, %reduce_min3A [1] : vector<1024x2048xf32> to vector<1024xf32>
      %broadcast_in_dim3A_128 = vector.shape_cast %reduce_min3A_127 : vector<1024xf32> to vector<1024x1xf32>
      %eq3A_129 = vector.broadcast %broadcast_in_dim3A_128 : vector<1024x1xf32> to vector<1024x2048xf32>
      %eq3A_130 = arith.cmpf oeq, %get3A_126, %eq3A_129 : vector<1024x2048xf32>
      %broadcast_in_dim3A_131 = vector.broadcast %cond3A_87 : i32 to vector<1024x2048xi32>
      %select_n3A = arith.select %eq3A_130, %add3A_41, %broadcast_in_dim3A_131 : vector<1024x2048xi1>, vector<1024x2048xi32>
      %reduce_min3A_132 = arith.constant dense<2147483647> : vector<1024xi32>
      %reduce_min3A_133 = vector.multi_reduction <minsi>, %select_n3A, %reduce_min3A_132 [1] : vector<1024x2048xi32> to vector<1024xi32>
      %broadcast_in_dim3A_134 = vector.shape_cast %reduce_min3A_133 : vector<1024xi32> to vector<1024x1xi32>
      %swap3A = arith.constant 0 : index
      %swap3A_135 = arith.constant 6 : index
      %swap3A_136 = vector.load %arg6[%swap3A, %swap3A_135] : memref<1024x16xf32, #tpu.memory_space<vmem>>, vector<1024x1xf32>
      tpu.vector_store %arg6[%swap3A, %swap3A_135], %broadcast_in_dim3A_128 {strides = array<i32>} : memref<1024x16xf32, #tpu.memory_space<vmem>>, vector<1024x1xf32>,
      %swap3A_137 = arith.constant 0 : index
      %swap3A_138 = arith.constant 6 : index
      %swap3A_139 = vector.load %arg7[%swap3A_137, %swap3A_138] : memref<1024x16xi32, #tpu.memory_space<vmem>>, vector<1024x1xi32>
      tpu.vector_store %arg7[%swap3A_137, %swap3A_138], %broadcast_in_dim3A_134 {strides = array<i32>} : memref<1024x16xi32, #tpu.memory_space<vmem>>, vector<1024x1xi32>,
      %eq3A_140 = vector.broadcast %broadcast_in_dim3A_134 : vector<1024x1xi32> to vector<1024x2048xi32>
      %eq3A_141 = arith.cmpi eq, %add3A_41, %eq3A_140 : vector<1024x2048xi32>
      %and3A = arith.andi %eq3A_130, %eq3A_141 : vector<1024x2048xi1>
      %broadcast_in_dim3A_142 = vector.broadcast %cond3A_88 : f32 to vector<1024x2048xf32>
      %select_n3A_143 = arith.select %and3A, %broadcast_in_dim3A_142, %get3A_126 : vector<1024x2048xi1>, vector<1024x2048xf32>
      %swap3A_144 = arith.constant 0 : index
      %swap3A_145 = arith.constant 0 : index
      %swap3A_146 = vector.load %arg8[%swap3A_144, %swap3A_145] : memref<1024x2048xf32, #tpu.memory_space<vmem>>, vector<1024x2048xf32>
      tpu.vector_store %arg8[%swap3A_144, %swap3A_145], %select_n3A_143 {strides = array<i32>} : memref<1024x2048xf32, #tpu.memory_space<vmem>>, vector<1024x2048xf32>,
    } else {
    }
    %gt3A_91 = arith.constant 7 : i32
    %gt3A_92 = arith.cmpi sgt, %reduce_max3A_31, %gt3A_91 : i32
    %convert_element_type3A_93 = arith.extui %gt3A_92 : i1 to i32
    %cond3A_94 = arith.constant 1073741824 : i32
    %cond3A_95 = arith.constant 0x7F800000 : f32
    %cond3A_96 = arith.constant 0 : i32
    %cond3A_97 = arith.cmpi ne, %convert_element_type3A_93, %cond3A_96 : i32
    scf.if %cond3A_97 {
      %get3A_124 = arith.constant 0 : index
      %get3A_125 = arith.constant 0 : index
      %get3A_126 = vector.load %arg8[%get3A_124, %get3A_125] : memref<1024x2048xf32, #tpu.memory_space<vmem>>, vector<1024x2048xf32>
      %reduce_min3A = arith.constant dense<0x7F800000> : vector<1024xf32>
      %reduce_min3A_127 = vector.multi_reduction <minimumf>, %get3A_126, %reduce_min3A [1] : vector<1024x2048xf32> to vector<1024xf32>
      %broadcast_in_dim3A_128 = vector.shape_cast %reduce_min3A_127 : vector<1024xf32> to vector<1024x1xf32>
      %eq3A_129 = vector.broadcast %broadcast_in_dim3A_128 : vector<1024x1xf32> to vector<1024x2048xf32>
      %eq3A_130 = arith.cmpf oeq, %get3A_126, %eq3A_129 : vector<1024x2048xf32>
      %broadcast_in_dim3A_131 = vector.broadcast %cond3A_94 : i32 to vector<1024x2048xi32>
      %select_n3A = arith.select %eq3A_130, %add3A_41, %broadcast_in_dim3A_131 : vector<1024x2048xi1>, vector<1024x2048xi32>
      %reduce_min3A_132 = arith.constant dense<2147483647> : vector<1024xi32>
      %reduce_min3A_133 = vector.multi_reduction <minsi>, %select_n3A, %reduce_min3A_132 [1] : vector<1024x2048xi32> to vector<1024xi32>
      %broadcast_in_dim3A_134 = vector.shape_cast %reduce_min3A_133 : vector<1024xi32> to vector<1024x1xi32>
      %swap3A = arith.constant 0 : index
      %swap3A_135 = arith.constant 7 : index
      %swap3A_136 = vector.load %arg6[%swap3A, %swap3A_135] : memref<1024x16xf32, #tpu.memory_space<vmem>>, vector<1024x1xf32>
      tpu.vector_store %arg6[%swap3A, %swap3A_135], %broadcast_in_dim3A_128 {strides = array<i32>} : memref<1024x16xf32, #tpu.memory_space<vmem>>, vector<1024x1xf32>,
      %swap3A_137 = arith.constant 0 : index
      %swap3A_138 = arith.constant 7 : index
      %swap3A_139 = vector.load %arg7[%swap3A_137, %swap3A_138] : memref<1024x16xi32, #tpu.memory_space<vmem>>, vector<1024x1xi32>
      tpu.vector_store %arg7[%swap3A_137, %swap3A_138], %broadcast_in_dim3A_134 {strides = array<i32>} : memref<1024x16xi32, #tpu.memory_space<vmem>>, vector<1024x1xi32>,
      %eq3A_140 = vector.broadcast %broadcast_in_dim3A_134 : vector<1024x1xi32> to vector<1024x2048xi32>
      %eq3A_141 = arith.cmpi eq, %add3A_41, %eq3A_140 : vector<1024x2048xi32>
      %and3A = arith.andi %eq3A_130, %eq3A_141 : vector<1024x2048xi1>
      %broadcast_in_dim3A_142 = vector.broadcast %cond3A_95 : f32 to vector<1024x2048xf32>
      %select_n3A_143 = arith.select %and3A, %broadcast_in_dim3A_142, %get3A_126 : vector<1024x2048xi1>, vector<1024x2048xf32>
      %swap3A_144 = arith.constant 0 : index
      %swap3A_145 = arith.constant 0 : index
      %swap3A_146 = vector.load %arg8[%swap3A_144, %swap3A_145] : memref<1024x2048xf32, #tpu.memory_space<vmem>>, vector<1024x2048xf32>
      tpu.vector_store %arg8[%swap3A_144, %swap3A_145], %select_n3A_143 {strides = array<i32>} : memref<1024x2048xf32, #tpu.memory_space<vmem>>, vector<1024x2048xf32>,
    } else {
    }
    %gt3A_98 = arith.constant 8 : i32
    %gt3A_99 = arith.cmpi sgt, %reduce_max3A_31, %gt3A_98 : i32
    %convert_element_type3A_100 = arith.extui %gt3A_99 : i1 to i32
    %cond3A_101 = arith.constant 1073741824 : i32
    %cond3A_102 = arith.constant 0x7F800000 : f32
    %cond3A_103 = arith.constant 0 : i32
    %cond3A_104 = arith.cmpi ne, %convert_element_type3A_100, %cond3A_103 : i32
    scf.if %cond3A_104 {
      %get3A_124 = arith.constant 0 : index
      %get3A_125 = arith.constant 0 : index
      %get3A_126 = vector.load %arg8[%get3A_124, %get3A_125] : memref<1024x2048xf32, #tpu.memory_space<vmem>>, vector<1024x2048xf32>
      %reduce_min3A = arith.constant dense<0x7F800000> : vector<1024xf32>
      %reduce_min3A_127 = vector.multi_reduction <minimumf>, %get3A_126, %reduce_min3A [1] : vector<1024x2048xf32> to vector<1024xf32>
      %broadcast_in_dim3A_128 = vector.shape_cast %reduce_min3A_127 : vector<1024xf32> to vector<1024x1xf32>
      %eq3A_129 = vector.broadcast %broadcast_in_dim3A_128 : vector<1024x1xf32> to vector<1024x2048xf32>
      %eq3A_130 = arith.cmpf oeq, %get3A_126, %eq3A_129 : vector<1024x2048xf32>
      %broadcast_in_dim3A_131 = vector.broadcast %cond3A_101 : i32 to vector<1024x2048xi32>
      %select_n3A = arith.select %eq3A_130, %add3A_41, %broadcast_in_dim3A_131 : vector<1024x2048xi1>, vector<1024x2048xi32>
      %reduce_min3A_132 = arith.constant dense<2147483647> : vector<1024xi32>
      %reduce_min3A_133 = vector.multi_reduction <minsi>, %select_n3A, %reduce_min3A_132 [1] : vector<1024x2048xi32> to vector<1024xi32>
      %broadcast_in_dim3A_134 = vector.shape_cast %reduce_min3A_133 : vector<1024xi32> to vector<1024x1xi32>
      %swap3A = arith.constant 0 : index
      %swap3A_135 = arith.constant 8 : index
      %swap3A_136 = vector.load %arg6[%swap3A, %swap3A_135] : memref<1024x16xf32, #tpu.memory_space<vmem>>, vector<1024x1xf32>
      tpu.vector_store %arg6[%swap3A, %swap3A_135], %broadcast_in_dim3A_128 {strides = array<i32>} : memref<1024x16xf32, #tpu.memory_space<vmem>>, vector<1024x1xf32>,
      %swap3A_137 = arith.constant 0 : index
      %swap3A_138 = arith.constant 8 : index
      %swap3A_139 = vector.load %arg7[%swap3A_137, %swap3A_138] : memref<1024x16xi32, #tpu.memory_space<vmem>>, vector<1024x1xi32>
      tpu.vector_store %arg7[%swap3A_137, %swap3A_138], %broadcast_in_dim3A_134 {strides = array<i32>} : memref<1024x16xi32, #tpu.memory_space<vmem>>, vector<1024x1xi32>,
      %eq3A_140 = vector.broadcast %broadcast_in_dim3A_134 : vector<1024x1xi32> to vector<1024x2048xi32>
      %eq3A_141 = arith.cmpi eq, %add3A_41, %eq3A_140 : vector<1024x2048xi32>
      %and3A = arith.andi %eq3A_130, %eq3A_141 : vector<1024x2048xi1>
      %broadcast_in_dim3A_142 = vector.broadcast %cond3A_102 : f32 to vector<1024x2048xf32>
      %select_n3A_143 = arith.select %and3A, %broadcast_in_dim3A_142, %get3A_126 : vector<1024x2048xi1>, vector<1024x2048xf32>
      %swap3A_144 = arith.constant 0 : index
      %swap3A_145 = arith.constant 0 : index
      %swap3A_146 = vector.load %arg8[%swap3A_144, %swap3A_145] : memref<1024x2048xf32, #tpu.memory_space<vmem>>, vector<1024x2048xf32>
      tpu.vector_store %arg8[%swap3A_144, %swap3A_145], %select_n3A_143 {strides = array<i32>} : memref<1024x2048xf32, #tpu.memory_space<vmem>>, vector<1024x2048xf32>,
    } else {
    }
    %gt3A_105 = arith.constant 9 : i32
    %gt3A_106 = arith.cmpi sgt, %reduce_max3A_31, %gt3A_105 : i32
    %convert_element_type3A_107 = arith.extui %gt3A_106 : i1 to i32
    %cond3A_108 = arith.constant 1073741824 : i32
    %cond3A_109 = arith.constant 0x7F800000 : f32
    %cond3A_110 = arith.constant 0 : i32
    %cond3A_111 = arith.cmpi ne, %convert_element_type3A_107, %cond3A_110 : i32
    scf.if %cond3A_111 {
      %get3A_124 = arith.constant 0 : index
      %get3A_125 = arith.constant 0 : index
      %get3A_126 = vector.load %arg8[%get3A_124, %get3A_125] : memref<1024x2048xf32, #tpu.memory_space<vmem>>, vector<1024x2048xf32>
      %reduce_min3A = arith.constant dense<0x7F800000> : vector<1024xf32>
      %reduce_min3A_127 = vector.multi_reduction <minimumf>, %get3A_126, %reduce_min3A [1] : vector<1024x2048xf32> to vector<1024xf32>
      %broadcast_in_dim3A_128 = vector.shape_cast %reduce_min3A_127 : vector<1024xf32> to vector<1024x1xf32>
      %eq3A_129 = vector.broadcast %broadcast_in_dim3A_128 : vector<1024x1xf32> to vector<1024x2048xf32>
      %eq3A_130 = arith.cmpf oeq, %get3A_126, %eq3A_129 : vector<1024x2048xf32>
      %broadcast_in_dim3A_131 = vector.broadcast %cond3A_108 : i32 to vector<1024x2048xi32>
      %select_n3A = arith.select %eq3A_130, %add3A_41, %broadcast_in_dim3A_131 : vector<1024x2048xi1>, vector<1024x2048xi32>
      %reduce_min3A_132 = arith.constant dense<2147483647> : vector<1024xi32>
      %reduce_min3A_133 = vector.multi_reduction <minsi>, %select_n3A, %reduce_min3A_132 [1] : vector<1024x2048xi32> to vector<1024xi32>
      %broadcast_in_dim3A_134 = vector.shape_cast %reduce_min3A_133 : vector<1024xi32> to vector<1024x1xi32>
      %swap3A = arith.constant 0 : index
      %swap3A_135 = arith.constant 9 : index
      %swap3A_136 = vector.load %arg6[%swap3A, %swap3A_135] : memref<1024x16xf32, #tpu.memory_space<vmem>>, vector<1024x1xf32>
      tpu.vector_store %arg6[%swap3A, %swap3A_135], %broadcast_in_dim3A_128 {strides = array<i32>} : memref<1024x16xf32, #tpu.memory_space<vmem>>, vector<1024x1xf32>,
      %swap3A_137 = arith.constant 0 : index
      %swap3A_138 = arith.constant 9 : index
      %swap3A_139 = vector.load %arg7[%swap3A_137, %swap3A_138] : memref<1024x16xi32, #tpu.memory_space<vmem>>, vector<1024x1xi32>
      tpu.vector_store %arg7[%swap3A_137, %swap3A_138], %broadcast_in_dim3A_134 {strides = array<i32>} : memref<1024x16xi32, #tpu.memory_space<vmem>>, vector<1024x1xi32>,
      %eq3A_140 = vector.broadcast %broadcast_in_dim3A_134 : vector<1024x1xi32> to vector<1024x2048xi32>
      %eq3A_141 = arith.cmpi eq, %add3A_41, %eq3A_140 : vector<1024x2048xi32>
      %and3A = arith.andi %eq3A_130, %eq3A_141 : vector<1024x2048xi1>
      %broadcast_in_dim3A_142 = vector.broadcast %cond3A_109 : f32 to vector<1024x2048xf32>
      %select_n3A_143 = arith.select %and3A, %broadcast_in_dim3A_142, %get3A_126 : vector<1024x2048xi1>, vector<1024x2048xf32>
      %swap3A_144 = arith.constant 0 : index
      %swap3A_145 = arith.constant 0 : index
      %swap3A_146 = vector.load %arg8[%swap3A_144, %swap3A_145] : memref<1024x2048xf32, #tpu.memory_space<vmem>>, vector<1024x2048xf32>
      tpu.vector_store %arg8[%swap3A_144, %swap3A_145], %select_n3A_143 {strides = array<i32>} : memref<1024x2048xf32, #tpu.memory_space<vmem>>, vector<1024x2048xf32>,
    } else {
    }
    %gt3A_112 = arith.constant 0 : i32
    %gt3A_113 = arith.cmpi sgt, %reduce_max3A_31, %gt3A_112 : i32
    %convert_element_type3A_114 = arith.extui %gt3A_113 : i1 to i32
    %cond3A_115 = arith.constant 0x7F800000 : f32
    %cond3A_116 = arith.constant 1073741824 : i32
    %cond3A_117 = arith.constant 0 : i32
    %cond3A_118 = arith.cmpi ne, %convert_element_type3A_114, %cond3A_117 : i32
    scf.if %cond3A_118 {
      %get3A_124 = arith.constant 0 : index
      %get3A_125 = arith.constant 0 : index
      %get3A_126 = vector.load %arg4[%get3A_124, %get3A_125] : memref<1024x16xf32, #tpu.memory_space<vmem>>, vector<1024x16xf32>
      %get3A_127 = arith.constant 0 : index
      %get3A_128 = arith.constant 0 : index
      %get3A_129 = vector.load %arg6[%get3A_127, %get3A_128] : memref<1024x16xf32, #tpu.memory_space<vmem>>, vector<1024x16xf32>
      %concatenate3A = tpu.concatenate %get3A_126, %get3A_129 in 1 : vector<1024x16xf32>, vector<1024x16xf32> -> vector<1024x32xf32>
      %get3A_130 = arith.constant 0 : index
      %get3A_131 = arith.constant 0 : index
      %get3A_132 = vector.load %arg5[%get3A_130, %get3A_131] : memref<1024x16xi32, #tpu.memory_space<vmem>>, vector<1024x16xi32>
      %get3A_133 = arith.constant 0 : index
      %get3A_134 = arith.constant 0 : index
      %get3A_135 = vector.load %arg7[%get3A_133, %get3A_134] : memref<1024x16xi32, #tpu.memory_space<vmem>>, vector<1024x16xi32>
      %concatenate3A_136 = tpu.concatenate %get3A_132, %get3A_135 in 1 : vector<1024x16xi32>, vector<1024x16xi32> -> vector<1024x32xi32>
      %reduce_min3A = arith.constant dense<0x7F800000> : vector<1024xf32>
      %reduce_min3A_137 = vector.multi_reduction <minimumf>, %concatenate3A, %reduce_min3A [1] : vector<1024x32xf32> to vector<1024xf32>
      %broadcast_in_dim3A_138 = vector.shape_cast %reduce_min3A_137 : vector<1024xf32> to vector<1024x1xf32>
      %eq3A_139 = vector.broadcast %broadcast_in_dim3A_138 : vector<1024x1xf32> to vector<1024x32xf32>
      %eq3A_140 = arith.cmpf oeq, %concatenate3A, %eq3A_139 : vector<1024x32xf32>
      %jit3A = arith.constant 1073741824 : i32
      %broadcast_in_dim3A_141 = vector.broadcast %jit3A : i32 to vector<1024x32xi32>
      %select_n3A = arith.select %eq3A_140, %concatenate3A_136, %broadcast_in_dim3A_141 : vector<1024x32xi1>, vector<1024x32xi32>
      %reduce_min3A_142 = arith.constant dense<2147483647> : vector<1024xi32>
      %reduce_min3A_143 = vector.multi_reduction <minsi>, %select_n3A, %reduce_min3A_142 [1] : vector<1024x32xi32> to vector<1024xi32>
      %broadcast_in_dim3A_144 = vector.shape_cast %reduce_min3A_143 : vector<1024xi32> to vector<1024x1xi32>
      %eq3A_145 = vector.broadcast %broadcast_in_dim3A_144 : vector<1024x1xi32> to vector<1024x32xi32>
      %eq3A_146 = arith.cmpi eq, %concatenate3A_136, %eq3A_145 : vector<1024x32xi32>
      %and3A = arith.andi %eq3A_140, %eq3A_146 : vector<1024x32xi1>
      %jit3A_147 = arith.constant 0x7F800000 : f32
      %broadcast_in_dim3A_148 = vector.broadcast %jit3A_147 : f32 to vector<1024x32xf32>
      %select_n3A_149 = arith.select %and3A, %broadcast_in_dim3A_148, %concatenate3A : vector<1024x32xi1>, vector<1024x32xf32>
      %reduce_min3A_150 = arith.constant dense<0x7F800000> : vector<1024xf32>
      %reduce_min3A_151 = vector.multi_reduction <minimumf>, %select_n3A_149, %reduce_min3A_150 [1] : vector<1024x32xf32> to vector<1024xf32>
      %broadcast_in_dim3A_152 = vector.shape_cast %reduce_min3A_151 : vector<1024xf32> to vector<1024x1xf32>
      %eq3A_153 = vector.broadcast %broadcast_in_dim3A_152 : vector<1024x1xf32> to vector<1024x32xf32>
      %eq3A_154 = arith.cmpf oeq, %select_n3A_149, %eq3A_153 : vector<1024x32xf32>
      %jit3A_155 = arith.constant 1073741824 : i32
      %broadcast_in_dim3A_156 = vector.broadcast %jit3A_155 : i32 to vector<1024x32xi32>
      %select_n3A_157 = arith.select %eq3A_154, %concatenate3A_136, %broadcast_in_dim3A_156 : vector<1024x32xi1>, vector<1024x32xi32>
      %reduce_min3A_158 = arith.constant dense<2147483647> : vector<1024xi32>
      %reduce_min3A_159 = vector.multi_reduction <minsi>, %select_n3A_157, %reduce_min3A_158 [1] : vector<1024x32xi32> to vector<1024xi32>
      %broadcast_in_dim3A_160 = vector.shape_cast %reduce_min3A_159 : vector<1024xi32> to vector<1024x1xi32>
      %eq3A_161 = vector.broadcast %broadcast_in_dim3A_160 : vector<1024x1xi32> to vector<1024x32xi32>
      %eq3A_162 = arith.cmpi eq, %concatenate3A_136, %eq3A_161 : vector<1024x32xi32>
      %and3A_163 = arith.andi %eq3A_154, %eq3A_162 : vector<1024x32xi1>
      %jit3A_164 = arith.constant 0x7F800000 : f32
      %broadcast_in_dim3A_165 = vector.broadcast %jit3A_164 : f32 to vector<1024x32xf32>
      %select_n3A_166 = arith.select %and3A_163, %broadcast_in_dim3A_165, %select_n3A_149 : vector<1024x32xi1>, vector<1024x32xf32>
      %reduce_min3A_167 = arith.constant dense<0x7F800000> : vector<1024xf32>
      %reduce_min3A_168 = vector.multi_reduction <minimumf>, %select_n3A_166, %reduce_min3A_167 [1] : vector<1024x32xf32> to vector<1024xf32>
      %broadcast_in_dim3A_169 = vector.shape_cast %reduce_min3A_168 : vector<1024xf32> to vector<1024x1xf32>
      %eq3A_170 = vector.broadcast %broadcast_in_dim3A_169 : vector<1024x1xf32> to vector<1024x32xf32>
      %eq3A_171 = arith.cmpf oeq, %select_n3A_166, %eq3A_170 : vector<1024x32xf32>
      %jit3A_172 = arith.constant 1073741824 : i32
      %broadcast_in_dim3A_173 = vector.broadcast %jit3A_172 : i32 to vector<1024x32xi32>
      %select_n3A_174 = arith.select %eq3A_171, %concatenate3A_136, %broadcast_in_dim3A_173 : vector<1024x32xi1>, vector<1024x32xi32>
      %reduce_min3A_175 = arith.constant dense<2147483647> : vector<1024xi32>
      %reduce_min3A_176 = vector.multi_reduction <minsi>, %select_n3A_174, %reduce_min3A_175 [1] : vector<1024x32xi32> to vector<1024xi32>
      %broadcast_in_dim3A_177 = vector.shape_cast %reduce_min3A_176 : vector<1024xi32> to vector<1024x1xi32>
      %eq3A_178 = vector.broadcast %broadcast_in_dim3A_177 : vector<1024x1xi32> to vector<1024x32xi32>
      %eq3A_179 = arith.cmpi eq, %concatenate3A_136, %eq3A_178 : vector<1024x32xi32>
      %and3A_180 = arith.andi %eq3A_171, %eq3A_179 : vector<1024x32xi1>
      %jit3A_181 = arith.constant 0x7F800000 : f32
      %broadcast_in_dim3A_182 = vector.broadcast %jit3A_181 : f32 to vector<1024x32xf32>
      %select_n3A_183 = arith.select %and3A_180, %broadcast_in_dim3A_182, %select_n3A_166 : vector<1024x32xi1>, vector<1024x32xf32>
      %reduce_min3A_184 = arith.constant dense<0x7F800000> : vector<1024xf32>
      %reduce_min3A_185 = vector.multi_reduction <minimumf>, %select_n3A_183, %reduce_min3A_184 [1] : vector<1024x32xf32> to vector<1024xf32>
      %broadcast_in_dim3A_186 = vector.shape_cast %reduce_min3A_185 : vector<1024xf32> to vector<1024x1xf32>
      %eq3A_187 = vector.broadcast %broadcast_in_dim3A_186 : vector<1024x1xf32> to vector<1024x32xf32>
      %eq3A_188 = arith.cmpf oeq, %select_n3A_183, %eq3A_187 : vector<1024x32xf32>
      %jit3A_189 = arith.constant 1073741824 : i32
      %broadcast_in_dim3A_190 = vector.broadcast %jit3A_189 : i32 to vector<1024x32xi32>
      %select_n3A_191 = arith.select %eq3A_188, %concatenate3A_136, %broadcast_in_dim3A_190 : vector<1024x32xi1>, vector<1024x32xi32>
      %reduce_min3A_192 = arith.constant dense<2147483647> : vector<1024xi32>
      %reduce_min3A_193 = vector.multi_reduction <minsi>, %select_n3A_191, %reduce_min3A_192 [1] : vector<1024x32xi32> to vector<1024xi32>
      %broadcast_in_dim3A_194 = vector.shape_cast %reduce_min3A_193 : vector<1024xi32> to vector<1024x1xi32>
      %eq3A_195 = vector.broadcast %broadcast_in_dim3A_194 : vector<1024x1xi32> to vector<1024x32xi32>
      %eq3A_196 = arith.cmpi eq, %concatenate3A_136, %eq3A_195 : vector<1024x32xi32>
      %and3A_197 = arith.andi %eq3A_188, %eq3A_196 : vector<1024x32xi1>
      %jit3A_198 = arith.constant 0x7F800000 : f32
      %broadcast_in_dim3A_199 = vector.broadcast %jit3A_198 : f32 to vector<1024x32xf32>
      %select_n3A_200 = arith.select %and3A_197, %broadcast_in_dim3A_199, %select_n3A_183 : vector<1024x32xi1>, vector<1024x32xf32>
      %reduce_min3A_201 = arith.constant dense<0x7F800000> : vector<1024xf32>
      %reduce_min3A_202 = vector.multi_reduction <minimumf>, %select_n3A_200, %reduce_min3A_201 [1] : vector<1024x32xf32> to vector<1024xf32>
      %broadcast_in_dim3A_203 = vector.shape_cast %reduce_min3A_202 : vector<1024xf32> to vector<1024x1xf32>
      %eq3A_204 = vector.broadcast %broadcast_in_dim3A_203 : vector<1024x1xf32> to vector<1024x32xf32>
      %eq3A_205 = arith.cmpf oeq, %select_n3A_200, %eq3A_204 : vector<1024x32xf32>
      %jit3A_206 = arith.constant 1073741824 : i32
      %broadcast_in_dim3A_207 = vector.broadcast %jit3A_206 : i32 to vector<1024x32xi32>
      %select_n3A_208 = arith.select %eq3A_205, %concatenate3A_136, %broadcast_in_dim3A_207 : vector<1024x32xi1>, vector<1024x32xi32>
      %reduce_min3A_209 = arith.constant dense<2147483647> : vector<1024xi32>
      %reduce_min3A_210 = vector.multi_reduction <minsi>, %select_n3A_208, %reduce_min3A_209 [1] : vector<1024x32xi32> to vector<1024xi32>
      %broadcast_in_dim3A_211 = vector.shape_cast %reduce_min3A_210 : vector<1024xi32> to vector<1024x1xi32>
      %eq3A_212 = vector.broadcast %broadcast_in_dim3A_211 : vector<1024x1xi32> to vector<1024x32xi32>
      %eq3A_213 = arith.cmpi eq, %concatenate3A_136, %eq3A_212 : vector<1024x32xi32>
      %and3A_214 = arith.andi %eq3A_205, %eq3A_213 : vector<1024x32xi1>
      %jit3A_215 = arith.constant 0x7F800000 : f32
      %broadcast_in_dim3A_216 = vector.broadcast %jit3A_215 : f32 to vector<1024x32xf32>
      %select_n3A_217 = arith.select %and3A_214, %broadcast_in_dim3A_216, %select_n3A_200 : vector<1024x32xi1>, vector<1024x32xf32>
      %reduce_min3A_218 = arith.constant dense<0x7F800000> : vector<1024xf32>
      %reduce_min3A_219 = vector.multi_reduction <minimumf>, %select_n3A_217, %reduce_min3A_218 [1] : vector<1024x32xf32> to vector<1024xf32>
      %broadcast_in_dim3A_220 = vector.shape_cast %reduce_min3A_219 : vector<1024xf32> to vector<1024x1xf32>
      %eq3A_221 = vector.broadcast %broadcast_in_dim3A_220 : vector<1024x1xf32> to vector<1024x32xf32>
      %eq3A_222 = arith.cmpf oeq, %select_n3A_217, %eq3A_221 : vector<1024x32xf32>
      %jit3A_223 = arith.constant 1073741824 : i32
      %broadcast_in_dim3A_224 = vector.broadcast %jit3A_223 : i32 to vector<1024x32xi32>
      %select_n3A_225 = arith.select %eq3A_222, %concatenate3A_136, %broadcast_in_dim3A_224 : vector<1024x32xi1>, vector<1024x32xi32>
      %reduce_min3A_226 = arith.constant dense<2147483647> : vector<1024xi32>
      %reduce_min3A_227 = vector.multi_reduction <minsi>, %select_n3A_225, %reduce_min3A_226 [1] : vector<1024x32xi32> to vector<1024xi32>
      %broadcast_in_dim3A_228 = vector.shape_cast %reduce_min3A_227 : vector<1024xi32> to vector<1024x1xi32>
      %eq3A_229 = vector.broadcast %broadcast_in_dim3A_228 : vector<1024x1xi32> to vector<1024x32xi32>
      %eq3A_230 = arith.cmpi eq, %concatenate3A_136, %eq3A_229 : vector<1024x32xi32>
      %and3A_231 = arith.andi %eq3A_222, %eq3A_230 : vector<1024x32xi1>
      %jit3A_232 = arith.constant 0x7F800000 : f32
      %broadcast_in_dim3A_233 = vector.broadcast %jit3A_232 : f32 to vector<1024x32xf32>
      %select_n3A_234 = arith.select %and3A_231, %broadcast_in_dim3A_233, %select_n3A_217 : vector<1024x32xi1>, vector<1024x32xf32>
      %reduce_min3A_235 = arith.constant dense<0x7F800000> : vector<1024xf32>
      %reduce_min3A_236 = vector.multi_reduction <minimumf>, %select_n3A_234, %reduce_min3A_235 [1] : vector<1024x32xf32> to vector<1024xf32>
      %broadcast_in_dim3A_237 = vector.shape_cast %reduce_min3A_236 : vector<1024xf32> to vector<1024x1xf32>
      %eq3A_238 = vector.broadcast %broadcast_in_dim3A_237 : vector<1024x1xf32> to vector<1024x32xf32>
      %eq3A_239 = arith.cmpf oeq, %select_n3A_234, %eq3A_238 : vector<1024x32xf32>
      %jit3A_240 = arith.constant 1073741824 : i32
      %broadcast_in_dim3A_241 = vector.broadcast %jit3A_240 : i32 to vector<1024x32xi32>
      %select_n3A_242 = arith.select %eq3A_239, %concatenate3A_136, %broadcast_in_dim3A_241 : vector<1024x32xi1>, vector<1024x32xi32>
      %reduce_min3A_243 = arith.constant dense<2147483647> : vector<1024xi32>
      %reduce_min3A_244 = vector.multi_reduction <minsi>, %select_n3A_242, %reduce_min3A_243 [1] : vector<1024x32xi32> to vector<1024xi32>
      %broadcast_in_dim3A_245 = vector.shape_cast %reduce_min3A_244 : vector<1024xi32> to vector<1024x1xi32>
      %eq3A_246 = vector.broadcast %broadcast_in_dim3A_245 : vector<1024x1xi32> to vector<1024x32xi32>
      %eq3A_247 = arith.cmpi eq, %concatenate3A_136, %eq3A_246 : vector<1024x32xi32>
      %and3A_248 = arith.andi %eq3A_239, %eq3A_247 : vector<1024x32xi1>
      %jit3A_249 = arith.constant 0x7F800000 : f32
      %broadcast_in_dim3A_250 = vector.broadcast %jit3A_249 : f32 to vector<1024x32xf32>
      %select_n3A_251 = arith.select %and3A_248, %broadcast_in_dim3A_250, %select_n3A_234 : vector<1024x32xi1>, vector<1024x32xf32>
      %reduce_min3A_252 = arith.constant dense<0x7F800000> : vector<1024xf32>
      %reduce_min3A_253 = vector.multi_reduction <minimumf>, %select_n3A_251, %reduce_min3A_252 [1] : vector<1024x32xf32> to vector<1024xf32>
      %broadcast_in_dim3A_254 = vector.shape_cast %reduce_min3A_253 : vector<1024xf32> to vector<1024x1xf32>
      %eq3A_255 = vector.broadcast %broadcast_in_dim3A_254 : vector<1024x1xf32> to vector<1024x32xf32>
      %eq3A_256 = arith.cmpf oeq, %select_n3A_251, %eq3A_255 : vector<1024x32xf32>
      %jit3A_257 = arith.constant 1073741824 : i32
      %broadcast_in_dim3A_258 = vector.broadcast %jit3A_257 : i32 to vector<1024x32xi32>
      %select_n3A_259 = arith.select %eq3A_256, %concatenate3A_136, %broadcast_in_dim3A_258 : vector<1024x32xi1>, vector<1024x32xi32>
      %reduce_min3A_260 = arith.constant dense<2147483647> : vector<1024xi32>
      %reduce_min3A_261 = vector.multi_reduction <minsi>, %select_n3A_259, %reduce_min3A_260 [1] : vector<1024x32xi32> to vector<1024xi32>
      %broadcast_in_dim3A_262 = vector.shape_cast %reduce_min3A_261 : vector<1024xi32> to vector<1024x1xi32>
      %eq3A_263 = vector.broadcast %broadcast_in_dim3A_262 : vector<1024x1xi32> to vector<1024x32xi32>
      %eq3A_264 = arith.cmpi eq, %concatenate3A_136, %eq3A_263 : vector<1024x32xi32>
      %and3A_265 = arith.andi %eq3A_256, %eq3A_264 : vector<1024x32xi1>
      %jit3A_266 = arith.constant 0x7F800000 : f32
      %broadcast_in_dim3A_267 = vector.broadcast %jit3A_266 : f32 to vector<1024x32xf32>
      %select_n3A_268 = arith.select %and3A_265, %broadcast_in_dim3A_267, %select_n3A_251 : vector<1024x32xi1>, vector<1024x32xf32>
      %reduce_min3A_269 = arith.constant dense<0x7F800000> : vector<1024xf32>
      %reduce_min3A_270 = vector.multi_reduction <minimumf>, %select_n3A_268, %reduce_min3A_269 [1] : vector<1024x32xf32> to vector<1024xf32>
      %broadcast_in_dim3A_271 = vector.shape_cast %reduce_min3A_270 : vector<1024xf32> to vector<1024x1xf32>
      %eq3A_272 = vector.broadcast %broadcast_in_dim3A_271 : vector<1024x1xf32> to vector<1024x32xf32>
      %eq3A_273 = arith.cmpf oeq, %select_n3A_268, %eq3A_272 : vector<1024x32xf32>
      %jit3A_274 = arith.constant 1073741824 : i32
      %broadcast_in_dim3A_275 = vector.broadcast %jit3A_274 : i32 to vector<1024x32xi32>
      %select_n3A_276 = arith.select %eq3A_273, %concatenate3A_136, %broadcast_in_dim3A_275 : vector<1024x32xi1>, vector<1024x32xi32>
      %reduce_min3A_277 = arith.constant dense<2147483647> : vector<1024xi32>
      %reduce_min3A_278 = vector.multi_reduction <minsi>, %select_n3A_276, %reduce_min3A_277 [1] : vector<1024x32xi32> to vector<1024xi32>
      %broadcast_in_dim3A_279 = vector.shape_cast %reduce_min3A_278 : vector<1024xi32> to vector<1024x1xi32>
      %eq3A_280 = vector.broadcast %broadcast_in_dim3A_279 : vector<1024x1xi32> to vector<1024x32xi32>
      %eq3A_281 = arith.cmpi eq, %concatenate3A_136, %eq3A_280 : vector<1024x32xi32>
      %and3A_282 = arith.andi %eq3A_273, %eq3A_281 : vector<1024x32xi1>
      %jit3A_283 = arith.constant 0x7F800000 : f32
      %broadcast_in_dim3A_284 = vector.broadcast %jit3A_283 : f32 to vector<1024x32xf32>
      %select_n3A_285 = arith.select %and3A_282, %broadcast_in_dim3A_284, %select_n3A_268 : vector<1024x32xi1>, vector<1024x32xf32>
      %reduce_min3A_286 = arith.constant dense<0x7F800000> : vector<1024xf32>
      %reduce_min3A_287 = vector.multi_reduction <minimumf>, %select_n3A_285, %reduce_min3A_286 [1] : vector<1024x32xf32> to vector<1024xf32>
      %broadcast_in_dim3A_288 = vector.shape_cast %reduce_min3A_287 : vector<1024xf32> to vector<1024x1xf32>
      %eq3A_289 = vector.broadcast %broadcast_in_dim3A_288 : vector<1024x1xf32> to vector<1024x32xf32>
      %eq3A_290 = arith.cmpf oeq, %select_n3A_285, %eq3A_289 : vector<1024x32xf32>
      %jit3A_291 = arith.constant 1073741824 : i32
      %broadcast_in_dim3A_292 = vector.broadcast %jit3A_291 : i32 to vector<1024x32xi32>
      %select_n3A_293 = arith.select %eq3A_290, %concatenate3A_136, %broadcast_in_dim3A_292 : vector<1024x32xi1>, vector<1024x32xi32>
      %reduce_min3A_294 = arith.constant dense<2147483647> : vector<1024xi32>
      %reduce_min3A_295 = vector.multi_reduction <minsi>, %select_n3A_293, %reduce_min3A_294 [1] : vector<1024x32xi32> to vector<1024xi32>
      %broadcast_in_dim3A_296 = vector.shape_cast %reduce_min3A_295 : vector<1024xi32> to vector<1024x1xi32>
      %concatenate3A_297 = tpu.concatenate %broadcast_in_dim3A_138, %broadcast_in_dim3A_152, %broadcast_in_dim3A_169, %broadcast_in_dim3A_186, %broadcast_in_dim3A_203, %broadcast_in_dim3A_220, %broadcast_in_dim3A_237, %broadcast_in_dim3A_254, %broadcast_in_dim3A_271, %broadcast_in_dim3A_288 in 1 : vector<1024x1xf32>, vector<1024x1xf32>, vector<1024x1xf32>, vector<1024x1xf32>, vector<1024x1xf32>, vector<1024x1xf32>, vector<1024x1xf32>, vector<1024x1xf32>, vector<1024x1xf32>, vector<1024x1xf32> -> vector<1024x10xf32>
      %concatenate3A_298 = tpu.concatenate %broadcast_in_dim3A_144, %broadcast_in_dim3A_160, %broadcast_in_dim3A_177, %broadcast_in_dim3A_194, %broadcast_in_dim3A_211, %broadcast_in_dim3A_228, %broadcast_in_dim3A_245, %broadcast_in_dim3A_262, %broadcast_in_dim3A_279, %broadcast_in_dim3A_296 in 1 : vector<1024x1xi32>, vector<1024x1xi32>, vector<1024x1xi32>, vector<1024x1xi32>, vector<1024x1xi32>, vector<1024x1xi32>, vector<1024x1xi32>, vector<1024x1xi32>, vector<1024x1xi32>, vector<1024x1xi32> -> vector<1024x10xi32>
      %broadcast_in_dim3A_299 = vector.broadcast %cond3A_115 : f32 to vector<1024x6xf32>
      %concatenate3A_300 = tpu.concatenate %concatenate3A_297, %broadcast_in_dim3A_299 in 1 : vector<1024x10xf32>, vector<1024x6xf32> -> vector<1024x16xf32>
      %swap3A = arith.constant 0 : index
      %swap3A_301 = arith.constant 0 : index
      %swap3A_302 = vector.load %arg4[%swap3A, %swap3A_301] : memref<1024x16xf32, #tpu.memory_space<vmem>>, vector<1024x16xf32>
      tpu.vector_store %arg4[%swap3A, %swap3A_301], %concatenate3A_300 {strides = array<i32>} : memref<1024x16xf32, #tpu.memory_space<vmem>>, vector<1024x16xf32>,
      %broadcast_in_dim3A_303 = vector.broadcast %cond3A_116 : i32 to vector<1024x6xi32>
      %concatenate3A_304 = tpu.concatenate %concatenate3A_298, %broadcast_in_dim3A_303 in 1 : vector<1024x10xi32>, vector<1024x6xi32> -> vector<1024x16xi32>
      %swap3A_305 = arith.constant 0 : index
      %swap3A_306 = arith.constant 0 : index
      %swap3A_307 = vector.load %arg5[%swap3A_305, %swap3A_306] : memref<1024x16xi32, #tpu.memory_space<vmem>>, vector<1024x16xi32>
      tpu.vector_store %arg5[%swap3A_305, %swap3A_306], %concatenate3A_304 {strides = array<i32>} : memref<1024x16xi32, #tpu.memory_space<vmem>>, vector<1024x16xi32>,
    } else {
    }
    %eq3A_119 = arith.constant 48 : i32
    %eq3A_120 = arith.cmpi eq, %arg0, %eq3A_119 : i32
    %convert_element_type3A_121 = arith.extui %eq3A_120 : i1 to i32
    %cond3A_122 = arith.constant 0 : i32
    %cond3A_123 = arith.cmpi ne, %convert_element_type3A_121, %cond3A_122 : i32
    scf.if %cond3A_123 {
      %get3A_124 = arith.constant 0 : index
      %get3A_125 = arith.constant 0 : index
      %get3A_126 = vector.load %arg5[%get3A_124, %get3A_125] : memref<1024x16xi32, #tpu.memory_space<vmem>>, vector<1024x16xi32>
      %swap3A = arith.constant 0 : index
      %swap3A_127 = arith.constant 0 : index
      %swap3A_128 = vector.load %arg3[%swap3A, %swap3A_127] : memref<1024x16xi32, #tpu.memory_space<vmem>>, vector<1024x16xi32>
      tpu.vector_store %arg3[%swap3A, %swap3A_127], %get3A_126 {strides = array<i32>} : memref<1024x16xi32, #tpu.memory_space<vmem>>, vector<1024x16xi32>,
    } else {
    }
    return
  }
  func.func @transform_0(%arg0: i32) -> (i32, i32) {
    %c0_i32 = arith.constant 0 : i32
    %c0_i32_0 = arith.constant 0 : i32
    %c0_i32_1 = arith.constant 0 : i32
    return %c0_i32, %c0_i32_0 : i32, i32
  }
  func.func @transform_1(%arg0: i32) -> (i32, i32) {
    %c0_i32 = arith.constant 0 : i32
    %c0_i32_0 = arith.constant 0 : i32
    return %arg0, %c0_i32 : i32, i32
  }
  func.func @transform_2(%arg0: i32) -> (i32, i32) {
    %c0_i32 = arith.constant 0 : i32
    %c0_i32_0 = arith.constant 0 : i32
    %c0_i32_1 = arith.constant 0 : i32
    return %c0_i32, %c0_i32_0 : i32, i32
  }
}

module attributes {stable_mosaic.version = 14 : i64} {
  func.func @_score_kernel(%arg0: memref<1024x16xf32, #tpu.memory_space<vmem>>, %arg1: memref<1024x16xf32, #tpu.memory_space<vmem>>, %arg2: memref<1024x1xf32, #tpu.memory_space<vmem>>) attributes {dimension_semantics = [], scalar_prefetch = 0 : i64, scratch_operands = 0 : i64, tpu.core_type = #tpu.core_type<tc>} {
    %get3A = arith.constant 0 : index
    %get3A_0 = arith.constant 0 : index
    %get3A_1 = vector.load %arg0[%get3A, %get3A_0] : memref<1024x16xf32, #tpu.memory_space<vmem>>, vector<1024x16xf32>
    %get3A_2 = arith.constant 0 : index
    %get3A_3 = arith.constant 0 : index
    %get3A_4 = vector.load %arg1[%get3A_2, %get3A_3] : memref<1024x16xf32, #tpu.memory_space<vmem>>, vector<1024x16xf32>
    %exp3A = math.exp %get3A_4 : vector<1024x16xf32>
    %reduce_sum3A = arith.constant dense<0.000000e+00> : vector<1024xf32>
    %reduce_sum3A_5 = vector.multi_reduction <add>, %exp3A, %reduce_sum3A [1] : vector<1024x16xf32> to vector<1024xf32>
    %broadcast_in_dim3A = vector.shape_cast %reduce_sum3A_5 : vector<1024xf32> to vector<1024x1xf32>
    %reduce_sum3A_6 = arith.constant dense<0.000000e+00> : vector<1024xf32>
    %reduce_sum3A_7 = vector.multi_reduction <add>, %get3A_1, %reduce_sum3A_6 [1] : vector<1024x16xf32> to vector<1024xf32>
    %broadcast_in_dim3A_8 = vector.shape_cast %reduce_sum3A_7 : vector<1024xf32> to vector<1024x1xf32>
    %mul3A = arith.constant 1.000000e-01 : f32
    %mul3A_9 = vector.broadcast %mul3A : f32 to vector<1024x1xf32>
    %mul3A_10 = arith.mulf %broadcast_in_dim3A_8, %mul3A_9 : vector<1024x1xf32>
    %add3A = arith.addf %mul3A_10, %broadcast_in_dim3A : vector<1024x1xf32>
    %neg3A = arith.constant 0.000000e+00 : f32
    %neg3A_11 = vector.broadcast %neg3A : f32 to vector<1024x1xf32>
    %neg3A_12 = arith.subf %neg3A_11, %add3A : vector<1024x1xf32>
    %swap3A = arith.constant 0 : index
    %swap3A_13 = arith.constant 0 : index
    %swap3A_14 = vector.load %arg2[%swap3A, %swap3A_13] : memref<1024x1xf32, #tpu.memory_space<vmem>>, vector<1024x1xf32>
    tpu.vector_store %arg2[%swap3A, %swap3A_13], %neg3A_12 {strides = array<i32>} : memref<1024x1xf32, #tpu.memory_space<vmem>>, vector<1024x1xf32>,
    return
  }
}

module attributes {stable_mosaic.version = 14 : i64} {
  func.func @_topk_kernel(%arg0: memref<1024x1xf32, #tpu.memory_space<vmem>>, %arg1: memref<1x1024xf32, #tpu.memory_space<vmem>>, %arg2: memref<1x256xf32, #tpu.memory_space<vmem>>, %arg3: memref<1x256xi32, #tpu.memory_space<vmem>>) attributes {dimension_semantics = [], scalar_prefetch = 0 : i64, scratch_operands = 0 : i64, tpu.core_type = #tpu.core_type<tc>} {
    %get3A = arith.constant 0 : index
    %get3A_0 = arith.constant 0 : index
    %get3A_1 = vector.load %arg0[%get3A, %get3A_0] : memref<1024x1xf32, #tpu.memory_space<vmem>>, vector<1024x1xf32>
    %get3A_2 = arith.constant 0 : index
    %get3A_3 = arith.constant 0 : index
    %get3A_4 = vector.load %arg1[%get3A_2, %get3A_3] : memref<1x1024xf32, #tpu.memory_space<vmem>>, vector<1x1024xf32>
    %iota3A = tpu.iota {dimensions = array<i32: 0>} : vector<1024x1024xi32>
    %iota3A_5 = tpu.iota {dimensions = array<i32: 1>} : vector<1024x1024xi32>
    %gt3A = vector.broadcast %get3A_4 : vector<1x1024xf32> to vector<1024x1024xf32>
    %gt3A_6 = vector.broadcast %get3A_1 : vector<1024x1xf32> to vector<1024x1024xf32>
    %gt3A_7 = arith.cmpf ogt, %gt3A, %gt3A_6 : vector<1024x1024xf32>
    %eq3A = vector.broadcast %get3A_4 : vector<1x1024xf32> to vector<1024x1024xf32>
    %eq3A_8 = vector.broadcast %get3A_1 : vector<1024x1xf32> to vector<1024x1024xf32>
    %eq3A_9 = arith.cmpf oeq, %eq3A, %eq3A_8 : vector<1024x1024xf32>
    %lt3A = arith.cmpi slt, %iota3A_5, %iota3A : vector<1024x1024xi32>
    %and3A = arith.andi %eq3A_9, %lt3A : vector<1024x1024xi1>
    %or3A = arith.ori %gt3A_7, %and3A : vector<1024x1024xi1>
    %convert_element_type3A = arith.extui %or3A : vector<1024x1024xi1> to vector<1024x1024xi32>
    %reduce_sum3A = arith.constant dense<0> : vector<1024xi32>
    %reduce_sum3A_10 = vector.multi_reduction <add>, %convert_element_type3A, %reduce_sum3A [1] : vector<1024x1024xi32> to vector<1024xi32>
    %broadcast_in_dim3A = vector.shape_cast %reduce_sum3A_10 : vector<1024xi32> to vector<1024x1xi32>
    %iota3A_11 = tpu.iota {dimensions = array<i32: 1>} : vector<1024x256xi32>
    %eq3A_12 = vector.broadcast %broadcast_in_dim3A : vector<1024x1xi32> to vector<1024x256xi32>
    %eq3A_13 = arith.cmpi eq, %eq3A_12, %iota3A_11 : vector<1024x256xi32>
    %iota3A_14 = tpu.iota {dimensions = array<i32: 0>} : vector<1024x256xi32>
    %jit3A = arith.constant 0.000000e+00 : f32
    %broadcast_in_dim3A_15 = vector.shape_cast %get3A_1 : vector<1024x1xf32> to vector<1024x1xf32>
    %broadcast_in_dim3A_16 = vector.broadcast %broadcast_in_dim3A_15 : vector<1024x1xf32> to vector<1024x256xf32>
    %broadcast_in_dim3A_17 = vector.broadcast %jit3A : f32 to vector<1024x256xf32>
    %select_n3A = arith.select %eq3A_13, %broadcast_in_dim3A_16, %broadcast_in_dim3A_17 : vector<1024x256xi1>, vector<1024x256xf32>
    %reduce_sum3A_18 = arith.constant dense<0.000000e+00> : vector<256xf32>
    %reduce_sum3A_19 = vector.multi_reduction <add>, %select_n3A, %reduce_sum3A_18 [0] : vector<1024x256xf32> to vector<256xf32>
    %broadcast_in_dim3A_20 = vector.shape_cast %reduce_sum3A_19 : vector<256xf32> to vector<1x256xf32>
    %swap3A = arith.constant 0 : index
    %swap3A_21 = arith.constant 0 : index
    %swap3A_22 = vector.load %arg2[%swap3A, %swap3A_21] : memref<1x256xf32, #tpu.memory_space<vmem>>, vector<1x256xf32>
    tpu.vector_store %arg2[%swap3A, %swap3A_21], %broadcast_in_dim3A_20 {strides = array<i32>} : memref<1x256xf32, #tpu.memory_space<vmem>>, vector<1x256xf32>,
    %jit3A_23 = arith.constant 0 : i32
    %broadcast_in_dim3A_24 = vector.broadcast %jit3A_23 : i32 to vector<1024x256xi32>
    %select_n3A_25 = arith.select %eq3A_13, %iota3A_14, %broadcast_in_dim3A_24 : vector<1024x256xi1>, vector<1024x256xi32>
    %reduce_sum3A_26 = arith.constant dense<0> : vector<256xi32>
    %reduce_sum3A_27 = vector.multi_reduction <add>, %select_n3A_25, %reduce_sum3A_26 [0] : vector<1024x256xi32> to vector<256xi32>
    %broadcast_in_dim3A_28 = vector.shape_cast %reduce_sum3A_27 : vector<256xi32> to vector<1x256xi32>
    %swap3A_29 = arith.constant 0 : index
    %swap3A_30 = arith.constant 0 : index
    %swap3A_31 = vector.load %arg3[%swap3A_29, %swap3A_30] : memref<1x256xi32, #tpu.memory_space<vmem>>, vector<1x256xi32>
    tpu.vector_store %arg3[%swap3A_29, %swap3A_30], %broadcast_in_dim3A_28 {strides = array<i32>} : memref<1x256xi32, #tpu.memory_space<vmem>>, vector<1x256xi32>,
    return
  }
}

</mosaic_0001>

<sc_bundles>
// kernel: kernel.6.cloned.1.call-start
scs
__scs_entry_jumppad:
0x0: {  	(pc) =	sbr.rel $0x88, $3  }
0x1: {  	(tag) =	ssettag $0x0;
	lr =	simm.s32 $0x1  }
0x2: {  	[smem:$0x3F9D] =	sst lr;
	_ =	strace $0xD0000000  }
0x3: {  	_ = 	snop  }
0x4: {  	_ = 	snop  }
0x5: {  	_ = 	snop  }
0x6: {  	_ = 	snop  }
0x7: {  	_ = 	snop  }
__scs_overlays_trampoline_lowered:
0x8: {  	[smem:$0x3FAC] =	sst s0  }
0x9: {  	[smem:$0x3FAD] =	sst s1  }
0xa: {  	[smem:$0x3FAE] =	sst s2  }
0xb: {  	[smem:$0x3FAF] =	sst s3  }
0xc: {  	[smem:$0x3FB0] =	sst s4  }
0xd: {  	[smem:$0x3FB1] =	sst s5  }
0xe: {  	[smem:$0x3FB2] =	sst s6  }
0xf: {  	[smem:$0x3FB3] =	sst s7  }
0x10: {  	[smem:$0x3FB4] =	sst s8  }
0x11: {  	[smem:$0x3FB5] =	sst s9;
	s0 =	simm.s32 @!p0 $0x0  }
0x12: {  	s1 =	sld [smem:$0x3F9B];
	s0 =	simm.s32 @p0 $0x1  }
0x13: {  	[smem:$0x3FB6] =	sst s0;
	s0 =	simm.s32 @!p1 $0x0  }
0x14: {  	s2 =	sld [smem:$0x3F9A];
	s0 =	simm.s32 @p1 $0x1  }
0x15: {  	[smem:$0x3FB7] =	sst s0;
	s0 =	simm.s32 @!p2 $0x0  }
0x16: {  	s3 =	sld [smem:$0x3FDB];
	s0 =	simm.s32 @p2 $0x1  }
0x17: {  	s4 =	simm.s32 $0x1BF5;
	[smem:$0x3FB9] =	sst s0  }
0x18: {  	s0 =	sld [smem:$0x3F9C];
	_ =	swait.ge [sflag:s4], $0x0  }
0x19: {  	s7 =	sld [smem:$0x3F9D]  }
0x1a: {  	s8 =	sadd.s32 $0xFFFFE003, lr  }
0x1b: {  	s9 =	sadd.s32 $0xFFFFFEF7, lr;
	s5 =	simm.s32 $0xFFFFFFFF;
	p2 =	slt.u32 s8, $0xFFFFF086  }
0x1c: {  	p1 =	slt.u32 s9, $0xF7A;
	s5 =	simm.s32 @!p2 $0x0  }
0x1d: {  	s5 =	simm.s32 @p1 $0x1;
	p0 =	seq.s32 s7, s2  }
0x1e: {  	s7 =	smul.u32 @!p0 $0xF7A, s2;
	p2 =	seq.s32 @!p0 s5, $0x0  }
0x1f: {  	s9 =	smul.u32 $0xF7A, s1;
	s8 =	simm.s32 @!p0 $0x1BF5;
	p2 =	por !p2, p0  }
0x20: {  	[sflag:s8] =	ssyncset.s32 @!p0 $0xFFFFF086;
	s6 =	sadd.s32 @!p0 s3, s7;
	s7 =	simm.s32 @!p0 $0x108  }
0x21: {  	s3 =	sadd.s32 s3, s9;
	s6 =	sadd.s32 @!p0 $0x88, s6;
	s7 =	simm.s32 @p2 $0x1082  }
0x22: {  	[simem:s7], [sflag:s8] =	dma.local @!p0 [hbm:s6], $0xF7A  }
0x23: {  	s9 =	sor.u32 $0xD0000000, s2;
	s6 =	simm.s32 $0x108;
	_ =	swait.ge @!p0 [sflag:s8], $0x0  }
0x24: {  	s3 =	sadd.s32 $0x88, s3;
	s6 =	simm.s32 @!p1 $0x1082;
	[sflag:s4] =	ssyncset.s32 $0xFFFFF086  }
0x25: {  	[simem:s6], [sflag:s4] =	dma.local [hbm:s3], $0xF7A  }
0x26: {  	[smem:$0x3F9D] =	sst s1;
	(tag) =	ssettag s2;
	_ =	strace s9  }
0x27: {  	s1 =	sld [smem:$0x3FAD]  }
0x28: {  	s2 =	sld [smem:$0x3FAE]  }
0x29: {  	s4 =	sld [smem:$0x3FB0]  }
0x2a: {  	p0 =	seq.s32 s5, $0x0;
	s5 =	sld [smem:$0x3FB1]  }
0x2b: {  	s6 =	sld [smem:$0x3FB2]  }
0x2c: {  	s7 =	sld [smem:$0x3FB3]  }
0x2d: {  	s3 =	simm.s32 $0x108;
	s8 =	sld [smem:$0x3FB4]  }
0x2e: {  	s3 =	simm.s32 @!p0 $0x1082;
	s9 =	sld [smem:$0x3FB5]  }
0x2f: {  	lr =	sadd.s32 s0, s3;
	s0 =	sld [smem:$0x3FAC]  }
0x30: {  	s3 =	sld [smem:$0x3FAF]  }
0x31: {  	[smem:$0x3FB8] =	sst s10  }
0x32: {  	s10 =	sld [smem:$0x3FB6];
	_ =	sdelay $0x3  }
0x33: {  	p0 =	seq.s32 s10, $0x1;
	s10 =	sld [smem:$0x3FB8];
	_ =	sdelay $0x3  }
0x34: {  	[smem:$0x3FB8] =	sst s10  }
0x35: {  	s10 =	sld [smem:$0x3FB7];
	_ =	sdelay $0x3  }
0x36: {  	p1 =	seq.s32 s10, $0x1;
	s10 =	sld [smem:$0x3FB8];
	_ =	sdelay $0x3  }
0x37: {  	[smem:$0x3FB8] =	sst s10  }
0x38: {  	s10 =	sld [smem:$0x3FB9]  }
0x39: {  	_ = 	snop;
	(pc) =	sbr.ind lr, $3  }
0x3a: {  	_ = 	snop  }
0x3b: {  	_ = 	snop  }
0x3c: {  	p2 =	seq.s32 s10, $0x1;
	s10 =	sld [smem:$0x3FB8]  }
0x3d: {  	_ =	shalt  }
0x3e: {  	_ =	shalt  }
0x3f: {  	_ =	shalt  }
0x40: {  	_ =	shalt  }
0x41: {  	_ =	shalt  }
0x42: {  	_ =	shalt  }
0x43: {  	_ =	shalt  }
0x44: {  	_ =	shalt  }
0x45: {  	_ =	shalt  }
0x46: {  	_ =	shalt  }
0x47: {  	_ =	shalt  }
0x48: {  	_ =	shalt  }
0x49: {  	_ =	shalt  }
0x4a: {  	_ =	shalt  }
0x4b: {  	_ =	shalt  }
0x4c: {  	_ =	shalt  }
0x4d: {  	_ =	shalt  }
0x4e: {  	_ =	shalt  }
0x4f: {  	_ =	shalt  }
0x50: {  	_ =	shalt  }
0x51: {  	_ =	shalt  }
0x52: {  	_ =	shalt  }
0x53: {  	_ =	shalt  }
0x54: {  	_ =	shalt  }
0x55: {  	_ =	shalt  }
0x56: {  	_ =	shalt  }
0x57: {  	_ =	shalt  }
0x58: {  	_ =	shalt  }
0x59: {  	_ =	shalt  }
0x5a: {  	_ =	shalt  }
0x5b: {  	_ =	shalt  }
0x5c: {  	_ =	shalt  }
0x5d: {  	_ =	shalt  }
0x5e: {  	_ =	shalt  }
0x5f: {  	_ =	shalt  }
0x60: {  	_ =	shalt  }
0x61: {  	_ =	shalt  }
0x62: {  	_ =	shalt  }
0x63: {  	_ =	shalt  }
0x64: {  	_ =	shalt  }
0x65: {  	_ =	shalt  }
0x66: {  	_ =	shalt  }
0x67: {  	_ =	shalt  }
0x68: {  	_ =	shalt  }
0x69: {  	_ =	shalt  }
0x6a: {  	_ =	shalt  }
0x6b: {  	_ =	shalt  }
0x6c: {  	_ =	shalt  }
0x6d: {  	_ =	shalt  }
0x6e: {  	_ =	shalt  }
0x6f: {  	_ =	shalt  }
0x70: {  	_ =	shalt  }
0x71: {  	_ =	shalt  }
0x72: {  	_ =	shalt  }
0x73: {  	_ =	shalt  }
0x74: {  	_ =	shalt  }
0x75: {  	_ =	shalt  }
0x76: {  	_ =	shalt  }
0x77: {  	_ =	shalt  }
0x78: {  	_ =	shalt  }
0x79: {  	_ =	shalt  }
0x7a: {  	_ =	shalt  }
0x7b: {  	_ =	shalt  }
0x7c: {  	_ =	shalt  }
0x7d: {  	_ =	shalt  }
0x7e: {  	_ =	shalt  }
0x7f: {  	_ =	shalt  }
0x80: {  	_ =	shalt  }
0x81: {  	_ =	shalt  }
0x82: {  	_ =	shalt  }
0x83: {  	_ =	shalt  }
0x84: {  	_ =	shalt  }
0x85: {  	_ =	shalt  }
0x86: {  	_ =	shalt  }
0x87: {  	_ =	shalt  }
.Lfunc_end0:
.L_simem_size_0:
called_computation_lowered:
.L_overlay_start_0:
0x88: {  	s2 =	sld [smem:$0x3FD9]  }
0x89: {  	s3 =	sld [smem:$0x3FFE];
	_ =	sdelay $0x1  }
0x8a: {  	s1 =	srdreg.scid  }
0x8b: {  	s0 =	sand.u32 $0x1, s1  }
0x8c: {  	s16 =	sshll.u32 s0, $0xA;
	s2 =	sadd.s32 s3, s2  }
0x8d: {  	s2 =	sadd.s32 s2, s16  }
0x8e: {  	[smem:$0x3FC4] =	sst s2  }
0x8f: {  	_ = 	snop  }
0x90: {  	(tm) =	ssettm $0x1  }
0x91: {  	s17 =	sld [smem:$0x3FFB];
	_ =	sdelay $0x3  }
0x92: {  	_ =	strace s17  }
0x93: {  	s2 =	sld [smem:$0x3FFC];
	_ =	sdelay $0x3  }
0x94: {  	_ =	strace s2  }
0x95: {  	s2 =	sld [smem:$0x3FFD];
	_ =	sdelay $0x3  }
0x96: {  	_ =	strace s2  }
0x97: {  	_ =	strace $0x8FFFFFFF  }
0x98: {  	s18 =	sld [smem:$0x3FDB];
	_ =	sdelay $0x1  }
0x99: {  	s19 =	simm.s32 $_scs_section_size  }
0x9a: {  	s4 =	simm.s32 $_size__tile_overlayer_lowered;
	s5 =	simm.s32 $_tile_overlayer_lowered  }
0x9b: {  	s22 =	simm.s32 $0x1BFF;
	s21 =	sshll.u32 s5, $0x1;
	s2 =	sadd.s32 s19, s18  }
0x9c: {  	s6 =	simm.s32 $0x0;
	s20 =	sshll.u32 s4, $0x1;
	s4 =	sadd.s32 s21, s2  }
0x9d: {  	[timem:s6], [sflag:s22] =	dma.local [hbm:s4], s20  }
0x9e: {  	_ =	swait.ge [sflag:s22], s20  }
0x9f: {  	s3 =	ssub.s32 $0x0, s20;
	[sflag:s22] =	ssyncset.done $0x0  }
0xa0: {  	[sflag:s22] =	ssyncadd.s32 s3;
	_ =	sdelay $0x1  }
0xa1: {  	s23 =	simm.s32 $0x1B8B  }
0xa2: {  	_ =	swait.ge [sflag:s23], $0x1  }
0xa3: {  	[sflag:s23] =	ssyncset.done $0x0  }
0xa4: {  	s25 =	simm.s32 $0x1B8E;
	s24 =	sld [smem:$0x3FFE];
	[sflag:s23] =	ssyncadd.s32 $0xFFFFFFFF  }
0xa5: {  	s26 =	simm.s32 $execute0_lowered;
	[smem:$0x3FD2] =	sst s25  }
0xa6: {  	s4 =	sshll.u32 s26, $0x1;
	_ =	strace $0x80000046;
	[dreg:$0x1] =	wrdreg $0xFFFFFFFF  }
0xa7: {  	s28 =	simm.s32 $_size_execute0_lowered;
	s2 =	sadd.s32 s2, s4;
	[dreg:$0x0] =	wrdreg $0x0  }
0xa8: {  	s4 =	sshll.u32 s28, $0x1;
	[dreg:$0x2] =	wrdreg s2  }
0xa9: {  	[dreg:$0x3] =	wrdreg s4  }
0xaa: {  	[dreg:$0x4] =	wrdreg $0xC0  }
0xab: {  	_ =	task [dreg:s6], $0x5FFFF  }
0xac: {  	[dreg:$0x1] =	wrdreg $0xFFFFFFFF  }
0xad: {  	[dreg:$0x0] =	wrdreg $0x60  }
0xae: {  	[dreg:$0x2] =	wrdreg s24  }
0xaf: {  	[dreg:$0x3] =	wrdreg $0x9  }
0xb0: {  	_ =	task.clear_ibuf [dreg:s6], $0x4FFFF;
	_ =	strace $0x90000046  }
0xb1: {  	s29 =	simm.s32 $0x9;
	_ =	strace $0x80000048  }
0xb2: {  	_ =	swait.ge [sflag:s29], $0x1  }
0xb3: {  	[sflag:s29] =	ssyncadd.s32 $0xFFFFFFFF  }
0xb4: {  	_ =	strace $0x90000048  }
0xb5: {  	_ =	sfence  }
0xb6: {  	s30 =	sld [smem:$0x0];
	_ =	sdelay $0x2  }
0xb7: {  	s31 =	sshll.u32 s1, $0xD;
	s1 =	sshrl.u32 s1, $0x2  }
0xb8: {  	s3 =	sand.u32 $0x4000, s31;
	s1 =	sadd.s32 s1, s30  }
0xb9: {  	s0 =	sor.u32 s3, s0;
	s1 =	sshll.u32 s1, $0x11  }
0xba: {  	s0 =	sor.u32 s1, s0  }
0xbb: {  	s0 =	sadd.s32 $0x8F2B, s0  }
0xbc: {  	[sflag:s0] =	ssyncadd.remote.s32 $0x1  }
0xbd: {  	_ =	sfence.sel $0xFFFF  }
0xbe: {  	[dreg:$0x0] =	wrdreg $0xFFFFFFFF;
	(pc) =	sbr.abs _section_cstart, $3  }
0xbf: {  	[dreg:$0x1] =	wrdreg $0xFFFFFFFF  }
0xc0: {  	_ =	task.clear_ibuf [dreg:s6], $0x2FFFF;
	_ =	strace $0x9FFFFFFF  }
0xc1: {  	(tm) =	ssettm $0x7FFFFFFF  }
tec
execute0_lowered:
.L_overlay_start_1:
0x0: {  	(tag) =	ssettag $0x1  }
0x1: {  	s4 =	rddreg [dreg:$0x0]  }
0x2: {  	s0 =	rddreg [dreg:$0x1];
	s3 =	srdreg.scid  }
0x3: {  	s1 =	stileid.u32;
	s2 =	simm.s32 $0x0;
	s10 =	simm.s32 $0x50  }
0x4: {  	s11 =	simm.s32 $0x140;
	s12 =	simm.s32 $0x1;
	s13 =	simm.s32 $0x640  }
0x5: {  	s14 =	simm.s32 $0xA0;
	s15 =	simm.s32 $0xB40;
	s16 =	simm.s32 $0xF0  }
0x6: {  	s17 =	simm.s32 $0x1040;
	s3 =	sand.u32 $0x1, s3;
	s5 =	sshll.u32 s1, $0x1  }
0x7: {  	s18 =	simm.s32 $0x1740;
	[smem:$0x7FF] =	sst s2;
	s5 =	sor.u32 s3, s5  }
0x8: {  	_ =	strace $0x80000047;
	s7 =	ssub.s32 $0x2, s3;
	s3 =	sadd.s32 $0x188600, s4  }
0x9: {  	s6 =	smul.u32 $0x28, s5;
	s5 =	sshll.u32 s5, $0x6;
	s8 =	sshrl.u32 s7, $0x1  }
0xa: {  	s9 =	sadd.s32 s5, s4;
	s7 =	ssub.s32 s7, s8;
	s8 =	simm.s32 $0x2  }
0xb: {  	s6 =	sadd.s32 s6, s4;
	s5 =	sadd.s32 $0xE00, s9;
	s7 =	smax.u32 s7, $0x1  }
0xc: {  	s4 =	sadd.s32 $0x1600, s6;
	s6 =	sadd.s32 $0x1C00, s9;
	s9 =	simm.s32 $0x1540  }
.LBB2_1:
0xd: {  	[tilespmem:s2], [sflag:$0x2] =	stream.linear.gather [hbm4b:s4+s2], $0x140, $0x38;
	[tilespmem:$0x1940] =	vst v63  }
0xe: {  	_ =	swait.ge [sflag:s8], $0x140  }
0xf: {  	[sflag:s8] =	ssyncset.done $0x0  }
0x10: {  	[sflag:s8] =	ssyncadd.s32 $0xFFFFFEC0  }
0x11: {  	[tilespmem:s9], [sflag:$0x2] =	stream.linear.gather [hbm4b:s5+s2], $0x200, $0x38;
	[tilespmem:$0x1940] =	vst v63  }
0x12: {  	_ =	swait.ge [sflag:s8], $0x200  }
0x13: {  	[sflag:s8] =	ssyncset.done $0x0  }
0x14: {  	[sflag:s8] =	ssyncadd.s32 $0xFFFFFE00  }
0x15: {  	[tilespmem:s11], [sflag:$0x1] =	stream.indirect.gather [hbm4b:s3+s10], $0x10, s2, s10, $0xb8;
	[tilespmem:$0x1940] =	vst v63  }
0x16: {  	_ =	swait.ge [sflag:s12], $0x500  }
0x17: {  	[sflag:s12] =	ssyncset.done $0x0  }
0x18: {  	[sflag:s12] =	ssyncadd.s32 $0xFFFFFB00  }
0x19: {  	[tilespmem:s13], [sflag:$0x1] =	stream.indirect.gather [hbm4b:s3+s10], $0x10, s10, s10, $0xb8;
	[tilespmem:$0x1940] =	vst v63  }
0x1a: {  	_ =	swait.ge [sflag:s12], $0x500  }
0x1b: {  	[sflag:s12] =	ssyncset.done $0x0  }
0x1c: {  	[sflag:s12] =	ssyncadd.s32 $0xFFFFFB00  }
0x1d: {  	[tilespmem:s15], [sflag:$0x1] =	stream.indirect.gather [hbm4b:s3+s10], $0x10, s14, s10, $0xb8;
	[tilespmem:$0x1940] =	vst v63  }
0x1e: {  	_ =	swait.ge [sflag:s12], $0x500  }
0x1f: {  	[sflag:s12] =	ssyncset.done $0x0  }
0x20: {  	[sflag:s12] =	ssyncadd.s32 $0xFFFFFB00  }
0x21: {  	[tilespmem:s17], [sflag:$0x1] =	stream.indirect.gather [hbm4b:s3+s10], $0x10, s16, s10, $0xb8;
	[tilespmem:$0x1940] =	vst v63  }
0x22: {  	_ =	swait.ge [sflag:s12], $0x500  }
0x23: {  	[sflag:s12] =	ssyncset.done $0x0  }
0x24: {  	[sflag:s12] =	ssyncadd.s32 $0xFFFFFB00  }
0x25: {  	v0 =	vld [tilespmem:$0x140]  }
0x26: {  	v1 =	vld [tilespmem:$0x150]  }
0x27: {  	v2 =	vld [tilespmem:$0x160]  }
0x28: {  	v3 =	vld [tilespmem:$0x170]  }
0x29: {  	v4 =	vld [tilespmem:$0x180]  }
0x2a: {  	v6 =	vld [tilespmem:$0x190];
	v5 =	vmul.f32 $1.442695020e+00, v0  }
0x2b: {  	v8 =	vld [tilespmem:$0x1A0];
	v7 =	vmul.f32 $1.442695020e+00, v1  }
0x2c: {  	v9 =	vld [tilespmem:$0x1B0];
	v27 =	vmul.f32 $1.442695020e+00, v2;
	(erf) = vpow2.f32 v5  }
0x2d: {  	v10 =	vld [tilespmem:$0x1C0];
	v28 =	vmul.f32 $1.442695020e+00, v3;
	(erf) = vpow2.f32 v7  }
0x2e: {  	v29 =	vmul.f32 $1.442695020e+00, v4;
	(erf) = vpow2.f32 v27  }
0x2f: {  	v30 =	vmul.f32 $1.442695020e+00, v6;
	(erf) = vpow2.f32 v28  }
0x30: {  	v31 =	vmul.f32 $1.442695020e+00, v8;
	(erf) = vpow2.f32 v29  }
0x31: {  	v32 =	vmul.f32 $1.442695020e+00, v9;
	(erf) = vpow2.f32 v30  }
0x32: {  	v33 =	vmul.f32 $1.442695020e+00, v10;
	(erf) = vpow2.f32 v31  }
0x33: {  	(erf) = vpow2.f32 v32  }
0x34: {  	(erf) = vpow2.f32 v33  }
0x35: {  	v34 =	vpop (erf)  }
0x36: {  	v35 =	vpop (erf)  }
0x37: {  	v12 =	vpop (erf)  }
0x38: {  	v11 =	vld [tilespmem:$0x1540];
	v13 =	vpop (erf)  }
0x39: {  	v14 =	vpop (erf)  }
0x3a: {  	v15 =	vpop (erf)  }
0x3b: {  	v16 =	vpop (erf)  }
0x3c: {  	v36 =	vpop (erf)  }
0x3d: {  	v0 =	vsub.f32 v0, v11;
	v17 =	vpop (erf)  }
0x3e: {  	v1 =	vsub.f32 v1, v11;
	v18 =	vld [tilespmem:$0x1D0]  }
0x3f: {  	v2 =	vsub.f32 v2, v11;
	v3 =	vsub.f32 v3, v11;
	v0 =	vmul.f32 v34, v0;
	v37 =	vld [tilespmem:$0x1E0]  }
0x40: {  	v40 =	vsub.f32 v4, v11;
	v6 =	vsub.f32 v6, v11;
	v1 =	vmul.f32 v35, v1;
	v19 =	vld [tilespmem:$0x1F0]  }
0x41: {  	v48 =	vsub.f32 v8, v11;
	v0 =	vsub.f32 v0, v34;
	v41 =	vld [tilespmem:$0x200]  }
0x42: {  	v55 =	vsub.f32 v9, v11;
	v2 =	vmul.f32 v12, v2;
	v1 =	vsub.f32 v1, v35;
	v50 =	vld [tilespmem:$0x210]  }
0x43: {  	v39 =	vmul.f32 v13, v3;
	v0 =	vadd.f32 $0.0e+00, v0;
	v47 =	vmul.f32 v15, v6;
	v6 =	vld [tilespmem:$0x1550]  }
0x44: {  	v10 =	vsub.f32 v10, v11;
	v38 =	vsub.f32 v2, v12;
	v3 =	vmul.f32 v14, v40;
	v54 =	vld [tilespmem:$0x220]  }
0x45: {  	v42 =	vsub.f32 v39, v13;
	v0 =	vadd.f32 v1, v0;
	v52 =	vmul.f32 v16, v48;
	v57 =	vld [tilespmem:$0x230]  }
0x46: {  	v46 =	vsub.f32 v3, v14;
	v51 =	vsub.f32 v47, v15;
	v3 =	vmul.f32 v36, v55;
	v59 =	vld [tilespmem:$0x240]  }
0x47: {  	v0 =	vadd.f32 v38, v0;
	v53 =	vsub.f32 v52, v16;
	v62 =	vld [tilespmem:$0x250];
	v10 =	vmul.f32 v17, v10  }
0x48: {  	v26 =	vld [tilespmem:$0x260];
	v3 =	vsub.f32 v3, v36;
	v43 =	vmul.f32 $1.442695020e+00, v18;
	v44 =	vmul.f32 $1.442695020e+00, v37  }
0x49: {  	v20 =	vld [tilespmem:$0x270];
	v0 =	vadd.f32 v42, v0;
	v45 =	vmul.f32 $1.442695020e+00, v19;
	v49 =	vmul.f32 $1.442695020e+00, v41  }
0x4a: {  	v21 =	vld [tilespmem:$0x280];
	v10 =	vsub.f32 v10, v17;
	v56 =	vmul.f32 $1.442695020e+00, v50;
	v25 =	vmul.f32 $1.442695020e+00, v54  }
0x4b: {  	v22 =	vld [tilespmem:$0x290];
	v0 =	vadd.f32 v46, v0;
	v28 =	vmul.f32 $1.442695020e+00, v57;
	(erf) = vpow2.f32 v43  }
0x4c: {  	v39 =	vld [tilespmem:$0x2B0];
	v7 =	vsub.f32 v37, v6;
	v30 =	vmul.f32 $1.442695020e+00, v59;
	v31 =	vmul.f32 $1.442695020e+00, v62  }
0x4d: {  	v55 =	vld [tilespmem:$0x2E0];
	v61 =	vsub.f32 v19, v6;
	v32 =	vmul.f32 $1.442695020e+00, v26;
	(erf) = vpow2.f32 v44  }
0x4e: {  	v42 =	vld [tilespmem:$0x2C0];
	v4 =	vsub.f32 v41, v6;
	v33 =	vmul.f32 $1.442695020e+00, v20;
	(erf) = vpow2.f32 v45  }
0x4f: {  	v36 =	vld [tilespmem:$0x2A0];
	v35 =	vmul.f32 $1.442695020e+00, v21;
	v0 =	vadd.f32 v51, v0;
	(erf) = vpow2.f32 v49  }
0x50: {  	v8 =	vsub.f32 v50, v6;
	v38 =	vmul.f32 $1.442695020e+00, v22;
	v49 =	vld [tilespmem:$0x2D0];
	(erf) = vpow2.f32 v56  }
0x51: {  	v2 =	vsub.f32 v54, v6;
	v0 =	vadd.f32 v53, v0;
	(erf) = vpow2.f32 v25  }
0x52: {  	v1 =	vsub.f32 v57, v6;
	v11 =	vsub.f32 v18, v11;
	v48 =	vmul.f32 $1.442695020e+00, v39  }
0x53: {  	v23 =	vmul.f32 $1.442695020e+00, v55;
	v51 =	vmul.f32 $1.442695020e+00, v42;
	v0 =	vadd.f32 v3, v0  }
0x54: {  	v9 =	vsub.f32 v59, v6;
	v44 =	vmul.f32 $1.442695020e+00, v36;
	v58 =	vpop (erf);
	(erf) = vpow2.f32 v28  }
0x55: {  	v19 =	vld [tilespmem:$0x310];
	v53 =	vsub.f32 v62, v6;
	v0 =	vadd.f32 v10, v0;
	v59 =	vmul.f32 $1.442695020e+00, v49  }
0x56: {  	v25 =	vsub.f32 v26, v6;
	v60 =	vpop (erf);
	(erf) = vpow2.f32 v30;
	v11 =	vmul.f32 v58, v11  }
0x57: {  	v26 =	vld [tilespmem:$0x320];
	v6 =	vsub.f32 v20, v6;
	v63 =	vmul.f32 v60, v7;
	v24 =	vpop (erf);
	(erf) = vpow2.f32 v31  }
0x58: {  	v14 =	vmul.f32 v24, v61;
	v27 =	vpop (erf);
	(erf) = vpow2.f32 v32;
	v11 =	vsub.f32 v11, v58;
	v32 =	vld [tilespmem:$0x340]  }
0x59: {  	v5 =	vsub.f32 v63, v60;
	v29 =	vmul.f32 v27, v4;
	v34 =	vpop (erf);
	(erf) = vpow2.f32 v33;
	v63 =	vld [tilespmem:$0x2F0]  }
0x5a: {  	v33 =	vmul.f32 $1.442695020e+00, v19;
	v7 =	vsub.f32 v14, v24;
	v37 =	vmul.f32 v34, v8;
	v41 =	vpop (erf);
	v24 =	vld [tilespmem:$0x300]  }
0x5b: {  	(erf) = vpow2.f32 v35;
	v5 =	vadd.f32 $0.0e+00, v5;
	v43 =	vmul.f32 v41, v2;
	v2 =	vld [tilespmem:$0x1560]  }
0x5c: {  	v3 =	vsub.f32 v29, v27;
	(erf) = vpow2.f32 v38;
	v40 =	vsub.f32 v37, v34  }
0x5d: {  	v28 =	vld [tilespmem:$0x330];
	v34 =	vmul.f32 $1.442695020e+00, v26;
	v5 =	vadd.f32 v7, v5;
	v37 =	vmul.f32 $1.442695020e+00, v32;
	v45 =	vpop (erf)  }
0x5e: {  	v38 =	vld [tilespmem:$0x350];
	v7 =	vsub.f32 v43, v41;
	v30 =	vmul.f32 $1.442695020e+00, v63;
	v1 =	vmul.f32 v45, v1  }
0x5f: {  	v3 =	vadd.f32 v3, v5;
	v46 =	vpop (erf);
	(erf) = vpow2.f32 v44;
	v31 =	vmul.f32 $1.442695020e+00, v24  }
0x60: {  	v9 =	vmul.f32 v46, v9;
	v21 =	vsub.f32 v21, v2;
	v57 =	vsub.f32 v22, v2  }
0x61: {  	(erf) = vpow2.f32 v48;
	v62 =	vsub.f32 v36, v2;
	v8 =	vsub.f32 v39, v2  }
0x62: {  	v4 =	vsub.f32 v42, v2;
	v16 =	vsub.f32 v49, v2;
	v36 =	vmul.f32 $1.442695020e+00, v28  }
0x63: {  	v20 =	vld [tilespmem:$0x3A0];
	v47 =	vpop (erf);
	v42 =	vsub.f32 v63, v2;
	v43 =	vmul.f32 $1.442695020e+00, v38;
	v3 =	vadd.f32 v40, v3  }
0x64: {  	v48 =	vsub.f32 v24, v2;
	v1 =	vsub.f32 v1, v45;
	v50 =	vpop (erf);
	(erf) = vpow2.f32 v51;
	v40 =	vld [tilespmem:$0x360]  }
0x65: {  	v45 =	vld [tilespmem:$0x370];
	v52 =	vpop (erf);
	v9 =	vsub.f32 v9, v46;
	(erf) = vpow2.f32 v59;
	v3 =	vadd.f32 v7, v3  }
0x66: {  	v54 =	vpop (erf);
	(erf) = vpow2.f32 v23;
	v7 =	vsub.f32 v55, v2;
	v6 =	vmul.f32 v52, v6;
	v23 =	vld [tilespmem:$0x3C0]  }
0x67: {  	v2 =	vsub.f32 v19, v2;
	v56 =	vmul.f32 v54, v21;
	v58 =	vpop (erf);
	v1 =	vadd.f32 v1, v3  }
0x68: {  	v3 =	vmul.f32 v47, v53;
	v61 =	vmul.f32 v58, v57;
	v6 =	vsub.f32 v6, v52  }
0x69: {  	v60 =	vsub.f32 v56, v54;
	v53 =	vmul.f32 $1.442695020e+00, v40;
	v1 =	vadd.f32 v9, v1  }
0x6a: {  	v56 =	vmul.f32 $1.442695020e+00, v45;
	v3 =	vsub.f32 v3, v47;
	v10 =	vsub.f32 v61, v58  }
0x6b: {  	v47 =	vld [tilespmem:$0x380];
	v9 =	vadd.f32 $0.0e+00, v60;
	v22 =	vpop (erf);
	v60 =	vmul.f32 $1.442695020e+00, v20;
	v63 =	vmul.f32 $1.442695020e+00, v23  }
0x6c: {  	v24 =	vld [tilespmem:$0x3D0];
	v1 =	vadd.f32 v3, v1;
	v13 =	vmul.f32 v22, v62;
	v3 =	vmul.f32 v50, v25;
	v27 =	vpop (erf)  }
0x6d: {  	(erf) = vpow2.f32 v30;
	v9 =	vadd.f32 v10, v9;
	v8 =	vmul.f32 v27, v8;
	v29 =	vpop (erf)  }
0x6e: {  	(erf) = vpow2.f32 v31;
	v12 =	vsub.f32 v13, v22;
	v4 =	vmul.f32 v29, v4;
	v35 =	vpop (erf)  }
0x6f: {  	v25 =	vld [tilespmem:$0x3E0];
	(erf) = vpow2.f32 v33;
	v5 =	vsub.f32 v3, v50;
	v16 =	vmul.f32 v35, v16  }
0x70: {  	v3 =	vld [tilespmem:$0x1570];
	v8 =	vsub.f32 v8, v27;
	(erf) = vpow2.f32 v34;
	v58 =	vmul.f32 $1.442695020e+00, v47  }
0x71: {  	v50 =	vld [tilespmem:$0x390];
	v39 =	vpop (erf);
	v27 =	vmul.f32 $1.442695020e+00, v24;
	v9 =	vadd.f32 v12, v9;
	v4 =	vsub.f32 v4, v29  }
0x72: {  	v22 =	vld [tilespmem:$0x3B0];
	v7 =	vmul.f32 v39, v7;
	v5 =	vadd.f32 v5, v1;
	v1 =	vadd.f32 v11, v0  }
0x73: {  	(erf) = vpow2.f32 v36;
	v29 =	vld [tilespmem:$0x3F0];
	v8 =	vadd.f32 v8, v9;
	v9 =	vsub.f32 v16, v35  }
0x74: {  	(erf) = vpow2.f32 v37;
	v7 =	vsub.f32 v7, v39;
	v0 =	vadd.f32 v6, v5  }
0x75: {  	v34 =	vmul.f32 $1.442695020e+00, v25;
	v10 =	vsub.f32 v26, v3;
	v15 =	vsub.f32 v28, v3  }
0x76: {  	v54 =	vsub.f32 v32, v3;
	v59 =	vmul.f32 $1.442695020e+00, v50;
	v32 =	vld [tilespmem:$0x400];
	v4 =	vadd.f32 v4, v8  }
0x77: {  	v13 =	vsub.f32 v38, v3;
	v61 =	vmul.f32 $1.442695020e+00, v22;
	v28 =	vsub.f32 v40, v3  }
0x78: {  	v6 =	vsub.f32 v45, v3;
	v41 =	vpop (erf);
	v38 =	vmul.f32 $1.442695020e+00, v29;
	v4 =	vadd.f32 v9, v4  }
0x79: {  	v12 =	vsub.f32 v47, v3;
	v44 =	vpop (erf);
	v46 =	vmul.f32 v41, v42;
	(erf) = vpow2.f32 v43  }
0x7a: {  	v43 =	vsub.f32 v50, v3;
	v11 =	vpop (erf);
	v14 =	vmul.f32 v44, v48;
	v4 =	vadd.f32 v7, v4  }
0x7b: {  	v39 =	vld [tilespmem:$0x410];
	v49 =	vpop (erf);
	v7 =	vsub.f32 v46, v41;
	v2 =	vmul.f32 v11, v2;
	v41 =	vmul.f32 $1.442695020e+00, v32  }
0x7c: {  	v45 =	vld [tilespmem:$0x420];
	v51 =	vmul.f32 v49, v10;
	v52 =	vpop (erf);
	(erf) = vpow2.f32 v53;
	v5 =	vsub.f32 v14, v44  }
0x7d: {  	v15 =	vmul.f32 v52, v15;
	v55 =	vpop (erf);
	v4 =	vadd.f32 v7, v4;
	(erf) = vpow2.f32 v56  }
0x7e: {  	v2 =	vsub.f32 v2, v11;
	v9 =	vsub.f32 v51, v49;
	v57 =	vmul.f32 v55, v54  }
0x7f: {  	(erf) = vpow2.f32 v58;
	v10 =	vsub.f32 v15, v52;
	v15 =	vadd.f32 v5, v4;
	v4 =	vld [tilespmem:$0x1580]  }
0x80: {  	v56 =	vld [tilespmem:$0x440];
	v49 =	vmul.f32 $1.442695020e+00, v39;
	(erf) = vpow2.f32 v59;
	v9 =	vadd.f32 $0.0e+00, v9  }
0x81: {  	v53 =	vld [tilespmem:$0x430];
	(erf) = vpow2.f32 v60;
	v7 =	vsub.f32 v57, v55;
	v55 =	vmul.f32 $1.442695020e+00, v45  }
0x82: {  	v57 =	vsub.f32 v20, v3;
	v20 =	vld [tilespmem:$0x450];
	(erf) = vpow2.f32 v61;
	v9 =	vadd.f32 v10, v9  }
0x83: {  	v60 =	vld [tilespmem:$0x470];
	v3 =	vsub.f32 v22, v3;
	v2 =	vadd.f32 v2, v15;
	v62 =	vpop (erf);
	(erf) = vpow2.f32 v63  }
0x84: {  	v26 =	vmul.f32 v62, v13;
	v7 =	vadd.f32 v7, v9;
	v23 =	vsub.f32 v23, v4  }
0x85: {  	v58 =	vld [tilespmem:$0x460];
	v63 =	vmul.f32 $1.442695020e+00, v56;
	v47 =	vsub.f32 v24, v4;
	v52 =	vsub.f32 v25, v4  }
0x86: {  	v5 =	vsub.f32 v29, v4;
	v30 =	vsub.f32 v26, v62;
	v31 =	vpop (erf);
	(erf) = vpow2.f32 v27  }
0x87: {  	v10 =	vsub.f32 v32, v4;
	v62 =	vmul.f32 $1.442695020e+00, v53;
	v33 =	vmul.f32 v31, v28  }
0x88: {  	v29 =	vmul.f32 $1.442695020e+00, v20;
	v32 =	vmul.f32 $1.442695020e+00, v60;
	v35 =	vpop (erf);
	v7 =	vadd.f32 v30, v7  }
0x89: {  	v6 =	vmul.f32 v35, v6;
	v36 =	vpop (erf);
	(erf) = vpow2.f32 v34;
	v9 =	vsub.f32 v33, v31  }
0x8a: {  	v18 =	vsub.f32 v39, v4;
	v28 =	vld [tilespmem:$0x480];
	v30 =	vmul.f32 $1.442695020e+00, v58;
	v37 =	vpop (erf);
	v12 =	vmul.f32 v36, v12  }
0x8b: {  	v34 =	vld [tilespmem:$0x490];
	v6 =	vsub.f32 v6, v35;
	v40 =	vpop (erf);
	(erf) = vpow2.f32 v38;
	v7 =	vadd.f32 v9, v7  }
0x8c: {  	v42 =	vpop (erf);
	(erf) = vpow2.f32 v41;
	v12 =	vsub.f32 v12, v36;
	v9 =	vsub.f32 v45, v4  }
0x8d: {  	v45 =	vld [tilespmem:$0x4B0];
	v44 =	vpop (erf);
	(erf) = vpow2.f32 v49;
	v3 =	vmul.f32 v42, v3;
	v6 =	vadd.f32 v6, v7  }
0x8e: {  	v41 =	vsub.f32 v53, v4;
	v46 =	vmul.f32 v44, v23;
	v7 =	vmul.f32 v37, v43  }
0x8f: {  	v33 =	vmul.f32 $1.442695020e+00, v28;
	v3 =	vsub.f32 v3, v42;
	v6 =	vadd.f32 v12, v6  }
0x90: {  	v39 =	vld [tilespmem:$0x4A0];
	v42 =	vmul.f32 $1.442695020e+00, v34;
	v48 =	vpop (erf);
	v50 =	vsub.f32 v46, v44;
	v7 =	vsub.f32 v7, v37  }
0x91: {  	v25 =	vld [tilespmem:$0x500];
	(erf) = vpow2.f32 v55;
	v51 =	vmul.f32 v48, v47;
	v47 =	vsub.f32 v56, v4  }
0x92: {  	v55 =	vmul.f32 $1.442695020e+00, v45;
	v12 =	vadd.f32 $0.0e+00, v50;
	v54 =	vpop (erf);
	(erf) = vpow2.f32 v62  }
0x93: {  	v26 =	vld [tilespmem:$0x510];
	v11 =	vsub.f32 v51, v48;
	v14 =	vmul.f32 v54, v52;
	(erf) = vpow2.f32 v63  }
0x94: {  	v6 =	vadd.f32 v7, v6;
	v7 =	vmul.f32 v40, v57;
	v59 =	vpop (erf);
	(erf) = vpow2.f32 v29  }
0x95: {  	v46 =	vld [tilespmem:$0x4C0];
	v11 =	vadd.f32 v11, v12;
	v13 =	vsub.f32 v14, v54;
	v5 =	vmul.f32 v59, v5  }
0x96: {  	v4 =	vsub.f32 v20, v4;
	v62 =	vmul.f32 $1.442695020e+00, v25;
	v52 =	vmul.f32 $1.442695020e+00, v39;
	v61 =	vpop (erf)  }
0x97: {  	v22 =	vld [tilespmem:$0x4E0];
	v10 =	vmul.f32 v61, v10;
	v31 =	vpop (erf);
	v11 =	vadd.f32 v13, v11;
	v5 =	vsub.f32 v5, v59  }
0x98: {  	v7 =	vsub.f32 v7, v40;
	v29 =	vmul.f32 $1.442695020e+00, v26;
	v18 =	vmul.f32 v31, v18  }
0x99: {  	(erf) = vpow2.f32 v30;
	v10 =	vsub.f32 v10, v61;
	v5 =	vadd.f32 v5, v11  }
0x9a: {  	v63 =	vld [tilespmem:$0x520];
	v57 =	vmul.f32 $1.442695020e+00, v46;
	(erf) = vpow2.f32 v32;
	v36 =	vpop (erf);
	v11 =	vsub.f32 v18, v31  }
0x9b: {  	(erf) = vpow2.f32 v33;
	v31 =	vld [tilespmem:$0x530];
	v9 =	vmul.f32 v36, v9;
	v35 =	vadd.f32 v10, v5  }
0x9c: {  	v6 =	vadd.f32 v7, v6;
	v59 =	vmul.f32 $1.442695020e+00, v22;
	(erf) = vpow2.f32 v42;
	v5 =	vld [tilespmem:$0x1590];
	v40 =	vpop (erf)  }
0x9d: {  	v49 =	vld [tilespmem:$0x4D0];
	(erf) = vpow2.f32 v52;
	v38 =	vsub.f32 v9, v36;
	v44 =	vpop (erf);
	v37 =	vadd.f32 v11, v35  }
0x9e: {  	v24 =	vld [tilespmem:$0x4F0];
	v3 =	vadd.f32 v3, v6;
	v11 =	vmul.f32 v40, v41;
	v15 =	vpop (erf);
	v16 =	vmul.f32 v44, v47  }
0x9f: {  	(erf) = vpow2.f32 v55;
	v4 =	vmul.f32 v15, v4;
	v43 =	vadd.f32 v38, v37  }
0xa0: {  	v35 =	vld [tilespmem:$0x540];
	v41 =	vmul.f32 $1.442695020e+00, v31;
	v10 =	vsub.f32 v11, v40;
	v7 =	vsub.f32 v16, v44  }
0xa1: {  	v47 =	vld [tilespmem:$0x560];
	v37 =	vmul.f32 $1.442695020e+00, v63;
	v12 =	vsub.f32 v58, v5;
	v17 =	vsub.f32 v60, v5  }
0xa2: {  	v53 =	vsub.f32 v28, v5;
	v58 =	vmul.f32 $1.442695020e+00, v49;
	v14 =	vsub.f32 v34, v5  }
0xa3: {  	v48 =	vpop (erf);
	v60 =	vmul.f32 $1.442695020e+00, v24;
	v30 =	vsub.f32 v39, v5;
	v8 =	vsub.f32 v45, v5  }
0xa4: {  	v42 =	vld [tilespmem:$0x550];
	v51 =	vpop (erf);
	v13 =	vsub.f32 v46, v5;
	v45 =	vsub.f32 v49, v5;
	v50 =	vmul.f32 v48, v12  }
0xa5: {  	v4 =	vsub.f32 v4, v15;
	v17 =	vmul.f32 v51, v17;
	v54 =	vpop (erf);
	(erf) = vpow2.f32 v57  }
0xa6: {  	v6 =	vadd.f32 v10, v43;
	v44 =	vmul.f32 $1.442695020e+00, v35;
	v57 =	vmul.f32 $1.442695020e+00, v47  }
0xa7: {  	v56 =	vmul.f32 v54, v53;
	(erf) = vpow2.f32 v58;
	v61 =	vpop (erf);
	v11 =	vsub.f32 v50, v48  }
0xa8: {  	v55 =	vld [tilespmem:$0x570];
	v12 =	vsub.f32 v17, v51;
	(erf) = vpow2.f32 v59;
	v28 =	vmul.f32 v61, v14  }
0xa9: {  	v17 =	vadd.f32 v7, v6;
	v34 =	vpop (erf);
	v6 =	vld [tilespmem:$0x15A0];
	v51 =	vmul.f32 $1.442695020e+00, v42;
	v59 =	vsub.f32 v22, v5  }
0xaa: {  	v58 =	vld [tilespmem:$0x580];
	v5 =	vsub.f32 v24, v5;
	(erf) = vpow2.f32 v60;
	v10 =	vsub.f32 v56, v54;
	v38 =	vpop (erf)  }
0xab: {  	v22 =	vld [tilespmem:$0x590];
	v11 =	vadd.f32 $0.0e+00, v11;
	(erf) = vpow2.f32 v62;
	v8 =	vmul.f32 v38, v8  }
0xac: {  	v36 =	vmul.f32 v34, v30;
	v30 =	vld [tilespmem:$0x5C0];
	v33 =	vsub.f32 v28, v61;
	v4 =	vadd.f32 v4, v17  }
0xad: {  	v62 =	vld [tilespmem:$0x5B0];
	(erf) = vpow2.f32 v29;
	v11 =	vadd.f32 v12, v11;
	v8 =	vsub.f32 v8, v38  }
0xae: {  	v28 =	vmul.f32 $1.442695020e+00, v55;
	v25 =	vsub.f32 v25, v6;
	v49 =	vsub.f32 v26, v6  }
0xaf: {  	v60 =	vld [tilespmem:$0x5A0];
	v29 =	vmul.f32 $1.442695020e+00, v58;
	v54 =	vsub.f32 v63, v6;
	v7 =	vsub.f32 v31, v6  }
0xb0: {  	v12 =	vsub.f32 v35, v6;
	v32 =	vadd.f32 v10, v11;
	v39 =	vpop (erf);
	(erf) = vpow2.f32 v37  }
0xb1: {  	v31 =	vmul.f32 $1.442695020e+00, v22;
	v11 =	vsub.f32 v36, v34;
	v35 =	vmul.f32 $1.442695020e+00, v30;
	v40 =	vpop (erf)  }
0xb2: {  	v34 =	vmul.f32 $1.442695020e+00, v62;
	v9 =	vadd.f32 v33, v32;
	(erf) = vpow2.f32 v41;
	v43 =	vpop (erf)  }
0xb3: {  	v20 =	vsub.f32 v42, v6;
	v36 =	vld [tilespmem:$0x5D0];
	v13 =	vmul.f32 v39, v13;
	(erf) = vpow2.f32 v44;
	v21 =	vpop (erf)  }
0xb4: {  	v32 =	vmul.f32 $1.442695020e+00, v60;
	v9 =	vadd.f32 v11, v9;
	v11 =	vsub.f32 v47, v6;
	v47 =	vld [tilespmem:$0x5F0];
	v46 =	vpop (erf)  }
0xb5: {  	v13 =	vsub.f32 v13, v39;
	(erf) = vpow2.f32 v51;
	v48 =	vmul.f32 v46, v25  }
0xb6: {  	v41 =	vld [tilespmem:$0x5E0];
	(erf) = vpow2.f32 v57;
	v8 =	vadd.f32 v8, v9;
	v9 =	vmul.f32 v40, v45;
	v50 =	vpop (erf)  }
0xb7: {  	v5 =	vmul.f32 v21, v5;
	v53 =	vmul.f32 v50, v49;
	v52 =	vsub.f32 v48, v46  }
0xb8: {  	v44 =	vmul.f32 $1.442695020e+00, v36;
	v8 =	vadd.f32 v13, v8;
	v9 =	vsub.f32 v9, v40  }
0xb9: {  	v14 =	vsub.f32 v53, v50;
	v57 =	vmul.f32 $1.442695020e+00, v47;
	v13 =	vadd.f32 $0.0e+00, v52;
	v56 =	vpop (erf)  }
0xba: {  	v8 =	vadd.f32 v9, v8;
	v9 =	vmul.f32 v43, v59;
	v16 =	vmul.f32 v56, v54  }
0xbb: {  	v5 =	vsub.f32 v5, v21;
	v61 =	vpop (erf);
	(erf) = vpow2.f32 v28;
	v54 =	vmul.f32 $1.442695020e+00, v41  }
0xbc: {  	v27 =	vld [tilespmem:$0x640];
	v13 =	vadd.f32 v14, v13;
	v7 =	vmul.f32 v61, v7;
	v63 =	vpop (erf);
	v15 =	vsub.f32 v16, v56  }
0xbd: {  	v24 =	vld [tilespmem:$0x620];
	v49 =	vsub.f32 v58, v6;
	(erf) = vpow2.f32 v29;
	v12 =	vmul.f32 v63, v12  }
0xbe: {  	v48 =	vld [tilespmem:$0x600];
	v33 =	vpop (erf);
	(erf) = vpow2.f32 v31;
	v7 =	vsub.f32 v7, v61;
	v13 =	vadd.f32 v15, v13  }
0xbf: {  	v9 =	vsub.f32 v9, v43;
	v20 =	vmul.f32 v33, v20;
	(erf) = vpow2.f32 v32  }
0xc0: {  	v28 =	vld [tilespmem:$0x650];
	v12 =	vsub.f32 v12, v63;
	(erf) = vpow2.f32 v34;
	v7 =	vadd.f32 v7, v13  }
0xc1: {  	v43 =	vsub.f32 v55, v6;
	v29 =	vmul.f32 $1.442695020e+00, v27;
	v6 =	vsub.f32 v22, v6;
	v38 =	vpop (erf);
	v34 =	vld [tilespmem:$0x670]  }
0xc2: {  	v11 =	vmul.f32 v38, v11;
	v13 =	vsub.f32 v20, v33;
	v37 =	vadd.f32 v12, v7;
	v7 =	vld [tilespmem:$0x15B0]  }
0xc3: {  	v59 =	vmul.f32 $1.442695020e+00, v48;
	v8 =	vadd.f32 v9, v8;
	v61 =	vmul.f32 $1.442695020e+00, v24  }
0xc4: {  	v51 =	vld [tilespmem:$0x610];
	(erf) = vpow2.f32 v35;
	v40 =	vsub.f32 v11, v38;
	v42 =	vpop (erf);
	v39 =	vadd.f32 v13, v37  }
0xc5: {  	v26 =	vld [tilespmem:$0x630];
	v5 =	vadd.f32 v5, v8;
	v32 =	vmul.f32 $1.442695020e+00, v28;
	v13 =	vmul.f32 v42, v43  }
0xc6: {  	v38 =	vld [tilespmem:$0x680];
	v46 =	vpop (erf);
	(erf) = vpow2.f32 v44;
	v44 =	vmul.f32 $1.442695020e+00, v34;
	v45 =	vadd.f32 v40, v39  }
0xc7: {  	v17 =	vpop (erf);
	v18 =	vmul.f32 v46, v49;
	v12 =	vsub.f32 v13, v42;
	v14 =	vsub.f32 v60, v7  }
0xc8: {  	v50 =	vpop (erf);
	v6 =	vmul.f32 v17, v6;
	v19 =	vsub.f32 v62, v7;
	v55 =	vsub.f32 v30, v7  }
0xc9: {  	v53 =	vpop (erf);
	(erf) = vpow2.f32 v54;
	v60 =	vmul.f32 $1.442695020e+00, v51;
	v16 =	vsub.f32 v36, v7  }
0xca: {  	v62 =	vmul.f32 $1.442695020e+00, v26;
	v9 =	vsub.f32 v18, v46;
	v33 =	vsub.f32 v41, v7  }
0xcb: {  	v10 =	vsub.f32 v47, v7;
	v15 =	vsub.f32 v48, v7;
	v47 =	vmul.f32 $1.442695020e+00, v38  }
0xcc: {  	v48 =	vsub.f32 v51, v7;
	(erf) = vpow2.f32 v57;
	v52 =	vmul.f32 v50, v14  }
0xcd: {  	v30 =	vld [tilespmem:$0x660];
	v56 =	vpop (erf);
	v8 =	vadd.f32 v12, v45;
	v19 =	vmul.f32 v53, v19;
	(erf) = vpow2.f32 v59  }
0xce: {  	v45 =	vld [tilespmem:$0x690];
	v58 =	vmul.f32 v56, v55;
	(erf) = vpow2.f32 v60;
	v13 =	vsub.f32 v52, v50  }
0xcf: {  	v14 =	vsub.f32 v19, v53;
	(erf) = vpow2.f32 v61;
	v19 =	vadd.f32 v9, v8;
	v8 =	vld [tilespmem:$0x15C0]  }
0xd0: {  	v6 =	vsub.f32 v6, v17;
	v12 =	vsub.f32 v58, v56;
	v50 =	vld [tilespmem:$0x6A0];
	(erf) = vpow2.f32 v62;
	v63 =	vpop (erf)  }
0xd1: {  	v62 =	vsub.f32 v24, v7;
	v24 =	vld [tilespmem:$0x6D0];
	v13 =	vadd.f32 $0.0e+00, v13;
	v31 =	vmul.f32 v63, v16  }
0xd2: {  	v40 =	vmul.f32 $1.442695020e+00, v30;
	v7 =	vsub.f32 v26, v7;
	(erf) = vpow2.f32 v29  }
0xd3: {  	v58 =	vld [tilespmem:$0x6B0];
	v54 =	vmul.f32 $1.442695020e+00, v45;
	v13 =	vadd.f32 v14, v13;
	v36 =	vsub.f32 v31, v63  }
0xd4: {  	v61 =	vld [tilespmem:$0x6C0];
	v37 =	vpop (erf);
	(erf) = vpow2.f32 v32;
	v27 =	vsub.f32 v27, v8;
	v52 =	vsub.f32 v28, v8  }
0xd5: {  	v57 =	vsub.f32 v30, v8;
	v60 =	vmul.f32 $1.442695020e+00, v50;
	v14 =	vsub.f32 v38, v8  }
0xd6: {  	v63 =	vld [tilespmem:$0x6E0];
	v35 =	vadd.f32 v12, v13;
	v39 =	vmul.f32 v37, v33;
	v41 =	vpop (erf);
	v38 =	vmul.f32 $1.442695020e+00, v24  }
0xd7: {  	v9 =	vsub.f32 v34, v8;
	v10 =	vmul.f32 v41, v10;
	v42 =	vpop (erf);
	(erf) = vpow2.f32 v40  }
0xd8: {  	v33 =	vld [tilespmem:$0x6F0];
	v11 =	vadd.f32 v36, v35;
	v13 =	vsub.f32 v39, v37;
	v43 =	vpop (erf);
	v15 =	vmul.f32 v42, v15  }
0xd9: {  	v22 =	vsub.f32 v45, v8;
	v35 =	vmul.f32 $1.442695020e+00, v58;
	v36 =	vmul.f32 $1.442695020e+00, v61;
	v37 =	vld [tilespmem:$0x700];
	v46 =	vpop (erf)  }
0xda: {  	v10 =	vsub.f32 v10, v41;
	(erf) = vpow2.f32 v44;
	v11 =	vadd.f32 v13, v11;
	v23 =	vpop (erf)  }
0xdb: {  	(erf) = vpow2.f32 v47;
	v15 =	vsub.f32 v15, v42;
	v39 =	vmul.f32 $1.442695020e+00, v63;
	v49 =	vpop (erf)  }
0xdc: {  	v13 =	vsub.f32 v50, v8;
	(erf) = vpow2.f32 v54;
	v51 =	vmul.f32 v49, v27  }
0xdd: {  	v26 =	vld [tilespmem:$0x760];
	v41 =	vmul.f32 $1.442695020e+00, v33;
	v10 =	vadd.f32 v10, v11;
	v11 =	vmul.f32 v43, v48  }
0xde: {  	v47 =	vld [tilespmem:$0x720];
	v7 =	vmul.f32 v23, v7;
	v42 =	vmul.f32 $1.442695020e+00, v37;
	v55 =	vsub.f32 v51, v49  }
0xdf: {  	v53 =	vpop (erf);
	v10 =	vadd.f32 v15, v10;
	v11 =	vsub.f32 v11, v43;
	(erf) = vpow2.f32 v60  }
0xe0: {  	v49 =	vsub.f32 v58, v8;
	v56 =	vmul.f32 v53, v52;
	v15 =	vadd.f32 $0.0e+00, v55  }
0xe1: {  	v43 =	vld [tilespmem:$0x710];
	v59 =	vpop (erf);
	v10 =	vadd.f32 v11, v10;
	v11 =	vmul.f32 v46, v62;
	(erf) = vpow2.f32 v35  }
0xe2: {  	v16 =	vsub.f32 v56, v53;
	v18 =	vmul.f32 v59, v57;
	(erf) = vpow2.f32 v36  }
0xe3: {  	v58 =	vld [tilespmem:$0x750];
	v56 =	vsub.f32 v61, v8;
	v61 =	vmul.f32 $1.442695020e+00, v47;
	v36 =	vmul.f32 $1.442695020e+00, v26  }
0xe4: {  	v29 =	vld [tilespmem:$0x780];
	v8 =	vsub.f32 v24, v8;
	v32 =	vpop (erf);
	(erf) = vpow2.f32 v38;
	v11 =	vsub.f32 v11, v46  }
0xe5: {  	v53 =	vld [tilespmem:$0x730];
	v15 =	vadd.f32 v16, v15;
	v17 =	vsub.f32 v18, v59;
	v9 =	vmul.f32 v32, v9  }
0xe6: {  	v46 =	vsub.f32 v7, v23;
	v34 =	vpop (erf);
	(erf) = vpow2.f32 v39;
	v50 =	vmul.f32 $1.442695020e+00, v43  }
0xe7: {  	v55 =	vld [tilespmem:$0x740];
	v14 =	vmul.f32 v34, v14;
	v40 =	vpop (erf);
	v15 =	vadd.f32 v17, v15;
	v9 =	vsub.f32 v9, v32  }
0xe8: {  	v7 =	vadd.f32 v6, v19;
	v35 =	vmul.f32 $1.442695020e+00, v58;
	v22 =	vmul.f32 v40, v22  }
0xe9: {  	v30 =	vld [tilespmem:$0x790];
	v39 =	vmul.f32 $1.442695020e+00, v29;
	v14 =	vsub.f32 v14, v34;
	v9 =	vadd.f32 v9, v15  }
0xea: {  	(erf) = vpow2.f32 v41;
	v32 =	vmul.f32 $1.442695020e+00, v53;
	v45 =	vpop (erf);
	v15 =	vsub.f32 v22, v40  }
0xeb: {  	(erf) = vpow2.f32 v42;
	v13 =	vmul.f32 v45, v13;
	v44 =	vadd.f32 v14, v9;
	v9 =	vld [tilespmem:$0x15D0]  }
0xec: {  	v10 =	vadd.f32 v11, v10;
	v34 =	vmul.f32 $1.442695020e+00, v55;
	v40 =	vld [tilespmem:$0x7A0];
	(erf) = vpow2.f32 v50;
	v48 =	vpop (erf)  }
0xed: {  	v13 =	vsub.f32 v13, v45;
	v52 =	vpop (erf);
	v54 =	vmul.f32 v48, v49;
	v12 =	vadd.f32 v15, v44  }
0xee: {  	v28 =	vld [tilespmem:$0x770];
	v6 =	vadd.f32 v46, v10;
	v42 =	vmul.f32 $1.442695020e+00, v30;
	v20 =	vmul.f32 v52, v56  }
0xef: {  	(erf) = vpow2.f32 v61;
	v51 =	vadd.f32 v13, v12;
	v13 =	vsub.f32 v54, v48  }
0xf0: {  	(erf) = vpow2.f32 v32;
	v44 =	vld [tilespmem:$0x7B0];
	v11 =	vsub.f32 v20, v52;
	v16 =	vsub.f32 v63, v9  }
0xf1: {  	v17 =	vpop (erf);
	v49 =	vmul.f32 $1.442695020e+00, v40;
	v21 =	vsub.f32 v33, v9;
	v62 =	vsub.f32 v37, v9  }
0xf2: {  	v57 =	vpop (erf);
	v8 =	vmul.f32 v17, v8;
	v18 =	vsub.f32 v43, v9;
	v43 =	vsub.f32 v47, v9  }
0xf3: {  	v60 =	vpop (erf);
	v37 =	vmul.f32 $1.442695020e+00, v28;
	v12 =	vsub.f32 v53, v9;
	v19 =	vsub.f32 v55, v9  }
0xf4: {  	v47 =	vld [tilespmem:$0x7C0];
	v8 =	vsub.f32 v8, v17;
	v59 =	vmul.f32 v57, v16;
	v21 =	vmul.f32 v60, v21  }
0xf5: {  	v10 =	vadd.f32 v13, v51;
	v63 =	vpop (erf);
	(erf) = vpow2.f32 v34;
	v53 =	vmul.f32 $1.442695020e+00, v44  }
0xf6: {  	v33 =	vmul.f32 v63, v62;
	(erf) = vpow2.f32 v35;
	v38 =	vpop (erf);
	v15 =	vsub.f32 v59, v57  }
0xf7: {  	v54 =	vld [tilespmem:$0x7D0];
	v16 =	vsub.f32 v21, v60;
	(erf) = vpow2.f32 v36;
	v41 =	vmul.f32 v38, v18  }
0xf8: {  	v21 =	vadd.f32 v11, v10;
	v46 =	vpop (erf);
	v10 =	vld [tilespmem:$0x15E0];
	v57 =	vsub.f32 v58, v9;
	(erf) = vpow2.f32 v37  }
0xf9: {  	v59 =	vld [tilespmem:$0x7E0];
	v13 =	vsub.f32 v33, v63;
	v48 =	vmul.f32 v46, v43;
	v50 =	vpop (erf);
	v56 =	vmul.f32 $1.442695020e+00, v47  }
0xfa: {  	v36 =	vld [tilespmem:$0x800];
	v37 =	vsub.f32 v26, v9;
	v15 =	vadd.f32 $0.0e+00, v15;
	v12 =	vmul.f32 v50, v12  }
0xfb: {  	v9 =	vsub.f32 v28, v9;
	(erf) = vpow2.f32 v39;
	v45 =	vsub.f32 v41, v38  }
0xfc: {  	v63 =	vmul.f32 $1.442695020e+00, v54;
	v33 =	vld [tilespmem:$0x7F0];
	v15 =	vadd.f32 v16, v15;
	v12 =	vsub.f32 v12, v50  }
0xfd: {  	v38 =	vld [tilespmem:$0x820];
	(erf) = vpow2.f32 v42;
	v29 =	vsub.f32 v29, v10;
	v61 =	vsub.f32 v30, v10  }
0xfe: {  	v26 =	vld [tilespmem:$0x810];
	v32 =	vsub.f32 v40, v10;
	v35 =	vmul.f32 $1.442695020e+00, v59;
	v11 =	vsub.f32 v44, v10  }
0xff: {  	v16 =	vsub.f32 v47, v10;
	v43 =	vmul.f32 $1.442695020e+00, v36;
	v24 =	vsub.f32 v54, v10  }
0x100: {  	v40 =	vld [tilespmem:$0x830];
	v36 =	vsub.f32 v36, v10;
	v13 =	vadd.f32 v13, v15;
	v51 =	vpop (erf);
	(erf) = vpow2.f32 v49  }
0x101: {  	v44 =	vld [tilespmem:$0x840];
	v15 =	vsub.f32 v48, v46;
	v42 =	vmul.f32 $1.442695020e+00, v33;
	v52 =	vpop (erf);
	(erf) = vpow2.f32 v53  }
0x102: {  	v46 =	vmul.f32 $1.442695020e+00, v38;
	v13 =	vadd.f32 v45, v13;
	v19 =	vmul.f32 v51, v19;
	v55 =	vpop (erf)  }
0x103: {  	v45 =	vmul.f32 $1.442695020e+00, v26;
	(erf) = vpow2.f32 v56;
	v56 =	vsub.f32 v33, v10;
	v25 =	vpop (erf)  }
0x104: {  	v50 =	vld [tilespmem:$0x850];
	v13 =	vadd.f32 v15, v13;
	v18 =	vsub.f32 v19, v51;
	(erf) = vpow2.f32 v63;
	v58 =	vpop (erf)  }
0x105: {  	v48 =	vmul.f32 $1.442695020e+00, v40;
	v15 =	vsub.f32 v59, v10;
	v60 =	vmul.f32 v58, v29  }
0x106: {  	v49 =	vmul.f32 $1.442695020e+00, v44;
	v12 =	vadd.f32 v12, v13;
	v13 =	vmul.f32 v52, v57;
	v62 =	vpop (erf)  }
0x107: {  	(erf) = vpow2.f32 v35;
	v31 =	vmul.f32 v62, v61;
	v30 =	vsub.f32 v60, v58  }
0x108: {  	v9 =	vmul.f32 v25, v9;
	v12 =	vadd.f32 v18, v12;
	v13 =	vsub.f32 v13, v52  }
0x109: {  	v57 =	vmul.f32 $1.442695020e+00, v50;
	v60 =	vld [tilespmem:$0x870];
	v17 =	vsub.f32 v31, v62;
	v18 =	vadd.f32 $0.0e+00, v30;
	v34 =	vpop (erf)  }
0x10a: {  	v63 =	vld [tilespmem:$0x880];
	v53 =	vsub.f32 v9, v25;
	v20 =	vmul.f32 v34, v32;
	v39 =	vpop (erf);
	(erf) = vpow2.f32 v42  }
0x10b: {  	v12 =	vadd.f32 v13, v12;
	v13 =	vmul.f32 v55, v37;
	v17 =	vadd.f32 v17, v18  }
0x10c: {  	v25 =	vld [tilespmem:$0x890];
	v11 =	vmul.f32 v39, v11;
	v41 =	vpop (erf);
	(erf) = vpow2.f32 v43;
	v19 =	vsub.f32 v20, v34  }
0x10d: {  	v10 =	vsub.f32 v26, v10;
	v16 =	vmul.f32 v41, v16;
	(erf) = vpow2.f32 v45  }
0x10e: {  	v30 =	vld [tilespmem:$0x8B0];
	v47 =	vpop (erf);
	v43 =	vmul.f32 $1.442695020e+00, v60;
	v11 =	vsub.f32 v11, v39;
	v17 =	vadd.f32 v19, v17  }
0x10f: {  	v28 =	vld [tilespmem:$0x8A0];
	v9 =	vadd.f32 v8, v21;
	v45 =	vmul.f32 $1.442695020e+00, v63;
	v24 =	vmul.f32 v47, v24  }
0x110: {  	v32 =	vld [tilespmem:$0x8D0];
	(erf) = vpow2.f32 v46;
	v16 =	vsub.f32 v16, v41;
	v11 =	vadd.f32 v11, v17  }
0x111: {  	v13 =	vsub.f32 v13, v55;
	v52 =	vpop (erf);
	v46 =	vmul.f32 $1.442695020e+00, v25;
	(erf) = vpow2.f32 v48  }
0x112: {  	v15 =	vmul.f32 v52, v15;
	v17 =	vsub.f32 v24, v47;
	v51 =	vadd.f32 v16, v11;
	v11 =	vld [tilespmem:$0x15F0]  }
0x113: {  	v12 =	vadd.f32 v13, v12;
	v48 =	vmul.f32 $1.442695020e+00, v30;
	(erf) = vpow2.f32 v49;
	v55 =	vpop (erf)  }
0x114: {  	v54 =	vld [tilespmem:$0x860];
	v15 =	vsub.f32 v15, v52;
	v14 =	vadd.f32 v17, v51;
	v61 =	vmul.f32 v55, v56  }
0x115: {  	v31 =	vld [tilespmem:$0x8C0];
	v8 =	vadd.f32 v53, v12;
	v53 =	vmul.f32 $1.442695020e+00, v32;
	v47 =	vmul.f32 $1.442695020e+00, v28  }
0x116: {  	v59 =	vpop (erf);
	(erf) = vpow2.f32 v57;
	v58 =	vadd.f32 v15, v14;
	v15 =	vsub.f32 v61, v55  }
0x117: {  	v62 =	vpop (erf);
	v22 =	vmul.f32 v59, v36;
	v18 =	vsub.f32 v38, v11;
	v23 =	vsub.f32 v40, v11  }
0x118: {  	v51 =	vld [tilespmem:$0x8E0];
	v10 =	vmul.f32 v62, v10;
	v41 =	vsub.f32 v44, v11;
	v20 =	vsub.f32 v50, v11  }
0x119: {  	v56 =	vld [tilespmem:$0x8F0];
	v40 =	vmul.f32 $1.442695020e+00, v54;
	v13 =	vsub.f32 v22, v59;
	v16 =	vsub.f32 v54, v11  }
0x11a: {  	v37 =	vpop (erf);
	v50 =	vmul.f32 $1.442695020e+00, v31;
	v14 =	vsub.f32 v60, v11;
	v61 =	vsub.f32 v63, v11  }
0x11b: {  	v39 =	vpop (erf);
	v25 =	vsub.f32 v25, v11;
	v28 =	vsub.f32 v28, v11;
	v38 =	vmul.f32 v37, v18  }
0x11c: {  	v11 =	vsub.f32 v30, v11;
	v42 =	vpop (erf);
	v23 =	vmul.f32 v39, v23;
	(erf) = vpow2.f32 v40  }
0x11d: {  	v22 =	vld [tilespmem:$0x1600];
	v12 =	vadd.f32 v15, v58;
	v44 =	vmul.f32 v42, v41;
	(erf) = vpow2.f32 v43  }
0x11e: {  	v63 =	vld [tilespmem:$0x910];
	v10 =	vsub.f32 v10, v62;
	v57 =	vmul.f32 $1.442695020e+00, v51;
	v36 =	vmul.f32 $1.442695020e+00, v56  }
0x11f: {  	v12 =	vadd.f32 v13, v12;
	v17 =	vsub.f32 v38, v37;
	(erf) = vpow2.f32 v45  }
0x120: {  	v41 =	vld [tilespmem:$0x920];
	v18 =	vsub.f32 v23, v39;
	v15 =	vsub.f32 v44, v42;
	(erf) = vpow2.f32 v46  }
0x121: {  	v10 =	vadd.f32 v10, v12;
	v17 =	vadd.f32 $0.0e+00, v17;
	(erf) = vpow2.f32 v47  }
0x122: {  	v27 =	vld [tilespmem:$0x930];
	v38 =	vsub.f32 v31, v22;
	v43 =	vsub.f32 v32, v22;
	v49 =	vpop (erf);
	(erf) = vpow2.f32 v48  }
0x123: {  	v45 =	vmul.f32 $1.442695020e+00, v63;
	v52 =	vmul.f32 v49, v20;
	v17 =	vadd.f32 v18, v17;
	v18 =	vld [tilespmem:$0x950]  }
0x124: {  	v32 =	vld [tilespmem:$0x940];
	v63 =	vsub.f32 v63, v22;
	v20 =	vsub.f32 v56, v22;
	(erf) = vpow2.f32 v50  }
0x125: {  	v54 =	vsub.f32 v52, v49;
	v52 =	vmul.f32 $1.442695020e+00, v41;
	v15 =	vadd.f32 v15, v17;
	v17 =	vld [tilespmem:$0x900];
	v55 =	vpop (erf)  }
0x126: {  	v50 =	vld [tilespmem:$0x960];
	v49 =	vsub.f32 v51, v22;
	(erf) = vpow2.f32 v53;
	v16 =	vmul.f32 v55, v16;
	v59 =	vpop (erf)  }
0x127: {  	v58 =	vadd.f32 v54, v15;
	v54 =	vmul.f32 $1.442695020e+00, v27;
	v14 =	vmul.f32 v59, v14  }
0x128: {  	v60 =	vpop (erf);
	(erf) = vpow2.f32 v57;
	v56 =	vmul.f32 $1.442695020e+00, v18;
	v18 =	vsub.f32 v18, v22  }
0x129: {  	v57 =	vld [tilespmem:$0x970];
	v16 =	vsub.f32 v16, v55;
	v62 =	vpop (erf);
	v37 =	vmul.f32 v60, v61;
	v55 =	vmul.f32 $1.442695020e+00, v32  }
0x12a: {  	v33 =	vld [tilespmem:$0x990];
	v14 =	vsub.f32 v14, v59;
	v15 =	vpop (erf);
	v40 =	vmul.f32 $1.442695020e+00, v17;
	v48 =	vmul.f32 v62, v25  }
0x12b: {  	v59 =	vmul.f32 $1.442695020e+00, v50;
	v17 =	vsub.f32 v17, v22;
	v19 =	vpop (erf);
	(erf) = vpow2.f32 v36  }
0x12c: {  	v13 =	vadd.f32 v16, v58;
	v12 =	vsub.f32 v37, v60;
	v34 =	vmul.f32 v15, v28  }
0x12d: {  	v60 =	vld [tilespmem:$0x980];
	v39 =	vpop (erf);
	(erf) = vpow2.f32 v40;
	v21 =	vsub.f32 v48, v62;
	v11 =	vmul.f32 v19, v11  }
0x12e: {  	v13 =	vadd.f32 v14, v13;
	v42 =	vmul.f32 v39, v38;
	v36 =	vmul.f32 $1.442695020e+00, v57  }
0x12f: {  	v37 =	vld [tilespmem:$0x9A0];
	v38 =	vsub.f32 v41, v22;
	v41 =	vmul.f32 $1.442695020e+00, v33;
	v15 =	vsub.f32 v34, v15;
	v44 =	vpop (erf)  }
0x130: {  	v46 =	vsub.f32 v42, v39;
	(erf) = vpow2.f32 v45;
	v47 =	vmul.f32 v44, v43  }
0x131: {  	v11 =	vsub.f32 v11, v19;
	v12 =	vadd.f32 v12, v13;
	(erf) = vpow2.f32 v52  }
0x132: {  	v39 =	vmul.f32 $1.442695020e+00, v60;
	v13 =	vadd.f32 $0.0e+00, v46;
	v51 =	vpop (erf);
	v14 =	vsub.f32 v47, v44  }
0x133: {  	v48 =	vld [tilespmem:$0x9B0];
	(erf) = vpow2.f32 v54;
	v12 =	vadd.f32 v21, v12;
	v53 =	vmul.f32 v51, v49  }
0x134: {  	v45 =	vmul.f32 $1.442695020e+00, v37;
	v46 =	vsub.f32 v27, v22;
	v13 =	vadd.f32 v14, v13;
	v58 =	vpop (erf)  }
0x135: {  	v24 =	vsub.f32 v53, v51;
	(erf) = vpow2.f32 v55;
	v14 =	vld [tilespmem:$0x1610];
	v20 =	vmul.f32 v58, v20  }
0x136: {  	v52 =	vld [tilespmem:$0x9C0];
	v12 =	vadd.f32 v15, v12;
	v51 =	vsub.f32 v32, v22;
	(erf) = vpow2.f32 v56;
	v61 =	vpop (erf)  }
0x137: {  	v13 =	vadd.f32 v24, v13;
	v17 =	vmul.f32 v61, v17;
	v62 =	vsub.f32 v20, v58  }
0x138: {  	v55 =	vld [tilespmem:$0x9D0];
	v56 =	vmul.f32 $1.442695020e+00, v48;
	v12 =	vadd.f32 v11, v12;
	(erf) = vpow2.f32 v59  }
0x139: {  	v32 =	vld [tilespmem:$0x9F0];
	v35 =	vpop (erf);
	v17 =	vsub.f32 v17, v61;
	(erf) = vpow2.f32 v36;
	v13 =	vadd.f32 v62, v13  }
0x13a: {  	v28 =	vld [tilespmem:$0x9E0];
	v20 =	vmul.f32 v35, v63;
	v40 =	vpop (erf);
	v16 =	vsub.f32 v50, v14;
	v53 =	vsub.f32 v57, v14  }
0x13b: {  	v36 =	vld [tilespmem:$0xA30];
	v25 =	vsub.f32 v60, v14;
	v60 =	vmul.f32 $1.442695020e+00, v52;
	v42 =	vmul.f32 v40, v38  }
0x13c: {  	v43 =	vpop (erf);
	(erf) = vpow2.f32 v39;
	v13 =	vadd.f32 v17, v13;
	v20 =	vsub.f32 v20, v35  }
0x13d: {  	v58 =	vsub.f32 v33, v14;
	v63 =	vmul.f32 $1.442695020e+00, v55;
	v50 =	vmul.f32 v43, v46;
	v35 =	vld [tilespmem:$0xA20]  }
0x13e: {  	v17 =	vsub.f32 v42, v40;
	v42 =	vmul.f32 $1.442695020e+00, v32;
	v13 =	vadd.f32 v20, v13  }
0x13f: {  	v61 =	vld [tilespmem:$0xA00];
	v29 =	vsub.f32 v37, v14;
	v44 =	vpop (erf);
	(erf) = vpow2.f32 v41;
	v41 =	vmul.f32 $1.442695020e+00, v28  }
0x140: {  	v34 =	vld [tilespmem:$0xA10];
	v46 =	vmul.f32 $1.442695020e+00, v36;
	v20 =	vpop (erf);
	v13 =	vadd.f32 v17, v13;
	v17 =	vmul.f32 v44, v51  }
0x141: {  	v26 =	vsub.f32 v48, v14;
	v47 =	vpop (erf);
	(erf) = vpow2.f32 v45;
	v18 =	vmul.f32 v20, v18  }
0x142: {  	v19 =	vsub.f32 v52, v14;
	v45 =	vmul.f32 $1.442695020e+00, v35;
	v54 =	vpop (erf);
	(erf) = vpow2.f32 v56  }
0x143: {  	v28 =	vsub.f32 v28, v14;
	v49 =	vmul.f32 v47, v16;
	(erf) = vpow2.f32 v60  }
0x144: {  	v16 =	vsub.f32 v50, v43;
	v17 =	vsub.f32 v17, v44;
	v43 =	vmul.f32 $1.442695020e+00, v61  }
0x145: {  	v44 =	vmul.f32 $1.442695020e+00, v34;
	v23 =	vmul.f32 v54, v53;
	v15 =	vsub.f32 v49, v47;
	v57 =	vpop (erf)  }
0x146: {  	v53 =	vsub.f32 v55, v14;
	(erf) = vpow2.f32 v63;
	v25 =	vmul.f32 v57, v25  }
0x147: {  	v22 =	vsub.f32 v23, v54;
	(erf) = vpow2.f32 v41;
	v15 =	vadd.f32 $0.0e+00, v15  }
0x148: {  	v27 =	vld [tilespmem:$0xA70];
	v14 =	vsub.f32 v32, v14;
	(erf) = vpow2.f32 v42;
	v59 =	vpop (erf);
	v25 =	vsub.f32 v25, v57  }
0x149: {  	v24 =	vld [tilespmem:$0xA60];
	(erf) = vpow2.f32 v43;
	v31 =	vmul.f32 v59, v58;
	v15 =	vadd.f32 v22, v15  }
0x14a: {  	v16 =	vadd.f32 v16, v13;
	v13 =	vld [tilespmem:$0x1620];
	v49 =	vsub.f32 v18, v20;
	(erf) = vpow2.f32 v44;
	v62 =	vpop (erf)  }
0x14b: {  	v20 =	vld [tilespmem:$0xA40];
	v15 =	vadd.f32 v25, v15;
	v23 =	vsub.f32 v31, v59;
	v40 =	vmul.f32 v62, v29;
	v47 =	vpop (erf)  }
0x14c: {  	v37 =	vld [tilespmem:$0xAB0];
	v16 =	vadd.f32 v17, v16;
	(erf) = vpow2.f32 v45;
	v48 =	vmul.f32 v47, v26;
	v50 =	vpop (erf)  }
0x14d: {  	v42 =	vld [tilespmem:$0xAA0];
	v15 =	vadd.f32 v23, v15;
	v22 =	vsub.f32 v40, v62;
	v19 =	vmul.f32 v50, v19  }
0x14e: {  	v11 =	vadd.f32 v49, v16;
	v31 =	vld [tilespmem:$0xA80];
	v21 =	vsub.f32 v48, v47  }
0x14f: {  	(erf) = vpow2.f32 v46;
	v15 =	vadd.f32 v22, v15;
	v52 =	vsub.f32 v19, v50;
	v19 =	vld [tilespmem:$0xA50]  }
0x150: {  	v44 =	vmul.f32 $1.442695020e+00, v24;
	v54 =	vsub.f32 v61, v13;
	v57 =	vmul.f32 $1.442695020e+00, v20;
	v51 =	vpop (erf)  }
0x151: {  	v56 =	vsub.f32 v34, v13;
	v45 =	vmul.f32 $1.442695020e+00, v27;
	v18 =	vpop (erf);
	v15 =	vadd.f32 v21, v15  }
0x152: {  	v20 =	vsub.f32 v20, v13;
	(erf) = vpow2.f32 v57;
	v48 =	vmul.f32 $1.442695020e+00, v42;
	v22 =	vpop (erf)  }
0x153: {  	v46 =	vmul.f32 $1.442695020e+00, v31;
	v50 =	vmul.f32 $1.442695020e+00, v37;
	v55 =	vpop (erf);
	v17 =	vadd.f32 v52, v15;
	v15 =	vld [tilespmem:$0xA90]  }
0x154: {  	v59 =	vsub.f32 v35, v13;
	v23 =	vmul.f32 v55, v54;
	v58 =	vpop (erf);
	v41 =	vmul.f32 $1.442695020e+00, v19  }
0x155: {  	v62 =	vsub.f32 v36, v13;
	v28 =	vmul.f32 v18, v28;
	v60 =	vmul.f32 v58, v56  }
0x156: {  	v21 =	vmul.f32 v51, v53;
	v61 =	vpop (erf);
	v23 =	vsub.f32 v23, v55;
	(erf) = vpow2.f32 v41  }
0x157: {  	v49 =	vld [tilespmem:$0xAC0];
	v63 =	vmul.f32 v61, v59;
	v29 =	vsub.f32 v60, v58;
	(erf) = vpow2.f32 v44  }
0x158: {  	v40 =	vpop (erf);
	v23 =	vadd.f32 $0.0e+00, v23;
	(erf) = vpow2.f32 v45;
	v47 =	vmul.f32 $1.442695020e+00, v15  }
0x159: {  	v30 =	vld [tilespmem:$0xB00];
	v27 =	vsub.f32 v27, v13;
	v43 =	vmul.f32 v40, v62;
	(erf) = vpow2.f32 v46  }
0x15a: {  	v34 =	vld [tilespmem:$0xB10];
	v25 =	vsub.f32 v63, v61;
	v23 =	vadd.f32 v29, v23;
	(erf) = vpow2.f32 v47  }
0x15b: {  	v14 =	vmul.f32 v22, v14;
	v16 =	vsub.f32 v21, v51;
	v51 =	vld [tilespmem:$0xAD0];
	(erf) = vpow2.f32 v48  }
0x15c: {  	v54 =	vmul.f32 $1.442695020e+00, v49;
	v52 =	vpop (erf);
	v58 =	vld [tilespmem:$0xAF0];
	v21 =	vsub.f32 v43, v40;
	v23 =	vadd.f32 v25, v23  }
0x15d: {  	v18 =	vsub.f32 v28, v18;
	v53 =	vmul.f32 v52, v20;
	v20 =	vld [tilespmem:$0xAE0];
	(erf) = vpow2.f32 v50  }
0x15e: {  	v16 =	vadd.f32 v16, v17;
	v21 =	vadd.f32 v21, v23;
	v23 =	vld [tilespmem:$0x1630]  }
0x15f: {  	v19 =	vsub.f32 v19, v13;
	v14 =	vsub.f32 v14, v22;
	v48 =	vld [tilespmem:$0xB20];
	v55 =	vpop (erf);
	(erf) = vpow2.f32 v54  }
0x160: {  	v60 =	vsub.f32 v24, v13;
	v16 =	vadd.f32 v18, v16;
	v56 =	vpop (erf)  }
0x161: {  	v57 =	vmul.f32 $1.442695020e+00, v51;
	v45 =	vmul.f32 $1.442695020e+00, v30;
	v17 =	vsub.f32 v53, v52;
	v59 =	vpop (erf)  }
0x162: {  	v14 =	vadd.f32 v14, v16;
	v47 =	vmul.f32 $1.442695020e+00, v34;
	v43 =	vmul.f32 $1.442695020e+00, v58;
	v24 =	vpop (erf)  }
0x163: {  	v61 =	vmul.f32 $1.442695020e+00, v20;
	v19 =	vmul.f32 v55, v19;
	v62 =	vsub.f32 v42, v23;
	v25 =	vpop (erf)  }
0x164: {  	v17 =	vadd.f32 v17, v21;
	(erf) = vpow2.f32 v57;
	v57 =	vmul.f32 $1.442695020e+00, v48;
	v63 =	vpop (erf)  }
0x165: {  	(erf) = vpow2.f32 v61;
	v40 =	vsub.f32 v37, v23;
	v41 =	vmul.f32 v63, v62  }
0x166: {  	v22 =	vmul.f32 v56, v60;
	v19 =	vsub.f32 v19, v55;
	(erf) = vpow2.f32 v43;
	v42 =	vpop (erf)  }
0x167: {  	v28 =	vld [tilespmem:$0xB70];
	v46 =	vsub.f32 v49, v23;
	v44 =	vmul.f32 v42, v40;
	v16 =	vsub.f32 v41, v63  }
0x168: {  	v29 =	vsub.f32 v51, v23;
	(erf) = vpow2.f32 v45;
	v17 =	vadd.f32 v19, v17;
	v49 =	vpop (erf)  }
0x169: {  	v51 =	vld [tilespmem:$0xB30];
	v19 =	vsub.f32 v44, v42;
	v16 =	vadd.f32 $0.0e+00, v16;
	v50 =	vmul.f32 v49, v46  }
0x16a: {  	v52 =	vmul.f32 v59, v27;
	v20 =	vsub.f32 v20, v23;
	v27 =	vld [tilespmem:$0xB60];
	v18 =	vsub.f32 v22, v56  }
0x16b: {  	(erf) = vpow2.f32 v47;
	v16 =	vadd.f32 v19, v16;
	v22 =	vsub.f32 v50, v49  }
0x16c: {  	v55 =	vsub.f32 v31, v13;
	v33 =	vsub.f32 v34, v23;
	v34 =	vld [tilespmem:$0xB80];
	v45 =	vmul.f32 $1.442695020e+00, v28  }
0x16d: {  	(erf) = vpow2.f32 v57;
	v17 =	vadd.f32 v18, v17;
	v53 =	vpop (erf);
	v16 =	vadd.f32 v22, v16;
	v22 =	vld [tilespmem:$0xB40]  }
0x16e: {  	v18 =	vsub.f32 v52, v59;
	v59 =	vmul.f32 $1.442695020e+00, v51;
	v54 =	vmul.f32 v53, v29;
	v29 =	vld [tilespmem:$0xB50]  }
0x16f: {  	v58 =	vsub.f32 v58, v23;
	v62 =	vmul.f32 v24, v55;
	v43 =	vmul.f32 $1.442695020e+00, v27;
	v56 =	vpop (erf)  }
0x170: {  	(erf) = vpow2.f32 v59;
	v20 =	vmul.f32 v56, v20;
	v61 =	vpop (erf);
	v19 =	vsub.f32 v54, v53  }
0x171: {  	[tilespmem:$0x1740] =	vst v1;
	v30 =	vsub.f32 v30, v23;
	v47 =	vmul.f32 $1.442695020e+00, v34;
	v26 =	vmul.f32 v61, v58  }
0x172: {  	[tilespmem:$0x1750] =	vst v0;
	v63 =	vpop (erf);
	v60 =	vsub.f32 v20, v56;
	v16 =	vadd.f32 v19, v16;
	v39 =	vmul.f32 $1.442695020e+00, v22  }
0x173: {  	[tilespmem:$0x1760] =	vst v2;
	v40 =	vsub.f32 v15, v13;
	v37 =	vmul.f32 v63, v30;
	v42 =	vmul.f32 $1.442695020e+00, v29  }
0x174: {  	[tilespmem:$0x1770] =	vst v3;
	v38 =	vpop (erf);
	v36 =	vsub.f32 v26, v61;
	v16 =	vadd.f32 v60, v16;
	(erf) = vpow2.f32 v39  }
0x175: {  	[tilespmem:$0x1780] =	vst v4;
	v46 =	vsub.f32 v48, v23;
	v41 =	vmul.f32 v38, v33;
	(erf) = vpow2.f32 v42  }
0x176: {  	[tilespmem:$0x1790] =	vst v5;
	v49 =	vpop (erf);
	v44 =	vsub.f32 v37, v63;
	v0 =	vadd.f32 v36, v16;
	(erf) = vpow2.f32 v43  }
0x177: {  	[tilespmem:$0x17A0] =	vst v7;
	v50 =	vsub.f32 v51, v23;
	v5 =	vmul.f32 v49, v46;
	(erf) = vpow2.f32 v45  }
0x178: {  	[tilespmem:$0x17B0] =	vst v6;
	v48 =	vsub.f32 v41, v38;
	v0 =	vadd.f32 v44, v0;
	(erf) = vpow2.f32 v47  }
0x179: {  	[tilespmem:$0x17C0] =	vst v9;
	v1 =	vsub.f32 v62, v24;
	v2 =	vmul.f32 v25, v40;
	v51 =	vadd.f32 v18, v17;
	v52 =	vpop (erf)  }
0x17a: {  	[tilespmem:$0x17D0] =	vst v8;
	v53 =	vsub.f32 v5, v49;
	v54 =	vmul.f32 v52, v50;
	v0 =	vadd.f32 v48, v0  }
0x17b: {  	[tilespmem:$0x17E0] =	vst v10;
	v2 =	vsub.f32 v2, v25;
	v1 =	vadd.f32 v1, v51  }
0x17c: {  	[tilespmem:$0x17F0] =	vst v12;
	v55 =	vsub.f32 v54, v52;
	v0 =	vadd.f32 v53, v0  }
0x17d: {  	[tilespmem:$0x1800] =	vst v11;
	v1 =	vadd.f32 v2, v1;
	v56 =	vpop (erf)  }
0x17e: {  	[tilespmem:$0x1810] =	vst v14;
	v0 =	vadd.f32 v55, v0;
	v57 =	vpop (erf)  }
0x17f: {  	[tilespmem:$0x1820] =	vst v1;
	v58 =	vpop (erf)  }
0x180: {  	v3 =	vld [tilespmem:$0x1640];
	[tilespmem:$0x1830] =	vst v0;
	v59 =	vpop (erf)  }
0x181: {  	v60 =	vpop (erf)  }
0x182: {  	v61 =	vld [tilespmem:$0xB90]  }
0x183: {  	v63 =	vld [tilespmem:$0xBA0]  }
0x184: {  	v20 =	vld [tilespmem:$0xBB0]  }
0x185: {  	v62 =	vsub.f32 v22, v3;
	v22 =	vld [tilespmem:$0xBC0]  }
0x186: {  	v19 =	vsub.f32 v29, v3;
	v13 =	vld [tilespmem:$0xBD0]  }
0x187: {  	v23 =	vsub.f32 v27, v3;
	v7 =	vmul.f32 v56, v62;
	v25 =	vld [tilespmem:$0xBE0]  }
0x188: {  	v24 =	vsub.f32 v28, v3;
	v9 =	vmul.f32 v57, v19;
	v28 =	vld [tilespmem:$0xBF0]  }
0x189: {  	v2 =	vsub.f32 v7, v56;
	v26 =	vmul.f32 v58, v23;
	v32 =	vld [tilespmem:$0xC00]  }
0x18a: {  	v34 =	vsub.f32 v34, v3;
	v4 =	vsub.f32 v9, v57;
	v14 =	vmul.f32 v59, v24;
	v41 =	vld [tilespmem:$0xC10]  }
0x18b: {  	v2 =	vadd.f32 $0.0e+00, v2;
	v1 =	vsub.f32 v26, v58;
	v44 =	vld [tilespmem:$0xC20]  }
0x18c: {  	v37 =	vmul.f32 v60, v34;
	v49 =	vld [tilespmem:$0xC30];
	v0 =	vsub.f32 v14, v59;
	v21 =	vmul.f32 $1.442695020e+00, v61  }
0x18d: {  	v53 =	vld [tilespmem:$0xC40];
	v2 =	vadd.f32 v4, v2;
	v27 =	vmul.f32 $1.442695020e+00, v63;
	v29 =	vmul.f32 $1.442695020e+00, v20  }
0x18e: {  	v55 =	vld [tilespmem:$0xC50];
	v5 =	vsub.f32 v37, v60;
	v30 =	vmul.f32 $1.442695020e+00, v22;
	v33 =	vmul.f32 $1.442695020e+00, v13  }
0x18f: {  	v24 =	vld [tilespmem:$0xC90];
	v1 =	vadd.f32 v1, v2;
	v35 =	vmul.f32 $1.442695020e+00, v25;
	(erf) = vpow2.f32 v21  }
0x190: {  	v36 =	vmul.f32 $1.442695020e+00, v28;
	v46 =	vsub.f32 v20, v3;
	v20 =	vld [tilespmem:$0xC60];
	(erf) = vpow2.f32 v27  }
0x191: {  	v39 =	vmul.f32 $1.442695020e+00, v32;
	v0 =	vadd.f32 v0, v1;
	v1 =	vld [tilespmem:$0x1650];
	(erf) = vpow2.f32 v29  }
0x192: {  	v38 =	vsub.f32 v61, v3;
	v48 =	vmul.f32 $1.442695020e+00, v41;
	v61 =	vld [tilespmem:$0xC80];
	(erf) = vpow2.f32 v30  }
0x193: {  	v42 =	vsub.f32 v63, v3;
	v58 =	vmul.f32 $1.442695020e+00, v44;
	(erf) = vpow2.f32 v33  }
0x194: {  	v51 =	vsub.f32 v22, v3;
	v60 =	vmul.f32 $1.442695020e+00, v49;
	v62 =	vmul.f32 $1.442695020e+00, v53  }
0x195: {  	v63 =	vmul.f32 $1.442695020e+00, v55;
	v3 =	vsub.f32 v13, v3;
	v21 =	vld [tilespmem:$0xC70];
	(erf) = vpow2.f32 v35  }
0x196: {  	v31 =	vmul.f32 $1.442695020e+00, v24;
	v15 =	vsub.f32 v28, v1;
	v28 =	vld [tilespmem:$0xCA0];
	(erf) = vpow2.f32 v36  }
0x197: {  	v0 =	vadd.f32 v5, v0;
	v23 =	vmul.f32 $1.442695020e+00, v20;
	v26 =	vmul.f32 $1.442695020e+00, v61  }
0x198: {  	v7 =	vsub.f32 v25, v1;
	v12 =	vsub.f32 v32, v1;
	(erf) = vpow2.f32 v39;
	v40 =	vpop (erf)  }
0x199: {  	v14 =	vsub.f32 v41, v1;
	v30 =	vsub.f32 v44, v1;
	v32 =	vld [tilespmem:$0xCB0];
	v4 =	vmul.f32 v40, v38;
	v43 =	vpop (erf)  }
0x19a: {  	v20 =	vsub.f32 v20, v1;
	v25 =	vmul.f32 $1.442695020e+00, v21;
	v2 =	vmul.f32 v43, v42;
	v45 =	vpop (erf)  }
0x19b: {  	v36 =	vsub.f32 v49, v1;
	v38 =	vmul.f32 $1.442695020e+00, v28;
	v4 =	vsub.f32 v4, v40;
	v47 =	vpop (erf)  }
0x19c: {  	v50 =	vmul.f32 v45, v46;
	v2 =	vsub.f32 v2, v43;
	v52 =	vpop (erf);
	(erf) = vpow2.f32 v48  }
0x19d: {  	v39 =	vld [tilespmem:$0xCC0];
	v56 =	vmul.f32 v47, v51;
	v43 =	vsub.f32 v53, v1;
	v0 =	vadd.f32 v4, v0  }
0x19e: {  	v54 =	vpop (erf);
	v5 =	vsub.f32 v50, v45;
	v3 =	vmul.f32 v52, v3;
	v45 =	vmul.f32 $1.442695020e+00, v32  }
0x19f: {  	v50 =	vsub.f32 v55, v1;
	v1 =	vsub.f32 v21, v1;
	v57 =	vpop (erf);
	v7 =	vmul.f32 v54, v7  }
0x1a0: {  	v4 =	vsub.f32 v56, v47;
	v0 =	vadd.f32 v2, v0;
	v15 =	vmul.f32 v57, v15;
	v2 =	vld [tilespmem:$0x1660]  }
0x1a1: {  	v59 =	vpop (erf);
	(erf) = vpow2.f32 v58;
	v3 =	vsub.f32 v3, v52;
	v7 =	vsub.f32 v7, v54  }
0x1a2: {  	v49 =	vld [tilespmem:$0xCD0];
	v52 =	vmul.f32 $1.442695020e+00, v39;
	v12 =	vmul.f32 v59, v12;
	v0 =	vadd.f32 v5, v0  }
0x1a3: {  	v55 =	vld [tilespmem:$0xCE0];
	(erf) = vpow2.f32 v60;
	v9 =	vsub.f32 v15, v57;
	v7 =	vadd.f32 $0.0e+00, v7  }
0x1a4: {  	(erf) = vpow2.f32 v62;
	v8 =	vsub.f32 v12, v59;
	v0 =	vadd.f32 v4, v0  }
0x1a5: {  	v62 =	vld [tilespmem:$0xD00];
	(erf) = vpow2.f32 v63;
	v7 =	vadd.f32 v9, v7;
	v48 =	vsub.f32 v61, v2  }
0x1a6: {  	v59 =	vld [tilespmem:$0xCF0];
	(erf) = vpow2.f32 v23;
	v56 =	vsub.f32 v24, v2;
	v5 =	vsub.f32 v28, v2  }
0x1a7: {  	(erf) = vpow2.f32 v25;
	v13 =	vsub.f32 v32, v2;
	v11 =	vsub.f32 v39, v2  }
0x1a8: {  	v18 =	vld [tilespmem:$0xD10];
	v61 =	vmul.f32 $1.442695020e+00, v49;
	v6 =	vsub.f32 v49, v2;
	v12 =	vsub.f32 v55, v2;
	v27 =	vpop (erf)  }
0x1a9: {  	v25 =	vld [tilespmem:$0xD20];
	(erf) = vpow2.f32 v26;
	v0 =	vadd.f32 v3, v0;
	v29 =	vmul.f32 v27, v14  }
0x1aa: {  	v24 =	vmul.f32 $1.442695020e+00, v55;
	v7 =	vadd.f32 v8, v7;
	v17 =	vsub.f32 v62, v2  }
0x1ab: {  	v28 =	vld [tilespmem:$0xD30];
	v33 =	vsub.f32 v29, v27;
	v34 =	vpop (erf);
	(erf) = vpow2.f32 v31;
	v27 =	vmul.f32 $1.442695020e+00, v59  }
0x1ac: {  	v10 =	vsub.f32 v59, v2;
	v29 =	vmul.f32 $1.442695020e+00, v62;
	v35 =	vmul.f32 v34, v30;
	v37 =	vpop (erf)  }
0x1ad: {  	v2 =	vsub.f32 v18, v2;
	v31 =	vld [tilespmem:$0xD40];
	v30 =	vmul.f32 $1.442695020e+00, v18;
	v41 =	vmul.f32 v37, v36  }
0x1ae: {  	v7 =	vadd.f32 v33, v7;
	v42 =	vpop (erf);
	(erf) = vpow2.f32 v38;
	v33 =	vmul.f32 $1.442695020e+00, v25  }
0x1af: {  	v40 =	vsub.f32 v35, v34;
	v44 =	vpop (erf);
	v47 =	vmul.f32 v42, v43;
	(erf) = vpow2.f32 v45  }
0x1b0: {  	v36 =	vld [tilespmem:$0xD50];
	v34 =	vmul.f32 $1.442695020e+00, v28;
	v4 =	vsub.f32 v41, v37;
	v46 =	vpop (erf);
	(erf) = vpow2.f32 v52  }
0x1b1: {  	v3 =	vmul.f32 v44, v50;
	v50 =	vld [tilespmem:$0xD80];
	v7 =	vadd.f32 v40, v7;
	v14 =	vpop (erf);
	(erf) = vpow2.f32 v61  }
0x1b2: {  	v53 =	vsub.f32 v47, v42;
	v35 =	vmul.f32 v46, v20;
	v38 =	vmul.f32 $1.442695020e+00, v31;
	v40 =	vld [tilespmem:$0xD60];
	v51 =	vpop (erf)  }
0x1b3: {  	v3 =	vsub.f32 v3, v44;
	(erf) = vpow2.f32 v24;
	v44 =	vld [tilespmem:$0xD70];
	v54 =	vmul.f32 v51, v48  }
0x1b4: {  	v19 =	vld [tilespmem:$0xDA0];
	v1 =	vmul.f32 v14, v1;
	v4 =	vadd.f32 v4, v7;
	(erf) = vpow2.f32 v27  }
0x1b5: {  	v8 =	vsub.f32 v35, v46;
	v43 =	vmul.f32 $1.442695020e+00, v36;
	v57 =	vsub.f32 v54, v51  }
0x1b6: {  	v1 =	vsub.f32 v1, v14;
	v4 =	vadd.f32 v53, v4;
	v58 =	vpop (erf);
	v62 =	vmul.f32 $1.442695020e+00, v50  }
0x1b7: {  	v60 =	vmul.f32 v58, v56;
	v53 =	vmul.f32 $1.442695020e+00, v40;
	v7 =	vadd.f32 $0.0e+00, v57;
	v63 =	vpop (erf)  }
0x1b8: {  	v16 =	vld [tilespmem:$0xD90];
	v4 =	vadd.f32 v3, v4;
	v57 =	vmul.f32 $1.442695020e+00, v44;
	v5 =	vmul.f32 v63, v5  }
0x1b9: {  	v3 =	vld [tilespmem:$0x1670];
	v9 =	vsub.f32 v60, v58;
	v26 =	vpop (erf);
	(erf) = vpow2.f32 v29;
	v29 =	vmul.f32 $1.442695020e+00, v19  }
0x1ba: {  	v13 =	vmul.f32 v26, v13;
	v32 =	vpop (erf);
	(erf) = vpow2.f32 v30;
	v4 =	vadd.f32 v8, v4  }
0x1bb: {  	v7 =	vadd.f32 v9, v7;
	v5 =	vsub.f32 v5, v63;
	v11 =	vmul.f32 v32, v11  }
0x1bc: {  	(erf) = vpow2.f32 v33;
	v9 =	vsub.f32 v13, v26;
	v1 =	vadd.f32 v1, v4  }
0x1bd: {  	v60 =	vld [tilespmem:$0xDC0];
	v37 =	vpop (erf);
	(erf) = vpow2.f32 v34;
	v5 =	vadd.f32 v5, v7;
	v7 =	vsub.f32 v11, v32  }
0x1be: {  	v63 =	vmul.f32 $1.442695020e+00, v16;
	v33 =	vld [tilespmem:$0xDE0];
	v49 =	vsub.f32 v25, v3;
	v55 =	vsub.f32 v28, v3  }
0x1bf: {  	v6 =	vmul.f32 v37, v6;
	v59 =	vsub.f32 v31, v3;
	v28 =	vld [tilespmem:$0xDD0];
	v13 =	vsub.f32 v40, v3  }
0x1c0: {  	v39 =	vpop (erf);
	(erf) = vpow2.f32 v38;
	v15 =	vsub.f32 v44, v3;
	v5 =	vadd.f32 v9, v5  }
0x1c1: {  	v41 =	vmul.f32 v39, v12;
	v42 =	vpop (erf);
	v12 =	vsub.f32 v50, v3;
	v16 =	vsub.f32 v16, v3  }
0x1c2: {  	v6 =	vsub.f32 v6, v37;
	v46 =	vmul.f32 v42, v10;
	v5 =	vadd.f32 v7, v5  }
0x1c3: {  	v35 =	vld [tilespmem:$0xDF0];
	v32 =	vmul.f32 $1.442695020e+00, v60;
	v45 =	vsub.f32 v41, v39;
	v39 =	vmul.f32 $1.442695020e+00, v33;
	v47 =	vpop (erf)  }
0x1c4: {  	v40 =	vld [tilespmem:$0xE00];
	v34 =	vmul.f32 $1.442695020e+00, v28;
	v5 =	vadd.f32 v6, v5;
	v48 =	vpop (erf);
	(erf) = vpow2.f32 v43  }
0x1c5: {  	v51 =	vsub.f32 v46, v42;
	v46 =	vld [tilespmem:$0xE10];
	v17 =	vmul.f32 v47, v17;
	v52 =	vpop (erf);
	(erf) = vpow2.f32 v53  }
0x1c6: {  	v2 =	vmul.f32 v48, v2;
	v5 =	vadd.f32 v45, v5;
	v56 =	vpop (erf);
	(erf) = vpow2.f32 v57  }
0x1c7: {  	v9 =	vsub.f32 v36, v3;
	v54 =	vmul.f32 v52, v49;
	v58 =	vmul.f32 v56, v55  }
0x1c8: {  	v37 =	vsub.f32 v17, v47;
	(erf) = vpow2.f32 v62;
	v6 =	vadd.f32 v51, v5;
	v5 =	vld [tilespmem:$0xDB0]  }
0x1c9: {  	v43 =	vmul.f32 $1.442695020e+00, v35;
	v4 =	vsub.f32 v54, v52;
	v7 =	vsub.f32 v58, v56;
	v56 =	vld [tilespmem:$0xE30]  }
0x1ca: {  	v61 =	vpop (erf);
	v2 =	vsub.f32 v2, v48;
	v48 =	vmul.f32 $1.442695020e+00, v40;
	v55 =	vmul.f32 $1.442695020e+00, v46  }
0x1cb: {  	v14 =	vmul.f32 v61, v59;
	(erf) = vpow2.f32 v63;
	v4 =	vadd.f32 $0.0e+00, v4  }
0x1cc: {  	v63 =	vsub.f32 v19, v3;
	(erf) = vpow2.f32 v29;
	v58 =	vld [tilespmem:$0xE40];
	v6 =	vadd.f32 v37, v6  }
0x1cd: {  	v23 =	vld [tilespmem:$0xE50];
	v14 =	vsub.f32 v14, v61;
	v4 =	vadd.f32 v7, v4;
	v30 =	vmul.f32 $1.442695020e+00, v5;
	v31 =	vpop (erf)  }
0x1ce: {  	v62 =	vld [tilespmem:$0xE60];
	v2 =	vadd.f32 v2, v6;
	v9 =	vmul.f32 v31, v9;
	v36 =	vpop (erf);
	v29 =	vmul.f32 $1.442695020e+00, v56  }
0x1cf: {  	v14 =	vadd.f32 v14, v4;
	v4 =	vld [tilespmem:$0x1680];
	(erf) = vpow2.f32 v30;
	v13 =	vmul.f32 v36, v13;
	v38 =	vpop (erf)  }
0x1d0: {  	v3 =	vsub.f32 v5, v3;
	(erf) = vpow2.f32 v32;
	v41 =	vmul.f32 v38, v15  }
0x1d1: {  	v7 =	vsub.f32 v9, v31;
	v42 =	vpop (erf);
	v31 =	vmul.f32 $1.442695020e+00, v58;
	(erf) = vpow2.f32 v34  }
0x1d2: {  	v49 =	vld [tilespmem:$0xE20];
	v32 =	vmul.f32 $1.442695020e+00, v23;
	v9 =	vsub.f32 v13, v36;
	v12 =	vmul.f32 v42, v12  }
0x1d3: {  	v30 =	vld [tilespmem:$0xE70];
	v7 =	vadd.f32 v7, v14;
	(erf) = vpow2.f32 v39;
	v10 =	vsub.f32 v41, v38  }
0x1d4: {  	v37 =	vld [tilespmem:$0xE90];
	v45 =	vpop (erf);
	v34 =	vmul.f32 $1.442695020e+00, v62;
	v47 =	vsub.f32 v60, v4;
	v50 =	vsub.f32 v12, v42  }
0x1d5: {  	v16 =	vmul.f32 v45, v16;
	v52 =	vsub.f32 v28, v4;
	v59 =	vsub.f32 v33, v4  }
0x1d6: {  	(erf) = vpow2.f32 v43;
	v20 =	vsub.f32 v35, v4;
	v18 =	vsub.f32 v40, v4  }
0x1d7: {  	v13 =	vpop (erf);
	v60 =	vmul.f32 $1.442695020e+00, v49;
	v17 =	vsub.f32 v46, v4;
	v21 =	vsub.f32 v49, v4  }
0x1d8: {  	v35 =	vld [tilespmem:$0xE80];
	v15 =	vsub.f32 v56, v4;
	v44 =	vadd.f32 v9, v7;
	v36 =	vmul.f32 $1.442695020e+00, v30;
	v7 =	vpop (erf)  }
0x1d9: {  	v9 =	vsub.f32 v16, v45;
	v45 =	vmul.f32 $1.442695020e+00, v37;
	v51 =	vpop (erf);
	(erf) = vpow2.f32 v48  }
0x1da: {  	v40 =	vld [tilespmem:$0xEB0];
	v58 =	vsub.f32 v58, v4;
	v11 =	vmul.f32 v51, v47;
	v54 =	vpop (erf);
	(erf) = vpow2.f32 v55  }
0x1db: {  	v8 =	vadd.f32 v10, v44;
	v10 =	vmul.f32 v13, v63;
	(erf) = vpow2.f32 v60  }
0x1dc: {  	v57 =	vmul.f32 v54, v52;
	v61 =	vpop (erf);
	v11 =	vsub.f32 v11, v51;
	(erf) = vpow2.f32 v29  }
0x1dd: {  	v39 =	vld [tilespmem:$0xEA0];
	v53 =	vadd.f32 v50, v8;
	v42 =	vmul.f32 $1.442695020e+00, v35;
	v22 =	vmul.f32 v61, v59  }
0x1de: {  	v8 =	vsub.f32 v57, v54;
	(erf) = vpow2.f32 v31;
	v11 =	vadd.f32 $0.0e+00, v11  }
0x1df: {  	v4 =	vsub.f32 v23, v4;
	v49 =	vmul.f32 $1.442695020e+00, v40;
	v28 =	vpop (erf);
	(erf) = vpow2.f32 v32  }
0x1e0: {  	v20 =	vmul.f32 v28, v20;
	v31 =	vld [tilespmem:$0xF00];
	v12 =	vsub.f32 v22, v61;
	v8 =	vadd.f32 v8, v11  }
0x1e1: {  	v10 =	vsub.f32 v10, v13;
	v3 =	vmul.f32 v7, v3;
	v6 =	vadd.f32 v9, v53  }
0x1e2: {  	v47 =	vmul.f32 $1.442695020e+00, v39;
	v11 =	vsub.f32 v20, v28;
	v8 =	vadd.f32 v12, v8;
	v33 =	vpop (erf)  }
0x1e3: {  	v3 =	vsub.f32 v3, v7;
	(erf) = vpow2.f32 v34;
	v18 =	vmul.f32 v33, v18;
	v38 =	vpop (erf)  }
0x1e4: {  	(erf) = vpow2.f32 v36;
	v11 =	vadd.f32 v11, v8;
	v17 =	vmul.f32 v38, v17;
	v41 =	vpop (erf);
	v8 =	vld [tilespmem:$0x1690]  }
0x1e5: {  	v63 =	vld [tilespmem:$0xEE0];
	(erf) = vpow2.f32 v42;
	v42 =	vmul.f32 $1.442695020e+00, v31;
	v12 =	vsub.f32 v18, v33;
	v46 =	vpop (erf)  }
0x1e6: {  	v52 =	vld [tilespmem:$0xEC0];
	v10 =	vadd.f32 v10, v6;
	v44 =	vmul.f32 v41, v21;
	v15 =	vmul.f32 v46, v15  }
0x1e7: {  	v60 =	vld [tilespmem:$0xED0];
	v43 =	vsub.f32 v17, v38;
	v48 =	vpop (erf);
	(erf) = vpow2.f32 v45;
	v11 =	vadd.f32 v12, v11  }
0x1e8: {  	v34 =	vld [tilespmem:$0xF10];
	v16 =	vsub.f32 v44, v41;
	v50 =	vpop (erf);
	(erf) = vpow2.f32 v47;
	v12 =	vsub.f32 v15, v46  }
0x1e9: {  	v13 =	vmul.f32 v48, v58;
	v11 =	vadd.f32 v43, v11;
	v24 =	vsub.f32 v62, v8  }
0x1ea: {  	v38 =	vld [tilespmem:$0xF20];
	v4 =	vmul.f32 v50, v4;
	v54 =	vsub.f32 v30, v8;
	v59 =	vsub.f32 v35, v8  }
0x1eb: {  	v62 =	vmul.f32 $1.442695020e+00, v52;
	v20 =	vsub.f32 v37, v8;
	v22 =	vsub.f32 v39, v8  }
0x1ec: {  	v19 =	vsub.f32 v40, v8;
	v13 =	vsub.f32 v13, v48;
	v37 =	vmul.f32 $1.442695020e+00, v60  }
0x1ed: {  	v46 =	vld [tilespmem:$0xF30];
	v40 =	vmul.f32 $1.442695020e+00, v63;
	v43 =	vmul.f32 $1.442695020e+00, v34;
	v9 =	vsub.f32 v52, v8  }
0x1ee: {  	v50 =	vsub.f32 v4, v50;
	v11 =	vadd.f32 v16, v11;
	v51 =	vpop (erf);
	(erf) = vpow2.f32 v49  }
0x1ef: {  	v4 =	vadd.f32 v3, v10;
	v10 =	vld [tilespmem:$0xF90];
	v45 =	vmul.f32 $1.442695020e+00, v38;
	v53 =	vmul.f32 v51, v24;
	v55 =	vpop (erf)  }
0x1f0: {  	v24 =	vld [tilespmem:$0xEF0];
	v11 =	vadd.f32 v12, v11;
	v57 =	vmul.f32 v55, v54;
	v61 =	vpop (erf);
	(erf) = vpow2.f32 v62  }
0x1f1: {  	v49 =	vld [tilespmem:$0xF40];
	v56 =	vsub.f32 v53, v51;
	v14 =	vmul.f32 v61, v59;
	(erf) = vpow2.f32 v37  }
0x1f2: {  	v51 =	vsub.f32 v60, v8;
	v53 =	vmul.f32 $1.442695020e+00, v46;
	v5 =	vsub.f32 v57, v55  }
0x1f3: {  	v54 =	vld [tilespmem:$0xF50];
	(erf) = vpow2.f32 v40;
	v48 =	vadd.f32 v13, v11;
	v6 =	vadd.f32 $0.0e+00, v56  }
0x1f4: {  	v30 =	vpop (erf);
	v57 =	vsub.f32 v63, v8;
	v40 =	vmul.f32 $1.442695020e+00, v10;
	v12 =	vsub.f32 v14, v61  }
0x1f5: {  	v32 =	vmul.f32 v30, v20;
	v33 =	vpop (erf);
	v41 =	vmul.f32 $1.442695020e+00, v24;
	v5 =	vadd.f32 v5, v6  }
0x1f6: {  	v60 =	vmul.f32 $1.442695020e+00, v49;
	v35 =	vmul.f32 v33, v22;
	v3 =	vadd.f32 v50, v48  }
0x1f7: {  	v61 =	vld [tilespmem:$0xF70];
	v6 =	vsub.f32 v32, v30;
	(erf) = vpow2.f32 v41;
	v5 =	vadd.f32 v12, v5  }
0x1f8: {  	v58 =	vld [tilespmem:$0xF60];
	v44 =	vsub.f32 v35, v33;
	v33 =	vmul.f32 $1.442695020e+00, v54;
	v36 =	vpop (erf);
	(erf) = vpow2.f32 v42  }
0x1f9: {  	v39 =	vmul.f32 v36, v19;
	(erf) = vpow2.f32 v43;
	v5 =	vadd.f32 v6, v5;
	v47 =	vpop (erf);
	v6 =	vld [tilespmem:$0x16A0]  }
0x1fa: {  	v8 =	vsub.f32 v24, v8;
	v42 =	vld [tilespmem:$0xFC0];
	(erf) = vpow2.f32 v45;
	v9 =	vmul.f32 v47, v9;
	v52 =	vpop (erf)  }
0x1fb: {  	v28 =	vld [tilespmem:$0xF80];
	v12 =	vsub.f32 v39, v36;
	v5 =	vadd.f32 v44, v5;
	v55 =	vmul.f32 v52, v51  }
0x1fc: {  	v37 =	vmul.f32 $1.442695020e+00, v61;
	v45 =	vld [tilespmem:$0xFD0];
	(erf) = vpow2.f32 v53;
	v9 =	vsub.f32 v9, v47  }
0x1fd: {  	v36 =	vmul.f32 $1.442695020e+00, v58;
	v56 =	vpop (erf);
	v5 =	vadd.f32 v12, v5;
	v7 =	vsub.f32 v55, v52  }
0x1fe: {  	v39 =	vld [tilespmem:$0xFB0];
	v62 =	vmul.f32 v56, v57;
	v16 =	vsub.f32 v31, v6;
	v26 =	vsub.f32 v34, v6  }
0x1ff: {  	v53 =	vld [tilespmem:$0xFE0];
	v48 =	vmul.f32 $1.442695020e+00, v42;
	v30 =	vsub.f32 v38, v6;
	v19 =	vsub.f32 v46, v6  }
0x200: {  	v38 =	vmul.f32 $1.442695020e+00, v28;
	v11 =	vsub.f32 v49, v6;
	v13 =	vsub.f32 v54, v6;
	v59 =	vpop (erf)  }
0x201: {  	v50 =	vmul.f32 $1.442695020e+00, v45;
	v15 =	vsub.f32 v58, v6;
	v21 =	vsub.f32 v28, v6;
	v63 =	vpop (erf)  }
0x202: {  	v34 =	vld [tilespmem:$0xFA0];
	v5 =	vadd.f32 v9, v5;
	v16 =	vmul.f32 v63, v16;
	v29 =	vpop (erf);
	(erf) = vpow2.f32 v60  }
0x203: {  	v9 =	vsub.f32 v62, v56;
	v47 =	vmul.f32 $1.442695020e+00, v39;
	(erf) = vpow2.f32 v33  }
0x204: {  	v62 =	vmul.f32 $1.442695020e+00, v53;
	v31 =	vmul.f32 v29, v26;
	v32 =	vpop (erf);
	v14 =	vsub.f32 v16, v63  }
0x205: {  	v55 =	vld [tilespmem:$0xFF0];
	v8 =	vmul.f32 v59, v8;
	v5 =	vadd.f32 v7, v5;
	v35 =	vmul.f32 v32, v30  }
0x206: {  	(erf) = vpow2.f32 v36;
	v63 =	vld [tilespmem:$0x1000];
	v7 =	vsub.f32 v31, v29;
	v14 =	vadd.f32 $0.0e+00, v14  }
0x207: {  	v8 =	vsub.f32 v8, v59;
	v41 =	vmul.f32 $1.442695020e+00, v34;
	v36 =	vld [tilespmem:$0x1040];
	(erf) = vpow2.f32 v37  }
0x208: {  	v25 =	vld [tilespmem:$0x1030];
	(erf) = vpow2.f32 v38;
	v43 =	vsub.f32 v35, v32;
	v7 =	vadd.f32 v7, v14  }
0x209: {  	v59 =	vsub.f32 v61, v6;
	v6 =	vsub.f32 v10, v6;
	v44 =	vpop (erf);
	v32 =	vld [tilespmem:$0x1010];
	(erf) = vpow2.f32 v40  }
0x20a: {  	v19 =	vmul.f32 v44, v19;
	(erf) = vpow2.f32 v41;
	v14 =	vadd.f32 v43, v7;
	v7 =	vld [tilespmem:$0x16B0]  }
0x20b: {  	v5 =	vadd.f32 v9, v5;
	v31 =	vmul.f32 $1.442695020e+00, v55;
	v38 =	vmul.f32 $1.442695020e+00, v63;
	v46 =	vpop (erf)  }
0x20c: {  	v16 =	vsub.f32 v19, v44;
	v44 =	vmul.f32 $1.442695020e+00, v36;
	v11 =	vmul.f32 v46, v11;
	v49 =	vpop (erf)  }
0x20d: {  	v5 =	vadd.f32 v8, v5;
	v43 =	vmul.f32 $1.442695020e+00, v25;
	v51 =	vmul.f32 v49, v13  }
0x20e: {  	(erf) = vpow2.f32 v47;
	v14 =	vadd.f32 v16, v14;
	v9 =	vsub.f32 v11, v46  }
0x20f: {  	v40 =	vmul.f32 $1.442695020e+00, v32;
	v52 =	vpop (erf);
	v11 =	vsub.f32 v51, v49;
	v58 =	vsub.f32 v34, v7  }
0x210: {  	(erf) = vpow2.f32 v48;
	v54 =	vpop (erf);
	v46 =	vld [tilespmem:$0x1070];
	v30 =	vsub.f32 v39, v7;
	v23 =	vsub.f32 v42, v7  }
0x211: {  	v57 =	vmul.f32 v52, v15;
	v56 =	vpop (erf);
	v34 =	vld [tilespmem:$0x1020];
	v12 =	vsub.f32 v45, v7;
	v19 =	vsub.f32 v53, v7  }
0x212: {  	(erf) = vpow2.f32 v50;
	v42 =	vld [tilespmem:$0x1050];
	v20 =	vsub.f32 v55, v7;
	v9 =	vadd.f32 v9, v14;
	v15 =	vpop (erf)  }
0x213: {  	v45 =	vld [tilespmem:$0x1060];
	v8 =	vsub.f32 v57, v52;
	v21 =	vmul.f32 v56, v21;
	v60 =	vpop (erf);
	(erf) = vpow2.f32 v62  }
0x214: {  	v6 =	vmul.f32 v15, v6;
	v9 =	vadd.f32 v11, v9;
	v61 =	vmul.f32 v60, v58  }
0x215: {  	v11 =	vmul.f32 v54, v59;
	v14 =	vsub.f32 v21, v56;
	v59 =	vsub.f32 v32, v7  }
0x216: {  	v55 =	vmul.f32 $1.442695020e+00, v46;
	v6 =	vsub.f32 v6, v15;
	v13 =	vsub.f32 v61, v60  }
0x217: {  	v56 =	vld [tilespmem:$0x1080];
	v33 =	vpop (erf);
	(erf) = vpow2.f32 v31;
	v8 =	vadd.f32 v8, v9;
	v41 =	vmul.f32 $1.442695020e+00, v34  }
0x218: {  	v11 =	vsub.f32 v11, v54;
	v50 =	vmul.f32 $1.442695020e+00, v42;
	v53 =	vmul.f32 $1.442695020e+00, v45  }
0x219: {  	v54 =	vsub.f32 v63, v7;
	v61 =	vld [tilespmem:$0x1090];
	v31 =	vsub.f32 v34, v7;
	v24 =	vmul.f32 v33, v30  }
0x21a: {  	v13 =	vadd.f32 $0.0e+00, v13;
	v35 =	vpop (erf);
	(erf) = vpow2.f32 v38;
	v11 =	vadd.f32 v11, v8  }
0x21b: {  	v8 =	vld [tilespmem:$0x16C0];
	v18 =	vsub.f32 v24, v33;
	v23 =	vmul.f32 v35, v23;
	v37 =	vpop (erf);
	(erf) = vpow2.f32 v40  }
0x21c: {  	v7 =	vsub.f32 v25, v7;
	v33 =	vmul.f32 $1.442695020e+00, v56;
	v39 =	vmul.f32 v37, v12  }
0x21d: {  	v38 =	vld [tilespmem:$0x10B0];
	(erf) = vpow2.f32 v41;
	v11 =	vadd.f32 v14, v11;
	v13 =	vadd.f32 v18, v13  }
0x21e: {  	v23 =	vsub.f32 v23, v35;
	(erf) = vpow2.f32 v43;
	v41 =	vmul.f32 $1.442695020e+00, v61  }
0x21f: {  	v21 =	vld [tilespmem:$0x10D0];
	v9 =	vsub.f32 v39, v37;
	v47 =	vpop (erf);
	(erf) = vpow2.f32 v44;
	v6 =	vadd.f32 v6, v11  }
0x220: {  	v13 =	vadd.f32 v23, v13;
	v48 =	vmul.f32 v47, v19;
	v30 =	vsub.f32 v36, v8;
	v36 =	vld [tilespmem:$0x10A0]  }
0x221: {  	(erf) = vpow2.f32 v50;
	v37 =	vsub.f32 v42, v8;
	v42 =	vld [tilespmem:$0x10C0];
	v18 =	vsub.f32 v45, v8  }
0x222: {  	v12 =	vsub.f32 v46, v8;
	v45 =	vld [tilespmem:$0x10E0];
	v50 =	vmul.f32 $1.442695020e+00, v38;
	v22 =	vsub.f32 v56, v8  }
0x223: {  	v49 =	vpop (erf);
	v9 =	vadd.f32 v9, v13;
	v52 =	vsub.f32 v48, v47;
	(erf) = vpow2.f32 v53  }
0x224: {  	v14 =	vsub.f32 v61, v8;
	v53 =	vmul.f32 $1.442695020e+00, v21;
	v51 =	vmul.f32 v49, v20;
	v57 =	vpop (erf)  }
0x225: {  	v9 =	vadd.f32 v52, v9;
	v10 =	vmul.f32 v57, v54;
	v58 =	vpop (erf);
	(erf) = vpow2.f32 v55  }
0x226: {  	v13 =	vsub.f32 v51, v49;
	v48 =	vmul.f32 $1.442695020e+00, v36;
	v51 =	vmul.f32 $1.442695020e+00, v42  }
0x227: {  	v52 =	vld [tilespmem:$0x1100];
	v54 =	vmul.f32 $1.442695020e+00, v45;
	v61 =	vsub.f32 v36, v8;
	v60 =	vpop (erf);
	v62 =	vmul.f32 v58, v59  }
0x228: {  	v49 =	vld [tilespmem:$0x10F0];
	v9 =	vadd.f32 v13, v9;
	v10 =	vsub.f32 v10, v57;
	v63 =	vpop (erf);
	v15 =	vmul.f32 v60, v31  }
0x229: {  	v32 =	vpop (erf);
	v34 =	vsub.f32 v62, v58;
	(erf) = vpow2.f32 v33;
	v33 =	vsub.f32 v38, v8  }
0x22a: {  	v36 =	vld [tilespmem:$0x1130];
	v7 =	vmul.f32 v63, v7;
	v38 =	vsub.f32 v42, v8;
	v8 =	vsub.f32 v21, v8  }
0x22b: {  	v9 =	vadd.f32 v10, v9;
	v35 =	vmul.f32 v32, v30;
	v40 =	vpop (erf);
	v13 =	vsub.f32 v15, v60  }
0x22c: {  	v58 =	vmul.f32 $1.442695020e+00, v52;
	v60 =	vld [tilespmem:$0x1110];
	v43 =	vmul.f32 v40, v37;
	v7 =	vsub.f32 v7, v63  }
0x22d: {  	v28 =	vld [tilespmem:$0x1160];
	v56 =	vmul.f32 $1.442695020e+00, v49;
	v9 =	vadd.f32 v34, v9;
	v39 =	vsub.f32 v35, v32;
	v44 =	vpop (erf)  }
0x22e: {  	v63 =	vld [tilespmem:$0x1120];
	(erf) = vpow2.f32 v41;
	v15 =	vsub.f32 v43, v40;
	v46 =	vmul.f32 v44, v18  }
0x22f: {  	(erf) = vpow2.f32 v48;
	v40 =	vld [tilespmem:$0x1140];
	v48 =	vmul.f32 $1.442695020e+00, v36;
	v10 =	vadd.f32 $0.0e+00, v39  }
0x230: {  	(erf) = vpow2.f32 v50;
	v13 =	vadd.f32 v13, v9;
	v9 =	vld [tilespmem:$0x16D0];
	v16 =	vsub.f32 v46, v44  }
0x231: {  	v47 =	vpop (erf);
	(erf) = vpow2.f32 v51;
	v35 =	vmul.f32 $1.442695020e+00, v60;
	v10 =	vadd.f32 v15, v10  }
0x232: {  	v43 =	vld [tilespmem:$0x1150];
	v12 =	vmul.f32 v47, v12;
	(erf) = vpow2.f32 v53;
	v7 =	vadd.f32 v7, v13  }
0x233: {  	v46 =	vmul.f32 $1.442695020e+00, v63;
	v53 =	vmul.f32 $1.442695020e+00, v28;
	v10 =	vadd.f32 v16, v10  }
0x234: {  	v55 =	vpop (erf);
	v12 =	vsub.f32 v12, v47;
	(erf) = vpow2.f32 v54;
	v51 =	vmul.f32 $1.442695020e+00, v40  }
0x235: {  	v29 =	vld [tilespmem:$0x1170];
	v57 =	vmul.f32 v55, v22;
	v17 =	vsub.f32 v45, v9;
	v42 =	vsub.f32 v49, v9  }
0x236: {  	(erf) = vpow2.f32 v56;
	v27 =	vsub.f32 v52, v9;
	v49 =	vld [tilespmem:$0x1180];
	v22 =	vsub.f32 v60, v9  }
0x237: {  	v54 =	vld [tilespmem:$0x1190];
	v52 =	vmul.f32 $1.442695020e+00, v43;
	v10 =	vadd.f32 v12, v10;
	v59 =	vpop (erf);
	v16 =	vsub.f32 v57, v55  }
0x238: {  	v19 =	vsub.f32 v36, v9;
	(erf) = vpow2.f32 v58;
	v14 =	vmul.f32 v59, v14;
	v62 =	vpop (erf)  }
0x239: {  	v28 =	vsub.f32 v28, v9;
	v58 =	vld [tilespmem:$0x11A0];
	v10 =	vadd.f32 v16, v10;
	v31 =	vmul.f32 v62, v61  }
0x23a: {  	v55 =	vmul.f32 $1.442695020e+00, v29;
	v32 =	vpop (erf);
	v61 =	vsub.f32 v63, v9;
	v12 =	vsub.f32 v14, v59  }
0x23b: {  	v63 =	vld [tilespmem:$0x11B0];
	v34 =	vpop (erf);
	v37 =	vmul.f32 v32, v33;
	v56 =	vmul.f32 $1.442695020e+00, v49;
	v11 =	vsub.f32 v31, v62  }
0x23c: {  	v39 =	vpop (erf);
	v44 =	vmul.f32 v34, v38;
	v62 =	vmul.f32 $1.442695020e+00, v54;
	v10 =	vadd.f32 v12, v10  }
0x23d: {  	v14 =	vsub.f32 v37, v32;
	v8 =	vmul.f32 v39, v8;
	v41 =	vpop (erf);
	(erf) = vpow2.f32 v35  }
0x23e: {  	v26 =	vmul.f32 $1.442695020e+00, v58;
	v10 =	vadd.f32 v11, v10;
	v11 =	vsub.f32 v44, v34  }
0x23f: {  	v31 =	vld [tilespmem:$0x11C0];
	v45 =	vpop (erf);
	v17 =	vmul.f32 v41, v17;
	v8 =	vsub.f32 v8, v39;
	v34 =	vsub.f32 v40, v9  }
0x240: {  	v36 =	vmul.f32 $1.442695020e+00, v63;
	v40 =	vsub.f32 v43, v9;
	v25 =	vmul.f32 v45, v42  }
0x241: {  	v47 =	vpop (erf);
	(erf) = vpow2.f32 v46;
	v17 =	vsub.f32 v17, v41;
	v14 =	vadd.f32 v14, v10;
	v10 =	vld [tilespmem:$0x16E0]  }
0x242: {  	v9 =	vsub.f32 v29, v9;
	v50 =	vmul.f32 v47, v27;
	(erf) = vpow2.f32 v48  }
0x243: {  	v18 =	vsub.f32 v25, v45;
	v17 =	vadd.f32 $0.0e+00, v17;
	(erf) = vpow2.f32 v51  }
0x244: {  	v39 =	vld [tilespmem:$0x11D0];
	v42 =	vmul.f32 $1.442695020e+00, v31;
	v11 =	vadd.f32 v11, v14;
	(erf) = vpow2.f32 v52  }
0x245: {  	v45 =	vld [tilespmem:$0x11E0];
	v59 =	vsub.f32 v50, v47;
	(erf) = vpow2.f32 v53;
	v17 =	vadd.f32 v18, v17  }
0x246: {  	v50 =	vld [tilespmem:$0x1200];
	v8 =	vadd.f32 v8, v11;
	(erf) = vpow2.f32 v55;
	v38 =	vsub.f32 v49, v10;
	v57 =	vpop (erf)  }
0x247: {  	v46 =	vsub.f32 v54, v10;
	v21 =	vsub.f32 v58, v10;
	v60 =	vmul.f32 v57, v22  }
0x248: {  	v53 =	vld [tilespmem:$0x1220];
	v55 =	vsub.f32 v63, v10;
	v20 =	vsub.f32 v31, v10;
	(erf) = vpow2.f32 v56  }
0x249: {  	v49 =	vmul.f32 $1.442695020e+00, v39;
	v58 =	vld [tilespmem:$0x1230];
	v17 =	vadd.f32 v59, v17;
	v15 =	vsub.f32 v60, v57  }
0x24a: {  	v16 =	vsub.f32 v39, v10;
	v52 =	vmul.f32 $1.442695020e+00, v45;
	v24 =	vpop (erf);
	(erf) = vpow2.f32 v62  }
0x24b: {  	v59 =	vmul.f32 $1.442695020e+00, v50;
	v12 =	vmul.f32 v24, v61;
	v25 =	vpop (erf);
	v15 =	vadd.f32 v15, v17;
	v17 =	vld [tilespmem:$0x11F0]  }
0x24c: {  	v18 =	vsub.f32 v45, v10;
	v32 =	vmul.f32 v25, v19;
	v33 =	vpop (erf);
	(erf) = vpow2.f32 v26;
	v26 =	vld [tilespmem:$0x1210]  }
0x24d: {  	v62 =	vmul.f32 $1.442695020e+00, v53;
	v12 =	vsub.f32 v12, v24;
	v37 =	vmul.f32 v33, v34  }
0x24e: {  	v35 =	vpop (erf);
	(erf) = vpow2.f32 v36;
	v34 =	vmul.f32 $1.442695020e+00, v58;
	v14 =	vsub.f32 v32, v25  }
0x24f: {  	v11 =	vmul.f32 v35, v40;
	v12 =	vadd.f32 v12, v15;
	v15 =	vpop (erf);
	(erf) = vpow2.f32 v42  }
0x250: {  	v63 =	vld [tilespmem:$0x1240];
	v25 =	vsub.f32 v50, v10;
	v43 =	vsub.f32 v37, v33;
	v19 =	vpop (erf);
	(erf) = vpow2.f32 v49  }
0x251: {  	v11 =	vsub.f32 v11, v35;
	v57 =	vmul.f32 $1.442695020e+00, v17;
	v60 =	vmul.f32 $1.442695020e+00, v26;
	v41 =	vpop (erf)  }
0x252: {  	v37 =	vld [tilespmem:$0x1250];
	v12 =	vadd.f32 v14, v12;
	v35 =	vmul.f32 v15, v28;
	v44 =	vmul.f32 v41, v38  }
0x253: {  	v17 =	vsub.f32 v17, v10;
	v10 =	vsub.f32 v26, v10;
	(erf) = vpow2.f32 v52;
	v47 =	vpop (erf)  }
0x254: {  	v40 =	vld [tilespmem:$0x1260];
	(erf) = vpow2.f32 v57;
	v48 =	vmul.f32 v47, v46;
	v13 =	vsub.f32 v44, v41  }
0x255: {  	v9 =	vmul.f32 v19, v9;
	v12 =	vadd.f32 v43, v12;
	v38 =	vmul.f32 $1.442695020e+00, v63;
	v51 =	vpop (erf)  }
0x256: {  	v14 =	vsub.f32 v48, v47;
	v54 =	vmul.f32 v51, v21;
	v13 =	vadd.f32 $0.0e+00, v13  }
0x257: {  	v42 =	vld [tilespmem:$0x1270];
	v12 =	vadd.f32 v11, v12;
	v44 =	vmul.f32 $1.442695020e+00, v37;
	v56 =	vpop (erf);
	(erf) = vpow2.f32 v59  }
0x258: {  	v29 =	vld [tilespmem:$0x12A0];
	v21 =	vmul.f32 v56, v55;
	v11 =	vsub.f32 v54, v51;
	v13 =	vadd.f32 v14, v13  }
0x259: {  	v15 =	vsub.f32 v35, v15;
	v47 =	vmul.f32 $1.442695020e+00, v40;
	v61 =	vpop (erf);
	(erf) = vpow2.f32 v60  }
0x25a: {  	v48 =	vld [tilespmem:$0x1280];
	v14 =	vsub.f32 v21, v56;
	(erf) = vpow2.f32 v62;
	v11 =	vadd.f32 v11, v13  }
0x25b: {  	v9 =	vsub.f32 v9, v19;
	v59 =	vld [tilespmem:$0x12D0];
	v33 =	vmul.f32 v61, v20;
	v36 =	vpop (erf);
	(erf) = vpow2.f32 v34  }
0x25c: {  	v12 =	vadd.f32 v15, v12;
	v51 =	vmul.f32 $1.442695020e+00, v42;
	v39 =	vpop (erf);
	v14 =	vadd.f32 v14, v11;
	v11 =	vld [tilespmem:$0x16F0]  }
0x25d: {  	v60 =	vmul.f32 $1.442695020e+00, v29;
	v16 =	vmul.f32 v36, v16;
	v13 =	vsub.f32 v33, v61;
	v41 =	vpop (erf)  }
0x25e: {  	v49 =	vld [tilespmem:$0x1290];
	v9 =	vadd.f32 v9, v12;
	v18 =	vmul.f32 v39, v18;
	v17 =	vmul.f32 v41, v17  }
0x25f: {  	v54 =	vld [tilespmem:$0x12C0];
	v56 =	vmul.f32 $1.442695020e+00, v48;
	v16 =	vsub.f32 v16, v36;
	v13 =	vadd.f32 v13, v14  }
0x260: {  	(erf) = vpow2.f32 v38;
	v14 =	vsub.f32 v18, v39;
	v15 =	vsub.f32 v17, v41  }
0x261: {  	v33 =	vmul.f32 $1.442695020e+00, v59;
	v43 =	vpop (erf);
	v13 =	vadd.f32 v16, v13;
	v45 =	vsub.f32 v53, v11  }
0x262: {  	v25 =	vmul.f32 v43, v25;
	v22 =	vpop (erf);
	v24 =	vsub.f32 v58, v11;
	v53 =	vsub.f32 v63, v11  }
0x263: {  	v58 =	vmul.f32 $1.442695020e+00, v49;
	v20 =	vsub.f32 v37, v11;
	v46 =	vpop (erf);
	(erf) = vpow2.f32 v44  }
0x264: {  	v36 =	vld [tilespmem:$0x12E0];
	v63 =	vmul.f32 $1.442695020e+00, v54;
	v21 =	vsub.f32 v40, v11;
	v50 =	vpop (erf);
	(erf) = vpow2.f32 v47  }
0x265: {  	v19 =	vsub.f32 v42, v11;
	v34 =	vsub.f32 v25, v43;
	v52 =	vmul.f32 v50, v24;
	v24 =	vld [tilespmem:$0x12B0]  }
0x266: {  	v13 =	vadd.f32 v14, v13;
	v10 =	vmul.f32 v22, v10;
	(erf) = vpow2.f32 v51  }
0x267: {  	v38 =	vld [tilespmem:$0x12F0];
	v37 =	vsub.f32 v48, v11;
	v12 =	vmul.f32 v46, v45;
	(erf) = vpow2.f32 v56  }
0x268: {  	v42 =	vsub.f32 v49, v11;
	v13 =	vadd.f32 v15, v13;
	(erf) = vpow2.f32 v58  }
0x269: {  	v28 =	vld [tilespmem:$0x1320];
	v45 =	vmul.f32 $1.442695020e+00, v36;
	v55 =	vpop (erf);
	v10 =	vsub.f32 v10, v22;
	v12 =	vsub.f32 v12, v46  }
0x26a: {  	v30 =	vld [tilespmem:$0x1330];
	v57 =	vmul.f32 v55, v53;
	v14 =	vsub.f32 v52, v50;
	v61 =	vmul.f32 $1.442695020e+00, v24  }
0x26b: {  	v46 =	vld [tilespmem:$0x1310];
	v13 =	vadd.f32 v34, v13;
	v12 =	vadd.f32 $0.0e+00, v12;
	(erf) = vpow2.f32 v60  }
0x26c: {  	v50 =	vmul.f32 $1.442695020e+00, v38;
	v17 =	vsub.f32 v57, v55;
	v62 =	vpop (erf);
	(erf) = vpow2.f32 v61  }
0x26d: {  	v12 =	vadd.f32 v14, v12;
	v20 =	vmul.f32 v62, v20;
	v31 =	vpop (erf);
	(erf) = vpow2.f32 v63  }
0x26e: {  	v32 =	vld [tilespmem:$0x1350];
	v58 =	vmul.f32 $1.442695020e+00, v28;
	v10 =	vadd.f32 v10, v13;
	v21 =	vmul.f32 v31, v21  }
0x26f: {  	v57 =	vld [tilespmem:$0x1360];
	v60 =	vmul.f32 $1.442695020e+00, v30;
	v12 =	vadd.f32 v17, v12;
	v35 =	vpop (erf);
	v20 =	vsub.f32 v20, v62  }
0x270: {  	v56 =	vmul.f32 $1.442695020e+00, v46;
	v61 =	vsub.f32 v29, v11;
	v39 =	vpop (erf);
	v17 =	vsub.f32 v21, v31;
	v31 =	vld [tilespmem:$0x1340]  }
0x271: {  	(erf) = vpow2.f32 v33;
	v19 =	vmul.f32 v35, v19;
	v41 =	vpop (erf);
	v20 =	vadd.f32 v20, v12;
	v12 =	vld [tilespmem:$0x1700]  }
0x272: {  	v43 =	vld [tilespmem:$0x1300];
	v11 =	vsub.f32 v24, v11;
	v40 =	vmul.f32 v39, v37;
	v47 =	vmul.f32 v41, v42  }
0x273: {  	v63 =	vmul.f32 $1.442695020e+00, v32;
	v16 =	vsub.f32 v19, v35;
	v17 =	vadd.f32 v17, v20  }
0x274: {  	v24 =	vld [tilespmem:$0x13C0];
	v29 =	vmul.f32 $1.442695020e+00, v57;
	v44 =	vpop (erf);
	v15 =	vsub.f32 v40, v39;
	v19 =	vsub.f32 v47, v41  }
0x275: {  	v16 =	vadd.f32 v16, v17;
	v48 =	vpop (erf);
	(erf) = vpow2.f32 v45;
	v62 =	vmul.f32 $1.442695020e+00, v31  }
0x276: {  	v18 =	vsub.f32 v54, v12;
	v49 =	vpop (erf);
	v52 =	vsub.f32 v59, v12;
	(erf) = vpow2.f32 v50  }
0x277: {  	v54 =	vmul.f32 $1.442695020e+00, v43;
	v14 =	vsub.f32 v36, v12;
	v23 =	vsub.f32 v38, v12  }
0x278: {  	v36 =	vmul.f32 v44, v61;
	v11 =	vmul.f32 v48, v11;
	v40 =	vsub.f32 v43, v12  }
0x279: {  	v45 =	vld [tilespmem:$0x1390];
	v46 =	vsub.f32 v46, v12;
	v50 =	vsub.f32 v28, v12;
	v61 =	vmul.f32 $1.442695020e+00, v24  }
0x27a: {  	v59 =	vld [tilespmem:$0x1370];
	v15 =	vadd.f32 v15, v16;
	v53 =	vpop (erf);
	v51 =	vmul.f32 v49, v18;
	(erf) = vpow2.f32 v54  }
0x27b: {  	v55 =	vmul.f32 v53, v52;
	v18 =	vld [tilespmem:$0x1380];
	v17 =	vsub.f32 v36, v44;
	(erf) = vpow2.f32 v56  }
0x27c: {  	v11 =	vsub.f32 v11, v48;
	v16 =	vsub.f32 v51, v49;
	(erf) = vpow2.f32 v58  }
0x27d: {  	v15 =	vadd.f32 v19, v15;
	v13 =	vsub.f32 v55, v53;
	(erf) = vpow2.f32 v60  }
0x27e: {  	v51 =	vld [tilespmem:$0x13B0];
	v56 =	vmul.f32 $1.442695020e+00, v45;
	v16 =	vadd.f32 $0.0e+00, v16;
	(erf) = vpow2.f32 v62  }
0x27f: {  	v35 =	vmul.f32 $1.442695020e+00, v59;
	v15 =	vadd.f32 v17, v15;
	(erf) = vpow2.f32 v63;
	v34 =	vpop (erf)  }
0x280: {  	v48 =	vmul.f32 $1.442695020e+00, v18;
	v16 =	vadd.f32 v13, v16;
	v13 =	vld [tilespmem:$0x1710];
	v14 =	vmul.f32 v34, v14;
	v37 =	vpop (erf)  }
0x281: {  	v49 =	vld [tilespmem:$0x13A0];
	v62 =	vsub.f32 v30, v12;
	(erf) = vpow2.f32 v29;
	v38 =	vmul.f32 v37, v23  }
0x282: {  	v11 =	vadd.f32 v11, v15;
	(erf) = vpow2.f32 v35;
	v14 =	vsub.f32 v14, v34  }
0x283: {  	v60 =	vmul.f32 $1.442695020e+00, v51;
	v39 =	vpop (erf);
	(erf) = vpow2.f32 v48;
	v41 =	vsub.f32 v38, v37  }
0x284: {  	v43 =	vmul.f32 v39, v40;
	v40 =	vsub.f32 v31, v12;
	v14 =	vadd.f32 v14, v16  }
0x285: {  	v34 =	vld [tilespmem:$0x13D0];
	v42 =	vpop (erf);
	(erf) = vpow2.f32 v56;
	v33 =	vsub.f32 v57, v13;
	v26 =	vsub.f32 v59, v13  }
0x286: {  	v16 =	vmul.f32 v42, v46;
	v18 =	vsub.f32 v18, v13;
	v48 =	vsub.f32 v49, v13  }
0x287: {  	v44 =	vpop (erf);
	v59 =	vmul.f32 $1.442695020e+00, v49;
	v51 =	vsub.f32 v51, v13;
	v24 =	vsub.f32 v24, v13  }
0x288: {  	v57 =	vld [tilespmem:$0x13E0];
	v47 =	vpop (erf);
	v17 =	vsub.f32 v43, v39;
	v52 =	vmul.f32 v44, v50;
	v14 =	vadd.f32 v41, v14  }
0x289: {  	v49 =	vld [tilespmem:$0x1400];
	v27 =	vpop (erf);
	v16 =	vsub.f32 v16, v42;
	(erf) = vpow2.f32 v59;
	v35 =	vmul.f32 v47, v62  }
0x28a: {  	v42 =	vsub.f32 v45, v13;
	v29 =	vpop (erf);
	(erf) = vpow2.f32 v60;
	v63 =	vmul.f32 $1.442695020e+00, v34  }
0x28b: {  	v43 =	vmul.f32 v27, v40;
	v14 =	vadd.f32 v17, v14;
	v53 =	vpop (erf);
	v17 =	vsub.f32 v52, v44  }
0x28c: {  	(erf) = vpow2.f32 v61;
	v39 =	vsub.f32 v35, v47;
	v54 =	vmul.f32 v53, v33  }
0x28d: {  	v44 =	vsub.f32 v32, v12;
	v12 =	vld [tilespmem:$0x1720];
	v55 =	vpop (erf);
	v30 =	vmul.f32 $1.442695020e+00, v57;
	(erf) = vpow2.f32 v63  }
0x28e: {  	v52 =	vld [tilespmem:$0x1410];
	v57 =	vsub.f32 v57, v13;
	v62 =	vmul.f32 $1.442695020e+00, v49;
	v58 =	vmul.f32 v55, v26  }
0x28f: {  	v31 =	vld [tilespmem:$0x1420];
	v27 =	vsub.f32 v43, v27;
	v14 =	vadd.f32 v16, v14;
	v20 =	vmul.f32 v29, v44  }
0x290: {  	v36 =	vld [tilespmem:$0x1440];
	v19 =	vsub.f32 v54, v53;
	v38 =	vpop (erf);
	(erf) = vpow2.f32 v30;
	v15 =	vsub.f32 v58, v55  }
0x291: {  	v14 =	vadd.f32 v17, v14;
	v18 =	vmul.f32 v38, v18;
	v45 =	vpop (erf);
	v55 =	vsub.f32 v34, v13;
	v34 =	vld [tilespmem:$0x1430]  }
0x292: {  	v20 =	vsub.f32 v20, v29;
	v37 =	vadd.f32 $0.0e+00, v19;
	v19 =	vld [tilespmem:$0x13F0];
	v46 =	vmul.f32 v45, v42  }
0x293: {  	v17 =	vld [tilespmem:$0x1470];
	v63 =	vmul.f32 $1.442695020e+00, v52;
	v23 =	vsub.f32 v49, v12;
	v28 =	vsub.f32 v52, v12  }
0x294: {  	v41 =	vsub.f32 v18, v38;
	v14 =	vadd.f32 v39, v14;
	v39 =	vmul.f32 $1.442695020e+00, v31;
	v47 =	vpop (erf)  }
0x295: {  	v15 =	vadd.f32 v15, v37;
	v16 =	vsub.f32 v46, v45;
	v50 =	vpop (erf);
	v53 =	vmul.f32 v47, v48  }
0x296: {  	v38 =	vld [tilespmem:$0x1460];
	v27 =	vadd.f32 v27, v14;
	v26 =	vmul.f32 v50, v51;
	v40 =	vmul.f32 $1.442695020e+00, v34  }
0x297: {  	v37 =	vld [tilespmem:$0x1450];
	v15 =	vadd.f32 v41, v15;
	v54 =	vpop (erf);
	v41 =	vmul.f32 $1.442695020e+00, v36;
	v60 =	vmul.f32 $1.442695020e+00, v19  }
0x298: {  	v44 =	vmul.f32 $1.442695020e+00, v17;
	v17 =	vsub.f32 v17, v12;
	v24 =	vmul.f32 v54, v24  }
0x299: {  	v32 =	vld [tilespmem:$0x14C0];
	v56 =	vpop (erf);
	v18 =	vsub.f32 v53, v47;
	v15 =	vadd.f32 v16, v15;
	(erf) = vpow2.f32 v60  }
0x29a: {  	v14 =	vld [tilespmem:$0x1490];
	v13 =	vsub.f32 v19, v13;
	v58 =	vmul.f32 v56, v55;
	(erf) = vpow2.f32 v62  }
0x29b: {  	v43 =	vmul.f32 $1.442695020e+00, v38;
	v18 =	vadd.f32 v18, v15;
	v15 =	vld [tilespmem:$0x1480];
	(erf) = vpow2.f32 v63  }
0x29c: {  	v33 =	vld [tilespmem:$0x1730];
	v25 =	vsub.f32 v26, v50;
	v59 =	vpop (erf);
	v42 =	vmul.f32 $1.442695020e+00, v37;
	(erf) = vpow2.f32 v39  }
0x29d: {  	v22 =	vsub.f32 v24, v54;
	v61 =	vmul.f32 v59, v57;
	(erf) = vpow2.f32 v40  }
0x29e: {  	v26 =	vld [tilespmem:$0x14A0];
	v16 =	vsub.f32 v58, v56;
	v18 =	vadd.f32 v25, v18;
	(erf) = vpow2.f32 v41  }
0x29f: {  	v24 =	vld [tilespmem:$0x14B0];
	v46 =	vmul.f32 $1.442695020e+00, v14;
	v56 =	vsub.f32 v31, v12;
	(erf) = vpow2.f32 v42  }
0x2a0: {  	v18 =	vadd.f32 v22, v18;
	v45 =	vmul.f32 $1.442695020e+00, v15;
	(erf) = vpow2.f32 v43  }
0x2a1: {  	v58 =	vmul.f32 $1.442695020e+00, v32;
	v32 =	vsub.f32 v32, v33;
	(erf) = vpow2.f32 v44  }
0x2a2: {  	v21 =	vsub.f32 v61, v59;
	v18 =	vadd.f32 v16, v18;
	v47 =	vpop (erf);
	(erf) = vpow2.f32 v45  }
0x2a3: {  	v61 =	vsub.f32 v34, v12;
	v48 =	vmul.f32 $1.442695020e+00, v26;
	v26 =	vsub.f32 v26, v33;
	v49 =	vpop (erf)  }
0x2a4: {  	v52 =	vmul.f32 $1.442695020e+00, v24;
	v18 =	vadd.f32 v21, v18;
	v21 =	vld [tilespmem:$0x14D0];
	(erf) = vpow2.f32 v46;
	v50 =	vpop (erf)  }
0x2a5: {  	v15 =	vsub.f32 v15, v12;
	v13 =	vmul.f32 v47, v13;
	(erf) = vpow2.f32 v48;
	v51 =	vpop (erf)  }
0x2a6: {  	v16 =	vadd.f32 v20, v27;
	v23 =	vmul.f32 v49, v23;
	v55 =	vmul.f32 v50, v28;
	v28 =	vld [tilespmem:$0x14E0];
	v53 =	vpop (erf)  }
0x2a7: {  	v29 =	vld [tilespmem:$0x14F0];
	v45 =	vsub.f32 v36, v12;
	(erf) = vpow2.f32 v52;
	v13 =	vsub.f32 v13, v47;
	v57 =	vpop (erf)  }
0x2a8: {  	v54 =	vsub.f32 v23, v49;
	v60 =	vmul.f32 v51, v56;
	(erf) = vpow2.f32 v58;
	v59 =	vpop (erf)  }
0x2a9: {  	v49 =	vsub.f32 v37, v12;
	v23 =	vsub.f32 v55, v50;
	v62 =	vmul.f32 $1.442695020e+00, v21;
	v34 =	vpop (erf)  }
0x2aa: {  	v63 =	vmul.f32 v53, v61;
	v50 =	vsub.f32 v24, v33;
	v21 =	vsub.f32 v21, v33;
	v20 =	vpop (erf)  }
0x2ab: {  	v48 =	vld [tilespmem:$0x1500];
	v19 =	vadd.f32 $0.0e+00, v54;
	v44 =	vmul.f32 $1.442695020e+00, v28;
	v39 =	vpop (erf);
	(erf) = vpow2.f32 v62  }
0x2ac: {  	v22 =	vsub.f32 v60, v51;
	v51 =	vmul.f32 $1.442695020e+00, v29;
	v46 =	vsub.f32 v63, v53  }
0x2ad: {  	v53 =	vld [tilespmem:$0x1510];
	v19 =	vadd.f32 v23, v19;
	v23 =	vmul.f32 v57, v45;
	v40 =	vpop (erf);
	(erf) = vpow2.f32 v44  }
0x2ae: {  	v29 =	vsub.f32 v29, v33;
	v30 =	vmul.f32 v59, v49;
	v28 =	vsub.f32 v28, v33;
	v47 =	vpop (erf)  }
0x2af: {  	v23 =	vsub.f32 v23, v57;
	v57 =	vld [tilespmem:$0x1520];
	(erf) = vpow2.f32 v51;
	v26 =	vmul.f32 v47, v26  }
0x2b0: {  	v56 =	vmul.f32 $1.442695020e+00, v48;
	v54 =	vsub.f32 v30, v59;
	v59 =	vld [tilespmem:$0x1530];
	v62 =	vsub.f32 v38, v12;
	v52 =	vpop (erf)  }
0x2b1: {  	v19 =	vadd.f32 v22, v19;
	v22 =	vmul.f32 v52, v50;
	v25 =	vsub.f32 v26, v47  }
0x2b2: {  	v44 =	vsub.f32 v48, v33;
	(erf) = vpow2.f32 v56;
	v61 =	vmul.f32 $1.442695020e+00, v53;
	v55 =	vpop (erf)  }
0x2b3: {  	v58 =	vmul.f32 v55, v32;
	v22 =	vsub.f32 v22, v52;
	v25 =	vadd.f32 $0.0e+00, v25  }
0x2b4: {  	v19 =	vadd.f32 v46, v19;
	v32 =	vmul.f32 $1.442695020e+00, v57;
	v60 =	vpop (erf);
	(erf) = vpow2.f32 v61  }
0x2b5: {  	v37 =	vmul.f32 $1.442695020e+00, v59;
	v24 =	vsub.f32 v58, v55;
	v22 =	vadd.f32 v22, v25  }
0x2b6: {  	v51 =	vsub.f32 v53, v33;
	v21 =	vmul.f32 v60, v21;
	v63 =	vpop (erf);
	(erf) = vpow2.f32 v32  }
0x2b7: {  	v56 =	vsub.f32 v14, v12;
	v22 =	vadd.f32 v24, v22  }
0x2b8: {  	v28 =	vmul.f32 v63, v28;
	v41 =	vpop (erf);
	(erf) = vpow2.f32 v37;
	v21 =	vsub.f32 v21, v60  }
0x2b9: {  	[tilespmem:$0x1840] =	vst v0;
	v50 =	vmul.f32 v20, v17;
	v19 =	vadd.f32 v23, v19;
	v47 =	vadd.f32 v13, v18  }
0x2ba: {  	[tilespmem:$0x1850] =	vst v1;
	v42 =	vmul.f32 v41, v29;
	v38 =	vsub.f32 v28, v63;
	v21 =	vadd.f32 v21, v22  }
0x2bb: {  	[tilespmem:$0x1870] =	vst v4;
	v36 =	vmul.f32 v34, v62;
	v4 =	vsub.f32 v50, v20;
	v19 =	vadd.f32 v54, v19;
	v45 =	vpop (erf)  }
0x2bc: {  	[tilespmem:$0x1860] =	vst v2;
	v49 =	vmul.f32 v45, v44;
	v46 =	vsub.f32 v42, v41;
	v43 =	vadd.f32 v38, v21  }
0x2bd: {  	[tilespmem:$0x1880] =	vst v3;
	v54 =	vsub.f32 v57, v33;
	v25 =	vsub.f32 v36, v34;
	v52 =	vpop (erf)  }
0x2be: {  	[tilespmem:$0x1890] =	vst v5;
	v53 =	vsub.f32 v49, v45;
	v0 =	vadd.f32 v46, v43;
	v1 =	vmul.f32 v52, v51  }
0x2bf: {  	[tilespmem:$0x18A0] =	vst v6;
	v57 =	vmul.f32 v39, v15;
	v58 =	vsub.f32 v59, v33;
	v48 =	vadd.f32 v25, v19;
	v55 =	vpop (erf)  }
0x2c0: {  	[tilespmem:$0x18B0] =	vst v7;
	v0 =	vadd.f32 v53, v0;
	v5 =	vmul.f32 v55, v54;
	v1 =	vsub.f32 v1, v52  }
0x2c1: {  	[tilespmem:$0x18C0] =	vst v8;
	v6 =	vmul.f32 v40, v56;
	v3 =	vsub.f32 v57, v39;
	v4 =	vadd.f32 v4, v48;
	v59 =	vpop (erf)  }
0x2c2: {  	[tilespmem:$0x18D0] =	vst v9;
	v61 =	vmul.f32 v59, v58;
	v60 =	vsub.f32 v5, v55;
	v0 =	vadd.f32 v1, v0  }
0x2c3: {  	[tilespmem:$0x18E0] =	vst v10;
	v62 =	vsub.f32 v6, v40;
	v3 =	vadd.f32 v3, v4  }
0x2c4: {  	[tilespmem:$0x18F0] =	vst v11;
	v63 =	vsub.f32 v61, v59;
	v0 =	vadd.f32 v60, v0  }
0x2c5: {  	[tilespmem:$0x1900] =	vst v16;
	v3 =	vadd.f32 v62, v3  }
0x2c6: {  	[tilespmem:$0x1910] =	vst v47;
	v0 =	vadd.f32 v63, v0  }
0x2c7: {  	p0 =	sne.s32 s7, $0x1;
	[tilespmem:$0x1920] =	vst v3  }
.Ltmp0:
0x2c8: {  	[tilespmem:$0x1930] =	vst v0;
	(pc) =	sbr.rel @p0 .LBB2_1-.Ltmp0, $4  }
0x2c9: {  	[hbm4b:s6+s2] =	stream.linear.scatter [tilespmem:s18], [sflag:$0x2], $0x200, $0x38;
	[tilespmem:$0x1940] =	vst v63  }
0x2ca: {  	_ =	swait.ge [sflag:s8], $0x200  }
0x2cb: {  	[sflag:s8] =	ssyncset.done $0x0  }
0x2cc: {  	s7 =	sadd.s32 $0xFFFFFFFF, s7;
	[sflag:s8] =	ssyncadd.s32 $0xFFFFFE00  }
0x2cd: {  	_ =	sfence.sel $0x180000  }
0x2ce: {  	[bflag:$0x0] =	sbarrier.arrive $0xFFFF  }
0x2cf: {  	p0 =	sne.s32 s1, $0x0;
	_ =	strace $0x90000047  }
0x2d0: {  	s0 =	sadd.s32 @!p0 $0x100000, s0;
	[bflag:$0x2] =	sbarrier.arrive $0xFFFF  }
0x2d1: {  	[sflag:s0] =	ssyncadd.tile.s32 @!p0 $0x1;
	_ =	shalt  }
.Lfunc_end2:
_tile_overlayer_lowered:
.L_overlay_start_2:
0x2d2: {  	(tag) =	ssettag $0x2  }
0x2d3: {  	s0 =	rddreg [dreg:$0x0];
	s2 =	stileid.u32  }
0x2d4: {  	s1 =	rddreg [dreg:$0x1];
	p0 =	sne.s32 s2, $0x0  }
0x2d5: {  	s3 =	rddreg [dreg:$0x2];
	[bflag:$0x3] =	sbarrier.arrive $0xFFFF;
	s2 =	simm.s32 @!p0 $0x1C02  }
0x2d6: {  	[timem:s3], [sflag:s2] =	dma.local @!p0 [hbm:s0], s1  }
0x2d7: {  	s0 =	simm.s32 @!p0 $0x2  }
0x2d8: {  	_ =	swait.ge @!p0 [sflag:s0], s1  }
0x2d9: {  	s1 =	ssub.s32 @!p0 $0x0, s1;
	[sflag:s0] =	ssyncset.done @!p0 $0x0  }
0x2da: {  	[sflag:s0] =	ssyncadd.s32 @!p0 s1  }
0x2db: {  	[bflag:$0x3] =	sbarrier.arrive $0xFFFF  }
0x2dc: {  	_ =	shalt  }

</sc_bundles>
